<compile_context>
chip_gen: v7x
topology: tpu7x:2x2x1
jax: 0.10.2.dev20260603
libtpu: 0.0.44.dev20260713+nightly
codegen_flags: <defaults>
</compile_context>

<pallas_src>
import functools

import jax
import jax.numpy as jnp
import numpy as np
from jax import lax
from jax.experimental import pallas as pl
from jax.experimental.pallas import tpu as pltpu
from jax.experimental.pallas import tpu_sc as plsc

N_NODES = 10000
N_EDGES = 320000
ENT_DIM = 128
NUM_REL = 500

NUM_CORES = 2
NUM_SUBCORES = 16
NUM_TILES = NUM_CORES * NUM_SUBCORES
IW = 128
EROWS = 2560
N_EPAD = EROWS * IW
TROWS = EROWS // NUM_SUBCORES
NBUF = 2
NROUND = TROWS // NBUF
NODE_HALF = N_NODES // NUM_CORES
MSG_ROWS = 5120
N_PAD = 10240
MSG_SLAB = MSG_ROWS // NUM_SUBCORES

_MESH = plsc.VectorSubcoreMesh(core_axis_name="c", subcore_axis_name="s")


def _sc_msg_deg(dd, key2d, ii, table, z128, z1d):

    @functools.partial(
        pl.kernel,
        mesh=_MESH,
        out_type=[
            jax.ShapeDtypeStruct((NUM_CORES * MSG_ROWS, ENT_DIM), jnp.float32),
            jax.ShapeDtypeStruct((NUM_TILES * N_PAD,), jnp.float32),
        ],
        scratch_types=[
            pltpu.VMEM((TROWS, IW), jnp.int32),
            pltpu.VMEM((TROWS, IW), jnp.int32),
            pltpu.VMEM((NBUF, IW, ENT_DIM), jnp.float32),
            pltpu.VMEM((N_PAD,), jnp.float32),
            pltpu.VMEM((2, NBUF, IW), jnp.int32),
            pltpu.VMEM_SHARED((MSG_ROWS, ENT_DIM), jnp.float32),
        ] + [pltpu.SemaphoreType.DMA] * (2 * NBUF + 2),
    )
    def k(dd_h, key_h, ii_h, tab_h, z128_h, z1d_h, msg_out, hist_out,
          dbuf, kbuf, rowbufs, histbuf, vbounce, msg_sh, *sems):
        gs, ss, isems = sems[:NBUF], sems[NBUF:2 * NBUF], sems[2 * NBUF:]
        cid = lax.axis_index("c")
        sid = lax.axis_index("s")
        pltpu.sync_copy(z128_h, msg_sh.at[pl.ds(sid * MSG_SLAB, MSG_SLAB)])
        pltpu.sync_copy(z1d_h, histbuf)
        plsc.subcore_barrier()

        base = sid * TROWS
        pltpu.sync_copy(dd_h.at[pl.ds(cid * EROWS + base, TROWS)], dbuf)
        pltpu.sync_copy(key_h.at[pl.ds(base, TROWS)], kbuf)

        def wait_bytes(sem):
            pltpu.make_async_copy(tab_h.at[pl.ds(0, IW)],
                                  rowbufs.at[0], sem).wait()

        lanes16 = lax.iota(jnp.int32, 16)
        ibase = cid * EROWS + base

        def prefetch_ids(o, half):
            pltpu.async_copy(ii_h.at[pl.ds(ibase + o * NBUF, NBUF)],
                             vbounce.at[half], isems[half])

        def count_rows(half):
            pltpu.make_async_copy(ii_h.at[pl.ds(0, NBUF)],
                                  vbounce.at[0], isems[half]).wait()
            for br in range(NBUF):
                def grp(g, carry):
                    w = vbounce[half, br, pl.ds(g * 16, 16)]
                    for l in range(16):
                        v = w[l]
                        win = (v // 16) * 16
                        one = jnp.where(lanes16 == v - win, 1.0, 0.0)
                        histbuf[pl.ds(win, 16)] = (
                            histbuf[pl.ds(win, 16)] + one)
                    return carry

                lax.fori_loop(0, IW // 16, grp, 0)

        for b in range(NBUF):
            pltpu.async_copy(tab_h.at[kbuf.at[b]], rowbufs.at[b], gs[b])
        prefetch_ids(0, 0)

        def round_pair(o2, carry):
            for par in range(2):
                o = o2 * 2 + par

                @pl.when(o < NROUND - 1)
                def _():
                    prefetch_ids(o + 1, (par + 1) % 2)

                for b in range(NBUF):
                    i = o * NBUF + b
                    wait_bytes(gs[b])
                    pltpu.async_copy(rowbufs.at[b], msg_sh.at[dbuf.at[i]],
                                     ss[b], add=True)
                count_rows(par)

                @pl.when(o < NROUND - 1)
                def _():
                    for b in range(NBUF):
                        i2 = (o + 1) * NBUF + b
                        wait_bytes(ss[b])
                        pltpu.async_copy(tab_h.at[kbuf.at[i2]],
                                         rowbufs.at[b], gs[b])

            return carry

        lax.fori_loop(0, NROUND // 2, round_pair, 0)
        for b in range(NBUF):
            wait_bytes(ss[b])
        plsc.subcore_barrier()

        pltpu.sync_copy(msg_sh.at[pl.ds(sid * MSG_SLAB, MSG_SLAB)],
                        msg_out.at[pl.ds(cid * MSG_ROWS + sid * MSG_SLAB,
                                         MSG_SLAB)])
        wid = cid * NUM_SUBCORES + sid
        pltpu.sync_copy(histbuf, hist_out.at[pl.ds(wid * N_PAD, N_PAD)])

    return k(dd, key2d, ii, table, z128, z1d)


_BLK = 1024


def _tc_finish_body(m, hh, rf, w1, bb1, w2, bb2, out):
    msg = m[...]
    h2 = hh[...]
    ideg = jnp.sum(h2[:, :NUM_SUBCORES], axis=1)
    odeg = jnp.sum(h2[:, NUM_SUBCORES:], axis=1)
    feat = msg / jnp.maximum(ideg, 1.0)[:, None]
    feat = jnp.where(((ideg + odeg) == 0.0)[:, None], rf[...], feat)
    h = jnp.dot(feat, w1[...], preferred_element_type=jnp.float32) + bb1[...]
    h = jnp.maximum(h, 0.0)
    out[...] = jnp.dot(h, w2[...], preferred_element_type=jnp.float32) + bb2[...]


def _tc_finish(msg, hist2d, rand_feat, w1t, b1, w2t, b2):
    row = pl.BlockSpec((_BLK, ENT_DIM), lambda i: (i, 0))
    deg = pl.BlockSpec((_BLK, NUM_TILES), lambda i: (i, 0))
    mat = pl.BlockSpec((ENT_DIM, ENT_DIM), lambda i: (0, 0))
    vec = pl.BlockSpec((1, ENT_DIM), lambda i: (0, 0))
    return pl.pallas_call(
        _tc_finish_body,
        grid=(N_PAD // _BLK,),
        in_specs=[row, deg, row, mat, vec, mat, vec],
        out_specs=row,
        out_shape=jax.ShapeDtypeStruct((N_PAD, ENT_DIM), jnp.float32),
    )(msg, hist2d, rand_feat, w1t, b1, w2t, b2)




def _pad1d(x, fill):
    pad = jnp.full((N_EPAD - N_EDGES,), fill, jnp.int32)
    return jnp.concatenate([x, pad])


def kernel(edge_index, rel, inv, rel_head_emb, rel_tail_emb, W1, b1, W2, b2):
    src = _pad1d(edge_index[0].astype(jnp.int32), N_NODES)
    dst = _pad1d(edge_index[1].astype(jnp.int32), N_NODES)
    key = _pad1d((rel + inv * NUM_REL).astype(jnp.int32), 0).reshape(EROWS, IW)

    trash = NODE_HALF + (jnp.arange(N_EPAD, dtype=jnp.int32) %
                         (MSG_ROWS - NODE_HALF))
    d0 = jnp.where(dst < NODE_HALF, dst, trash)
    d1 = jnp.where(dst >= NODE_HALF, dst - NODE_HALF, trash)
    d1 = jnp.where(d1 < NODE_HALF, d1, trash)
    dd = jnp.concatenate([d0, d1]).reshape(NUM_CORES * EROWS, IW)
    ii = jnp.concatenate([dst, src]).reshape(NUM_CORES * EROWS, IW)

    table = jnp.concatenate([rel_tail_emb, rel_head_emb], axis=0)
    z128 = jnp.zeros((MSG_SLAB, ENT_DIM), jnp.float32)
    z1d = jnp.zeros((N_PAD,), jnp.float32)

    msgp, hist = _sc_msg_deg(dd, key, ii, table, z128, z1d)
    hist2d = hist.reshape(NUM_TILES, N_PAD).T

    pad = jnp.zeros((N_PAD - N_NODES, ENT_DIM), jnp.float32)
    msg = jnp.concatenate(
        [msgp[:NODE_HALF], msgp[MSG_ROWS:MSG_ROWS + NODE_HALF], pad], axis=0)

    std_r = np.sqrt(2.0) * np.sqrt(2.0 / (N_NODES + ENT_DIM))
    rand_feat = jax.random.normal(jax.random.key(1234), (N_NODES, ENT_DIM),
                                  dtype=jnp.float32) * std_r
    rand_pad = jnp.concatenate([rand_feat, pad], axis=0)

    out = _tc_finish(msg, hist2d, rand_pad,
                     W1.T, b1.reshape(1, ENT_DIM), W2.T, b2.reshape(1, ENT_DIM))
    return out[:N_NODES]

# --- scband reference (transcript-rebuilt; emitter-appended) ---
"""Pipeline reference for scband-con-rel-encoder-601295421719 (READ-ONLY COPY).

The authoritative reference and input builder live on the scoring server;
editing this copy changes nothing except your own understanding.
"""

import jax, jax.numpy as jnp
import numpy as np

N_NODES = 10000
N_EDGES = 320000
ENT_DIM = 128
NUM_REL = 500


def setup_inputs(seed: int = 0) -> dict:
    key = jax.random.key(seed)
    ks = jax.random.split(key, 9)
    edge_index = jax.random.randint(ks[0], (2, N_EDGES), 0, N_NODES)
    rel = jax.random.randint(ks[1], (N_EDGES,), 0, NUM_REL)
    inv = jax.random.randint(ks[2], (N_EDGES,), 0, 2)
    # xavier_normal_ with gain=calculate_gain('relu')=sqrt(2): std = gain*sqrt(2/(fan_in+fan_out))
    std_rel = np.sqrt(2.0) * np.sqrt(2.0 / (NUM_REL + ENT_DIM))
    rel_head_emb = jax.random.normal(ks[3], (NUM_REL, ENT_DIM), dtype=jnp.float32) * std_rel
    rel_tail_emb = jax.random.normal(ks[4], (NUM_REL, ENT_DIM), dtype=jnp.float32) * std_rel
    std_lin = 1.0 / np.sqrt(ENT_DIM)
    W1 = jax.random.uniform(ks[5], (ENT_DIM, ENT_DIM), dtype=jnp.float32, minval=-std_lin, maxval=std_lin)
    b1 = jax.random.uniform(ks[6], (ENT_DIM,), dtype=jnp.float32, minval=-std_lin, maxval=std_lin)
    W2 = jax.random.uniform(ks[7], (ENT_DIM, ENT_DIM), dtype=jnp.float32, minval=-std_lin, maxval=std_lin)
    b2 = jax.random.uniform(ks[8], (ENT_DIM,), dtype=jnp.float32, minval=-std_lin, maxval=std_lin)
    return {
        'edge_index': edge_index,
        'rel': rel,
        'inv': inv,
        'rel_head_emb': rel_head_emb,
        'rel_tail_emb': rel_tail_emb,
        'W1': W1,
        'b1': b1,
        'W2': W2,
        'b2': b2,
    }


def reference(edge_index, rel, inv, rel_head_emb, rel_tail_emb, W1, b1, W2, b2):
    src = edge_index[0]
    dst = edge_index[1]
    # per-edge feature: rel_head_emb[rel] where inv==1 else rel_tail_emb[rel]
    head_e = jnp.take(rel_head_emb, rel, axis=0)
    tail_e = jnp.take(rel_tail_emb, rel, axis=0)
    ent_e = jnp.where((inv == 1)[:, None], head_e, tail_e)
    # update_all(copy_e, mean): mean of incoming edge features at each dst node
    msg_sum = jax.ops.segment_sum(ent_e, dst, num_segments=N_NODES)
    ones = jnp.ones((N_EDGES,), dtype=jnp.float32)
    in_deg = jax.ops.segment_sum(ones, dst, num_segments=N_NODES)
    out_deg = jax.ops.segment_sum(ones, src, num_segments=N_NODES)
    feat = msg_sum / jnp.maximum(in_deg, 1.0)[:, None]
    # zero total-degree nodes get xavier-normal random features
    zero_mask = (in_deg + out_deg) == 0.0
    std_r = np.sqrt(2.0) * np.sqrt(2.0 / (N_NODES + ENT_DIM))
    rand_feat = jax.random.normal(jax.random.key(1234), (N_NODES, ENT_DIM), dtype=jnp.float32) * std_r
    feat = jnp.where(zero_mask[:, None], rand_feat, feat)
    # MLP: linear -> relu -> linear
    h = feat @ W1.T + b1
    h = jax.nn.relu(h)
    out = h @ W2.T + b2
    return out

if __name__ == "__main__":
    import jax
    _d = setup_inputs()
    print(jax.jit(kernel)(*tuple(_d.values())))

</pallas_src>

<mosaic_0001>
#map = affine_map<(d0, d1) -> (0, 0)>
#map1 = affine_map<(d0, d1) -> (0)>
module attributes {stable_mosaic.version = 14 : i64} {
  func.func @k(%arg0: i32, %arg1: i32, %arg2: memref<5120x128xi32, #tpu.memory_space<hbm>>, %arg3: memref<2560x128xi32, #tpu.memory_space<hbm>>, %arg4: memref<5120x128xi32, #tpu.memory_space<hbm>>, %arg5: memref<1000x128xf32, #tpu.memory_space<hbm>>, %arg6: memref<320x128xf32, #tpu.memory_space<hbm>>, %arg7: memref<10240xf32, #tpu.memory_space<hbm>>, %arg8: memref<10240x128xf32, #tpu.memory_space<hbm>>, %arg9: memref<327680xf32, #tpu.memory_space<hbm>>, %arg10: memref<160x128xi32, #tpu.memory_space<vmem>>, %arg11: memref<160x128xi32, #tpu.memory_space<vmem>>, %arg12: memref<2x128x128xf32, #tpu.memory_space<vmem>>, %arg13: memref<10240xf32, #tpu.memory_space<vmem>>, %arg14: memref<2x2x128xi32, #tpu.memory_space<vmem>>, %arg15: memref<5120x128xf32, #tpu.memory_space<vmem_shared>>, %arg16: memref<!tpu.dma_semaphore, #tpu.memory_space<semaphore_mem>>, %arg17: memref<!tpu.dma_semaphore, #tpu.memory_space<semaphore_mem>>, %arg18: memref<!tpu.dma_semaphore, #tpu.memory_space<semaphore_mem>>, %arg19: memref<!tpu.dma_semaphore, #tpu.memory_space<semaphore_mem>>, %arg20: memref<!tpu.dma_semaphore, #tpu.memory_space<semaphore_mem>>, %arg21: memref<!tpu.dma_semaphore, #tpu.memory_space<semaphore_mem>>) attributes {dimension_semantics = [#tpu.dimension_semantics<core_parallel>, #tpu.dimension_semantics<subcore_parallel>], iteration_bounds = array<i64: 2, 16>, scalar_prefetch = 0 : i64, scratch_operands = 12 : i64, tpu.core_type = #tpu.core_type<sc_vector_subcore>, window_params = [{transform_indices = #map}, {transform_indices = #map}, {transform_indices = #map}, {transform_indices = #map}, {transform_indices = #map}, {transform_indices = #map1}, {transform_indices = #map}, {transform_indices = #map1}]} {
    %mul3A = arith.constant 320 : i32
    %mul3A_0 = arith.muli %arg1, %mul3A : i32
    "tpu.region"() ({
      %run_scoped3A = tpu.sem_alloc : memref<!tpu.dma_semaphore, #tpu.memory_space<semaphore_mem>>
      %dma_start3A_93 = arith.constant 0 : i32
      %dma_start3A_94 = tpu.memref_slice %arg15[%mul3A_0, %dma_start3A_93] : memref<5120x128xf32, #tpu.memory_space<vmem_shared>> -> memref<320x128xf32, #tpu.memory_space<vmem_shared>>
      tpu.enqueue_dma source(%arg6 : memref<320x128xf32, #tpu.memory_space<hbm>>) target(%dma_start3A_94 : memref<320x128xf32, #tpu.memory_space<vmem_shared>>) target_semaphore(%run_scoped3A : memref<!tpu.dma_semaphore, #tpu.memory_space<semaphore_mem>>)
      %dma_wait3A_95 = arith.constant 0 : i32
      %dma_wait3A_96 = tpu.memref_slice %arg15[%mul3A_0, %dma_wait3A_95] : memref<5120x128xf32, #tpu.memory_space<vmem_shared>> -> memref<320x128xf32, #tpu.memory_space<vmem_shared>>
      tpu.wait_dma2 semaphore(%run_scoped3A : memref<!tpu.dma_semaphore, #tpu.memory_space<semaphore_mem>>) src(%arg6 : memref<320x128xf32, #tpu.memory_space<hbm>>) dst(%dma_wait3A_96 : memref<320x128xf32, #tpu.memory_space<vmem_shared>>)
      tpu.yield
    }) : () -> ()
    "tpu.region"() ({
      %run_scoped3A = tpu.sem_alloc : memref<!tpu.dma_semaphore, #tpu.memory_space<semaphore_mem>>
      tpu.enqueue_dma source(%arg7 : memref<10240xf32, #tpu.memory_space<hbm>>) target(%arg13 : memref<10240xf32, #tpu.memory_space<vmem>>) target_semaphore(%run_scoped3A : memref<!tpu.dma_semaphore, #tpu.memory_space<semaphore_mem>>)
      tpu.wait_dma2 semaphore(%run_scoped3A : memref<!tpu.dma_semaphore, #tpu.memory_space<semaphore_mem>>) src(%arg7 : memref<10240xf32, #tpu.memory_space<hbm>>) dst(%arg13 : memref<10240xf32, #tpu.memory_space<vmem>>)
      tpu.yield
    }) : () -> ()
    %barrier3A = arith.constant 0 : index
    tpu.barrier barrier_id(%barrier3A)
    %mul3A_1 = arith.constant 160 : i32
    %mul3A_2 = arith.muli %arg1, %mul3A_1 : i32
    %mul3A_3 = arith.constant 2560 : i32
    %mul3A_4 = arith.muli %arg0, %mul3A_3 : i32
    %add3A = arith.addi %mul3A_4, %mul3A_2 : i32
    "tpu.region"() ({
      %run_scoped3A = tpu.sem_alloc : memref<!tpu.dma_semaphore, #tpu.memory_space<semaphore_mem>>
      %dma_start3A_93 = arith.constant 0 : i32
      %dma_start3A_94 = tpu.memref_slice %arg2[%add3A, %dma_start3A_93] : memref<5120x128xi32, #tpu.memory_space<hbm>> -> memref<160x128xi32, #tpu.memory_space<hbm>>
      %dma_start3A_95 = arith.constant 0 : i32
      %dma_start3A_96 = tpu.memref_slice %arg2[%add3A, %dma_start3A_95] : memref<5120x128xi32, #tpu.memory_space<hbm>> -> memref<160x128xi32, #tpu.memory_space<hbm>>
      tpu.enqueue_dma source(%dma_start3A_96 : memref<160x128xi32, #tpu.memory_space<hbm>>) target(%arg10 : memref<160x128xi32, #tpu.memory_space<vmem>>) target_semaphore(%run_scoped3A : memref<!tpu.dma_semaphore, #tpu.memory_space<semaphore_mem>>)
      %dma_wait3A_97 = arith.constant 0 : i32
      %dma_wait3A_98 = tpu.memref_slice %arg2[%add3A, %dma_wait3A_97] : memref<5120x128xi32, #tpu.memory_space<hbm>> -> memref<160x128xi32, #tpu.memory_space<hbm>>
      %dma_wait3A_99 = arith.constant 0 : i32
      %dma_wait3A_100 = tpu.memref_slice %arg2[%add3A, %dma_wait3A_99] : memref<5120x128xi32, #tpu.memory_space<hbm>> -> memref<160x128xi32, #tpu.memory_space<hbm>>
      tpu.wait_dma2 semaphore(%run_scoped3A : memref<!tpu.dma_semaphore, #tpu.memory_space<semaphore_mem>>) src(%dma_wait3A_100 : memref<160x128xi32, #tpu.memory_space<hbm>>) dst(%arg10 : memref<160x128xi32, #tpu.memory_space<vmem>>)
      tpu.yield
    }) : () -> ()
    "tpu.region"() ({
      %run_scoped3A = tpu.sem_alloc : memref<!tpu.dma_semaphore, #tpu.memory_space<semaphore_mem>>
      %dma_start3A_93 = arith.constant 0 : i32
      %dma_start3A_94 = tpu.memref_slice %arg3[%mul3A_2, %dma_start3A_93] : memref<2560x128xi32, #tpu.memory_space<hbm>> -> memref<160x128xi32, #tpu.memory_space<hbm>>
      %dma_start3A_95 = arith.constant 0 : i32
      %dma_start3A_96 = tpu.memref_slice %arg3[%mul3A_2, %dma_start3A_95] : memref<2560x128xi32, #tpu.memory_space<hbm>> -> memref<160x128xi32, #tpu.memory_space<hbm>>
      tpu.enqueue_dma source(%dma_start3A_96 : memref<160x128xi32, #tpu.memory_space<hbm>>) target(%arg11 : memref<160x128xi32, #tpu.memory_space<vmem>>) target_semaphore(%run_scoped3A : memref<!tpu.dma_semaphore, #tpu.memory_space<semaphore_mem>>)
      %dma_wait3A_97 = arith.constant 0 : i32
      %dma_wait3A_98 = tpu.memref_slice %arg3[%mul3A_2, %dma_wait3A_97] : memref<2560x128xi32, #tpu.memory_space<hbm>> -> memref<160x128xi32, #tpu.memory_space<hbm>>
      %dma_wait3A_99 = arith.constant 0 : i32
      %dma_wait3A_100 = tpu.memref_slice %arg3[%mul3A_2, %dma_wait3A_99] : memref<2560x128xi32, #tpu.memory_space<hbm>> -> memref<160x128xi32, #tpu.memory_space<hbm>>
      tpu.wait_dma2 semaphore(%run_scoped3A : memref<!tpu.dma_semaphore, #tpu.memory_space<semaphore_mem>>) src(%dma_wait3A_100 : memref<160x128xi32, #tpu.memory_space<hbm>>) dst(%arg11 : memref<160x128xi32, #tpu.memory_space<vmem>>)
      tpu.yield
    }) : () -> ()
    %iota3A = tpu.iota {dimensions = array<i32: 0>} : vector<16xi32>
    %mul3A_5 = arith.constant 2560 : i32
    %mul3A_6 = arith.muli %arg0, %mul3A_5 : i32
    %add3A_7 = arith.addi %mul3A_6, %mul3A_2 : i32
    %dma_start3A = arith.constant 0 : i32
    %dma_start3A_8 = arith.constant 0 : i32
    %dma_start3A_9 = arith.constant 0 : i32
    %dma_start3A_10 = arith.constant 0 : i32
    %dma_start3A_11 = tpu.memref_slice %arg12[%dma_start3A_8, %dma_start3A_9, %dma_start3A_10] : memref<2x128x128xf32, #tpu.memory_space<vmem>> -> memref<1x128x128xf32, #tpu.memory_space<vmem>>
    %dma_start3A_12 = tpu.memref_squeeze %dma_start3A_11 : memref<1x128x128xf32, #tpu.memory_space<vmem>> -> memref<128x128xf32, #tpu.memory_space<vmem>>
    %dma_start3A_13 = arith.constant 0 : i32
    %dma_start3A_14 = tpu.memref_slice %arg11[%dma_start3A, %dma_start3A_13] : memref<160x128xi32, #tpu.memory_space<vmem>> -> memref<1x128xi32, #tpu.memory_space<vmem>>
    %dma_start3A_15 = tpu.memref_squeeze %dma_start3A_14 : memref<1x128xi32, #tpu.memory_space<vmem>> -> memref<128xi32, #tpu.memory_space<vmem>>
    %dma_start3A_16 = arith.constant 0 : i32
    %dma_start3A_17 = arith.constant 0 : i32
    %dma_start3A_18 = tpu.memref_slice %arg5[%dma_start3A_16, %dma_start3A_17] : memref<1000x128xf32, #tpu.memory_space<hbm>> -> memref<1000x128xf32, #tpu.memory_space<hbm>>
    tpu.enqueue_indirect_dma source(%dma_start3A_18 : memref<1000x128xf32, #tpu.memory_space<hbm>>) target(%dma_start3A_12 : memref<128x128xf32, #tpu.memory_space<vmem>>) offsets(%dma_start3A_15 : memref<128xi32, #tpu.memory_space<vmem>>) semaphore(%arg16 : memref<!tpu.dma_semaphore, #tpu.memory_space<semaphore_mem>>)
    %dma_start3A_19 = arith.constant 1 : i32
    %dma_start3A_20 = arith.constant 1 : i32
    %dma_start3A_21 = arith.constant 0 : i32
    %dma_start3A_22 = arith.constant 0 : i32
    %dma_start3A_23 = tpu.memref_slice %arg12[%dma_start3A_20, %dma_start3A_21, %dma_start3A_22] : memref<2x128x128xf32, #tpu.memory_space<vmem>> -> memref<1x128x128xf32, #tpu.memory_space<vmem>>
    %dma_start3A_24 = tpu.memref_squeeze %dma_start3A_23 : memref<1x128x128xf32, #tpu.memory_space<vmem>> -> memref<128x128xf32, #tpu.memory_space<vmem>>
    %dma_start3A_25 = arith.constant 0 : i32
    %dma_start3A_26 = tpu.memref_slice %arg11[%dma_start3A_19, %dma_start3A_25] : memref<160x128xi32, #tpu.memory_space<vmem>> -> memref<1x128xi32, #tpu.memory_space<vmem>>
    %dma_start3A_27 = tpu.memref_squeeze %dma_start3A_26 : memref<1x128xi32, #tpu.memory_space<vmem>> -> memref<128xi32, #tpu.memory_space<vmem>>
    %dma_start3A_28 = arith.constant 0 : i32
    %dma_start3A_29 = arith.constant 0 : i32
    %dma_start3A_30 = tpu.memref_slice %arg5[%dma_start3A_28, %dma_start3A_29] : memref<1000x128xf32, #tpu.memory_space<hbm>> -> memref<1000x128xf32, #tpu.memory_space<hbm>>
    tpu.enqueue_indirect_dma source(%dma_start3A_30 : memref<1000x128xf32, #tpu.memory_space<hbm>>) target(%dma_start3A_24 : memref<128x128xf32, #tpu.memory_space<vmem>>) offsets(%dma_start3A_27 : memref<128xi32, #tpu.memory_space<vmem>>) semaphore(%arg17 : memref<!tpu.dma_semaphore, #tpu.memory_space<semaphore_mem>>)
    %add3A_31 = arith.constant 0 : i32
    %add3A_32 = arith.addi %add3A_7, %add3A_31 : i32
    %dma_start3A_33 = arith.constant 0 : i32
    %dma_start3A_34 = arith.constant 0 : i32
    %dma_start3A_35 = arith.constant 0 : i32
    %dma_start3A_36 = tpu.memref_slice %arg14[%dma_start3A_33, %dma_start3A_34, %dma_start3A_35] : memref<2x2x128xi32, #tpu.memory_space<vmem>> -> memref<1x2x128xi32, #tpu.memory_space<vmem>>
    %dma_start3A_37 = tpu.memref_squeeze %dma_start3A_36 : memref<1x2x128xi32, #tpu.memory_space<vmem>> -> memref<2x128xi32, #tpu.memory_space<vmem>>
    %dma_start3A_38 = arith.constant 0 : i32
    %dma_start3A_39 = tpu.memref_slice %arg4[%add3A_32, %dma_start3A_38] : memref<5120x128xi32, #tpu.memory_space<hbm>> -> memref<2x128xi32, #tpu.memory_space<hbm>>
    %dma_start3A_40 = arith.constant 0 : i32
    %dma_start3A_41 = arith.constant 0 : i32
    %dma_start3A_42 = tpu.memref_slice %arg14[%dma_start3A_33, %dma_start3A_40, %dma_start3A_41] : memref<2x2x128xi32, #tpu.memory_space<vmem>> -> memref<1x2x128xi32, #tpu.memory_space<vmem>>
    %dma_start3A_43 = tpu.memref_squeeze %dma_start3A_42 : memref<1x2x128xi32, #tpu.memory_space<vmem>> -> memref<2x128xi32, #tpu.memory_space<vmem>>
    %dma_start3A_44 = arith.constant 0 : i32
    %dma_start3A_45 = tpu.memref_slice %arg4[%add3A_32, %dma_start3A_44] : memref<5120x128xi32, #tpu.memory_space<hbm>> -> memref<2x128xi32, #tpu.memory_space<hbm>>
    tpu.enqueue_dma source(%dma_start3A_45 : memref<2x128xi32, #tpu.memory_space<hbm>>) target(%dma_start3A_43 : memref<2x128xi32, #tpu.memory_space<vmem>>) target_semaphore(%arg20 : memref<!tpu.dma_semaphore, #tpu.memory_space<semaphore_mem>>)
    %scan3A = arith.constant 0 : i32
    %scan3A_46 = arith.constant 0 : i32
    %scan3A_47 = arith.constant 40 : i32
    %scan3A_48 = arith.addi %scan3A_46, %scan3A_47 : i32
    %scan3A_49 = arith.constant 1 : i32
    scf.for %scan3A_93 = %scan3A_46 to %scan3A_48 step %scan3A_49  : i32 {
      %mul3A_94 = arith.constant 2 : i32
      %mul3A_95 = arith.muli %scan3A_93, %mul3A_94 : i32
      %add3A_96 = arith.constant 0 : i32
      %add3A_97 = arith.addi %mul3A_95, %add3A_96 : i32
      %lt3A = arith.constant 79 : i32
      %lt3A_98 = arith.cmpi slt, %add3A_97, %lt3A : i32
      %convert_element_type3A = arith.extui %lt3A_98 : i1 to i32
      %cond3A = arith.constant 0 : i32
      %cond3A_99 = arith.cmpi ne, %convert_element_type3A, %cond3A : i32
      scf.if %cond3A_99 {
        %add3A_293 = arith.constant 1 : i32
        %add3A_294 = arith.addi %add3A_97, %add3A_293 : i32
        %mul3A_295 = arith.constant 2 : i32
        %mul3A_296 = arith.muli %add3A_294, %mul3A_295 : i32
        %add3A_297 = arith.addi %add3A_7, %mul3A_296 : i32
        %dma_start3A_298 = arith.constant 1 : i32
        %dma_start3A_299 = arith.constant 0 : i32
        %dma_start3A_300 = arith.constant 0 : i32
        %dma_start3A_301 = tpu.memref_slice %arg14[%dma_start3A_298, %dma_start3A_299, %dma_start3A_300] : memref<2x2x128xi32, #tpu.memory_space<vmem>> -> memref<1x2x128xi32, #tpu.memory_space<vmem>>
        %dma_start3A_302 = tpu.memref_squeeze %dma_start3A_301 : memref<1x2x128xi32, #tpu.memory_space<vmem>> -> memref<2x128xi32, #tpu.memory_space<vmem>>
        %dma_start3A_303 = arith.constant 0 : i32
        %dma_start3A_304 = tpu.memref_slice %arg4[%add3A_297, %dma_start3A_303] : memref<5120x128xi32, #tpu.memory_space<hbm>> -> memref<2x128xi32, #tpu.memory_space<hbm>>
        %dma_start3A_305 = arith.constant 0 : i32
        %dma_start3A_306 = arith.constant 0 : i32
        %dma_start3A_307 = tpu.memref_slice %arg14[%dma_start3A_298, %dma_start3A_305, %dma_start3A_306] : memref<2x2x128xi32, #tpu.memory_space<vmem>> -> memref<1x2x128xi32, #tpu.memory_space<vmem>>
        %dma_start3A_308 = tpu.memref_squeeze %dma_start3A_307 : memref<1x2x128xi32, #tpu.memory_space<vmem>> -> memref<2x128xi32, #tpu.memory_space<vmem>>
        %dma_start3A_309 = arith.constant 0 : i32
        %dma_start3A_310 = tpu.memref_slice %arg4[%add3A_297, %dma_start3A_309] : memref<5120x128xi32, #tpu.memory_space<hbm>> -> memref<2x128xi32, #tpu.memory_space<hbm>>
        tpu.enqueue_dma source(%dma_start3A_310 : memref<2x128xi32, #tpu.memory_space<hbm>>) target(%dma_start3A_308 : memref<2x128xi32, #tpu.memory_space<vmem>>) target_semaphore(%arg21 : memref<!tpu.dma_semaphore, #tpu.memory_space<semaphore_mem>>)
      } else {
      }
      %mul3A_100 = arith.constant 2 : i32
      %mul3A_101 = arith.muli %add3A_97, %mul3A_100 : i32
      %add3A_102 = arith.constant 0 : i32
      %add3A_103 = arith.addi %mul3A_101, %add3A_102 : i32
      %dma_wait3A_104 = arith.constant 0 : i32
      %dma_wait3A_105 = arith.constant 0 : i32
      %dma_wait3A_106 = arith.constant 0 : i32
      %dma_wait3A_107 = tpu.memref_slice %arg12[%dma_wait3A_104, %dma_wait3A_105, %dma_wait3A_106] : memref<2x128x128xf32, #tpu.memory_space<vmem>> -> memref<1x128x128xf32, #tpu.memory_space<vmem>>
      %dma_wait3A_108 = tpu.memref_squeeze %dma_wait3A_107 : memref<1x128x128xf32, #tpu.memory_space<vmem>> -> memref<128x128xf32, #tpu.memory_space<vmem>>
      %dma_wait3A_109 = arith.constant 0 : i32
      %dma_wait3A_110 = arith.constant 0 : i32
      %dma_wait3A_111 = tpu.memref_slice %arg5[%dma_wait3A_109, %dma_wait3A_110] : memref<1000x128xf32, #tpu.memory_space<hbm>> -> memref<128x128xf32, #tpu.memory_space<hbm>>
      %dma_wait3A_112 = arith.constant 0 : i32
      %dma_wait3A_113 = arith.constant 0 : i32
      %dma_wait3A_114 = tpu.memref_slice %arg12[%dma_wait3A_104, %dma_wait3A_112, %dma_wait3A_113] : memref<2x128x128xf32, #tpu.memory_space<vmem>> -> memref<1x128x128xf32, #tpu.memory_space<vmem>>
      %dma_wait3A_115 = tpu.memref_squeeze %dma_wait3A_114 : memref<1x128x128xf32, #tpu.memory_space<vmem>> -> memref<128x128xf32, #tpu.memory_space<vmem>>
      %dma_wait3A_116 = arith.constant 0 : i32
      %dma_wait3A_117 = arith.constant 0 : i32
      %dma_wait3A_118 = tpu.memref_slice %arg5[%dma_wait3A_116, %dma_wait3A_117] : memref<1000x128xf32, #tpu.memory_space<hbm>> -> memref<128x128xf32, #tpu.memory_space<hbm>>
      tpu.wait_dma2 semaphore(%arg16 : memref<!tpu.dma_semaphore, #tpu.memory_space<semaphore_mem>>) src(%dma_wait3A_118 : memref<128x128xf32, #tpu.memory_space<hbm>>) dst(%dma_wait3A_115 : memref<128x128xf32, #tpu.memory_space<vmem>>)
      %dma_start3A_119 = arith.constant 0 : i32
      %dma_start3A_120 = arith.constant 0 : i32
      %dma_start3A_121 = arith.constant 0 : i32
      %dma_start3A_122 = tpu.memref_slice %arg12[%dma_start3A_119, %dma_start3A_120, %dma_start3A_121] : memref<2x128x128xf32, #tpu.memory_space<vmem>> -> memref<1x128x128xf32, #tpu.memory_space<vmem>>
      %dma_start3A_123 = tpu.memref_squeeze %dma_start3A_122 : memref<1x128x128xf32, #tpu.memory_space<vmem>> -> memref<128x128xf32, #tpu.memory_space<vmem>>
      %dma_start3A_124 = arith.constant 0 : i32
      %dma_start3A_125 = tpu.memref_slice %arg10[%add3A_103, %dma_start3A_124] : memref<160x128xi32, #tpu.memory_space<vmem>> -> memref<1x128xi32, #tpu.memory_space<vmem>>
      %dma_start3A_126 = tpu.memref_squeeze %dma_start3A_125 : memref<1x128xi32, #tpu.memory_space<vmem>> -> memref<128xi32, #tpu.memory_space<vmem>>
      %dma_start3A_127 = arith.constant 0 : i32
      %dma_start3A_128 = arith.constant 0 : i32
      %dma_start3A_129 = tpu.memref_slice %arg15[%dma_start3A_127, %dma_start3A_128] : memref<5120x128xf32, #tpu.memory_space<vmem_shared>> -> memref<5120x128xf32, #tpu.memory_space<vmem_shared>>
      tpu.enqueue_indirect_dma source(%dma_start3A_123 : memref<128x128xf32, #tpu.memory_space<vmem>>) target(%dma_start3A_129 : memref<5120x128xf32, #tpu.memory_space<vmem_shared>>) offsets(%dma_start3A_126 : memref<128xi32, #tpu.memory_space<vmem>>) semaphore(%arg18 : memref<!tpu.dma_semaphore, #tpu.memory_space<semaphore_mem>>) {add = true}
      %mul3A_130 = arith.constant 2 : i32
      %mul3A_131 = arith.muli %add3A_97, %mul3A_130 : i32
      %add3A_132 = arith.constant 1 : i32
      %add3A_133 = arith.addi %mul3A_131, %add3A_132 : i32
      %dma_wait3A_134 = arith.constant 0 : i32
      %dma_wait3A_135 = arith.constant 0 : i32
      %dma_wait3A_136 = arith.constant 0 : i32
      %dma_wait3A_137 = tpu.memref_slice %arg12[%dma_wait3A_134, %dma_wait3A_135, %dma_wait3A_136] : memref<2x128x128xf32, #tpu.memory_space<vmem>> -> memref<1x128x128xf32, #tpu.memory_space<vmem>>
      %dma_wait3A_138 = tpu.memref_squeeze %dma_wait3A_137 : memref<1x128x128xf32, #tpu.memory_space<vmem>> -> memref<128x128xf32, #tpu.memory_space<vmem>>
      %dma_wait3A_139 = arith.constant 0 : i32
      %dma_wait3A_140 = arith.constant 0 : i32
      %dma_wait3A_141 = tpu.memref_slice %arg5[%dma_wait3A_139, %dma_wait3A_140] : memref<1000x128xf32, #tpu.memory_space<hbm>> -> memref<128x128xf32, #tpu.memory_space<hbm>>
      %dma_wait3A_142 = arith.constant 0 : i32
      %dma_wait3A_143 = arith.constant 0 : i32
      %dma_wait3A_144 = tpu.memref_slice %arg12[%dma_wait3A_134, %dma_wait3A_142, %dma_wait3A_143] : memref<2x128x128xf32, #tpu.memory_space<vmem>> -> memref<1x128x128xf32, #tpu.memory_space<vmem>>
      %dma_wait3A_145 = tpu.memref_squeeze %dma_wait3A_144 : memref<1x128x128xf32, #tpu.memory_space<vmem>> -> memref<128x128xf32, #tpu.memory_space<vmem>>
      %dma_wait3A_146 = arith.constant 0 : i32
      %dma_wait3A_147 = arith.constant 0 : i32
      %dma_wait3A_148 = tpu.memref_slice %arg5[%dma_wait3A_146, %dma_wait3A_147] : memref<1000x128xf32, #tpu.memory_space<hbm>> -> memref<128x128xf32, #tpu.memory_space<hbm>>
      tpu.wait_dma2 semaphore(%arg17 : memref<!tpu.dma_semaphore, #tpu.memory_space<semaphore_mem>>) src(%dma_wait3A_148 : memref<128x128xf32, #tpu.memory_space<hbm>>) dst(%dma_wait3A_145 : memref<128x128xf32, #tpu.memory_space<vmem>>)
      %dma_start3A_149 = arith.constant 1 : i32
      %dma_start3A_150 = arith.constant 0 : i32
      %dma_start3A_151 = arith.constant 0 : i32
      %dma_start3A_152 = tpu.memref_slice %arg12[%dma_start3A_149, %dma_start3A_150, %dma_start3A_151] : memref<2x128x128xf32, #tpu.memory_space<vmem>> -> memref<1x128x128xf32, #tpu.memory_space<vmem>>
      %dma_start3A_153 = tpu.memref_squeeze %dma_start3A_152 : memref<1x128x128xf32, #tpu.memory_space<vmem>> -> memref<128x128xf32, #tpu.memory_space<vmem>>
      %dma_start3A_154 = arith.constant 0 : i32
      %dma_start3A_155 = tpu.memref_slice %arg10[%add3A_133, %dma_start3A_154] : memref<160x128xi32, #tpu.memory_space<vmem>> -> memref<1x128xi32, #tpu.memory_space<vmem>>
      %dma_start3A_156 = tpu.memref_squeeze %dma_start3A_155 : memref<1x128xi32, #tpu.memory_space<vmem>> -> memref<128xi32, #tpu.memory_space<vmem>>
      %dma_start3A_157 = arith.constant 0 : i32
      %dma_start3A_158 = arith.constant 0 : i32
      %dma_start3A_159 = tpu.memref_slice %arg15[%dma_start3A_157, %dma_start3A_158] : memref<5120x128xf32, #tpu.memory_space<vmem_shared>> -> memref<5120x128xf32, #tpu.memory_space<vmem_shared>>
      tpu.enqueue_indirect_dma source(%dma_start3A_153 : memref<128x128xf32, #tpu.memory_space<vmem>>) target(%dma_start3A_159 : memref<5120x128xf32, #tpu.memory_space<vmem_shared>>) offsets(%dma_start3A_156 : memref<128xi32, #tpu.memory_space<vmem>>) semaphore(%arg19 : memref<!tpu.dma_semaphore, #tpu.memory_space<semaphore_mem>>) {add = true}
      %dma_wait3A_160 = arith.constant 0 : i32
      %dma_wait3A_161 = arith.constant 0 : i32
      %dma_wait3A_162 = arith.constant 0 : i32
      %dma_wait3A_163 = tpu.memref_slice %arg14[%dma_wait3A_160, %dma_wait3A_161, %dma_wait3A_162] : memref<2x2x128xi32, #tpu.memory_space<vmem>> -> memref<1x2x128xi32, #tpu.memory_space<vmem>>
      %dma_wait3A_164 = tpu.memref_squeeze %dma_wait3A_163 : memref<1x2x128xi32, #tpu.memory_space<vmem>> -> memref<2x128xi32, #tpu.memory_space<vmem>>
      %dma_wait3A_165 = arith.constant 0 : i32
      %dma_wait3A_166 = arith.constant 0 : i32
      %dma_wait3A_167 = tpu.memref_slice %arg4[%dma_wait3A_165, %dma_wait3A_166] : memref<5120x128xi32, #tpu.memory_space<hbm>> -> memref<2x128xi32, #tpu.memory_space<hbm>>
      %dma_wait3A_168 = arith.constant 0 : i32
      %dma_wait3A_169 = arith.constant 0 : i32
      %dma_wait3A_170 = tpu.memref_slice %arg14[%dma_wait3A_160, %dma_wait3A_168, %dma_wait3A_169] : memref<2x2x128xi32, #tpu.memory_space<vmem>> -> memref<1x2x128xi32, #tpu.memory_space<vmem>>
      %dma_wait3A_171 = tpu.memref_squeeze %dma_wait3A_170 : memref<1x2x128xi32, #tpu.memory_space<vmem>> -> memref<2x128xi32, #tpu.memory_space<vmem>>
      %dma_wait3A_172 = arith.constant 0 : i32
      %dma_wait3A_173 = arith.constant 0 : i32
      %dma_wait3A_174 = tpu.memref_slice %arg4[%dma_wait3A_172, %dma_wait3A_173] : memref<5120x128xi32, #tpu.memory_space<hbm>> -> memref<2x128xi32, #tpu.memory_space<hbm>>
      tpu.wait_dma2 semaphore(%arg20 : memref<!tpu.dma_semaphore, #tpu.memory_space<semaphore_mem>>) src(%dma_wait3A_174 : memref<2x128xi32, #tpu.memory_space<hbm>>) dst(%dma_wait3A_171 : memref<2x128xi32, #tpu.memory_space<vmem>>)
      %scan3A_175 = arith.constant 0 : i32
      %scan3A_176 = arith.constant 0 : i32
      %scan3A_177 = arith.constant 8 : i32
      %scan3A_178 = arith.addi %scan3A_176, %scan3A_177 : i32
      %scan3A_179 = arith.constant 1 : i32
      scf.for %scan3A_293 = %scan3A_176 to %scan3A_178 step %scan3A_179  : i32 {
        %mul3A_294 = arith.constant 16 : i32
        %mul3A_295 = arith.muli %scan3A_293, %mul3A_294 : i32
        %get3A = arith.constant 0 : i32
        %get3A_296 = arith.constant 0 : i32
        %get3A_297 = arith.index_cast %get3A : i32 to index
        %get3A_298 = arith.index_cast %get3A_296 : i32 to index
        %get3A_299 = arith.index_cast %mul3A_295 : i32 to index
        %get3A_300 = tpu.vector_load %arg14[%get3A_297, %get3A_298, %get3A_299] {strides = array<i32>} : memref<2x2x128xi32, #tpu.memory_space<vmem>>, vector<1x1x16xi32>,
        %get3A_301 = vector.shape_cast %get3A_300 : vector<1x1x16xi32> to vector<16xi32>
        %slice3A = vector.extract_strided_slice %get3A_301 {offsets = [0], sizes = [1], strides = [1]} : vector<16xi32> to vector<1xi32>
        %squeeze3A = vector.extract %slice3A[0] : i32 from vector<1xi32>
        %jit3A = arith.constant 16 : i32
        %div3A = arith.divsi %squeeze3A, %jit3A : i32
        %sign3A = arith.constant 0 : i32
        %sign3A_302 = arith.cmpi sgt, %squeeze3A, %sign3A : i32
        %sign3A_303 = arith.extui %sign3A_302 : i1 to i32
        %sign3A_304 = arith.constant 0 : i32
        %sign3A_305 = arith.cmpi slt, %squeeze3A, %sign3A_304 : i32
        %sign3A_306 = arith.extui %sign3A_305 : i1 to i32
        %sign3A_307 = arith.subi %sign3A_303, %sign3A_306 : i32
        %sign3A_308 = arith.constant 0 : i32
        %sign3A_309 = arith.cmpi sgt, %jit3A, %sign3A_308 : i32
        %sign3A_310 = arith.extui %sign3A_309 : i1 to i32
        %sign3A_311 = arith.constant 0 : i32
        %sign3A_312 = arith.cmpi slt, %jit3A, %sign3A_311 : i32
        %sign3A_313 = arith.extui %sign3A_312 : i1 to i32
        %sign3A_314 = arith.subi %sign3A_310, %sign3A_313 : i32
        %ne3A = arith.cmpi ne, %sign3A_307, %sign3A_314 : i32
        %rem3A = arith.remsi %squeeze3A, %jit3A : i32
        %ne3A_315 = arith.constant 0 : i32
        %ne3A_316 = arith.cmpi ne, %rem3A, %ne3A_315 : i32
        %and3A = arith.andi %ne3A, %ne3A_316 : i1
        %sub3A = arith.constant 1 : i32
        %sub3A_317 = arith.subi %div3A, %sub3A : i32
        %select_n3A = arith.select %and3A, %sub3A_317, %div3A : i32
        %mul3A_318 = arith.constant 16 : i32
        %mul3A_319 = arith.muli %select_n3A, %mul3A_318 : i32
        %sub3A_320 = arith.subi %squeeze3A, %mul3A_319 : i32
        %eq3A = vector.broadcast %sub3A_320 : i32 to vector<16xi32>
        %eq3A_321 = arith.cmpi eq, %iota3A, %eq3A : vector<16xi32>
        %jit3A_322 = arith.constant 1.000000e+00 : f32
        %jit3A_323 = arith.constant 0.000000e+00 : f32
        %broadcast_in_dim3A = vector.broadcast %jit3A_322 : f32 to vector<16xf32>
        %broadcast_in_dim3A_324 = vector.broadcast %jit3A_323 : f32 to vector<16xf32>
        %select_n3A_325 = arith.select %eq3A_321, %broadcast_in_dim3A, %broadcast_in_dim3A_324 : vector<16xi1>, vector<16xf32>
        %get3A_326 = arith.index_cast %mul3A_319 : i32 to index
        %get3A_327 = tpu.vector_load %arg13[%get3A_326] {strides = array<i32>} : memref<10240xf32, #tpu.memory_space<vmem>>, vector<16xf32>,
        %get3A_328 = vector.shape_cast %get3A_327 : vector<16xf32> to vector<16xf32>
        %add3A_329 = arith.addf %get3A_328, %select_n3A_325 : vector<16xf32>
        %swap3A = arith.index_cast %mul3A_319 : i32 to index
        %swap3A_330 = tpu.vector_load %arg13[%swap3A] {strides = array<i32>} : memref<10240xf32, #tpu.memory_space<vmem>>, vector<16xf32>,
        %swap3A_331 = vector.shape_cast %swap3A_330 : vector<16xf32> to vector<16xf32>
        %swap3A_332 = vector.shape_cast %add3A_329 : vector<16xf32> to vector<16xf32>
        tpu.vector_store %arg13[%swap3A], %swap3A_332 {strides = array<i32>} : memref<10240xf32, #tpu.memory_space<vmem>>, vector<16xf32>,
        %slice3A_333 = vector.extract_strided_slice %get3A_301 {offsets = [1], sizes = [1], strides = [1]} : vector<16xi32> to vector<1xi32>
        %squeeze3A_334 = vector.extract %slice3A_333[0] : i32 from vector<1xi32>
        %jit3A_335 = arith.constant 16 : i32
        %div3A_336 = arith.divsi %squeeze3A_334, %jit3A_335 : i32
        %sign3A_337 = arith.constant 0 : i32
        %sign3A_338 = arith.cmpi sgt, %squeeze3A_334, %sign3A_337 : i32
        %sign3A_339 = arith.extui %sign3A_338 : i1 to i32
        %sign3A_340 = arith.constant 0 : i32
        %sign3A_341 = arith.cmpi slt, %squeeze3A_334, %sign3A_340 : i32
        %sign3A_342 = arith.extui %sign3A_341 : i1 to i32
        %sign3A_343 = arith.subi %sign3A_339, %sign3A_342 : i32
        %sign3A_344 = arith.constant 0 : i32
        %sign3A_345 = arith.cmpi sgt, %jit3A_335, %sign3A_344 : i32
        %sign3A_346 = arith.extui %sign3A_345 : i1 to i32
        %sign3A_347 = arith.constant 0 : i32
        %sign3A_348 = arith.cmpi slt, %jit3A_335, %sign3A_347 : i32
        %sign3A_349 = arith.extui %sign3A_348 : i1 to i32
        %sign3A_350 = arith.subi %sign3A_346, %sign3A_349 : i32
        %ne3A_351 = arith.cmpi ne, %sign3A_343, %sign3A_350 : i32
        %rem3A_352 = arith.remsi %squeeze3A_334, %jit3A_335 : i32
        %ne3A_353 = arith.constant 0 : i32
        %ne3A_354 = arith.cmpi ne, %rem3A_352, %ne3A_353 : i32
        %and3A_355 = arith.andi %ne3A_351, %ne3A_354 : i1
        %sub3A_356 = arith.constant 1 : i32
        %sub3A_357 = arith.subi %div3A_336, %sub3A_356 : i32
        %select_n3A_358 = arith.select %and3A_355, %sub3A_357, %div3A_336 : i32
        %mul3A_359 = arith.constant 16 : i32
        %mul3A_360 = arith.muli %select_n3A_358, %mul3A_359 : i32
        %sub3A_361 = arith.subi %squeeze3A_334, %mul3A_360 : i32
        %eq3A_362 = vector.broadcast %sub3A_361 : i32 to vector<16xi32>
        %eq3A_363 = arith.cmpi eq, %iota3A, %eq3A_362 : vector<16xi32>
        %jit3A_364 = arith.constant 1.000000e+00 : f32
        %jit3A_365 = arith.constant 0.000000e+00 : f32
        %broadcast_in_dim3A_366 = vector.broadcast %jit3A_364 : f32 to vector<16xf32>
        %broadcast_in_dim3A_367 = vector.broadcast %jit3A_365 : f32 to vector<16xf32>
        %select_n3A_368 = arith.select %eq3A_363, %broadcast_in_dim3A_366, %broadcast_in_dim3A_367 : vector<16xi1>, vector<16xf32>
        %get3A_369 = arith.index_cast %mul3A_360 : i32 to index
        %get3A_370 = tpu.vector_load %arg13[%get3A_369] {strides = array<i32>} : memref<10240xf32, #tpu.memory_space<vmem>>, vector<16xf32>,
        %get3A_371 = vector.shape_cast %get3A_370 : vector<16xf32> to vector<16xf32>
        %add3A_372 = arith.addf %get3A_371, %select_n3A_368 : vector<16xf32>
        %swap3A_373 = arith.index_cast %mul3A_360 : i32 to index
        %swap3A_374 = tpu.vector_load %arg13[%swap3A_373] {strides = array<i32>} : memref<10240xf32, #tpu.memory_space<vmem>>, vector<16xf32>,
        %swap3A_375 = vector.shape_cast %swap3A_374 : vector<16xf32> to vector<16xf32>
        %swap3A_376 = vector.shape_cast %add3A_372 : vector<16xf32> to vector<16xf32>
        tpu.vector_store %arg13[%swap3A_373], %swap3A_376 {strides = array<i32>} : memref<10240xf32, #tpu.memory_space<vmem>>, vector<16xf32>,
        %slice3A_377 = vector.extract_strided_slice %get3A_301 {offsets = [2], sizes = [1], strides = [1]} : vector<16xi32> to vector<1xi32>
        %squeeze3A_378 = vector.extract %slice3A_377[0] : i32 from vector<1xi32>
        %jit3A_379 = arith.constant 16 : i32
        %div3A_380 = arith.divsi %squeeze3A_378, %jit3A_379 : i32
        %sign3A_381 = arith.constant 0 : i32
        %sign3A_382 = arith.cmpi sgt, %squeeze3A_378, %sign3A_381 : i32
        %sign3A_383 = arith.extui %sign3A_382 : i1 to i32
        %sign3A_384 = arith.constant 0 : i32
        %sign3A_385 = arith.cmpi slt, %squeeze3A_378, %sign3A_384 : i32
        %sign3A_386 = arith.extui %sign3A_385 : i1 to i32
        %sign3A_387 = arith.subi %sign3A_383, %sign3A_386 : i32
        %sign3A_388 = arith.constant 0 : i32
        %sign3A_389 = arith.cmpi sgt, %jit3A_379, %sign3A_388 : i32
        %sign3A_390 = arith.extui %sign3A_389 : i1 to i32
        %sign3A_391 = arith.constant 0 : i32
        %sign3A_392 = arith.cmpi slt, %jit3A_379, %sign3A_391 : i32
        %sign3A_393 = arith.extui %sign3A_392 : i1 to i32
        %sign3A_394 = arith.subi %sign3A_390, %sign3A_393 : i32
        %ne3A_395 = arith.cmpi ne, %sign3A_387, %sign3A_394 : i32
        %rem3A_396 = arith.remsi %squeeze3A_378, %jit3A_379 : i32
        %ne3A_397 = arith.constant 0 : i32
        %ne3A_398 = arith.cmpi ne, %rem3A_396, %ne3A_397 : i32
        %and3A_399 = arith.andi %ne3A_395, %ne3A_398 : i1
        %sub3A_400 = arith.constant 1 : i32
        %sub3A_401 = arith.subi %div3A_380, %sub3A_400 : i32
        %select_n3A_402 = arith.select %and3A_399, %sub3A_401, %div3A_380 : i32
        %mul3A_403 = arith.constant 16 : i32
        %mul3A_404 = arith.muli %select_n3A_402, %mul3A_403 : i32
        %sub3A_405 = arith.subi %squeeze3A_378, %mul3A_404 : i32
        %eq3A_406 = vector.broadcast %sub3A_405 : i32 to vector<16xi32>
        %eq3A_407 = arith.cmpi eq, %iota3A, %eq3A_406 : vector<16xi32>
        %jit3A_408 = arith.constant 1.000000e+00 : f32
        %jit3A_409 = arith.constant 0.000000e+00 : f32
        %broadcast_in_dim3A_410 = vector.broadcast %jit3A_408 : f32 to vector<16xf32>
        %broadcast_in_dim3A_411 = vector.broadcast %jit3A_409 : f32 to vector<16xf32>
        %select_n3A_412 = arith.select %eq3A_407, %broadcast_in_dim3A_410, %broadcast_in_dim3A_411 : vector<16xi1>, vector<16xf32>
        %get3A_413 = arith.index_cast %mul3A_404 : i32 to index
        %get3A_414 = tpu.vector_load %arg13[%get3A_413] {strides = array<i32>} : memref<10240xf32, #tpu.memory_space<vmem>>, vector<16xf32>,
        %get3A_415 = vector.shape_cast %get3A_414 : vector<16xf32> to vector<16xf32>
        %add3A_416 = arith.addf %get3A_415, %select_n3A_412 : vector<16xf32>
        %swap3A_417 = arith.index_cast %mul3A_404 : i32 to index
        %swap3A_418 = tpu.vector_load %arg13[%swap3A_417] {strides = array<i32>} : memref<10240xf32, #tpu.memory_space<vmem>>, vector<16xf32>,
        %swap3A_419 = vector.shape_cast %swap3A_418 : vector<16xf32> to vector<16xf32>
        %swap3A_420 = vector.shape_cast %add3A_416 : vector<16xf32> to vector<16xf32>
        tpu.vector_store %arg13[%swap3A_417], %swap3A_420 {strides = array<i32>} : memref<10240xf32, #tpu.memory_space<vmem>>, vector<16xf32>,
        %slice3A_421 = vector.extract_strided_slice %get3A_301 {offsets = [3], sizes = [1], strides = [1]} : vector<16xi32> to vector<1xi32>
        %squeeze3A_422 = vector.extract %slice3A_421[0] : i32 from vector<1xi32>
        %jit3A_423 = arith.constant 16 : i32
        %div3A_424 = arith.divsi %squeeze3A_422, %jit3A_423 : i32
        %sign3A_425 = arith.constant 0 : i32
        %sign3A_426 = arith.cmpi sgt, %squeeze3A_422, %sign3A_425 : i32
        %sign3A_427 = arith.extui %sign3A_426 : i1 to i32
        %sign3A_428 = arith.constant 0 : i32
        %sign3A_429 = arith.cmpi slt, %squeeze3A_422, %sign3A_428 : i32
        %sign3A_430 = arith.extui %sign3A_429 : i1 to i32
        %sign3A_431 = arith.subi %sign3A_427, %sign3A_430 : i32
        %sign3A_432 = arith.constant 0 : i32
        %sign3A_433 = arith.cmpi sgt, %jit3A_423, %sign3A_432 : i32
        %sign3A_434 = arith.extui %sign3A_433 : i1 to i32
        %sign3A_435 = arith.constant 0 : i32
        %sign3A_436 = arith.cmpi slt, %jit3A_423, %sign3A_435 : i32
        %sign3A_437 = arith.extui %sign3A_436 : i1 to i32
        %sign3A_438 = arith.subi %sign3A_434, %sign3A_437 : i32
        %ne3A_439 = arith.cmpi ne, %sign3A_431, %sign3A_438 : i32
        %rem3A_440 = arith.remsi %squeeze3A_422, %jit3A_423 : i32
        %ne3A_441 = arith.constant 0 : i32
        %ne3A_442 = arith.cmpi ne, %rem3A_440, %ne3A_441 : i32
        %and3A_443 = arith.andi %ne3A_439, %ne3A_442 : i1
        %sub3A_444 = arith.constant 1 : i32
        %sub3A_445 = arith.subi %div3A_424, %sub3A_444 : i32
        %select_n3A_446 = arith.select %and3A_443, %sub3A_445, %div3A_424 : i32
        %mul3A_447 = arith.constant 16 : i32
        %mul3A_448 = arith.muli %select_n3A_446, %mul3A_447 : i32
        %sub3A_449 = arith.subi %squeeze3A_422, %mul3A_448 : i32
        %eq3A_450 = vector.broadcast %sub3A_449 : i32 to vector<16xi32>
        %eq3A_451 = arith.cmpi eq, %iota3A, %eq3A_450 : vector<16xi32>
        %jit3A_452 = arith.constant 1.000000e+00 : f32
        %jit3A_453 = arith.constant 0.000000e+00 : f32
        %broadcast_in_dim3A_454 = vector.broadcast %jit3A_452 : f32 to vector<16xf32>
        %broadcast_in_dim3A_455 = vector.broadcast %jit3A_453 : f32 to vector<16xf32>
        %select_n3A_456 = arith.select %eq3A_451, %broadcast_in_dim3A_454, %broadcast_in_dim3A_455 : vector<16xi1>, vector<16xf32>
        %get3A_457 = arith.index_cast %mul3A_448 : i32 to index
        %get3A_458 = tpu.vector_load %arg13[%get3A_457] {strides = array<i32>} : memref<10240xf32, #tpu.memory_space<vmem>>, vector<16xf32>,
        %get3A_459 = vector.shape_cast %get3A_458 : vector<16xf32> to vector<16xf32>
        %add3A_460 = arith.addf %get3A_459, %select_n3A_456 : vector<16xf32>
        %swap3A_461 = arith.index_cast %mul3A_448 : i32 to index
        %swap3A_462 = tpu.vector_load %arg13[%swap3A_461] {strides = array<i32>} : memref<10240xf32, #tpu.memory_space<vmem>>, vector<16xf32>,
        %swap3A_463 = vector.shape_cast %swap3A_462 : vector<16xf32> to vector<16xf32>
        %swap3A_464 = vector.shape_cast %add3A_460 : vector<16xf32> to vector<16xf32>
        tpu.vector_store %arg13[%swap3A_461], %swap3A_464 {strides = array<i32>} : memref<10240xf32, #tpu.memory_space<vmem>>, vector<16xf32>,
        %slice3A_465 = vector.extract_strided_slice %get3A_301 {offsets = [4], sizes = [1], strides = [1]} : vector<16xi32> to vector<1xi32>
        %squeeze3A_466 = vector.extract %slice3A_465[0] : i32 from vector<1xi32>
        %jit3A_467 = arith.constant 16 : i32
        %div3A_468 = arith.divsi %squeeze3A_466, %jit3A_467 : i32
        %sign3A_469 = arith.constant 0 : i32
        %sign3A_470 = arith.cmpi sgt, %squeeze3A_466, %sign3A_469 : i32
        %sign3A_471 = arith.extui %sign3A_470 : i1 to i32
        %sign3A_472 = arith.constant 0 : i32
        %sign3A_473 = arith.cmpi slt, %squeeze3A_466, %sign3A_472 : i32
        %sign3A_474 = arith.extui %sign3A_473 : i1 to i32
        %sign3A_475 = arith.subi %sign3A_471, %sign3A_474 : i32
        %sign3A_476 = arith.constant 0 : i32
        %sign3A_477 = arith.cmpi sgt, %jit3A_467, %sign3A_476 : i32
        %sign3A_478 = arith.extui %sign3A_477 : i1 to i32
        %sign3A_479 = arith.constant 0 : i32
        %sign3A_480 = arith.cmpi slt, %jit3A_467, %sign3A_479 : i32
        %sign3A_481 = arith.extui %sign3A_480 : i1 to i32
        %sign3A_482 = arith.subi %sign3A_478, %sign3A_481 : i32
        %ne3A_483 = arith.cmpi ne, %sign3A_475, %sign3A_482 : i32
        %rem3A_484 = arith.remsi %squeeze3A_466, %jit3A_467 : i32
        %ne3A_485 = arith.constant 0 : i32
        %ne3A_486 = arith.cmpi ne, %rem3A_484, %ne3A_485 : i32
        %and3A_487 = arith.andi %ne3A_483, %ne3A_486 : i1
        %sub3A_488 = arith.constant 1 : i32
        %sub3A_489 = arith.subi %div3A_468, %sub3A_488 : i32
        %select_n3A_490 = arith.select %and3A_487, %sub3A_489, %div3A_468 : i32
        %mul3A_491 = arith.constant 16 : i32
        %mul3A_492 = arith.muli %select_n3A_490, %mul3A_491 : i32
        %sub3A_493 = arith.subi %squeeze3A_466, %mul3A_492 : i32
        %eq3A_494 = vector.broadcast %sub3A_493 : i32 to vector<16xi32>
        %eq3A_495 = arith.cmpi eq, %iota3A, %eq3A_494 : vector<16xi32>
        %jit3A_496 = arith.constant 1.000000e+00 : f32
        %jit3A_497 = arith.constant 0.000000e+00 : f32
        %broadcast_in_dim3A_498 = vector.broadcast %jit3A_496 : f32 to vector<16xf32>
        %broadcast_in_dim3A_499 = vector.broadcast %jit3A_497 : f32 to vector<16xf32>
        %select_n3A_500 = arith.select %eq3A_495, %broadcast_in_dim3A_498, %broadcast_in_dim3A_499 : vector<16xi1>, vector<16xf32>
        %get3A_501 = arith.index_cast %mul3A_492 : i32 to index
        %get3A_502 = tpu.vector_load %arg13[%get3A_501] {strides = array<i32>} : memref<10240xf32, #tpu.memory_space<vmem>>, vector<16xf32>,
        %get3A_503 = vector.shape_cast %get3A_502 : vector<16xf32> to vector<16xf32>
        %add3A_504 = arith.addf %get3A_503, %select_n3A_500 : vector<16xf32>
        %swap3A_505 = arith.index_cast %mul3A_492 : i32 to index
        %swap3A_506 = tpu.vector_load %arg13[%swap3A_505] {strides = array<i32>} : memref<10240xf32, #tpu.memory_space<vmem>>, vector<16xf32>,
        %swap3A_507 = vector.shape_cast %swap3A_506 : vector<16xf32> to vector<16xf32>
        %swap3A_508 = vector.shape_cast %add3A_504 : vector<16xf32> to vector<16xf32>
        tpu.vector_store %arg13[%swap3A_505], %swap3A_508 {strides = array<i32>} : memref<10240xf32, #tpu.memory_space<vmem>>, vector<16xf32>,
        %slice3A_509 = vector.extract_strided_slice %get3A_301 {offsets = [5], sizes = [1], strides = [1]} : vector<16xi32> to vector<1xi32>
        %squeeze3A_510 = vector.extract %slice3A_509[0] : i32 from vector<1xi32>
        %jit3A_511 = arith.constant 16 : i32
        %div3A_512 = arith.divsi %squeeze3A_510, %jit3A_511 : i32
        %sign3A_513 = arith.constant 0 : i32
        %sign3A_514 = arith.cmpi sgt, %squeeze3A_510, %sign3A_513 : i32
        %sign3A_515 = arith.extui %sign3A_514 : i1 to i32
        %sign3A_516 = arith.constant 0 : i32
        %sign3A_517 = arith.cmpi slt, %squeeze3A_510, %sign3A_516 : i32
        %sign3A_518 = arith.extui %sign3A_517 : i1 to i32
        %sign3A_519 = arith.subi %sign3A_515, %sign3A_518 : i32
        %sign3A_520 = arith.constant 0 : i32
        %sign3A_521 = arith.cmpi sgt, %jit3A_511, %sign3A_520 : i32
        %sign3A_522 = arith.extui %sign3A_521 : i1 to i32
        %sign3A_523 = arith.constant 0 : i32
        %sign3A_524 = arith.cmpi slt, %jit3A_511, %sign3A_523 : i32
        %sign3A_525 = arith.extui %sign3A_524 : i1 to i32
        %sign3A_526 = arith.subi %sign3A_522, %sign3A_525 : i32
        %ne3A_527 = arith.cmpi ne, %sign3A_519, %sign3A_526 : i32
        %rem3A_528 = arith.remsi %squeeze3A_510, %jit3A_511 : i32
        %ne3A_529 = arith.constant 0 : i32
        %ne3A_530 = arith.cmpi ne, %rem3A_528, %ne3A_529 : i32
        %and3A_531 = arith.andi %ne3A_527, %ne3A_530 : i1
        %sub3A_532 = arith.constant 1 : i32
        %sub3A_533 = arith.subi %div3A_512, %sub3A_532 : i32
        %select_n3A_534 = arith.select %and3A_531, %sub3A_533, %div3A_512 : i32
        %mul3A_535 = arith.constant 16 : i32
        %mul3A_536 = arith.muli %select_n3A_534, %mul3A_535 : i32
        %sub3A_537 = arith.subi %squeeze3A_510, %mul3A_536 : i32
        %eq3A_538 = vector.broadcast %sub3A_537 : i32 to vector<16xi32>
        %eq3A_539 = arith.cmpi eq, %iota3A, %eq3A_538 : vector<16xi32>
        %jit3A_540 = arith.constant 1.000000e+00 : f32
        %jit3A_541 = arith.constant 0.000000e+00 : f32
        %broadcast_in_dim3A_542 = vector.broadcast %jit3A_540 : f32 to vector<16xf32>
        %broadcast_in_dim3A_543 = vector.broadcast %jit3A_541 : f32 to vector<16xf32>
        %select_n3A_544 = arith.select %eq3A_539, %broadcast_in_dim3A_542, %broadcast_in_dim3A_543 : vector<16xi1>, vector<16xf32>
        %get3A_545 = arith.index_cast %mul3A_536 : i32 to index
        %get3A_546 = tpu.vector_load %arg13[%get3A_545] {strides = array<i32>} : memref<10240xf32, #tpu.memory_space<vmem>>, vector<16xf32>,
        %get3A_547 = vector.shape_cast %get3A_546 : vector<16xf32> to vector<16xf32>
        %add3A_548 = arith.addf %get3A_547, %select_n3A_544 : vector<16xf32>
        %swap3A_549 = arith.index_cast %mul3A_536 : i32 to index
        %swap3A_550 = tpu.vector_load %arg13[%swap3A_549] {strides = array<i32>} : memref<10240xf32, #tpu.memory_space<vmem>>, vector<16xf32>,
        %swap3A_551 = vector.shape_cast %swap3A_550 : vector<16xf32> to vector<16xf32>
        %swap3A_552 = vector.shape_cast %add3A_548 : vector<16xf32> to vector<16xf32>
        tpu.vector_store %arg13[%swap3A_549], %swap3A_552 {strides = array<i32>} : memref<10240xf32, #tpu.memory_space<vmem>>, vector<16xf32>,
        %slice3A_553 = vector.extract_strided_slice %get3A_301 {offsets = [6], sizes = [1], strides = [1]} : vector<16xi32> to vector<1xi32>
        %squeeze3A_554 = vector.extract %slice3A_553[0] : i32 from vector<1xi32>
        %jit3A_555 = arith.constant 16 : i32
        %div3A_556 = arith.divsi %squeeze3A_554, %jit3A_555 : i32
        %sign3A_557 = arith.constant 0 : i32
        %sign3A_558 = arith.cmpi sgt, %squeeze3A_554, %sign3A_557 : i32
        %sign3A_559 = arith.extui %sign3A_558 : i1 to i32
        %sign3A_560 = arith.constant 0 : i32
        %sign3A_561 = arith.cmpi slt, %squeeze3A_554, %sign3A_560 : i32
        %sign3A_562 = arith.extui %sign3A_561 : i1 to i32
        %sign3A_563 = arith.subi %sign3A_559, %sign3A_562 : i32
        %sign3A_564 = arith.constant 0 : i32
        %sign3A_565 = arith.cmpi sgt, %jit3A_555, %sign3A_564 : i32
        %sign3A_566 = arith.extui %sign3A_565 : i1 to i32
        %sign3A_567 = arith.constant 0 : i32
        %sign3A_568 = arith.cmpi slt, %jit3A_555, %sign3A_567 : i32
        %sign3A_569 = arith.extui %sign3A_568 : i1 to i32
        %sign3A_570 = arith.subi %sign3A_566, %sign3A_569 : i32
        %ne3A_571 = arith.cmpi ne, %sign3A_563, %sign3A_570 : i32
        %rem3A_572 = arith.remsi %squeeze3A_554, %jit3A_555 : i32
        %ne3A_573 = arith.constant 0 : i32
        %ne3A_574 = arith.cmpi ne, %rem3A_572, %ne3A_573 : i32
        %and3A_575 = arith.andi %ne3A_571, %ne3A_574 : i1
        %sub3A_576 = arith.constant 1 : i32
        %sub3A_577 = arith.subi %div3A_556, %sub3A_576 : i32
        %select_n3A_578 = arith.select %and3A_575, %sub3A_577, %div3A_556 : i32
        %mul3A_579 = arith.constant 16 : i32
        %mul3A_580 = arith.muli %select_n3A_578, %mul3A_579 : i32
        %sub3A_581 = arith.subi %squeeze3A_554, %mul3A_580 : i32
        %eq3A_582 = vector.broadcast %sub3A_581 : i32 to vector<16xi32>
        %eq3A_583 = arith.cmpi eq, %iota3A, %eq3A_582 : vector<16xi32>
        %jit3A_584 = arith.constant 1.000000e+00 : f32
        %jit3A_585 = arith.constant 0.000000e+00 : f32
        %broadcast_in_dim3A_586 = vector.broadcast %jit3A_584 : f32 to vector<16xf32>
        %broadcast_in_dim3A_587 = vector.broadcast %jit3A_585 : f32 to vector<16xf32>
        %select_n3A_588 = arith.select %eq3A_583, %broadcast_in_dim3A_586, %broadcast_in_dim3A_587 : vector<16xi1>, vector<16xf32>
        %get3A_589 = arith.index_cast %mul3A_580 : i32 to index
        %get3A_590 = tpu.vector_load %arg13[%get3A_589] {strides = array<i32>} : memref<10240xf32, #tpu.memory_space<vmem>>, vector<16xf32>,
        %get3A_591 = vector.shape_cast %get3A_590 : vector<16xf32> to vector<16xf32>
        %add3A_592 = arith.addf %get3A_591, %select_n3A_588 : vector<16xf32>
        %swap3A_593 = arith.index_cast %mul3A_580 : i32 to index
        %swap3A_594 = tpu.vector_load %arg13[%swap3A_593] {strides = array<i32>} : memref<10240xf32, #tpu.memory_space<vmem>>, vector<16xf32>,
        %swap3A_595 = vector.shape_cast %swap3A_594 : vector<16xf32> to vector<16xf32>
        %swap3A_596 = vector.shape_cast %add3A_592 : vector<16xf32> to vector<16xf32>
        tpu.vector_store %arg13[%swap3A_593], %swap3A_596 {strides = array<i32>} : memref<10240xf32, #tpu.memory_space<vmem>>, vector<16xf32>,
        %slice3A_597 = vector.extract_strided_slice %get3A_301 {offsets = [7], sizes = [1], strides = [1]} : vector<16xi32> to vector<1xi32>
        %squeeze3A_598 = vector.extract %slice3A_597[0] : i32 from vector<1xi32>
        %jit3A_599 = arith.constant 16 : i32
        %div3A_600 = arith.divsi %squeeze3A_598, %jit3A_599 : i32
        %sign3A_601 = arith.constant 0 : i32
        %sign3A_602 = arith.cmpi sgt, %squeeze3A_598, %sign3A_601 : i32
        %sign3A_603 = arith.extui %sign3A_602 : i1 to i32
        %sign3A_604 = arith.constant 0 : i32
        %sign3A_605 = arith.cmpi slt, %squeeze3A_598, %sign3A_604 : i32
        %sign3A_606 = arith.extui %sign3A_605 : i1 to i32
        %sign3A_607 = arith.subi %sign3A_603, %sign3A_606 : i32
        %sign3A_608 = arith.constant 0 : i32
        %sign3A_609 = arith.cmpi sgt, %jit3A_599, %sign3A_608 : i32
        %sign3A_610 = arith.extui %sign3A_609 : i1 to i32
        %sign3A_611 = arith.constant 0 : i32
        %sign3A_612 = arith.cmpi slt, %jit3A_599, %sign3A_611 : i32
        %sign3A_613 = arith.extui %sign3A_612 : i1 to i32
        %sign3A_614 = arith.subi %sign3A_610, %sign3A_613 : i32
        %ne3A_615 = arith.cmpi ne, %sign3A_607, %sign3A_614 : i32
        %rem3A_616 = arith.remsi %squeeze3A_598, %jit3A_599 : i32
        %ne3A_617 = arith.constant 0 : i32
        %ne3A_618 = arith.cmpi ne, %rem3A_616, %ne3A_617 : i32
        %and3A_619 = arith.andi %ne3A_615, %ne3A_618 : i1
        %sub3A_620 = arith.constant 1 : i32
        %sub3A_621 = arith.subi %div3A_600, %sub3A_620 : i32
        %select_n3A_622 = arith.select %and3A_619, %sub3A_621, %div3A_600 : i32
        %mul3A_623 = arith.constant 16 : i32
        %mul3A_624 = arith.muli %select_n3A_622, %mul3A_623 : i32
        %sub3A_625 = arith.subi %squeeze3A_598, %mul3A_624 : i32
        %eq3A_626 = vector.broadcast %sub3A_625 : i32 to vector<16xi32>
        %eq3A_627 = arith.cmpi eq, %iota3A, %eq3A_626 : vector<16xi32>
        %jit3A_628 = arith.constant 1.000000e+00 : f32
        %jit3A_629 = arith.constant 0.000000e+00 : f32
        %broadcast_in_dim3A_630 = vector.broadcast %jit3A_628 : f32 to vector<16xf32>
        %broadcast_in_dim3A_631 = vector.broadcast %jit3A_629 : f32 to vector<16xf32>
        %select_n3A_632 = arith.select %eq3A_627, %broadcast_in_dim3A_630, %broadcast_in_dim3A_631 : vector<16xi1>, vector<16xf32>
        %get3A_633 = arith.index_cast %mul3A_624 : i32 to index
        %get3A_634 = tpu.vector_load %arg13[%get3A_633] {strides = array<i32>} : memref<10240xf32, #tpu.memory_space<vmem>>, vector<16xf32>,
        %get3A_635 = vector.shape_cast %get3A_634 : vector<16xf32> to vector<16xf32>
        %add3A_636 = arith.addf %get3A_635, %select_n3A_632 : vector<16xf32>
        %swap3A_637 = arith.index_cast %mul3A_624 : i32 to index
        %swap3A_638 = tpu.vector_load %arg13[%swap3A_637] {strides = array<i32>} : memref<10240xf32, #tpu.memory_space<vmem>>, vector<16xf32>,
        %swap3A_639 = vector.shape_cast %swap3A_638 : vector<16xf32> to vector<16xf32>
        %swap3A_640 = vector.shape_cast %add3A_636 : vector<16xf32> to vector<16xf32>
        tpu.vector_store %arg13[%swap3A_637], %swap3A_640 {strides = array<i32>} : memref<10240xf32, #tpu.memory_space<vmem>>, vector<16xf32>,
        %slice3A_641 = vector.extract_strided_slice %get3A_301 {offsets = [8], sizes = [1], strides = [1]} : vector<16xi32> to vector<1xi32>
        %squeeze3A_642 = vector.extract %slice3A_641[0] : i32 from vector<1xi32>
        %jit3A_643 = arith.constant 16 : i32
        %div3A_644 = arith.divsi %squeeze3A_642, %jit3A_643 : i32
        %sign3A_645 = arith.constant 0 : i32
        %sign3A_646 = arith.cmpi sgt, %squeeze3A_642, %sign3A_645 : i32
        %sign3A_647 = arith.extui %sign3A_646 : i1 to i32
        %sign3A_648 = arith.constant 0 : i32
        %sign3A_649 = arith.cmpi slt, %squeeze3A_642, %sign3A_648 : i32
        %sign3A_650 = arith.extui %sign3A_649 : i1 to i32
        %sign3A_651 = arith.subi %sign3A_647, %sign3A_650 : i32
        %sign3A_652 = arith.constant 0 : i32
        %sign3A_653 = arith.cmpi sgt, %jit3A_643, %sign3A_652 : i32
        %sign3A_654 = arith.extui %sign3A_653 : i1 to i32
        %sign3A_655 = arith.constant 0 : i32
        %sign3A_656 = arith.cmpi slt, %jit3A_643, %sign3A_655 : i32
        %sign3A_657 = arith.extui %sign3A_656 : i1 to i32
        %sign3A_658 = arith.subi %sign3A_654, %sign3A_657 : i32
        %ne3A_659 = arith.cmpi ne, %sign3A_651, %sign3A_658 : i32
        %rem3A_660 = arith.remsi %squeeze3A_642, %jit3A_643 : i32
        %ne3A_661 = arith.constant 0 : i32
        %ne3A_662 = arith.cmpi ne, %rem3A_660, %ne3A_661 : i32
        %and3A_663 = arith.andi %ne3A_659, %ne3A_662 : i1
        %sub3A_664 = arith.constant 1 : i32
        %sub3A_665 = arith.subi %div3A_644, %sub3A_664 : i32
        %select_n3A_666 = arith.select %and3A_663, %sub3A_665, %div3A_644 : i32
        %mul3A_667 = arith.constant 16 : i32
        %mul3A_668 = arith.muli %select_n3A_666, %mul3A_667 : i32
        %sub3A_669 = arith.subi %squeeze3A_642, %mul3A_668 : i32
        %eq3A_670 = vector.broadcast %sub3A_669 : i32 to vector<16xi32>
        %eq3A_671 = arith.cmpi eq, %iota3A, %eq3A_670 : vector<16xi32>
        %jit3A_672 = arith.constant 1.000000e+00 : f32
        %jit3A_673 = arith.constant 0.000000e+00 : f32
        %broadcast_in_dim3A_674 = vector.broadcast %jit3A_672 : f32 to vector<16xf32>
        %broadcast_in_dim3A_675 = vector.broadcast %jit3A_673 : f32 to vector<16xf32>
        %select_n3A_676 = arith.select %eq3A_671, %broadcast_in_dim3A_674, %broadcast_in_dim3A_675 : vector<16xi1>, vector<16xf32>
        %get3A_677 = arith.index_cast %mul3A_668 : i32 to index
        %get3A_678 = tpu.vector_load %arg13[%get3A_677] {strides = array<i32>} : memref<10240xf32, #tpu.memory_space<vmem>>, vector<16xf32>,
        %get3A_679 = vector.shape_cast %get3A_678 : vector<16xf32> to vector<16xf32>
        %add3A_680 = arith.addf %get3A_679, %select_n3A_676 : vector<16xf32>
        %swap3A_681 = arith.index_cast %mul3A_668 : i32 to index
        %swap3A_682 = tpu.vector_load %arg13[%swap3A_681] {strides = array<i32>} : memref<10240xf32, #tpu.memory_space<vmem>>, vector<16xf32>,
        %swap3A_683 = vector.shape_cast %swap3A_682 : vector<16xf32> to vector<16xf32>
        %swap3A_684 = vector.shape_cast %add3A_680 : vector<16xf32> to vector<16xf32>
        tpu.vector_store %arg13[%swap3A_681], %swap3A_684 {strides = array<i32>} : memref<10240xf32, #tpu.memory_space<vmem>>, vector<16xf32>,
        %slice3A_685 = vector.extract_strided_slice %get3A_301 {offsets = [9], sizes = [1], strides = [1]} : vector<16xi32> to vector<1xi32>
        %squeeze3A_686 = vector.extract %slice3A_685[0] : i32 from vector<1xi32>
        %jit3A_687 = arith.constant 16 : i32
        %div3A_688 = arith.divsi %squeeze3A_686, %jit3A_687 : i32
        %sign3A_689 = arith.constant 0 : i32
        %sign3A_690 = arith.cmpi sgt, %squeeze3A_686, %sign3A_689 : i32
        %sign3A_691 = arith.extui %sign3A_690 : i1 to i32
        %sign3A_692 = arith.constant 0 : i32
        %sign3A_693 = arith.cmpi slt, %squeeze3A_686, %sign3A_692 : i32
        %sign3A_694 = arith.extui %sign3A_693 : i1 to i32
        %sign3A_695 = arith.subi %sign3A_691, %sign3A_694 : i32
        %sign3A_696 = arith.constant 0 : i32
        %sign3A_697 = arith.cmpi sgt, %jit3A_687, %sign3A_696 : i32
        %sign3A_698 = arith.extui %sign3A_697 : i1 to i32
        %sign3A_699 = arith.constant 0 : i32
        %sign3A_700 = arith.cmpi slt, %jit3A_687, %sign3A_699 : i32
        %sign3A_701 = arith.extui %sign3A_700 : i1 to i32
        %sign3A_702 = arith.subi %sign3A_698, %sign3A_701 : i32
        %ne3A_703 = arith.cmpi ne, %sign3A_695, %sign3A_702 : i32
        %rem3A_704 = arith.remsi %squeeze3A_686, %jit3A_687 : i32
        %ne3A_705 = arith.constant 0 : i32
        %ne3A_706 = arith.cmpi ne, %rem3A_704, %ne3A_705 : i32
        %and3A_707 = arith.andi %ne3A_703, %ne3A_706 : i1
        %sub3A_708 = arith.constant 1 : i32
        %sub3A_709 = arith.subi %div3A_688, %sub3A_708 : i32
        %select_n3A_710 = arith.select %and3A_707, %sub3A_709, %div3A_688 : i32
        %mul3A_711 = arith.constant 16 : i32
        %mul3A_712 = arith.muli %select_n3A_710, %mul3A_711 : i32
        %sub3A_713 = arith.subi %squeeze3A_686, %mul3A_712 : i32
        %eq3A_714 = vector.broadcast %sub3A_713 : i32 to vector<16xi32>
        %eq3A_715 = arith.cmpi eq, %iota3A, %eq3A_714 : vector<16xi32>
        %jit3A_716 = arith.constant 1.000000e+00 : f32
        %jit3A_717 = arith.constant 0.000000e+00 : f32
        %broadcast_in_dim3A_718 = vector.broadcast %jit3A_716 : f32 to vector<16xf32>
        %broadcast_in_dim3A_719 = vector.broadcast %jit3A_717 : f32 to vector<16xf32>
        %select_n3A_720 = arith.select %eq3A_715, %broadcast_in_dim3A_718, %broadcast_in_dim3A_719 : vector<16xi1>, vector<16xf32>
        %get3A_721 = arith.index_cast %mul3A_712 : i32 to index
        %get3A_722 = tpu.vector_load %arg13[%get3A_721] {strides = array<i32>} : memref<10240xf32, #tpu.memory_space<vmem>>, vector<16xf32>,
        %get3A_723 = vector.shape_cast %get3A_722 : vector<16xf32> to vector<16xf32>
        %add3A_724 = arith.addf %get3A_723, %select_n3A_720 : vector<16xf32>
        %swap3A_725 = arith.index_cast %mul3A_712 : i32 to index
        %swap3A_726 = tpu.vector_load %arg13[%swap3A_725] {strides = array<i32>} : memref<10240xf32, #tpu.memory_space<vmem>>, vector<16xf32>,
        %swap3A_727 = vector.shape_cast %swap3A_726 : vector<16xf32> to vector<16xf32>
        %swap3A_728 = vector.shape_cast %add3A_724 : vector<16xf32> to vector<16xf32>
        tpu.vector_store %arg13[%swap3A_725], %swap3A_728 {strides = array<i32>} : memref<10240xf32, #tpu.memory_space<vmem>>, vector<16xf32>,
        %slice3A_729 = vector.extract_strided_slice %get3A_301 {offsets = [10], sizes = [1], strides = [1]} : vector<16xi32> to vector<1xi32>
        %squeeze3A_730 = vector.extract %slice3A_729[0] : i32 from vector<1xi32>
        %jit3A_731 = arith.constant 16 : i32
        %div3A_732 = arith.divsi %squeeze3A_730, %jit3A_731 : i32
        %sign3A_733 = arith.constant 0 : i32
        %sign3A_734 = arith.cmpi sgt, %squeeze3A_730, %sign3A_733 : i32
        %sign3A_735 = arith.extui %sign3A_734 : i1 to i32
        %sign3A_736 = arith.constant 0 : i32
        %sign3A_737 = arith.cmpi slt, %squeeze3A_730, %sign3A_736 : i32
        %sign3A_738 = arith.extui %sign3A_737 : i1 to i32
        %sign3A_739 = arith.subi %sign3A_735, %sign3A_738 : i32
        %sign3A_740 = arith.constant 0 : i32
        %sign3A_741 = arith.cmpi sgt, %jit3A_731, %sign3A_740 : i32
        %sign3A_742 = arith.extui %sign3A_741 : i1 to i32
        %sign3A_743 = arith.constant 0 : i32
        %sign3A_744 = arith.cmpi slt, %jit3A_731, %sign3A_743 : i32
        %sign3A_745 = arith.extui %sign3A_744 : i1 to i32
        %sign3A_746 = arith.subi %sign3A_742, %sign3A_745 : i32
        %ne3A_747 = arith.cmpi ne, %sign3A_739, %sign3A_746 : i32
        %rem3A_748 = arith.remsi %squeeze3A_730, %jit3A_731 : i32
        %ne3A_749 = arith.constant 0 : i32
        %ne3A_750 = arith.cmpi ne, %rem3A_748, %ne3A_749 : i32
        %and3A_751 = arith.andi %ne3A_747, %ne3A_750 : i1
        %sub3A_752 = arith.constant 1 : i32
        %sub3A_753 = arith.subi %div3A_732, %sub3A_752 : i32
        %select_n3A_754 = arith.select %and3A_751, %sub3A_753, %div3A_732 : i32
        %mul3A_755 = arith.constant 16 : i32
        %mul3A_756 = arith.muli %select_n3A_754, %mul3A_755 : i32
        %sub3A_757 = arith.subi %squeeze3A_730, %mul3A_756 : i32
        %eq3A_758 = vector.broadcast %sub3A_757 : i32 to vector<16xi32>
        %eq3A_759 = arith.cmpi eq, %iota3A, %eq3A_758 : vector<16xi32>
        %jit3A_760 = arith.constant 1.000000e+00 : f32
        %jit3A_761 = arith.constant 0.000000e+00 : f32
        %broadcast_in_dim3A_762 = vector.broadcast %jit3A_760 : f32 to vector<16xf32>
        %broadcast_in_dim3A_763 = vector.broadcast %jit3A_761 : f32 to vector<16xf32>
        %select_n3A_764 = arith.select %eq3A_759, %broadcast_in_dim3A_762, %broadcast_in_dim3A_763 : vector<16xi1>, vector<16xf32>
        %get3A_765 = arith.index_cast %mul3A_756 : i32 to index
        %get3A_766 = tpu.vector_load %arg13[%get3A_765] {strides = array<i32>} : memref<10240xf32, #tpu.memory_space<vmem>>, vector<16xf32>,
        %get3A_767 = vector.shape_cast %get3A_766 : vector<16xf32> to vector<16xf32>
        %add3A_768 = arith.addf %get3A_767, %select_n3A_764 : vector<16xf32>
        %swap3A_769 = arith.index_cast %mul3A_756 : i32 to index
        %swap3A_770 = tpu.vector_load %arg13[%swap3A_769] {strides = array<i32>} : memref<10240xf32, #tpu.memory_space<vmem>>, vector<16xf32>,
        %swap3A_771 = vector.shape_cast %swap3A_770 : vector<16xf32> to vector<16xf32>
        %swap3A_772 = vector.shape_cast %add3A_768 : vector<16xf32> to vector<16xf32>
        tpu.vector_store %arg13[%swap3A_769], %swap3A_772 {strides = array<i32>} : memref<10240xf32, #tpu.memory_space<vmem>>, vector<16xf32>,
        %slice3A_773 = vector.extract_strided_slice %get3A_301 {offsets = [11], sizes = [1], strides = [1]} : vector<16xi32> to vector<1xi32>
        %squeeze3A_774 = vector.extract %slice3A_773[0] : i32 from vector<1xi32>
        %jit3A_775 = arith.constant 16 : i32
        %div3A_776 = arith.divsi %squeeze3A_774, %jit3A_775 : i32
        %sign3A_777 = arith.constant 0 : i32
        %sign3A_778 = arith.cmpi sgt, %squeeze3A_774, %sign3A_777 : i32
        %sign3A_779 = arith.extui %sign3A_778 : i1 to i32
        %sign3A_780 = arith.constant 0 : i32
        %sign3A_781 = arith.cmpi slt, %squeeze3A_774, %sign3A_780 : i32
        %sign3A_782 = arith.extui %sign3A_781 : i1 to i32
        %sign3A_783 = arith.subi %sign3A_779, %sign3A_782 : i32
        %sign3A_784 = arith.constant 0 : i32
        %sign3A_785 = arith.cmpi sgt, %jit3A_775, %sign3A_784 : i32
        %sign3A_786 = arith.extui %sign3A_785 : i1 to i32
        %sign3A_787 = arith.constant 0 : i32
        %sign3A_788 = arith.cmpi slt, %jit3A_775, %sign3A_787 : i32
        %sign3A_789 = arith.extui %sign3A_788 : i1 to i32
        %sign3A_790 = arith.subi %sign3A_786, %sign3A_789 : i32
        %ne3A_791 = arith.cmpi ne, %sign3A_783, %sign3A_790 : i32
        %rem3A_792 = arith.remsi %squeeze3A_774, %jit3A_775 : i32
        %ne3A_793 = arith.constant 0 : i32
        %ne3A_794 = arith.cmpi ne, %rem3A_792, %ne3A_793 : i32
        %and3A_795 = arith.andi %ne3A_791, %ne3A_794 : i1
        %sub3A_796 = arith.constant 1 : i32
        %sub3A_797 = arith.subi %div3A_776, %sub3A_796 : i32
        %select_n3A_798 = arith.select %and3A_795, %sub3A_797, %div3A_776 : i32
        %mul3A_799 = arith.constant 16 : i32
        %mul3A_800 = arith.muli %select_n3A_798, %mul3A_799 : i32
        %sub3A_801 = arith.subi %squeeze3A_774, %mul3A_800 : i32
        %eq3A_802 = vector.broadcast %sub3A_801 : i32 to vector<16xi32>
        %eq3A_803 = arith.cmpi eq, %iota3A, %eq3A_802 : vector<16xi32>
        %jit3A_804 = arith.constant 1.000000e+00 : f32
        %jit3A_805 = arith.constant 0.000000e+00 : f32
        %broadcast_in_dim3A_806 = vector.broadcast %jit3A_804 : f32 to vector<16xf32>
        %broadcast_in_dim3A_807 = vector.broadcast %jit3A_805 : f32 to vector<16xf32>
        %select_n3A_808 = arith.select %eq3A_803, %broadcast_in_dim3A_806, %broadcast_in_dim3A_807 : vector<16xi1>, vector<16xf32>
        %get3A_809 = arith.index_cast %mul3A_800 : i32 to index
        %get3A_810 = tpu.vector_load %arg13[%get3A_809] {strides = array<i32>} : memref<10240xf32, #tpu.memory_space<vmem>>, vector<16xf32>,
        %get3A_811 = vector.shape_cast %get3A_810 : vector<16xf32> to vector<16xf32>
        %add3A_812 = arith.addf %get3A_811, %select_n3A_808 : vector<16xf32>
        %swap3A_813 = arith.index_cast %mul3A_800 : i32 to index
        %swap3A_814 = tpu.vector_load %arg13[%swap3A_813] {strides = array<i32>} : memref<10240xf32, #tpu.memory_space<vmem>>, vector<16xf32>,
        %swap3A_815 = vector.shape_cast %swap3A_814 : vector<16xf32> to vector<16xf32>
        %swap3A_816 = vector.shape_cast %add3A_812 : vector<16xf32> to vector<16xf32>
        tpu.vector_store %arg13[%swap3A_813], %swap3A_816 {strides = array<i32>} : memref<10240xf32, #tpu.memory_space<vmem>>, vector<16xf32>,
        %slice3A_817 = vector.extract_strided_slice %get3A_301 {offsets = [12], sizes = [1], strides = [1]} : vector<16xi32> to vector<1xi32>
        %squeeze3A_818 = vector.extract %slice3A_817[0] : i32 from vector<1xi32>
        %jit3A_819 = arith.constant 16 : i32
        %div3A_820 = arith.divsi %squeeze3A_818, %jit3A_819 : i32
        %sign3A_821 = arith.constant 0 : i32
        %sign3A_822 = arith.cmpi sgt, %squeeze3A_818, %sign3A_821 : i32
        %sign3A_823 = arith.extui %sign3A_822 : i1 to i32
        %sign3A_824 = arith.constant 0 : i32
        %sign3A_825 = arith.cmpi slt, %squeeze3A_818, %sign3A_824 : i32
        %sign3A_826 = arith.extui %sign3A_825 : i1 to i32
        %sign3A_827 = arith.subi %sign3A_823, %sign3A_826 : i32
        %sign3A_828 = arith.constant 0 : i32
        %sign3A_829 = arith.cmpi sgt, %jit3A_819, %sign3A_828 : i32
        %sign3A_830 = arith.extui %sign3A_829 : i1 to i32
        %sign3A_831 = arith.constant 0 : i32
        %sign3A_832 = arith.cmpi slt, %jit3A_819, %sign3A_831 : i32
        %sign3A_833 = arith.extui %sign3A_832 : i1 to i32
        %sign3A_834 = arith.subi %sign3A_830, %sign3A_833 : i32
        %ne3A_835 = arith.cmpi ne, %sign3A_827, %sign3A_834 : i32
        %rem3A_836 = arith.remsi %squeeze3A_818, %jit3A_819 : i32
        %ne3A_837 = arith.constant 0 : i32
        %ne3A_838 = arith.cmpi ne, %rem3A_836, %ne3A_837 : i32
        %and3A_839 = arith.andi %ne3A_835, %ne3A_838 : i1
        %sub3A_840 = arith.constant 1 : i32
        %sub3A_841 = arith.subi %div3A_820, %sub3A_840 : i32
        %select_n3A_842 = arith.select %and3A_839, %sub3A_841, %div3A_820 : i32
        %mul3A_843 = arith.constant 16 : i32
        %mul3A_844 = arith.muli %select_n3A_842, %mul3A_843 : i32
        %sub3A_845 = arith.subi %squeeze3A_818, %mul3A_844 : i32
        %eq3A_846 = vector.broadcast %sub3A_845 : i32 to vector<16xi32>
        %eq3A_847 = arith.cmpi eq, %iota3A, %eq3A_846 : vector<16xi32>
        %jit3A_848 = arith.constant 1.000000e+00 : f32
        %jit3A_849 = arith.constant 0.000000e+00 : f32
        %broadcast_in_dim3A_850 = vector.broadcast %jit3A_848 : f32 to vector<16xf32>
        %broadcast_in_dim3A_851 = vector.broadcast %jit3A_849 : f32 to vector<16xf32>
        %select_n3A_852 = arith.select %eq3A_847, %broadcast_in_dim3A_850, %broadcast_in_dim3A_851 : vector<16xi1>, vector<16xf32>
        %get3A_853 = arith.index_cast %mul3A_844 : i32 to index
        %get3A_854 = tpu.vector_load %arg13[%get3A_853] {strides = array<i32>} : memref<10240xf32, #tpu.memory_space<vmem>>, vector<16xf32>,
        %get3A_855 = vector.shape_cast %get3A_854 : vector<16xf32> to vector<16xf32>
        %add3A_856 = arith.addf %get3A_855, %select_n3A_852 : vector<16xf32>
        %swap3A_857 = arith.index_cast %mul3A_844 : i32 to index
        %swap3A_858 = tpu.vector_load %arg13[%swap3A_857] {strides = array<i32>} : memref<10240xf32, #tpu.memory_space<vmem>>, vector<16xf32>,
        %swap3A_859 = vector.shape_cast %swap3A_858 : vector<16xf32> to vector<16xf32>
        %swap3A_860 = vector.shape_cast %add3A_856 : vector<16xf32> to vector<16xf32>
        tpu.vector_store %arg13[%swap3A_857], %swap3A_860 {strides = array<i32>} : memref<10240xf32, #tpu.memory_space<vmem>>, vector<16xf32>,
        %slice3A_861 = vector.extract_strided_slice %get3A_301 {offsets = [13], sizes = [1], strides = [1]} : vector<16xi32> to vector<1xi32>
        %squeeze3A_862 = vector.extract %slice3A_861[0] : i32 from vector<1xi32>
        %jit3A_863 = arith.constant 16 : i32
        %div3A_864 = arith.divsi %squeeze3A_862, %jit3A_863 : i32
        %sign3A_865 = arith.constant 0 : i32
        %sign3A_866 = arith.cmpi sgt, %squeeze3A_862, %sign3A_865 : i32
        %sign3A_867 = arith.extui %sign3A_866 : i1 to i32
        %sign3A_868 = arith.constant 0 : i32
        %sign3A_869 = arith.cmpi slt, %squeeze3A_862, %sign3A_868 : i32
        %sign3A_870 = arith.extui %sign3A_869 : i1 to i32
        %sign3A_871 = arith.subi %sign3A_867, %sign3A_870 : i32
        %sign3A_872 = arith.constant 0 : i32
        %sign3A_873 = arith.cmpi sgt, %jit3A_863, %sign3A_872 : i32
        %sign3A_874 = arith.extui %sign3A_873 : i1 to i32
        %sign3A_875 = arith.constant 0 : i32
        %sign3A_876 = arith.cmpi slt, %jit3A_863, %sign3A_875 : i32
        %sign3A_877 = arith.extui %sign3A_876 : i1 to i32
        %sign3A_878 = arith.subi %sign3A_874, %sign3A_877 : i32
        %ne3A_879 = arith.cmpi ne, %sign3A_871, %sign3A_878 : i32
        %rem3A_880 = arith.remsi %squeeze3A_862, %jit3A_863 : i32
        %ne3A_881 = arith.constant 0 : i32
        %ne3A_882 = arith.cmpi ne, %rem3A_880, %ne3A_881 : i32
        %and3A_883 = arith.andi %ne3A_879, %ne3A_882 : i1
        %sub3A_884 = arith.constant 1 : i32
        %sub3A_885 = arith.subi %div3A_864, %sub3A_884 : i32
        %select_n3A_886 = arith.select %and3A_883, %sub3A_885, %div3A_864 : i32
        %mul3A_887 = arith.constant 16 : i32
        %mul3A_888 = arith.muli %select_n3A_886, %mul3A_887 : i32
        %sub3A_889 = arith.subi %squeeze3A_862, %mul3A_888 : i32
        %eq3A_890 = vector.broadcast %sub3A_889 : i32 to vector<16xi32>
        %eq3A_891 = arith.cmpi eq, %iota3A, %eq3A_890 : vector<16xi32>
        %jit3A_892 = arith.constant 1.000000e+00 : f32
        %jit3A_893 = arith.constant 0.000000e+00 : f32
        %broadcast_in_dim3A_894 = vector.broadcast %jit3A_892 : f32 to vector<16xf32>
        %broadcast_in_dim3A_895 = vector.broadcast %jit3A_893 : f32 to vector<16xf32>
        %select_n3A_896 = arith.select %eq3A_891, %broadcast_in_dim3A_894, %broadcast_in_dim3A_895 : vector<16xi1>, vector<16xf32>
        %get3A_897 = arith.index_cast %mul3A_888 : i32 to index
        %get3A_898 = tpu.vector_load %arg13[%get3A_897] {strides = array<i32>} : memref<10240xf32, #tpu.memory_space<vmem>>, vector<16xf32>,
        %get3A_899 = vector.shape_cast %get3A_898 : vector<16xf32> to vector<16xf32>
        %add3A_900 = arith.addf %get3A_899, %select_n3A_896 : vector<16xf32>
        %swap3A_901 = arith.index_cast %mul3A_888 : i32 to index
        %swap3A_902 = tpu.vector_load %arg13[%swap3A_901] {strides = array<i32>} : memref<10240xf32, #tpu.memory_space<vmem>>, vector<16xf32>,
        %swap3A_903 = vector.shape_cast %swap3A_902 : vector<16xf32> to vector<16xf32>
        %swap3A_904 = vector.shape_cast %add3A_900 : vector<16xf32> to vector<16xf32>
        tpu.vector_store %arg13[%swap3A_901], %swap3A_904 {strides = array<i32>} : memref<10240xf32, #tpu.memory_space<vmem>>, vector<16xf32>,
        %slice3A_905 = vector.extract_strided_slice %get3A_301 {offsets = [14], sizes = [1], strides = [1]} : vector<16xi32> to vector<1xi32>
        %squeeze3A_906 = vector.extract %slice3A_905[0] : i32 from vector<1xi32>
        %jit3A_907 = arith.constant 16 : i32
        %div3A_908 = arith.divsi %squeeze3A_906, %jit3A_907 : i32
        %sign3A_909 = arith.constant 0 : i32
        %sign3A_910 = arith.cmpi sgt, %squeeze3A_906, %sign3A_909 : i32
        %sign3A_911 = arith.extui %sign3A_910 : i1 to i32
        %sign3A_912 = arith.constant 0 : i32
        %sign3A_913 = arith.cmpi slt, %squeeze3A_906, %sign3A_912 : i32
        %sign3A_914 = arith.extui %sign3A_913 : i1 to i32
        %sign3A_915 = arith.subi %sign3A_911, %sign3A_914 : i32
        %sign3A_916 = arith.constant 0 : i32
        %sign3A_917 = arith.cmpi sgt, %jit3A_907, %sign3A_916 : i32
        %sign3A_918 = arith.extui %sign3A_917 : i1 to i32
        %sign3A_919 = arith.constant 0 : i32
        %sign3A_920 = arith.cmpi slt, %jit3A_907, %sign3A_919 : i32
        %sign3A_921 = arith.extui %sign3A_920 : i1 to i32
        %sign3A_922 = arith.subi %sign3A_918, %sign3A_921 : i32
        %ne3A_923 = arith.cmpi ne, %sign3A_915, %sign3A_922 : i32
        %rem3A_924 = arith.remsi %squeeze3A_906, %jit3A_907 : i32
        %ne3A_925 = arith.constant 0 : i32
        %ne3A_926 = arith.cmpi ne, %rem3A_924, %ne3A_925 : i32
        %and3A_927 = arith.andi %ne3A_923, %ne3A_926 : i1
        %sub3A_928 = arith.constant 1 : i32
        %sub3A_929 = arith.subi %div3A_908, %sub3A_928 : i32
        %select_n3A_930 = arith.select %and3A_927, %sub3A_929, %div3A_908 : i32
        %mul3A_931 = arith.constant 16 : i32
        %mul3A_932 = arith.muli %select_n3A_930, %mul3A_931 : i32
        %sub3A_933 = arith.subi %squeeze3A_906, %mul3A_932 : i32
        %eq3A_934 = vector.broadcast %sub3A_933 : i32 to vector<16xi32>
        %eq3A_935 = arith.cmpi eq, %iota3A, %eq3A_934 : vector<16xi32>
        %jit3A_936 = arith.constant 1.000000e+00 : f32
        %jit3A_937 = arith.constant 0.000000e+00 : f32
        %broadcast_in_dim3A_938 = vector.broadcast %jit3A_936 : f32 to vector<16xf32>
        %broadcast_in_dim3A_939 = vector.broadcast %jit3A_937 : f32 to vector<16xf32>
        %select_n3A_940 = arith.select %eq3A_935, %broadcast_in_dim3A_938, %broadcast_in_dim3A_939 : vector<16xi1>, vector<16xf32>
        %get3A_941 = arith.index_cast %mul3A_932 : i32 to index
        %get3A_942 = tpu.vector_load %arg13[%get3A_941] {strides = array<i32>} : memref<10240xf32, #tpu.memory_space<vmem>>, vector<16xf32>,
        %get3A_943 = vector.shape_cast %get3A_942 : vector<16xf32> to vector<16xf32>
        %add3A_944 = arith.addf %get3A_943, %select_n3A_940 : vector<16xf32>
        %swap3A_945 = arith.index_cast %mul3A_932 : i32 to index
        %swap3A_946 = tpu.vector_load %arg13[%swap3A_945] {strides = array<i32>} : memref<10240xf32, #tpu.memory_space<vmem>>, vector<16xf32>,
        %swap3A_947 = vector.shape_cast %swap3A_946 : vector<16xf32> to vector<16xf32>
        %swap3A_948 = vector.shape_cast %add3A_944 : vector<16xf32> to vector<16xf32>
        tpu.vector_store %arg13[%swap3A_945], %swap3A_948 {strides = array<i32>} : memref<10240xf32, #tpu.memory_space<vmem>>, vector<16xf32>,
        %slice3A_949 = vector.extract_strided_slice %get3A_301 {offsets = [15], sizes = [1], strides = [1]} : vector<16xi32> to vector<1xi32>
        %squeeze3A_950 = vector.extract %slice3A_949[0] : i32 from vector<1xi32>
        %jit3A_951 = arith.constant 16 : i32
        %div3A_952 = arith.divsi %squeeze3A_950, %jit3A_951 : i32
        %sign3A_953 = arith.constant 0 : i32
        %sign3A_954 = arith.cmpi sgt, %squeeze3A_950, %sign3A_953 : i32
        %sign3A_955 = arith.extui %sign3A_954 : i1 to i32
        %sign3A_956 = arith.constant 0 : i32
        %sign3A_957 = arith.cmpi slt, %squeeze3A_950, %sign3A_956 : i32
        %sign3A_958 = arith.extui %sign3A_957 : i1 to i32
        %sign3A_959 = arith.subi %sign3A_955, %sign3A_958 : i32
        %sign3A_960 = arith.constant 0 : i32
        %sign3A_961 = arith.cmpi sgt, %jit3A_951, %sign3A_960 : i32
        %sign3A_962 = arith.extui %sign3A_961 : i1 to i32
        %sign3A_963 = arith.constant 0 : i32
        %sign3A_964 = arith.cmpi slt, %jit3A_951, %sign3A_963 : i32
        %sign3A_965 = arith.extui %sign3A_964 : i1 to i32
        %sign3A_966 = arith.subi %sign3A_962, %sign3A_965 : i32
        %ne3A_967 = arith.cmpi ne, %sign3A_959, %sign3A_966 : i32
        %rem3A_968 = arith.remsi %squeeze3A_950, %jit3A_951 : i32
        %ne3A_969 = arith.constant 0 : i32
        %ne3A_970 = arith.cmpi ne, %rem3A_968, %ne3A_969 : i32
        %and3A_971 = arith.andi %ne3A_967, %ne3A_970 : i1
        %sub3A_972 = arith.constant 1 : i32
        %sub3A_973 = arith.subi %div3A_952, %sub3A_972 : i32
        %select_n3A_974 = arith.select %and3A_971, %sub3A_973, %div3A_952 : i32
        %mul3A_975 = arith.constant 16 : i32
        %mul3A_976 = arith.muli %select_n3A_974, %mul3A_975 : i32
        %sub3A_977 = arith.subi %squeeze3A_950, %mul3A_976 : i32
        %eq3A_978 = vector.broadcast %sub3A_977 : i32 to vector<16xi32>
        %eq3A_979 = arith.cmpi eq, %iota3A, %eq3A_978 : vector<16xi32>
        %jit3A_980 = arith.constant 1.000000e+00 : f32
        %jit3A_981 = arith.constant 0.000000e+00 : f32
        %broadcast_in_dim3A_982 = vector.broadcast %jit3A_980 : f32 to vector<16xf32>
        %broadcast_in_dim3A_983 = vector.broadcast %jit3A_981 : f32 to vector<16xf32>
        %select_n3A_984 = arith.select %eq3A_979, %broadcast_in_dim3A_982, %broadcast_in_dim3A_983 : vector<16xi1>, vector<16xf32>
        %get3A_985 = arith.index_cast %mul3A_976 : i32 to index
        %get3A_986 = tpu.vector_load %arg13[%get3A_985] {strides = array<i32>} : memref<10240xf32, #tpu.memory_space<vmem>>, vector<16xf32>,
        %get3A_987 = vector.shape_cast %get3A_986 : vector<16xf32> to vector<16xf32>
        %add3A_988 = arith.addf %get3A_987, %select_n3A_984 : vector<16xf32>
        %swap3A_989 = arith.index_cast %mul3A_976 : i32 to index
        %swap3A_990 = tpu.vector_load %arg13[%swap3A_989] {strides = array<i32>} : memref<10240xf32, #tpu.memory_space<vmem>>, vector<16xf32>,
        %swap3A_991 = vector.shape_cast %swap3A_990 : vector<16xf32> to vector<16xf32>
        %swap3A_992 = vector.shape_cast %add3A_988 : vector<16xf32> to vector<16xf32>
        tpu.vector_store %arg13[%swap3A_989], %swap3A_992 {strides = array<i32>} : memref<10240xf32, #tpu.memory_space<vmem>>, vector<16xf32>,
      }
      %scan3A_180 = arith.constant 8 : i32
      %scan3A_181 = arith.constant 0 : i32
      %scan3A_182 = arith.constant 0 : i32
      %scan3A_183 = arith.constant 8 : i32
      %scan3A_184 = arith.addi %scan3A_182, %scan3A_183 : i32
      %scan3A_185 = arith.constant 1 : i32
      scf.for %scan3A_293 = %scan3A_182 to %scan3A_184 step %scan3A_185  : i32 {
        %mul3A_294 = arith.constant 16 : i32
        %mul3A_295 = arith.muli %scan3A_293, %mul3A_294 : i32
        %get3A = arith.constant 0 : i32
        %get3A_296 = arith.constant 1 : i32
        %get3A_297 = arith.index_cast %get3A : i32 to index
        %get3A_298 = arith.index_cast %get3A_296 : i32 to index
        %get3A_299 = arith.index_cast %mul3A_295 : i32 to index
        %get3A_300 = tpu.vector_load %arg14[%get3A_297, %get3A_298, %get3A_299] {strides = array<i32>} : memref<2x2x128xi32, #tpu.memory_space<vmem>>, vector<1x1x16xi32>,
        %get3A_301 = vector.shape_cast %get3A_300 : vector<1x1x16xi32> to vector<16xi32>
        %slice3A = vector.extract_strided_slice %get3A_301 {offsets = [0], sizes = [1], strides = [1]} : vector<16xi32> to vector<1xi32>
        %squeeze3A = vector.extract %slice3A[0] : i32 from vector<1xi32>
        %jit3A = arith.constant 16 : i32
        %div3A = arith.divsi %squeeze3A, %jit3A : i32
        %sign3A = arith.constant 0 : i32
        %sign3A_302 = arith.cmpi sgt, %squeeze3A, %sign3A : i32
        %sign3A_303 = arith.extui %sign3A_302 : i1 to i32
        %sign3A_304 = arith.constant 0 : i32
        %sign3A_305 = arith.cmpi slt, %squeeze3A, %sign3A_304 : i32
        %sign3A_306 = arith.extui %sign3A_305 : i1 to i32
        %sign3A_307 = arith.subi %sign3A_303, %sign3A_306 : i32
        %sign3A_308 = arith.constant 0 : i32
        %sign3A_309 = arith.cmpi sgt, %jit3A, %sign3A_308 : i32
        %sign3A_310 = arith.extui %sign3A_309 : i1 to i32
        %sign3A_311 = arith.constant 0 : i32
        %sign3A_312 = arith.cmpi slt, %jit3A, %sign3A_311 : i32
        %sign3A_313 = arith.extui %sign3A_312 : i1 to i32
        %sign3A_314 = arith.subi %sign3A_310, %sign3A_313 : i32
        %ne3A = arith.cmpi ne, %sign3A_307, %sign3A_314 : i32
        %rem3A = arith.remsi %squeeze3A, %jit3A : i32
        %ne3A_315 = arith.constant 0 : i32
        %ne3A_316 = arith.cmpi ne, %rem3A, %ne3A_315 : i32
        %and3A = arith.andi %ne3A, %ne3A_316 : i1
        %sub3A = arith.constant 1 : i32
        %sub3A_317 = arith.subi %div3A, %sub3A : i32
        %select_n3A = arith.select %and3A, %sub3A_317, %div3A : i32
        %mul3A_318 = arith.constant 16 : i32
        %mul3A_319 = arith.muli %select_n3A, %mul3A_318 : i32
        %sub3A_320 = arith.subi %squeeze3A, %mul3A_319 : i32
        %eq3A = vector.broadcast %sub3A_320 : i32 to vector<16xi32>
        %eq3A_321 = arith.cmpi eq, %iota3A, %eq3A : vector<16xi32>
        %jit3A_322 = arith.constant 1.000000e+00 : f32
        %jit3A_323 = arith.constant 0.000000e+00 : f32
        %broadcast_in_dim3A = vector.broadcast %jit3A_322 : f32 to vector<16xf32>
        %broadcast_in_dim3A_324 = vector.broadcast %jit3A_323 : f32 to vector<16xf32>
        %select_n3A_325 = arith.select %eq3A_321, %broadcast_in_dim3A, %broadcast_in_dim3A_324 : vector<16xi1>, vector<16xf32>
        %get3A_326 = arith.index_cast %mul3A_319 : i32 to index
        %get3A_327 = tpu.vector_load %arg13[%get3A_326] {strides = array<i32>} : memref<10240xf32, #tpu.memory_space<vmem>>, vector<16xf32>,
        %get3A_328 = vector.shape_cast %get3A_327 : vector<16xf32> to vector<16xf32>
        %add3A_329 = arith.addf %get3A_328, %select_n3A_325 : vector<16xf32>
        %swap3A = arith.index_cast %mul3A_319 : i32 to index
        %swap3A_330 = tpu.vector_load %arg13[%swap3A] {strides = array<i32>} : memref<10240xf32, #tpu.memory_space<vmem>>, vector<16xf32>,
        %swap3A_331 = vector.shape_cast %swap3A_330 : vector<16xf32> to vector<16xf32>
        %swap3A_332 = vector.shape_cast %add3A_329 : vector<16xf32> to vector<16xf32>
        tpu.vector_store %arg13[%swap3A], %swap3A_332 {strides = array<i32>} : memref<10240xf32, #tpu.memory_space<vmem>>, vector<16xf32>,
        %slice3A_333 = vector.extract_strided_slice %get3A_301 {offsets = [1], sizes = [1], strides = [1]} : vector<16xi32> to vector<1xi32>
        %squeeze3A_334 = vector.extract %slice3A_333[0] : i32 from vector<1xi32>
        %jit3A_335 = arith.constant 16 : i32
        %div3A_336 = arith.divsi %squeeze3A_334, %jit3A_335 : i32
        %sign3A_337 = arith.constant 0 : i32
        %sign3A_338 = arith.cmpi sgt, %squeeze3A_334, %sign3A_337 : i32
        %sign3A_339 = arith.extui %sign3A_338 : i1 to i32
        %sign3A_340 = arith.constant 0 : i32
        %sign3A_341 = arith.cmpi slt, %squeeze3A_334, %sign3A_340 : i32
        %sign3A_342 = arith.extui %sign3A_341 : i1 to i32
        %sign3A_343 = arith.subi %sign3A_339, %sign3A_342 : i32
        %sign3A_344 = arith.constant 0 : i32
        %sign3A_345 = arith.cmpi sgt, %jit3A_335, %sign3A_344 : i32
        %sign3A_346 = arith.extui %sign3A_345 : i1 to i32
        %sign3A_347 = arith.constant 0 : i32
        %sign3A_348 = arith.cmpi slt, %jit3A_335, %sign3A_347 : i32
        %sign3A_349 = arith.extui %sign3A_348 : i1 to i32
        %sign3A_350 = arith.subi %sign3A_346, %sign3A_349 : i32
        %ne3A_351 = arith.cmpi ne, %sign3A_343, %sign3A_350 : i32
        %rem3A_352 = arith.remsi %squeeze3A_334, %jit3A_335 : i32
        %ne3A_353 = arith.constant 0 : i32
        %ne3A_354 = arith.cmpi ne, %rem3A_352, %ne3A_353 : i32
        %and3A_355 = arith.andi %ne3A_351, %ne3A_354 : i1
        %sub3A_356 = arith.constant 1 : i32
        %sub3A_357 = arith.subi %div3A_336, %sub3A_356 : i32
        %select_n3A_358 = arith.select %and3A_355, %sub3A_357, %div3A_336 : i32
        %mul3A_359 = arith.constant 16 : i32
        %mul3A_360 = arith.muli %select_n3A_358, %mul3A_359 : i32
        %sub3A_361 = arith.subi %squeeze3A_334, %mul3A_360 : i32
        %eq3A_362 = vector.broadcast %sub3A_361 : i32 to vector<16xi32>
        %eq3A_363 = arith.cmpi eq, %iota3A, %eq3A_362 : vector<16xi32>
        %jit3A_364 = arith.constant 1.000000e+00 : f32
        %jit3A_365 = arith.constant 0.000000e+00 : f32
        %broadcast_in_dim3A_366 = vector.broadcast %jit3A_364 : f32 to vector<16xf32>
        %broadcast_in_dim3A_367 = vector.broadcast %jit3A_365 : f32 to vector<16xf32>
        %select_n3A_368 = arith.select %eq3A_363, %broadcast_in_dim3A_366, %broadcast_in_dim3A_367 : vector<16xi1>, vector<16xf32>
        %get3A_369 = arith.index_cast %mul3A_360 : i32 to index
        %get3A_370 = tpu.vector_load %arg13[%get3A_369] {strides = array<i32>} : memref<10240xf32, #tpu.memory_space<vmem>>, vector<16xf32>,
        %get3A_371 = vector.shape_cast %get3A_370 : vector<16xf32> to vector<16xf32>
        %add3A_372 = arith.addf %get3A_371, %select_n3A_368 : vector<16xf32>
        %swap3A_373 = arith.index_cast %mul3A_360 : i32 to index
        %swap3A_374 = tpu.vector_load %arg13[%swap3A_373] {strides = array<i32>} : memref<10240xf32, #tpu.memory_space<vmem>>, vector<16xf32>,
        %swap3A_375 = vector.shape_cast %swap3A_374 : vector<16xf32> to vector<16xf32>
        %swap3A_376 = vector.shape_cast %add3A_372 : vector<16xf32> to vector<16xf32>
        tpu.vector_store %arg13[%swap3A_373], %swap3A_376 {strides = array<i32>} : memref<10240xf32, #tpu.memory_space<vmem>>, vector<16xf32>,
        %slice3A_377 = vector.extract_strided_slice %get3A_301 {offsets = [2], sizes = [1], strides = [1]} : vector<16xi32> to vector<1xi32>
        %squeeze3A_378 = vector.extract %slice3A_377[0] : i32 from vector<1xi32>
        %jit3A_379 = arith.constant 16 : i32
        %div3A_380 = arith.divsi %squeeze3A_378, %jit3A_379 : i32
        %sign3A_381 = arith.constant 0 : i32
        %sign3A_382 = arith.cmpi sgt, %squeeze3A_378, %sign3A_381 : i32
        %sign3A_383 = arith.extui %sign3A_382 : i1 to i32
        %sign3A_384 = arith.constant 0 : i32
        %sign3A_385 = arith.cmpi slt, %squeeze3A_378, %sign3A_384 : i32
        %sign3A_386 = arith.extui %sign3A_385 : i1 to i32
        %sign3A_387 = arith.subi %sign3A_383, %sign3A_386 : i32
        %sign3A_388 = arith.constant 0 : i32
        %sign3A_389 = arith.cmpi sgt, %jit3A_379, %sign3A_388 : i32
        %sign3A_390 = arith.extui %sign3A_389 : i1 to i32
        %sign3A_391 = arith.constant 0 : i32
        %sign3A_392 = arith.cmpi slt, %jit3A_379, %sign3A_391 : i32
        %sign3A_393 = arith.extui %sign3A_392 : i1 to i32
        %sign3A_394 = arith.subi %sign3A_390, %sign3A_393 : i32
        %ne3A_395 = arith.cmpi ne, %sign3A_387, %sign3A_394 : i32
        %rem3A_396 = arith.remsi %squeeze3A_378, %jit3A_379 : i32
        %ne3A_397 = arith.constant 0 : i32
        %ne3A_398 = arith.cmpi ne, %rem3A_396, %ne3A_397 : i32
        %and3A_399 = arith.andi %ne3A_395, %ne3A_398 : i1
        %sub3A_400 = arith.constant 1 : i32
        %sub3A_401 = arith.subi %div3A_380, %sub3A_400 : i32
        %select_n3A_402 = arith.select %and3A_399, %sub3A_401, %div3A_380 : i32
        %mul3A_403 = arith.constant 16 : i32
        %mul3A_404 = arith.muli %select_n3A_402, %mul3A_403 : i32
        %sub3A_405 = arith.subi %squeeze3A_378, %mul3A_404 : i32
        %eq3A_406 = vector.broadcast %sub3A_405 : i32 to vector<16xi32>
        %eq3A_407 = arith.cmpi eq, %iota3A, %eq3A_406 : vector<16xi32>
        %jit3A_408 = arith.constant 1.000000e+00 : f32
        %jit3A_409 = arith.constant 0.000000e+00 : f32
        %broadcast_in_dim3A_410 = vector.broadcast %jit3A_408 : f32 to vector<16xf32>
        %broadcast_in_dim3A_411 = vector.broadcast %jit3A_409 : f32 to vector<16xf32>
        %select_n3A_412 = arith.select %eq3A_407, %broadcast_in_dim3A_410, %broadcast_in_dim3A_411 : vector<16xi1>, vector<16xf32>
        %get3A_413 = arith.index_cast %mul3A_404 : i32 to index
        %get3A_414 = tpu.vector_load %arg13[%get3A_413] {strides = array<i32>} : memref<10240xf32, #tpu.memory_space<vmem>>, vector<16xf32>,
        %get3A_415 = vector.shape_cast %get3A_414 : vector<16xf32> to vector<16xf32>
        %add3A_416 = arith.addf %get3A_415, %select_n3A_412 : vector<16xf32>
        %swap3A_417 = arith.index_cast %mul3A_404 : i32 to index
        %swap3A_418 = tpu.vector_load %arg13[%swap3A_417] {strides = array<i32>} : memref<10240xf32, #tpu.memory_space<vmem>>, vector<16xf32>,
        %swap3A_419 = vector.shape_cast %swap3A_418 : vector<16xf32> to vector<16xf32>
        %swap3A_420 = vector.shape_cast %add3A_416 : vector<16xf32> to vector<16xf32>
        tpu.vector_store %arg13[%swap3A_417], %swap3A_420 {strides = array<i32>} : memref<10240xf32, #tpu.memory_space<vmem>>, vector<16xf32>,
        %slice3A_421 = vector.extract_strided_slice %get3A_301 {offsets = [3], sizes = [1], strides = [1]} : vector<16xi32> to vector<1xi32>
        %squeeze3A_422 = vector.extract %slice3A_421[0] : i32 from vector<1xi32>
        %jit3A_423 = arith.constant 16 : i32
        %div3A_424 = arith.divsi %squeeze3A_422, %jit3A_423 : i32
        %sign3A_425 = arith.constant 0 : i32
        %sign3A_426 = arith.cmpi sgt, %squeeze3A_422, %sign3A_425 : i32
        %sign3A_427 = arith.extui %sign3A_426 : i1 to i32
        %sign3A_428 = arith.constant 0 : i32
        %sign3A_429 = arith.cmpi slt, %squeeze3A_422, %sign3A_428 : i32
        %sign3A_430 = arith.extui %sign3A_429 : i1 to i32
        %sign3A_431 = arith.subi %sign3A_427, %sign3A_430 : i32
        %sign3A_432 = arith.constant 0 : i32
        %sign3A_433 = arith.cmpi sgt, %jit3A_423, %sign3A_432 : i32
        %sign3A_434 = arith.extui %sign3A_433 : i1 to i32
        %sign3A_435 = arith.constant 0 : i32
        %sign3A_436 = arith.cmpi slt, %jit3A_423, %sign3A_435 : i32
        %sign3A_437 = arith.extui %sign3A_436 : i1 to i32
        %sign3A_438 = arith.subi %sign3A_434, %sign3A_437 : i32
        %ne3A_439 = arith.cmpi ne, %sign3A_431, %sign3A_438 : i32
        %rem3A_440 = arith.remsi %squeeze3A_422, %jit3A_423 : i32
        %ne3A_441 = arith.constant 0 : i32
        %ne3A_442 = arith.cmpi ne, %rem3A_440, %ne3A_441 : i32
        %and3A_443 = arith.andi %ne3A_439, %ne3A_442 : i1
        %sub3A_444 = arith.constant 1 : i32
        %sub3A_445 = arith.subi %div3A_424, %sub3A_444 : i32
        %select_n3A_446 = arith.select %and3A_443, %sub3A_445, %div3A_424 : i32
        %mul3A_447 = arith.constant 16 : i32
        %mul3A_448 = arith.muli %select_n3A_446, %mul3A_447 : i32
        %sub3A_449 = arith.subi %squeeze3A_422, %mul3A_448 : i32
        %eq3A_450 = vector.broadcast %sub3A_449 : i32 to vector<16xi32>
        %eq3A_451 = arith.cmpi eq, %iota3A, %eq3A_450 : vector<16xi32>
        %jit3A_452 = arith.constant 1.000000e+00 : f32
        %jit3A_453 = arith.constant 0.000000e+00 : f32
        %broadcast_in_dim3A_454 = vector.broadcast %jit3A_452 : f32 to vector<16xf32>
        %broadcast_in_dim3A_455 = vector.broadcast %jit3A_453 : f32 to vector<16xf32>
        %select_n3A_456 = arith.select %eq3A_451, %broadcast_in_dim3A_454, %broadcast_in_dim3A_455 : vector<16xi1>, vector<16xf32>
        %get3A_457 = arith.index_cast %mul3A_448 : i32 to index
        %get3A_458 = tpu.vector_load %arg13[%get3A_457] {strides = array<i32>} : memref<10240xf32, #tpu.memory_space<vmem>>, vector<16xf32>,
        %get3A_459 = vector.shape_cast %get3A_458 : vector<16xf32> to vector<16xf32>
        %add3A_460 = arith.addf %get3A_459, %select_n3A_456 : vector<16xf32>
        %swap3A_461 = arith.index_cast %mul3A_448 : i32 to index
        %swap3A_462 = tpu.vector_load %arg13[%swap3A_461] {strides = array<i32>} : memref<10240xf32, #tpu.memory_space<vmem>>, vector<16xf32>,
        %swap3A_463 = vector.shape_cast %swap3A_462 : vector<16xf32> to vector<16xf32>
        %swap3A_464 = vector.shape_cast %add3A_460 : vector<16xf32> to vector<16xf32>
        tpu.vector_store %arg13[%swap3A_461], %swap3A_464 {strides = array<i32>} : memref<10240xf32, #tpu.memory_space<vmem>>, vector<16xf32>,
        %slice3A_465 = vector.extract_strided_slice %get3A_301 {offsets = [4], sizes = [1], strides = [1]} : vector<16xi32> to vector<1xi32>
        %squeeze3A_466 = vector.extract %slice3A_465[0] : i32 from vector<1xi32>
        %jit3A_467 = arith.constant 16 : i32
        %div3A_468 = arith.divsi %squeeze3A_466, %jit3A_467 : i32
        %sign3A_469 = arith.constant 0 : i32
        %sign3A_470 = arith.cmpi sgt, %squeeze3A_466, %sign3A_469 : i32
        %sign3A_471 = arith.extui %sign3A_470 : i1 to i32
        %sign3A_472 = arith.constant 0 : i32
        %sign3A_473 = arith.cmpi slt, %squeeze3A_466, %sign3A_472 : i32
        %sign3A_474 = arith.extui %sign3A_473 : i1 to i32
        %sign3A_475 = arith.subi %sign3A_471, %sign3A_474 : i32
        %sign3A_476 = arith.constant 0 : i32
        %sign3A_477 = arith.cmpi sgt, %jit3A_467, %sign3A_476 : i32
        %sign3A_478 = arith.extui %sign3A_477 : i1 to i32
        %sign3A_479 = arith.constant 0 : i32
        %sign3A_480 = arith.cmpi slt, %jit3A_467, %sign3A_479 : i32
        %sign3A_481 = arith.extui %sign3A_480 : i1 to i32
        %sign3A_482 = arith.subi %sign3A_478, %sign3A_481 : i32
        %ne3A_483 = arith.cmpi ne, %sign3A_475, %sign3A_482 : i32
        %rem3A_484 = arith.remsi %squeeze3A_466, %jit3A_467 : i32
        %ne3A_485 = arith.constant 0 : i32
        %ne3A_486 = arith.cmpi ne, %rem3A_484, %ne3A_485 : i32
        %and3A_487 = arith.andi %ne3A_483, %ne3A_486 : i1
        %sub3A_488 = arith.constant 1 : i32
        %sub3A_489 = arith.subi %div3A_468, %sub3A_488 : i32
        %select_n3A_490 = arith.select %and3A_487, %sub3A_489, %div3A_468 : i32
        %mul3A_491 = arith.constant 16 : i32
        %mul3A_492 = arith.muli %select_n3A_490, %mul3A_491 : i32
        %sub3A_493 = arith.subi %squeeze3A_466, %mul3A_492 : i32
        %eq3A_494 = vector.broadcast %sub3A_493 : i32 to vector<16xi32>
        %eq3A_495 = arith.cmpi eq, %iota3A, %eq3A_494 : vector<16xi32>
        %jit3A_496 = arith.constant 1.000000e+00 : f32
        %jit3A_497 = arith.constant 0.000000e+00 : f32
        %broadcast_in_dim3A_498 = vector.broadcast %jit3A_496 : f32 to vector<16xf32>
        %broadcast_in_dim3A_499 = vector.broadcast %jit3A_497 : f32 to vector<16xf32>
        %select_n3A_500 = arith.select %eq3A_495, %broadcast_in_dim3A_498, %broadcast_in_dim3A_499 : vector<16xi1>, vector<16xf32>
        %get3A_501 = arith.index_cast %mul3A_492 : i32 to index
        %get3A_502 = tpu.vector_load %arg13[%get3A_501] {strides = array<i32>} : memref<10240xf32, #tpu.memory_space<vmem>>, vector<16xf32>,
        %get3A_503 = vector.shape_cast %get3A_502 : vector<16xf32> to vector<16xf32>
        %add3A_504 = arith.addf %get3A_503, %select_n3A_500 : vector<16xf32>
        %swap3A_505 = arith.index_cast %mul3A_492 : i32 to index
        %swap3A_506 = tpu.vector_load %arg13[%swap3A_505] {strides = array<i32>} : memref<10240xf32, #tpu.memory_space<vmem>>, vector<16xf32>,
        %swap3A_507 = vector.shape_cast %swap3A_506 : vector<16xf32> to vector<16xf32>
        %swap3A_508 = vector.shape_cast %add3A_504 : vector<16xf32> to vector<16xf32>
        tpu.vector_store %arg13[%swap3A_505], %swap3A_508 {strides = array<i32>} : memref<10240xf32, #tpu.memory_space<vmem>>, vector<16xf32>,
        %slice3A_509 = vector.extract_strided_slice %get3A_301 {offsets = [5], sizes = [1], strides = [1]} : vector<16xi32> to vector<1xi32>
        %squeeze3A_510 = vector.extract %slice3A_509[0] : i32 from vector<1xi32>
        %jit3A_511 = arith.constant 16 : i32
        %div3A_512 = arith.divsi %squeeze3A_510, %jit3A_511 : i32
        %sign3A_513 = arith.constant 0 : i32
        %sign3A_514 = arith.cmpi sgt, %squeeze3A_510, %sign3A_513 : i32
        %sign3A_515 = arith.extui %sign3A_514 : i1 to i32
        %sign3A_516 = arith.constant 0 : i32
        %sign3A_517 = arith.cmpi slt, %squeeze3A_510, %sign3A_516 : i32
        %sign3A_518 = arith.extui %sign3A_517 : i1 to i32
        %sign3A_519 = arith.subi %sign3A_515, %sign3A_518 : i32
        %sign3A_520 = arith.constant 0 : i32
        %sign3A_521 = arith.cmpi sgt, %jit3A_511, %sign3A_520 : i32
        %sign3A_522 = arith.extui %sign3A_521 : i1 to i32
        %sign3A_523 = arith.constant 0 : i32
        %sign3A_524 = arith.cmpi slt, %jit3A_511, %sign3A_523 : i32
        %sign3A_525 = arith.extui %sign3A_524 : i1 to i32
        %sign3A_526 = arith.subi %sign3A_522, %sign3A_525 : i32
        %ne3A_527 = arith.cmpi ne, %sign3A_519, %sign3A_526 : i32
        %rem3A_528 = arith.remsi %squeeze3A_510, %jit3A_511 : i32
        %ne3A_529 = arith.constant 0 : i32
        %ne3A_530 = arith.cmpi ne, %rem3A_528, %ne3A_529 : i32
        %and3A_531 = arith.andi %ne3A_527, %ne3A_530 : i1
        %sub3A_532 = arith.constant 1 : i32
        %sub3A_533 = arith.subi %div3A_512, %sub3A_532 : i32
        %select_n3A_534 = arith.select %and3A_531, %sub3A_533, %div3A_512 : i32
        %mul3A_535 = arith.constant 16 : i32
        %mul3A_536 = arith.muli %select_n3A_534, %mul3A_535 : i32
        %sub3A_537 = arith.subi %squeeze3A_510, %mul3A_536 : i32
        %eq3A_538 = vector.broadcast %sub3A_537 : i32 to vector<16xi32>
        %eq3A_539 = arith.cmpi eq, %iota3A, %eq3A_538 : vector<16xi32>
        %jit3A_540 = arith.constant 1.000000e+00 : f32
        %jit3A_541 = arith.constant 0.000000e+00 : f32
        %broadcast_in_dim3A_542 = vector.broadcast %jit3A_540 : f32 to vector<16xf32>
        %broadcast_in_dim3A_543 = vector.broadcast %jit3A_541 : f32 to vector<16xf32>
        %select_n3A_544 = arith.select %eq3A_539, %broadcast_in_dim3A_542, %broadcast_in_dim3A_543 : vector<16xi1>, vector<16xf32>
        %get3A_545 = arith.index_cast %mul3A_536 : i32 to index
        %get3A_546 = tpu.vector_load %arg13[%get3A_545] {strides = array<i32>} : memref<10240xf32, #tpu.memory_space<vmem>>, vector<16xf32>,
        %get3A_547 = vector.shape_cast %get3A_546 : vector<16xf32> to vector<16xf32>
        %add3A_548 = arith.addf %get3A_547, %select_n3A_544 : vector<16xf32>
        %swap3A_549 = arith.index_cast %mul3A_536 : i32 to index
        %swap3A_550 = tpu.vector_load %arg13[%swap3A_549] {strides = array<i32>} : memref<10240xf32, #tpu.memory_space<vmem>>, vector<16xf32>,
        %swap3A_551 = vector.shape_cast %swap3A_550 : vector<16xf32> to vector<16xf32>
        %swap3A_552 = vector.shape_cast %add3A_548 : vector<16xf32> to vector<16xf32>
        tpu.vector_store %arg13[%swap3A_549], %swap3A_552 {strides = array<i32>} : memref<10240xf32, #tpu.memory_space<vmem>>, vector<16xf32>,
        %slice3A_553 = vector.extract_strided_slice %get3A_301 {offsets = [6], sizes = [1], strides = [1]} : vector<16xi32> to vector<1xi32>
        %squeeze3A_554 = vector.extract %slice3A_553[0] : i32 from vector<1xi32>
        %jit3A_555 = arith.constant 16 : i32
        %div3A_556 = arith.divsi %squeeze3A_554, %jit3A_555 : i32
        %sign3A_557 = arith.constant 0 : i32
        %sign3A_558 = arith.cmpi sgt, %squeeze3A_554, %sign3A_557 : i32
        %sign3A_559 = arith.extui %sign3A_558 : i1 to i32
        %sign3A_560 = arith.constant 0 : i32
        %sign3A_561 = arith.cmpi slt, %squeeze3A_554, %sign3A_560 : i32
        %sign3A_562 = arith.extui %sign3A_561 : i1 to i32
        %sign3A_563 = arith.subi %sign3A_559, %sign3A_562 : i32
        %sign3A_564 = arith.constant 0 : i32
        %sign3A_565 = arith.cmpi sgt, %jit3A_555, %sign3A_564 : i32
        %sign3A_566 = arith.extui %sign3A_565 : i1 to i32
        %sign3A_567 = arith.constant 0 : i32
        %sign3A_568 = arith.cmpi slt, %jit3A_555, %sign3A_567 : i32
        %sign3A_569 = arith.extui %sign3A_568 : i1 to i32
        %sign3A_570 = arith.subi %sign3A_566, %sign3A_569 : i32
        %ne3A_571 = arith.cmpi ne, %sign3A_563, %sign3A_570 : i32
        %rem3A_572 = arith.remsi %squeeze3A_554, %jit3A_555 : i32
        %ne3A_573 = arith.constant 0 : i32
        %ne3A_574 = arith.cmpi ne, %rem3A_572, %ne3A_573 : i32
        %and3A_575 = arith.andi %ne3A_571, %ne3A_574 : i1
        %sub3A_576 = arith.constant 1 : i32
        %sub3A_577 = arith.subi %div3A_556, %sub3A_576 : i32
        %select_n3A_578 = arith.select %and3A_575, %sub3A_577, %div3A_556 : i32
        %mul3A_579 = arith.constant 16 : i32
        %mul3A_580 = arith.muli %select_n3A_578, %mul3A_579 : i32
        %sub3A_581 = arith.subi %squeeze3A_554, %mul3A_580 : i32
        %eq3A_582 = vector.broadcast %sub3A_581 : i32 to vector<16xi32>
        %eq3A_583 = arith.cmpi eq, %iota3A, %eq3A_582 : vector<16xi32>
        %jit3A_584 = arith.constant 1.000000e+00 : f32
        %jit3A_585 = arith.constant 0.000000e+00 : f32
        %broadcast_in_dim3A_586 = vector.broadcast %jit3A_584 : f32 to vector<16xf32>
        %broadcast_in_dim3A_587 = vector.broadcast %jit3A_585 : f32 to vector<16xf32>
        %select_n3A_588 = arith.select %eq3A_583, %broadcast_in_dim3A_586, %broadcast_in_dim3A_587 : vector<16xi1>, vector<16xf32>
        %get3A_589 = arith.index_cast %mul3A_580 : i32 to index
        %get3A_590 = tpu.vector_load %arg13[%get3A_589] {strides = array<i32>} : memref<10240xf32, #tpu.memory_space<vmem>>, vector<16xf32>,
        %get3A_591 = vector.shape_cast %get3A_590 : vector<16xf32> to vector<16xf32>
        %add3A_592 = arith.addf %get3A_591, %select_n3A_588 : vector<16xf32>
        %swap3A_593 = arith.index_cast %mul3A_580 : i32 to index
        %swap3A_594 = tpu.vector_load %arg13[%swap3A_593] {strides = array<i32>} : memref<10240xf32, #tpu.memory_space<vmem>>, vector<16xf32>,
        %swap3A_595 = vector.shape_cast %swap3A_594 : vector<16xf32> to vector<16xf32>
        %swap3A_596 = vector.shape_cast %add3A_592 : vector<16xf32> to vector<16xf32>
        tpu.vector_store %arg13[%swap3A_593], %swap3A_596 {strides = array<i32>} : memref<10240xf32, #tpu.memory_space<vmem>>, vector<16xf32>,
        %slice3A_597 = vector.extract_strided_slice %get3A_301 {offsets = [7], sizes = [1], strides = [1]} : vector<16xi32> to vector<1xi32>
        %squeeze3A_598 = vector.extract %slice3A_597[0] : i32 from vector<1xi32>
        %jit3A_599 = arith.constant 16 : i32
        %div3A_600 = arith.divsi %squeeze3A_598, %jit3A_599 : i32
        %sign3A_601 = arith.constant 0 : i32
        %sign3A_602 = arith.cmpi sgt, %squeeze3A_598, %sign3A_601 : i32
        %sign3A_603 = arith.extui %sign3A_602 : i1 to i32
        %sign3A_604 = arith.constant 0 : i32
        %sign3A_605 = arith.cmpi slt, %squeeze3A_598, %sign3A_604 : i32
        %sign3A_606 = arith.extui %sign3A_605 : i1 to i32
        %sign3A_607 = arith.subi %sign3A_603, %sign3A_606 : i32
        %sign3A_608 = arith.constant 0 : i32
        %sign3A_609 = arith.cmpi sgt, %jit3A_599, %sign3A_608 : i32
        %sign3A_610 = arith.extui %sign3A_609 : i1 to i32
        %sign3A_611 = arith.constant 0 : i32
        %sign3A_612 = arith.cmpi slt, %jit3A_599, %sign3A_611 : i32
        %sign3A_613 = arith.extui %sign3A_612 : i1 to i32
        %sign3A_614 = arith.subi %sign3A_610, %sign3A_613 : i32
        %ne3A_615 = arith.cmpi ne, %sign3A_607, %sign3A_614 : i32
        %rem3A_616 = arith.remsi %squeeze3A_598, %jit3A_599 : i32
        %ne3A_617 = arith.constant 0 : i32
        %ne3A_618 = arith.cmpi ne, %rem3A_616, %ne3A_617 : i32
        %and3A_619 = arith.andi %ne3A_615, %ne3A_618 : i1
        %sub3A_620 = arith.constant 1 : i32
        %sub3A_621 = arith.subi %div3A_600, %sub3A_620 : i32
        %select_n3A_622 = arith.select %and3A_619, %sub3A_621, %div3A_600 : i32
        %mul3A_623 = arith.constant 16 : i32
        %mul3A_624 = arith.muli %select_n3A_622, %mul3A_623 : i32
        %sub3A_625 = arith.subi %squeeze3A_598, %mul3A_624 : i32
        %eq3A_626 = vector.broadcast %sub3A_625 : i32 to vector<16xi32>
        %eq3A_627 = arith.cmpi eq, %iota3A, %eq3A_626 : vector<16xi32>
        %jit3A_628 = arith.constant 1.000000e+00 : f32
        %jit3A_629 = arith.constant 0.000000e+00 : f32
        %broadcast_in_dim3A_630 = vector.broadcast %jit3A_628 : f32 to vector<16xf32>
        %broadcast_in_dim3A_631 = vector.broadcast %jit3A_629 : f32 to vector<16xf32>
        %select_n3A_632 = arith.select %eq3A_627, %broadcast_in_dim3A_630, %broadcast_in_dim3A_631 : vector<16xi1>, vector<16xf32>
        %get3A_633 = arith.index_cast %mul3A_624 : i32 to index
        %get3A_634 = tpu.vector_load %arg13[%get3A_633] {strides = array<i32>} : memref<10240xf32, #tpu.memory_space<vmem>>, vector<16xf32>,
        %get3A_635 = vector.shape_cast %get3A_634 : vector<16xf32> to vector<16xf32>
        %add3A_636 = arith.addf %get3A_635, %select_n3A_632 : vector<16xf32>
        %swap3A_637 = arith.index_cast %mul3A_624 : i32 to index
        %swap3A_638 = tpu.vector_load %arg13[%swap3A_637] {strides = array<i32>} : memref<10240xf32, #tpu.memory_space<vmem>>, vector<16xf32>,
        %swap3A_639 = vector.shape_cast %swap3A_638 : vector<16xf32> to vector<16xf32>
        %swap3A_640 = vector.shape_cast %add3A_636 : vector<16xf32> to vector<16xf32>
        tpu.vector_store %arg13[%swap3A_637], %swap3A_640 {strides = array<i32>} : memref<10240xf32, #tpu.memory_space<vmem>>, vector<16xf32>,
        %slice3A_641 = vector.extract_strided_slice %get3A_301 {offsets = [8], sizes = [1], strides = [1]} : vector<16xi32> to vector<1xi32>
        %squeeze3A_642 = vector.extract %slice3A_641[0] : i32 from vector<1xi32>
        %jit3A_643 = arith.constant 16 : i32
        %div3A_644 = arith.divsi %squeeze3A_642, %jit3A_643 : i32
        %sign3A_645 = arith.constant 0 : i32
        %sign3A_646 = arith.cmpi sgt, %squeeze3A_642, %sign3A_645 : i32
        %sign3A_647 = arith.extui %sign3A_646 : i1 to i32
        %sign3A_648 = arith.constant 0 : i32
        %sign3A_649 = arith.cmpi slt, %squeeze3A_642, %sign3A_648 : i32
        %sign3A_650 = arith.extui %sign3A_649 : i1 to i32
        %sign3A_651 = arith.subi %sign3A_647, %sign3A_650 : i32
        %sign3A_652 = arith.constant 0 : i32
        %sign3A_653 = arith.cmpi sgt, %jit3A_643, %sign3A_652 : i32
        %sign3A_654 = arith.extui %sign3A_653 : i1 to i32
        %sign3A_655 = arith.constant 0 : i32
        %sign3A_656 = arith.cmpi slt, %jit3A_643, %sign3A_655 : i32
        %sign3A_657 = arith.extui %sign3A_656 : i1 to i32
        %sign3A_658 = arith.subi %sign3A_654, %sign3A_657 : i32
        %ne3A_659 = arith.cmpi ne, %sign3A_651, %sign3A_658 : i32
        %rem3A_660 = arith.remsi %squeeze3A_642, %jit3A_643 : i32
        %ne3A_661 = arith.constant 0 : i32
        %ne3A_662 = arith.cmpi ne, %rem3A_660, %ne3A_661 : i32
        %and3A_663 = arith.andi %ne3A_659, %ne3A_662 : i1
        %sub3A_664 = arith.constant 1 : i32
        %sub3A_665 = arith.subi %div3A_644, %sub3A_664 : i32
        %select_n3A_666 = arith.select %and3A_663, %sub3A_665, %div3A_644 : i32
        %mul3A_667 = arith.constant 16 : i32
        %mul3A_668 = arith.muli %select_n3A_666, %mul3A_667 : i32
        %sub3A_669 = arith.subi %squeeze3A_642, %mul3A_668 : i32
        %eq3A_670 = vector.broadcast %sub3A_669 : i32 to vector<16xi32>
        %eq3A_671 = arith.cmpi eq, %iota3A, %eq3A_670 : vector<16xi32>
        %jit3A_672 = arith.constant 1.000000e+00 : f32
        %jit3A_673 = arith.constant 0.000000e+00 : f32
        %broadcast_in_dim3A_674 = vector.broadcast %jit3A_672 : f32 to vector<16xf32>
        %broadcast_in_dim3A_675 = vector.broadcast %jit3A_673 : f32 to vector<16xf32>
        %select_n3A_676 = arith.select %eq3A_671, %broadcast_in_dim3A_674, %broadcast_in_dim3A_675 : vector<16xi1>, vector<16xf32>
        %get3A_677 = arith.index_cast %mul3A_668 : i32 to index
        %get3A_678 = tpu.vector_load %arg13[%get3A_677] {strides = array<i32>} : memref<10240xf32, #tpu.memory_space<vmem>>, vector<16xf32>,
        %get3A_679 = vector.shape_cast %get3A_678 : vector<16xf32> to vector<16xf32>
        %add3A_680 = arith.addf %get3A_679, %select_n3A_676 : vector<16xf32>
        %swap3A_681 = arith.index_cast %mul3A_668 : i32 to index
        %swap3A_682 = tpu.vector_load %arg13[%swap3A_681] {strides = array<i32>} : memref<10240xf32, #tpu.memory_space<vmem>>, vector<16xf32>,
        %swap3A_683 = vector.shape_cast %swap3A_682 : vector<16xf32> to vector<16xf32>
        %swap3A_684 = vector.shape_cast %add3A_680 : vector<16xf32> to vector<16xf32>
        tpu.vector_store %arg13[%swap3A_681], %swap3A_684 {strides = array<i32>} : memref<10240xf32, #tpu.memory_space<vmem>>, vector<16xf32>,
        %slice3A_685 = vector.extract_strided_slice %get3A_301 {offsets = [9], sizes = [1], strides = [1]} : vector<16xi32> to vector<1xi32>
        %squeeze3A_686 = vector.extract %slice3A_685[0] : i32 from vector<1xi32>
        %jit3A_687 = arith.constant 16 : i32
        %div3A_688 = arith.divsi %squeeze3A_686, %jit3A_687 : i32
        %sign3A_689 = arith.constant 0 : i32
        %sign3A_690 = arith.cmpi sgt, %squeeze3A_686, %sign3A_689 : i32
        %sign3A_691 = arith.extui %sign3A_690 : i1 to i32
        %sign3A_692 = arith.constant 0 : i32
        %sign3A_693 = arith.cmpi slt, %squeeze3A_686, %sign3A_692 : i32
        %sign3A_694 = arith.extui %sign3A_693 : i1 to i32
        %sign3A_695 = arith.subi %sign3A_691, %sign3A_694 : i32
        %sign3A_696 = arith.constant 0 : i32
        %sign3A_697 = arith.cmpi sgt, %jit3A_687, %sign3A_696 : i32
        %sign3A_698 = arith.extui %sign3A_697 : i1 to i32
        %sign3A_699 = arith.constant 0 : i32
        %sign3A_700 = arith.cmpi slt, %jit3A_687, %sign3A_699 : i32
        %sign3A_701 = arith.extui %sign3A_700 : i1 to i32
        %sign3A_702 = arith.subi %sign3A_698, %sign3A_701 : i32
        %ne3A_703 = arith.cmpi ne, %sign3A_695, %sign3A_702 : i32
        %rem3A_704 = arith.remsi %squeeze3A_686, %jit3A_687 : i32
        %ne3A_705 = arith.constant 0 : i32
        %ne3A_706 = arith.cmpi ne, %rem3A_704, %ne3A_705 : i32
        %and3A_707 = arith.andi %ne3A_703, %ne3A_706 : i1
        %sub3A_708 = arith.constant 1 : i32
        %sub3A_709 = arith.subi %div3A_688, %sub3A_708 : i32
        %select_n3A_710 = arith.select %and3A_707, %sub3A_709, %div3A_688 : i32
        %mul3A_711 = arith.constant 16 : i32
        %mul3A_712 = arith.muli %select_n3A_710, %mul3A_711 : i32
        %sub3A_713 = arith.subi %squeeze3A_686, %mul3A_712 : i32
        %eq3A_714 = vector.broadcast %sub3A_713 : i32 to vector<16xi32>
        %eq3A_715 = arith.cmpi eq, %iota3A, %eq3A_714 : vector<16xi32>
        %jit3A_716 = arith.constant 1.000000e+00 : f32
        %jit3A_717 = arith.constant 0.000000e+00 : f32
        %broadcast_in_dim3A_718 = vector.broadcast %jit3A_716 : f32 to vector<16xf32>
        %broadcast_in_dim3A_719 = vector.broadcast %jit3A_717 : f32 to vector<16xf32>
        %select_n3A_720 = arith.select %eq3A_715, %broadcast_in_dim3A_718, %broadcast_in_dim3A_719 : vector<16xi1>, vector<16xf32>
        %get3A_721 = arith.index_cast %mul3A_712 : i32 to index
        %get3A_722 = tpu.vector_load %arg13[%get3A_721] {strides = array<i32>} : memref<10240xf32, #tpu.memory_space<vmem>>, vector<16xf32>,
        %get3A_723 = vector.shape_cast %get3A_722 : vector<16xf32> to vector<16xf32>
        %add3A_724 = arith.addf %get3A_723, %select_n3A_720 : vector<16xf32>
        %swap3A_725 = arith.index_cast %mul3A_712 : i32 to index
        %swap3A_726 = tpu.vector_load %arg13[%swap3A_725] {strides = array<i32>} : memref<10240xf32, #tpu.memory_space<vmem>>, vector<16xf32>,
        %swap3A_727 = vector.shape_cast %swap3A_726 : vector<16xf32> to vector<16xf32>
        %swap3A_728 = vector.shape_cast %add3A_724 : vector<16xf32> to vector<16xf32>
        tpu.vector_store %arg13[%swap3A_725], %swap3A_728 {strides = array<i32>} : memref<10240xf32, #tpu.memory_space<vmem>>, vector<16xf32>,
        %slice3A_729 = vector.extract_strided_slice %get3A_301 {offsets = [10], sizes = [1], strides = [1]} : vector<16xi32> to vector<1xi32>
        %squeeze3A_730 = vector.extract %slice3A_729[0] : i32 from vector<1xi32>
        %jit3A_731 = arith.constant 16 : i32
        %div3A_732 = arith.divsi %squeeze3A_730, %jit3A_731 : i32
        %sign3A_733 = arith.constant 0 : i32
        %sign3A_734 = arith.cmpi sgt, %squeeze3A_730, %sign3A_733 : i32
        %sign3A_735 = arith.extui %sign3A_734 : i1 to i32
        %sign3A_736 = arith.constant 0 : i32
        %sign3A_737 = arith.cmpi slt, %squeeze3A_730, %sign3A_736 : i32
        %sign3A_738 = arith.extui %sign3A_737 : i1 to i32
        %sign3A_739 = arith.subi %sign3A_735, %sign3A_738 : i32
        %sign3A_740 = arith.constant 0 : i32
        %sign3A_741 = arith.cmpi sgt, %jit3A_731, %sign3A_740 : i32
        %sign3A_742 = arith.extui %sign3A_741 : i1 to i32
        %sign3A_743 = arith.constant 0 : i32
        %sign3A_744 = arith.cmpi slt, %jit3A_731, %sign3A_743 : i32
        %sign3A_745 = arith.extui %sign3A_744 : i1 to i32
        %sign3A_746 = arith.subi %sign3A_742, %sign3A_745 : i32
        %ne3A_747 = arith.cmpi ne, %sign3A_739, %sign3A_746 : i32
        %rem3A_748 = arith.remsi %squeeze3A_730, %jit3A_731 : i32
        %ne3A_749 = arith.constant 0 : i32
        %ne3A_750 = arith.cmpi ne, %rem3A_748, %ne3A_749 : i32
        %and3A_751 = arith.andi %ne3A_747, %ne3A_750 : i1
        %sub3A_752 = arith.constant 1 : i32
        %sub3A_753 = arith.subi %div3A_732, %sub3A_752 : i32
        %select_n3A_754 = arith.select %and3A_751, %sub3A_753, %div3A_732 : i32
        %mul3A_755 = arith.constant 16 : i32
        %mul3A_756 = arith.muli %select_n3A_754, %mul3A_755 : i32
        %sub3A_757 = arith.subi %squeeze3A_730, %mul3A_756 : i32
        %eq3A_758 = vector.broadcast %sub3A_757 : i32 to vector<16xi32>
        %eq3A_759 = arith.cmpi eq, %iota3A, %eq3A_758 : vector<16xi32>
        %jit3A_760 = arith.constant 1.000000e+00 : f32
        %jit3A_761 = arith.constant 0.000000e+00 : f32
        %broadcast_in_dim3A_762 = vector.broadcast %jit3A_760 : f32 to vector<16xf32>
        %broadcast_in_dim3A_763 = vector.broadcast %jit3A_761 : f32 to vector<16xf32>
        %select_n3A_764 = arith.select %eq3A_759, %broadcast_in_dim3A_762, %broadcast_in_dim3A_763 : vector<16xi1>, vector<16xf32>
        %get3A_765 = arith.index_cast %mul3A_756 : i32 to index
        %get3A_766 = tpu.vector_load %arg13[%get3A_765] {strides = array<i32>} : memref<10240xf32, #tpu.memory_space<vmem>>, vector<16xf32>,
        %get3A_767 = vector.shape_cast %get3A_766 : vector<16xf32> to vector<16xf32>
        %add3A_768 = arith.addf %get3A_767, %select_n3A_764 : vector<16xf32>
        %swap3A_769 = arith.index_cast %mul3A_756 : i32 to index
        %swap3A_770 = tpu.vector_load %arg13[%swap3A_769] {strides = array<i32>} : memref<10240xf32, #tpu.memory_space<vmem>>, vector<16xf32>,
        %swap3A_771 = vector.shape_cast %swap3A_770 : vector<16xf32> to vector<16xf32>
        %swap3A_772 = vector.shape_cast %add3A_768 : vector<16xf32> to vector<16xf32>
        tpu.vector_store %arg13[%swap3A_769], %swap3A_772 {strides = array<i32>} : memref<10240xf32, #tpu.memory_space<vmem>>, vector<16xf32>,
        %slice3A_773 = vector.extract_strided_slice %get3A_301 {offsets = [11], sizes = [1], strides = [1]} : vector<16xi32> to vector<1xi32>
        %squeeze3A_774 = vector.extract %slice3A_773[0] : i32 from vector<1xi32>
        %jit3A_775 = arith.constant 16 : i32
        %div3A_776 = arith.divsi %squeeze3A_774, %jit3A_775 : i32
        %sign3A_777 = arith.constant 0 : i32
        %sign3A_778 = arith.cmpi sgt, %squeeze3A_774, %sign3A_777 : i32
        %sign3A_779 = arith.extui %sign3A_778 : i1 to i32
        %sign3A_780 = arith.constant 0 : i32
        %sign3A_781 = arith.cmpi slt, %squeeze3A_774, %sign3A_780 : i32
        %sign3A_782 = arith.extui %sign3A_781 : i1 to i32
        %sign3A_783 = arith.subi %sign3A_779, %sign3A_782 : i32
        %sign3A_784 = arith.constant 0 : i32
        %sign3A_785 = arith.cmpi sgt, %jit3A_775, %sign3A_784 : i32
        %sign3A_786 = arith.extui %sign3A_785 : i1 to i32
        %sign3A_787 = arith.constant 0 : i32
        %sign3A_788 = arith.cmpi slt, %jit3A_775, %sign3A_787 : i32
        %sign3A_789 = arith.extui %sign3A_788 : i1 to i32
        %sign3A_790 = arith.subi %sign3A_786, %sign3A_789 : i32
        %ne3A_791 = arith.cmpi ne, %sign3A_783, %sign3A_790 : i32
        %rem3A_792 = arith.remsi %squeeze3A_774, %jit3A_775 : i32
        %ne3A_793 = arith.constant 0 : i32
        %ne3A_794 = arith.cmpi ne, %rem3A_792, %ne3A_793 : i32
        %and3A_795 = arith.andi %ne3A_791, %ne3A_794 : i1
        %sub3A_796 = arith.constant 1 : i32
        %sub3A_797 = arith.subi %div3A_776, %sub3A_796 : i32
        %select_n3A_798 = arith.select %and3A_795, %sub3A_797, %div3A_776 : i32
        %mul3A_799 = arith.constant 16 : i32
        %mul3A_800 = arith.muli %select_n3A_798, %mul3A_799 : i32
        %sub3A_801 = arith.subi %squeeze3A_774, %mul3A_800 : i32
        %eq3A_802 = vector.broadcast %sub3A_801 : i32 to vector<16xi32>
        %eq3A_803 = arith.cmpi eq, %iota3A, %eq3A_802 : vector<16xi32>
        %jit3A_804 = arith.constant 1.000000e+00 : f32
        %jit3A_805 = arith.constant 0.000000e+00 : f32
        %broadcast_in_dim3A_806 = vector.broadcast %jit3A_804 : f32 to vector<16xf32>
        %broadcast_in_dim3A_807 = vector.broadcast %jit3A_805 : f32 to vector<16xf32>
        %select_n3A_808 = arith.select %eq3A_803, %broadcast_in_dim3A_806, %broadcast_in_dim3A_807 : vector<16xi1>, vector<16xf32>
        %get3A_809 = arith.index_cast %mul3A_800 : i32 to index
        %get3A_810 = tpu.vector_load %arg13[%get3A_809] {strides = array<i32>} : memref<10240xf32, #tpu.memory_space<vmem>>, vector<16xf32>,
        %get3A_811 = vector.shape_cast %get3A_810 : vector<16xf32> to vector<16xf32>
        %add3A_812 = arith.addf %get3A_811, %select_n3A_808 : vector<16xf32>
        %swap3A_813 = arith.index_cast %mul3A_800 : i32 to index
        %swap3A_814 = tpu.vector_load %arg13[%swap3A_813] {strides = array<i32>} : memref<10240xf32, #tpu.memory_space<vmem>>, vector<16xf32>,
        %swap3A_815 = vector.shape_cast %swap3A_814 : vector<16xf32> to vector<16xf32>
        %swap3A_816 = vector.shape_cast %add3A_812 : vector<16xf32> to vector<16xf32>
        tpu.vector_store %arg13[%swap3A_813], %swap3A_816 {strides = array<i32>} : memref<10240xf32, #tpu.memory_space<vmem>>, vector<16xf32>,
        %slice3A_817 = vector.extract_strided_slice %get3A_301 {offsets = [12], sizes = [1], strides = [1]} : vector<16xi32> to vector<1xi32>
        %squeeze3A_818 = vector.extract %slice3A_817[0] : i32 from vector<1xi32>
        %jit3A_819 = arith.constant 16 : i32
        %div3A_820 = arith.divsi %squeeze3A_818, %jit3A_819 : i32
        %sign3A_821 = arith.constant 0 : i32
        %sign3A_822 = arith.cmpi sgt, %squeeze3A_818, %sign3A_821 : i32
        %sign3A_823 = arith.extui %sign3A_822 : i1 to i32
        %sign3A_824 = arith.constant 0 : i32
        %sign3A_825 = arith.cmpi slt, %squeeze3A_818, %sign3A_824 : i32
        %sign3A_826 = arith.extui %sign3A_825 : i1 to i32
        %sign3A_827 = arith.subi %sign3A_823, %sign3A_826 : i32
        %sign3A_828 = arith.constant 0 : i32
        %sign3A_829 = arith.cmpi sgt, %jit3A_819, %sign3A_828 : i32
        %sign3A_830 = arith.extui %sign3A_829 : i1 to i32
        %sign3A_831 = arith.constant 0 : i32
        %sign3A_832 = arith.cmpi slt, %jit3A_819, %sign3A_831 : i32
        %sign3A_833 = arith.extui %sign3A_832 : i1 to i32
        %sign3A_834 = arith.subi %sign3A_830, %sign3A_833 : i32
        %ne3A_835 = arith.cmpi ne, %sign3A_827, %sign3A_834 : i32
        %rem3A_836 = arith.remsi %squeeze3A_818, %jit3A_819 : i32
        %ne3A_837 = arith.constant 0 : i32
        %ne3A_838 = arith.cmpi ne, %rem3A_836, %ne3A_837 : i32
        %and3A_839 = arith.andi %ne3A_835, %ne3A_838 : i1
        %sub3A_840 = arith.constant 1 : i32
        %sub3A_841 = arith.subi %div3A_820, %sub3A_840 : i32
        %select_n3A_842 = arith.select %and3A_839, %sub3A_841, %div3A_820 : i32
        %mul3A_843 = arith.constant 16 : i32
        %mul3A_844 = arith.muli %select_n3A_842, %mul3A_843 : i32
        %sub3A_845 = arith.subi %squeeze3A_818, %mul3A_844 : i32
        %eq3A_846 = vector.broadcast %sub3A_845 : i32 to vector<16xi32>
        %eq3A_847 = arith.cmpi eq, %iota3A, %eq3A_846 : vector<16xi32>
        %jit3A_848 = arith.constant 1.000000e+00 : f32
        %jit3A_849 = arith.constant 0.000000e+00 : f32
        %broadcast_in_dim3A_850 = vector.broadcast %jit3A_848 : f32 to vector<16xf32>
        %broadcast_in_dim3A_851 = vector.broadcast %jit3A_849 : f32 to vector<16xf32>
        %select_n3A_852 = arith.select %eq3A_847, %broadcast_in_dim3A_850, %broadcast_in_dim3A_851 : vector<16xi1>, vector<16xf32>
        %get3A_853 = arith.index_cast %mul3A_844 : i32 to index
        %get3A_854 = tpu.vector_load %arg13[%get3A_853] {strides = array<i32>} : memref<10240xf32, #tpu.memory_space<vmem>>, vector<16xf32>,
        %get3A_855 = vector.shape_cast %get3A_854 : vector<16xf32> to vector<16xf32>
        %add3A_856 = arith.addf %get3A_855, %select_n3A_852 : vector<16xf32>
        %swap3A_857 = arith.index_cast %mul3A_844 : i32 to index
        %swap3A_858 = tpu.vector_load %arg13[%swap3A_857] {strides = array<i32>} : memref<10240xf32, #tpu.memory_space<vmem>>, vector<16xf32>,
        %swap3A_859 = vector.shape_cast %swap3A_858 : vector<16xf32> to vector<16xf32>
        %swap3A_860 = vector.shape_cast %add3A_856 : vector<16xf32> to vector<16xf32>
        tpu.vector_store %arg13[%swap3A_857], %swap3A_860 {strides = array<i32>} : memref<10240xf32, #tpu.memory_space<vmem>>, vector<16xf32>,
        %slice3A_861 = vector.extract_strided_slice %get3A_301 {offsets = [13], sizes = [1], strides = [1]} : vector<16xi32> to vector<1xi32>
        %squeeze3A_862 = vector.extract %slice3A_861[0] : i32 from vector<1xi32>
        %jit3A_863 = arith.constant 16 : i32
        %div3A_864 = arith.divsi %squeeze3A_862, %jit3A_863 : i32
        %sign3A_865 = arith.constant 0 : i32
        %sign3A_866 = arith.cmpi sgt, %squeeze3A_862, %sign3A_865 : i32
        %sign3A_867 = arith.extui %sign3A_866 : i1 to i32
        %sign3A_868 = arith.constant 0 : i32
        %sign3A_869 = arith.cmpi slt, %squeeze3A_862, %sign3A_868 : i32
        %sign3A_870 = arith.extui %sign3A_869 : i1 to i32
        %sign3A_871 = arith.subi %sign3A_867, %sign3A_870 : i32
        %sign3A_872 = arith.constant 0 : i32
        %sign3A_873 = arith.cmpi sgt, %jit3A_863, %sign3A_872 : i32
        %sign3A_874 = arith.extui %sign3A_873 : i1 to i32
        %sign3A_875 = arith.constant 0 : i32
        %sign3A_876 = arith.cmpi slt, %jit3A_863, %sign3A_875 : i32
        %sign3A_877 = arith.extui %sign3A_876 : i1 to i32
        %sign3A_878 = arith.subi %sign3A_874, %sign3A_877 : i32
        %ne3A_879 = arith.cmpi ne, %sign3A_871, %sign3A_878 : i32
        %rem3A_880 = arith.remsi %squeeze3A_862, %jit3A_863 : i32
        %ne3A_881 = arith.constant 0 : i32
        %ne3A_882 = arith.cmpi ne, %rem3A_880, %ne3A_881 : i32
        %and3A_883 = arith.andi %ne3A_879, %ne3A_882 : i1
        %sub3A_884 = arith.constant 1 : i32
        %sub3A_885 = arith.subi %div3A_864, %sub3A_884 : i32
        %select_n3A_886 = arith.select %and3A_883, %sub3A_885, %div3A_864 : i32
        %mul3A_887 = arith.constant 16 : i32
        %mul3A_888 = arith.muli %select_n3A_886, %mul3A_887 : i32
        %sub3A_889 = arith.subi %squeeze3A_862, %mul3A_888 : i32
        %eq3A_890 = vector.broadcast %sub3A_889 : i32 to vector<16xi32>
        %eq3A_891 = arith.cmpi eq, %iota3A, %eq3A_890 : vector<16xi32>
        %jit3A_892 = arith.constant 1.000000e+00 : f32
        %jit3A_893 = arith.constant 0.000000e+00 : f32
        %broadcast_in_dim3A_894 = vector.broadcast %jit3A_892 : f32 to vector<16xf32>
        %broadcast_in_dim3A_895 = vector.broadcast %jit3A_893 : f32 to vector<16xf32>
        %select_n3A_896 = arith.select %eq3A_891, %broadcast_in_dim3A_894, %broadcast_in_dim3A_895 : vector<16xi1>, vector<16xf32>
        %get3A_897 = arith.index_cast %mul3A_888 : i32 to index
        %get3A_898 = tpu.vector_load %arg13[%get3A_897] {strides = array<i32>} : memref<10240xf32, #tpu.memory_space<vmem>>, vector<16xf32>,
        %get3A_899 = vector.shape_cast %get3A_898 : vector<16xf32> to vector<16xf32>
        %add3A_900 = arith.addf %get3A_899, %select_n3A_896 : vector<16xf32>
        %swap3A_901 = arith.index_cast %mul3A_888 : i32 to index
        %swap3A_902 = tpu.vector_load %arg13[%swap3A_901] {strides = array<i32>} : memref<10240xf32, #tpu.memory_space<vmem>>, vector<16xf32>,
        %swap3A_903 = vector.shape_cast %swap3A_902 : vector<16xf32> to vector<16xf32>
        %swap3A_904 = vector.shape_cast %add3A_900 : vector<16xf32> to vector<16xf32>
        tpu.vector_store %arg13[%swap3A_901], %swap3A_904 {strides = array<i32>} : memref<10240xf32, #tpu.memory_space<vmem>>, vector<16xf32>,
        %slice3A_905 = vector.extract_strided_slice %get3A_301 {offsets = [14], sizes = [1], strides = [1]} : vector<16xi32> to vector<1xi32>
        %squeeze3A_906 = vector.extract %slice3A_905[0] : i32 from vector<1xi32>
        %jit3A_907 = arith.constant 16 : i32
        %div3A_908 = arith.divsi %squeeze3A_906, %jit3A_907 : i32
        %sign3A_909 = arith.constant 0 : i32
        %sign3A_910 = arith.cmpi sgt, %squeeze3A_906, %sign3A_909 : i32
        %sign3A_911 = arith.extui %sign3A_910 : i1 to i32
        %sign3A_912 = arith.constant 0 : i32
        %sign3A_913 = arith.cmpi slt, %squeeze3A_906, %sign3A_912 : i32
        %sign3A_914 = arith.extui %sign3A_913 : i1 to i32
        %sign3A_915 = arith.subi %sign3A_911, %sign3A_914 : i32
        %sign3A_916 = arith.constant 0 : i32
        %sign3A_917 = arith.cmpi sgt, %jit3A_907, %sign3A_916 : i32
        %sign3A_918 = arith.extui %sign3A_917 : i1 to i32
        %sign3A_919 = arith.constant 0 : i32
        %sign3A_920 = arith.cmpi slt, %jit3A_907, %sign3A_919 : i32
        %sign3A_921 = arith.extui %sign3A_920 : i1 to i32
        %sign3A_922 = arith.subi %sign3A_918, %sign3A_921 : i32
        %ne3A_923 = arith.cmpi ne, %sign3A_915, %sign3A_922 : i32
        %rem3A_924 = arith.remsi %squeeze3A_906, %jit3A_907 : i32
        %ne3A_925 = arith.constant 0 : i32
        %ne3A_926 = arith.cmpi ne, %rem3A_924, %ne3A_925 : i32
        %and3A_927 = arith.andi %ne3A_923, %ne3A_926 : i1
        %sub3A_928 = arith.constant 1 : i32
        %sub3A_929 = arith.subi %div3A_908, %sub3A_928 : i32
        %select_n3A_930 = arith.select %and3A_927, %sub3A_929, %div3A_908 : i32
        %mul3A_931 = arith.constant 16 : i32
        %mul3A_932 = arith.muli %select_n3A_930, %mul3A_931 : i32
        %sub3A_933 = arith.subi %squeeze3A_906, %mul3A_932 : i32
        %eq3A_934 = vector.broadcast %sub3A_933 : i32 to vector<16xi32>
        %eq3A_935 = arith.cmpi eq, %iota3A, %eq3A_934 : vector<16xi32>
        %jit3A_936 = arith.constant 1.000000e+00 : f32
        %jit3A_937 = arith.constant 0.000000e+00 : f32
        %broadcast_in_dim3A_938 = vector.broadcast %jit3A_936 : f32 to vector<16xf32>
        %broadcast_in_dim3A_939 = vector.broadcast %jit3A_937 : f32 to vector<16xf32>
        %select_n3A_940 = arith.select %eq3A_935, %broadcast_in_dim3A_938, %broadcast_in_dim3A_939 : vector<16xi1>, vector<16xf32>
        %get3A_941 = arith.index_cast %mul3A_932 : i32 to index
        %get3A_942 = tpu.vector_load %arg13[%get3A_941] {strides = array<i32>} : memref<10240xf32, #tpu.memory_space<vmem>>, vector<16xf32>,
        %get3A_943 = vector.shape_cast %get3A_942 : vector<16xf32> to vector<16xf32>
        %add3A_944 = arith.addf %get3A_943, %select_n3A_940 : vector<16xf32>
        %swap3A_945 = arith.index_cast %mul3A_932 : i32 to index
        %swap3A_946 = tpu.vector_load %arg13[%swap3A_945] {strides = array<i32>} : memref<10240xf32, #tpu.memory_space<vmem>>, vector<16xf32>,
        %swap3A_947 = vector.shape_cast %swap3A_946 : vector<16xf32> to vector<16xf32>
        %swap3A_948 = vector.shape_cast %add3A_944 : vector<16xf32> to vector<16xf32>
        tpu.vector_store %arg13[%swap3A_945], %swap3A_948 {strides = array<i32>} : memref<10240xf32, #tpu.memory_space<vmem>>, vector<16xf32>,
        %slice3A_949 = vector.extract_strided_slice %get3A_301 {offsets = [15], sizes = [1], strides = [1]} : vector<16xi32> to vector<1xi32>
        %squeeze3A_950 = vector.extract %slice3A_949[0] : i32 from vector<1xi32>
        %jit3A_951 = arith.constant 16 : i32
        %div3A_952 = arith.divsi %squeeze3A_950, %jit3A_951 : i32
        %sign3A_953 = arith.constant 0 : i32
        %sign3A_954 = arith.cmpi sgt, %squeeze3A_950, %sign3A_953 : i32
        %sign3A_955 = arith.extui %sign3A_954 : i1 to i32
        %sign3A_956 = arith.constant 0 : i32
        %sign3A_957 = arith.cmpi slt, %squeeze3A_950, %sign3A_956 : i32
        %sign3A_958 = arith.extui %sign3A_957 : i1 to i32
        %sign3A_959 = arith.subi %sign3A_955, %sign3A_958 : i32
        %sign3A_960 = arith.constant 0 : i32
        %sign3A_961 = arith.cmpi sgt, %jit3A_951, %sign3A_960 : i32
        %sign3A_962 = arith.extui %sign3A_961 : i1 to i32
        %sign3A_963 = arith.constant 0 : i32
        %sign3A_964 = arith.cmpi slt, %jit3A_951, %sign3A_963 : i32
        %sign3A_965 = arith.extui %sign3A_964 : i1 to i32
        %sign3A_966 = arith.subi %sign3A_962, %sign3A_965 : i32
        %ne3A_967 = arith.cmpi ne, %sign3A_959, %sign3A_966 : i32
        %rem3A_968 = arith.remsi %squeeze3A_950, %jit3A_951 : i32
        %ne3A_969 = arith.constant 0 : i32
        %ne3A_970 = arith.cmpi ne, %rem3A_968, %ne3A_969 : i32
        %and3A_971 = arith.andi %ne3A_967, %ne3A_970 : i1
        %sub3A_972 = arith.constant 1 : i32
        %sub3A_973 = arith.subi %div3A_952, %sub3A_972 : i32
        %select_n3A_974 = arith.select %and3A_971, %sub3A_973, %div3A_952 : i32
        %mul3A_975 = arith.constant 16 : i32
        %mul3A_976 = arith.muli %select_n3A_974, %mul3A_975 : i32
        %sub3A_977 = arith.subi %squeeze3A_950, %mul3A_976 : i32
        %eq3A_978 = vector.broadcast %sub3A_977 : i32 to vector<16xi32>
        %eq3A_979 = arith.cmpi eq, %iota3A, %eq3A_978 : vector<16xi32>
        %jit3A_980 = arith.constant 1.000000e+00 : f32
        %jit3A_981 = arith.constant 0.000000e+00 : f32
        %broadcast_in_dim3A_982 = vector.broadcast %jit3A_980 : f32 to vector<16xf32>
        %broadcast_in_dim3A_983 = vector.broadcast %jit3A_981 : f32 to vector<16xf32>
        %select_n3A_984 = arith.select %eq3A_979, %broadcast_in_dim3A_982, %broadcast_in_dim3A_983 : vector<16xi1>, vector<16xf32>
        %get3A_985 = arith.index_cast %mul3A_976 : i32 to index
        %get3A_986 = tpu.vector_load %arg13[%get3A_985] {strides = array<i32>} : memref<10240xf32, #tpu.memory_space<vmem>>, vector<16xf32>,
        %get3A_987 = vector.shape_cast %get3A_986 : vector<16xf32> to vector<16xf32>
        %add3A_988 = arith.addf %get3A_987, %select_n3A_984 : vector<16xf32>
        %swap3A_989 = arith.index_cast %mul3A_976 : i32 to index
        %swap3A_990 = tpu.vector_load %arg13[%swap3A_989] {strides = array<i32>} : memref<10240xf32, #tpu.memory_space<vmem>>, vector<16xf32>,
        %swap3A_991 = vector.shape_cast %swap3A_990 : vector<16xf32> to vector<16xf32>
        %swap3A_992 = vector.shape_cast %add3A_988 : vector<16xf32> to vector<16xf32>
        tpu.vector_store %arg13[%swap3A_989], %swap3A_992 {strides = array<i32>} : memref<10240xf32, #tpu.memory_space<vmem>>, vector<16xf32>,
      }
      %scan3A_186 = arith.constant 8 : i32
      %lt3A_187 = arith.constant 79 : i32
      %lt3A_188 = arith.cmpi slt, %add3A_97, %lt3A_187 : i32
      %convert_element_type3A_189 = arith.extui %lt3A_188 : i1 to i32
      %cond3A_190 = arith.constant 0 : i32
      %cond3A_191 = arith.cmpi ne, %convert_element_type3A_189, %cond3A_190 : i32
      scf.if %cond3A_191 {
        %add3A_293 = arith.constant 1 : i32
        %add3A_294 = arith.addi %add3A_97, %add3A_293 : i32
        %mul3A_295 = arith.constant 2 : i32
        %mul3A_296 = arith.muli %add3A_294, %mul3A_295 : i32
        %add3A_297 = arith.constant 0 : i32
        %add3A_298 = arith.addi %mul3A_296, %add3A_297 : i32
        %dma_wait3A_299 = arith.constant 0 : i32
        %dma_wait3A_300 = arith.constant 0 : i32
        %dma_wait3A_301 = arith.constant 0 : i32
        %dma_wait3A_302 = tpu.memref_slice %arg12[%dma_wait3A_299, %dma_wait3A_300, %dma_wait3A_301] : memref<2x128x128xf32, #tpu.memory_space<vmem>> -> memref<1x128x128xf32, #tpu.memory_space<vmem>>
        %dma_wait3A_303 = tpu.memref_squeeze %dma_wait3A_302 : memref<1x128x128xf32, #tpu.memory_space<vmem>> -> memref<128x128xf32, #tpu.memory_space<vmem>>
        %dma_wait3A_304 = arith.constant 0 : i32
        %dma_wait3A_305 = arith.constant 0 : i32
        %dma_wait3A_306 = tpu.memref_slice %arg5[%dma_wait3A_304, %dma_wait3A_305] : memref<1000x128xf32, #tpu.memory_space<hbm>> -> memref<128x128xf32, #tpu.memory_space<hbm>>
        %dma_wait3A_307 = arith.constant 0 : i32
        %dma_wait3A_308 = arith.constant 0 : i32
        %dma_wait3A_309 = tpu.memref_slice %arg12[%dma_wait3A_299, %dma_wait3A_307, %dma_wait3A_308] : memref<2x128x128xf32, #tpu.memory_space<vmem>> -> memref<1x128x128xf32, #tpu.memory_space<vmem>>
        %dma_wait3A_310 = tpu.memref_squeeze %dma_wait3A_309 : memref<1x128x128xf32, #tpu.memory_space<vmem>> -> memref<128x128xf32, #tpu.memory_space<vmem>>
        %dma_wait3A_311 = arith.constant 0 : i32
        %dma_wait3A_312 = arith.constant 0 : i32
        %dma_wait3A_313 = tpu.memref_slice %arg5[%dma_wait3A_311, %dma_wait3A_312] : memref<1000x128xf32, #tpu.memory_space<hbm>> -> memref<128x128xf32, #tpu.memory_space<hbm>>
        tpu.wait_dma2 semaphore(%arg18 : memref<!tpu.dma_semaphore, #tpu.memory_space<semaphore_mem>>) src(%dma_wait3A_313 : memref<128x128xf32, #tpu.memory_space<hbm>>) dst(%dma_wait3A_310 : memref<128x128xf32, #tpu.memory_space<vmem>>)
        %dma_start3A_314 = arith.constant 0 : i32
        %dma_start3A_315 = arith.constant 0 : i32
        %dma_start3A_316 = arith.constant 0 : i32
        %dma_start3A_317 = tpu.memref_slice %arg12[%dma_start3A_314, %dma_start3A_315, %dma_start3A_316] : memref<2x128x128xf32, #tpu.memory_space<vmem>> -> memref<1x128x128xf32, #tpu.memory_space<vmem>>
        %dma_start3A_318 = tpu.memref_squeeze %dma_start3A_317 : memref<1x128x128xf32, #tpu.memory_space<vmem>> -> memref<128x128xf32, #tpu.memory_space<vmem>>
        %dma_start3A_319 = arith.constant 0 : i32
        %dma_start3A_320 = tpu.memref_slice %arg11[%add3A_298, %dma_start3A_319] : memref<160x128xi32, #tpu.memory_space<vmem>> -> memref<1x128xi32, #tpu.memory_space<vmem>>
        %dma_start3A_321 = tpu.memref_squeeze %dma_start3A_320 : memref<1x128xi32, #tpu.memory_space<vmem>> -> memref<128xi32, #tpu.memory_space<vmem>>
        %dma_start3A_322 = arith.constant 0 : i32
        %dma_start3A_323 = arith.constant 0 : i32
        %dma_start3A_324 = tpu.memref_slice %arg5[%dma_start3A_322, %dma_start3A_323] : memref<1000x128xf32, #tpu.memory_space<hbm>> -> memref<1000x128xf32, #tpu.memory_space<hbm>>
        tpu.enqueue_indirect_dma source(%dma_start3A_324 : memref<1000x128xf32, #tpu.memory_space<hbm>>) target(%dma_start3A_318 : memref<128x128xf32, #tpu.memory_space<vmem>>) offsets(%dma_start3A_321 : memref<128xi32, #tpu.memory_space<vmem>>) semaphore(%arg16 : memref<!tpu.dma_semaphore, #tpu.memory_space<semaphore_mem>>)
        %add3A_325 = arith.constant 1 : i32
        %add3A_326 = arith.addi %add3A_97, %add3A_325 : i32
        %mul3A_327 = arith.constant 2 : i32
        %mul3A_328 = arith.muli %add3A_326, %mul3A_327 : i32
        %add3A_329 = arith.constant 1 : i32
        %add3A_330 = arith.addi %mul3A_328, %add3A_329 : i32
        %dma_wait3A_331 = arith.constant 0 : i32
        %dma_wait3A_332 = arith.constant 0 : i32
        %dma_wait3A_333 = arith.constant 0 : i32
        %dma_wait3A_334 = tpu.memref_slice %arg12[%dma_wait3A_331, %dma_wait3A_332, %dma_wait3A_333] : memref<2x128x128xf32, #tpu.memory_space<vmem>> -> memref<1x128x128xf32, #tpu.memory_space<vmem>>
        %dma_wait3A_335 = tpu.memref_squeeze %dma_wait3A_334 : memref<1x128x128xf32, #tpu.memory_space<vmem>> -> memref<128x128xf32, #tpu.memory_space<vmem>>
        %dma_wait3A_336 = arith.constant 0 : i32
        %dma_wait3A_337 = arith.constant 0 : i32
        %dma_wait3A_338 = tpu.memref_slice %arg5[%dma_wait3A_336, %dma_wait3A_337] : memref<1000x128xf32, #tpu.memory_space<hbm>> -> memref<128x128xf32, #tpu.memory_space<hbm>>
        %dma_wait3A_339 = arith.constant 0 : i32
        %dma_wait3A_340 = arith.constant 0 : i32
        %dma_wait3A_341 = tpu.memref_slice %arg12[%dma_wait3A_331, %dma_wait3A_339, %dma_wait3A_340] : memref<2x128x128xf32, #tpu.memory_space<vmem>> -> memref<1x128x128xf32, #tpu.memory_space<vmem>>
        %dma_wait3A_342 = tpu.memref_squeeze %dma_wait3A_341 : memref<1x128x128xf32, #tpu.memory_space<vmem>> -> memref<128x128xf32, #tpu.memory_space<vmem>>
        %dma_wait3A_343 = arith.constant 0 : i32
        %dma_wait3A_344 = arith.constant 0 : i32
        %dma_wait3A_345 = tpu.memref_slice %arg5[%dma_wait3A_343, %dma_wait3A_344] : memref<1000x128xf32, #tpu.memory_space<hbm>> -> memref<128x128xf32, #tpu.memory_space<hbm>>
        tpu.wait_dma2 semaphore(%arg19 : memref<!tpu.dma_semaphore, #tpu.memory_space<semaphore_mem>>) src(%dma_wait3A_345 : memref<128x128xf32, #tpu.memory_space<hbm>>) dst(%dma_wait3A_342 : memref<128x128xf32, #tpu.memory_space<vmem>>)
        %dma_start3A_346 = arith.constant 1 : i32
        %dma_start3A_347 = arith.constant 0 : i32
        %dma_start3A_348 = arith.constant 0 : i32
        %dma_start3A_349 = tpu.memref_slice %arg12[%dma_start3A_346, %dma_start3A_347, %dma_start3A_348] : memref<2x128x128xf32, #tpu.memory_space<vmem>> -> memref<1x128x128xf32, #tpu.memory_space<vmem>>
        %dma_start3A_350 = tpu.memref_squeeze %dma_start3A_349 : memref<1x128x128xf32, #tpu.memory_space<vmem>> -> memref<128x128xf32, #tpu.memory_space<vmem>>
        %dma_start3A_351 = arith.constant 0 : i32
        %dma_start3A_352 = tpu.memref_slice %arg11[%add3A_330, %dma_start3A_351] : memref<160x128xi32, #tpu.memory_space<vmem>> -> memref<1x128xi32, #tpu.memory_space<vmem>>
        %dma_start3A_353 = tpu.memref_squeeze %dma_start3A_352 : memref<1x128xi32, #tpu.memory_space<vmem>> -> memref<128xi32, #tpu.memory_space<vmem>>
        %dma_start3A_354 = arith.constant 0 : i32
        %dma_start3A_355 = arith.constant 0 : i32
        %dma_start3A_356 = tpu.memref_slice %arg5[%dma_start3A_354, %dma_start3A_355] : memref<1000x128xf32, #tpu.memory_space<hbm>> -> memref<1000x128xf32, #tpu.memory_space<hbm>>
        tpu.enqueue_indirect_dma source(%dma_start3A_356 : memref<1000x128xf32, #tpu.memory_space<hbm>>) target(%dma_start3A_350 : memref<128x128xf32, #tpu.memory_space<vmem>>) offsets(%dma_start3A_353 : memref<128xi32, #tpu.memory_space<vmem>>) semaphore(%arg17 : memref<!tpu.dma_semaphore, #tpu.memory_space<semaphore_mem>>)
      } else {
      }
      %mul3A_192 = arith.constant 2 : i32
      %mul3A_193 = arith.muli %scan3A_93, %mul3A_192 : i32
      %add3A_194 = arith.constant 1 : i32
      %add3A_195 = arith.addi %mul3A_193, %add3A_194 : i32
      %lt3A_196 = arith.constant 79 : i32
      %lt3A_197 = arith.cmpi slt, %add3A_195, %lt3A_196 : i32
      %convert_element_type3A_198 = arith.extui %lt3A_197 : i1 to i32
      %cond3A_199 = arith.constant 0 : i32
      %cond3A_200 = arith.cmpi ne, %convert_element_type3A_198, %cond3A_199 : i32
      scf.if %cond3A_200 {
        %add3A_293 = arith.constant 1 : i32
        %add3A_294 = arith.addi %add3A_195, %add3A_293 : i32
        %mul3A_295 = arith.constant 2 : i32
        %mul3A_296 = arith.muli %add3A_294, %mul3A_295 : i32
        %add3A_297 = arith.addi %add3A_7, %mul3A_296 : i32
        %dma_start3A_298 = arith.constant 0 : i32
        %dma_start3A_299 = arith.constant 0 : i32
        %dma_start3A_300 = arith.constant 0 : i32
        %dma_start3A_301 = tpu.memref_slice %arg14[%dma_start3A_298, %dma_start3A_299, %dma_start3A_300] : memref<2x2x128xi32, #tpu.memory_space<vmem>> -> memref<1x2x128xi32, #tpu.memory_space<vmem>>
        %dma_start3A_302 = tpu.memref_squeeze %dma_start3A_301 : memref<1x2x128xi32, #tpu.memory_space<vmem>> -> memref<2x128xi32, #tpu.memory_space<vmem>>
        %dma_start3A_303 = arith.constant 0 : i32
        %dma_start3A_304 = tpu.memref_slice %arg4[%add3A_297, %dma_start3A_303] : memref<5120x128xi32, #tpu.memory_space<hbm>> -> memref<2x128xi32, #tpu.memory_space<hbm>>
        %dma_start3A_305 = arith.constant 0 : i32
        %dma_start3A_306 = arith.constant 0 : i32
        %dma_start3A_307 = tpu.memref_slice %arg14[%dma_start3A_298, %dma_start3A_305, %dma_start3A_306] : memref<2x2x128xi32, #tpu.memory_space<vmem>> -> memref<1x2x128xi32, #tpu.memory_space<vmem>>
        %dma_start3A_308 = tpu.memref_squeeze %dma_start3A_307 : memref<1x2x128xi32, #tpu.memory_space<vmem>> -> memref<2x128xi32, #tpu.memory_space<vmem>>
        %dma_start3A_309 = arith.constant 0 : i32
        %dma_start3A_310 = tpu.memref_slice %arg4[%add3A_297, %dma_start3A_309] : memref<5120x128xi32, #tpu.memory_space<hbm>> -> memref<2x128xi32, #tpu.memory_space<hbm>>
        tpu.enqueue_dma source(%dma_start3A_310 : memref<2x128xi32, #tpu.memory_space<hbm>>) target(%dma_start3A_308 : memref<2x128xi32, #tpu.memory_space<vmem>>) target_semaphore(%arg20 : memref<!tpu.dma_semaphore, #tpu.memory_space<semaphore_mem>>)
      } else {
      }
      %mul3A_201 = arith.constant 2 : i32
      %mul3A_202 = arith.muli %add3A_195, %mul3A_201 : i32
      %add3A_203 = arith.constant 0 : i32
      %add3A_204 = arith.addi %mul3A_202, %add3A_203 : i32
      %dma_wait3A_205 = arith.constant 0 : i32
      %dma_wait3A_206 = arith.constant 0 : i32
      %dma_wait3A_207 = arith.constant 0 : i32
      %dma_wait3A_208 = tpu.memref_slice %arg12[%dma_wait3A_205, %dma_wait3A_206, %dma_wait3A_207] : memref<2x128x128xf32, #tpu.memory_space<vmem>> -> memref<1x128x128xf32, #tpu.memory_space<vmem>>
      %dma_wait3A_209 = tpu.memref_squeeze %dma_wait3A_208 : memref<1x128x128xf32, #tpu.memory_space<vmem>> -> memref<128x128xf32, #tpu.memory_space<vmem>>
      %dma_wait3A_210 = arith.constant 0 : i32
      %dma_wait3A_211 = arith.constant 0 : i32
      %dma_wait3A_212 = tpu.memref_slice %arg5[%dma_wait3A_210, %dma_wait3A_211] : memref<1000x128xf32, #tpu.memory_space<hbm>> -> memref<128x128xf32, #tpu.memory_space<hbm>>
      %dma_wait3A_213 = arith.constant 0 : i32
      %dma_wait3A_214 = arith.constant 0 : i32
      %dma_wait3A_215 = tpu.memref_slice %arg12[%dma_wait3A_205, %dma_wait3A_213, %dma_wait3A_214] : memref<2x128x128xf32, #tpu.memory_space<vmem>> -> memref<1x128x128xf32, #tpu.memory_space<vmem>>
      %dma_wait3A_216 = tpu.memref_squeeze %dma_wait3A_215 : memref<1x128x128xf32, #tpu.memory_space<vmem>> -> memref<128x128xf32, #tpu.memory_space<vmem>>
      %dma_wait3A_217 = arith.constant 0 : i32
      %dma_wait3A_218 = arith.constant 0 : i32
      %dma_wait3A_219 = tpu.memref_slice %arg5[%dma_wait3A_217, %dma_wait3A_218] : memref<1000x128xf32, #tpu.memory_space<hbm>> -> memref<128x128xf32, #tpu.memory_space<hbm>>
      tpu.wait_dma2 semaphore(%arg16 : memref<!tpu.dma_semaphore, #tpu.memory_space<semaphore_mem>>) src(%dma_wait3A_219 : memref<128x128xf32, #tpu.memory_space<hbm>>) dst(%dma_wait3A_216 : memref<128x128xf32, #tpu.memory_space<vmem>>)
      %dma_start3A_220 = arith.constant 0 : i32
      %dma_start3A_221 = arith.constant 0 : i32
      %dma_start3A_222 = arith.constant 0 : i32
      %dma_start3A_223 = tpu.memref_slice %arg12[%dma_start3A_220, %dma_start3A_221, %dma_start3A_222] : memref<2x128x128xf32, #tpu.memory_space<vmem>> -> memref<1x128x128xf32, #tpu.memory_space<vmem>>
      %dma_start3A_224 = tpu.memref_squeeze %dma_start3A_223 : memref<1x128x128xf32, #tpu.memory_space<vmem>> -> memref<128x128xf32, #tpu.memory_space<vmem>>
      %dma_start3A_225 = arith.constant 0 : i32
      %dma_start3A_226 = tpu.memref_slice %arg10[%add3A_204, %dma_start3A_225] : memref<160x128xi32, #tpu.memory_space<vmem>> -> memref<1x128xi32, #tpu.memory_space<vmem>>
      %dma_start3A_227 = tpu.memref_squeeze %dma_start3A_226 : memref<1x128xi32, #tpu.memory_space<vmem>> -> memref<128xi32, #tpu.memory_space<vmem>>
      %dma_start3A_228 = arith.constant 0 : i32
      %dma_start3A_229 = arith.constant 0 : i32
      %dma_start3A_230 = tpu.memref_slice %arg15[%dma_start3A_228, %dma_start3A_229] : memref<5120x128xf32, #tpu.memory_space<vmem_shared>> -> memref<5120x128xf32, #tpu.memory_space<vmem_shared>>
      tpu.enqueue_indirect_dma source(%dma_start3A_224 : memref<128x128xf32, #tpu.memory_space<vmem>>) target(%dma_start3A_230 : memref<5120x128xf32, #tpu.memory_space<vmem_shared>>) offsets(%dma_start3A_227 : memref<128xi32, #tpu.memory_space<vmem>>) semaphore(%arg18 : memref<!tpu.dma_semaphore, #tpu.memory_space<semaphore_mem>>) {add = true}
      %mul3A_231 = arith.constant 2 : i32
      %mul3A_232 = arith.muli %add3A_195, %mul3A_231 : i32
      %add3A_233 = arith.constant 1 : i32
      %add3A_234 = arith.addi %mul3A_232, %add3A_233 : i32
      %dma_wait3A_235 = arith.constant 0 : i32
      %dma_wait3A_236 = arith.constant 0 : i32
      %dma_wait3A_237 = arith.constant 0 : i32
      %dma_wait3A_238 = tpu.memref_slice %arg12[%dma_wait3A_235, %dma_wait3A_236, %dma_wait3A_237] : memref<2x128x128xf32, #tpu.memory_space<vmem>> -> memref<1x128x128xf32, #tpu.memory_space<vmem>>
      %dma_wait3A_239 = tpu.memref_squeeze %dma_wait3A_238 : memref<1x128x128xf32, #tpu.memory_space<vmem>> -> memref<128x128xf32, #tpu.memory_space<vmem>>
      %dma_wait3A_240 = arith.constant 0 : i32
      %dma_wait3A_241 = arith.constant 0 : i32
      %dma_wait3A_242 = tpu.memref_slice %arg5[%dma_wait3A_240, %dma_wait3A_241] : memref<1000x128xf32, #tpu.memory_space<hbm>> -> memref<128x128xf32, #tpu.memory_space<hbm>>
      %dma_wait3A_243 = arith.constant 0 : i32
      %dma_wait3A_244 = arith.constant 0 : i32
      %dma_wait3A_245 = tpu.memref_slice %arg12[%dma_wait3A_235, %dma_wait3A_243, %dma_wait3A_244] : memref<2x128x128xf32, #tpu.memory_space<vmem>> -> memref<1x128x128xf32, #tpu.memory_space<vmem>>
      %dma_wait3A_246 = tpu.memref_squeeze %dma_wait3A_245 : memref<1x128x128xf32, #tpu.memory_space<vmem>> -> memref<128x128xf32, #tpu.memory_space<vmem>>
      %dma_wait3A_247 = arith.constant 0 : i32
      %dma_wait3A_248 = arith.constant 0 : i32
      %dma_wait3A_249 = tpu.memref_slice %arg5[%dma_wait3A_247, %dma_wait3A_248] : memref<1000x128xf32, #tpu.memory_space<hbm>> -> memref<128x128xf32, #tpu.memory_space<hbm>>
      tpu.wait_dma2 semaphore(%arg17 : memref<!tpu.dma_semaphore, #tpu.memory_space<semaphore_mem>>) src(%dma_wait3A_249 : memref<128x128xf32, #tpu.memory_space<hbm>>) dst(%dma_wait3A_246 : memref<128x128xf32, #tpu.memory_space<vmem>>)
      %dma_start3A_250 = arith.constant 1 : i32
      %dma_start3A_251 = arith.constant 0 : i32
      %dma_start3A_252 = arith.constant 0 : i32
      %dma_start3A_253 = tpu.memref_slice %arg12[%dma_start3A_250, %dma_start3A_251, %dma_start3A_252] : memref<2x128x128xf32, #tpu.memory_space<vmem>> -> memref<1x128x128xf32, #tpu.memory_space<vmem>>
      %dma_start3A_254 = tpu.memref_squeeze %dma_start3A_253 : memref<1x128x128xf32, #tpu.memory_space<vmem>> -> memref<128x128xf32, #tpu.memory_space<vmem>>
      %dma_start3A_255 = arith.constant 0 : i32
      %dma_start3A_256 = tpu.memref_slice %arg10[%add3A_234, %dma_start3A_255] : memref<160x128xi32, #tpu.memory_space<vmem>> -> memref<1x128xi32, #tpu.memory_space<vmem>>
      %dma_start3A_257 = tpu.memref_squeeze %dma_start3A_256 : memref<1x128xi32, #tpu.memory_space<vmem>> -> memref<128xi32, #tpu.memory_space<vmem>>
      %dma_start3A_258 = arith.constant 0 : i32
      %dma_start3A_259 = arith.constant 0 : i32
      %dma_start3A_260 = tpu.memref_slice %arg15[%dma_start3A_258, %dma_start3A_259] : memref<5120x128xf32, #tpu.memory_space<vmem_shared>> -> memref<5120x128xf32, #tpu.memory_space<vmem_shared>>
      tpu.enqueue_indirect_dma source(%dma_start3A_254 : memref<128x128xf32, #tpu.memory_space<vmem>>) target(%dma_start3A_260 : memref<5120x128xf32, #tpu.memory_space<vmem_shared>>) offsets(%dma_start3A_257 : memref<128xi32, #tpu.memory_space<vmem>>) semaphore(%arg19 : memref<!tpu.dma_semaphore, #tpu.memory_space<semaphore_mem>>) {add = true}
      %dma_wait3A_261 = arith.constant 0 : i32
      %dma_wait3A_262 = arith.constant 0 : i32
      %dma_wait3A_263 = arith.constant 0 : i32
      %dma_wait3A_264 = tpu.memref_slice %arg14[%dma_wait3A_261, %dma_wait3A_262, %dma_wait3A_263] : memref<2x2x128xi32, #tpu.memory_space<vmem>> -> memref<1x2x128xi32, #tpu.memory_space<vmem>>
      %dma_wait3A_265 = tpu.memref_squeeze %dma_wait3A_264 : memref<1x2x128xi32, #tpu.memory_space<vmem>> -> memref<2x128xi32, #tpu.memory_space<vmem>>
      %dma_wait3A_266 = arith.constant 0 : i32
      %dma_wait3A_267 = arith.constant 0 : i32
      %dma_wait3A_268 = tpu.memref_slice %arg4[%dma_wait3A_266, %dma_wait3A_267] : memref<5120x128xi32, #tpu.memory_space<hbm>> -> memref<2x128xi32, #tpu.memory_space<hbm>>
      %dma_wait3A_269 = arith.constant 0 : i32
      %dma_wait3A_270 = arith.constant 0 : i32
      %dma_wait3A_271 = tpu.memref_slice %arg14[%dma_wait3A_261, %dma_wait3A_269, %dma_wait3A_270] : memref<2x2x128xi32, #tpu.memory_space<vmem>> -> memref<1x2x128xi32, #tpu.memory_space<vmem>>
      %dma_wait3A_272 = tpu.memref_squeeze %dma_wait3A_271 : memref<1x2x128xi32, #tpu.memory_space<vmem>> -> memref<2x128xi32, #tpu.memory_space<vmem>>
      %dma_wait3A_273 = arith.constant 0 : i32
      %dma_wait3A_274 = arith.constant 0 : i32
      %dma_wait3A_275 = tpu.memref_slice %arg4[%dma_wait3A_273, %dma_wait3A_274] : memref<5120x128xi32, #tpu.memory_space<hbm>> -> memref<2x128xi32, #tpu.memory_space<hbm>>
      tpu.wait_dma2 semaphore(%arg21 : memref<!tpu.dma_semaphore, #tpu.memory_space<semaphore_mem>>) src(%dma_wait3A_275 : memref<2x128xi32, #tpu.memory_space<hbm>>) dst(%dma_wait3A_272 : memref<2x128xi32, #tpu.memory_space<vmem>>)
      %scan3A_276 = arith.constant 0 : i32
      %scan3A_277 = arith.constant 0 : i32
      %scan3A_278 = arith.constant 8 : i32
      %scan3A_279 = arith.addi %scan3A_277, %scan3A_278 : i32
      %scan3A_280 = arith.constant 1 : i32
      scf.for %scan3A_293 = %scan3A_277 to %scan3A_279 step %scan3A_280  : i32 {
        %mul3A_294 = arith.constant 16 : i32
        %mul3A_295 = arith.muli %scan3A_293, %mul3A_294 : i32
        %get3A = arith.constant 1 : i32
        %get3A_296 = arith.constant 0 : i32
        %get3A_297 = arith.index_cast %get3A : i32 to index
        %get3A_298 = arith.index_cast %get3A_296 : i32 to index
        %get3A_299 = arith.index_cast %mul3A_295 : i32 to index
        %get3A_300 = tpu.vector_load %arg14[%get3A_297, %get3A_298, %get3A_299] {strides = array<i32>} : memref<2x2x128xi32, #tpu.memory_space<vmem>>, vector<1x1x16xi32>,
        %get3A_301 = vector.shape_cast %get3A_300 : vector<1x1x16xi32> to vector<16xi32>
        %slice3A = vector.extract_strided_slice %get3A_301 {offsets = [0], sizes = [1], strides = [1]} : vector<16xi32> to vector<1xi32>
        %squeeze3A = vector.extract %slice3A[0] : i32 from vector<1xi32>
        %jit3A = arith.constant 16 : i32
        %div3A = arith.divsi %squeeze3A, %jit3A : i32
        %sign3A = arith.constant 0 : i32
        %sign3A_302 = arith.cmpi sgt, %squeeze3A, %sign3A : i32
        %sign3A_303 = arith.extui %sign3A_302 : i1 to i32
        %sign3A_304 = arith.constant 0 : i32
        %sign3A_305 = arith.cmpi slt, %squeeze3A, %sign3A_304 : i32
        %sign3A_306 = arith.extui %sign3A_305 : i1 to i32
        %sign3A_307 = arith.subi %sign3A_303, %sign3A_306 : i32
        %sign3A_308 = arith.constant 0 : i32
        %sign3A_309 = arith.cmpi sgt, %jit3A, %sign3A_308 : i32
        %sign3A_310 = arith.extui %sign3A_309 : i1 to i32
        %sign3A_311 = arith.constant 0 : i32
        %sign3A_312 = arith.cmpi slt, %jit3A, %sign3A_311 : i32
        %sign3A_313 = arith.extui %sign3A_312 : i1 to i32
        %sign3A_314 = arith.subi %sign3A_310, %sign3A_313 : i32
        %ne3A = arith.cmpi ne, %sign3A_307, %sign3A_314 : i32
        %rem3A = arith.remsi %squeeze3A, %jit3A : i32
        %ne3A_315 = arith.constant 0 : i32
        %ne3A_316 = arith.cmpi ne, %rem3A, %ne3A_315 : i32
        %and3A = arith.andi %ne3A, %ne3A_316 : i1
        %sub3A = arith.constant 1 : i32
        %sub3A_317 = arith.subi %div3A, %sub3A : i32
        %select_n3A = arith.select %and3A, %sub3A_317, %div3A : i32
        %mul3A_318 = arith.constant 16 : i32
        %mul3A_319 = arith.muli %select_n3A, %mul3A_318 : i32
        %sub3A_320 = arith.subi %squeeze3A, %mul3A_319 : i32
        %eq3A = vector.broadcast %sub3A_320 : i32 to vector<16xi32>
        %eq3A_321 = arith.cmpi eq, %iota3A, %eq3A : vector<16xi32>
        %jit3A_322 = arith.constant 1.000000e+00 : f32
        %jit3A_323 = arith.constant 0.000000e+00 : f32
        %broadcast_in_dim3A = vector.broadcast %jit3A_322 : f32 to vector<16xf32>
        %broadcast_in_dim3A_324 = vector.broadcast %jit3A_323 : f32 to vector<16xf32>
        %select_n3A_325 = arith.select %eq3A_321, %broadcast_in_dim3A, %broadcast_in_dim3A_324 : vector<16xi1>, vector<16xf32>
        %get3A_326 = arith.index_cast %mul3A_319 : i32 to index
        %get3A_327 = tpu.vector_load %arg13[%get3A_326] {strides = array<i32>} : memref<10240xf32, #tpu.memory_space<vmem>>, vector<16xf32>,
        %get3A_328 = vector.shape_cast %get3A_327 : vector<16xf32> to vector<16xf32>
        %add3A_329 = arith.addf %get3A_328, %select_n3A_325 : vector<16xf32>
        %swap3A = arith.index_cast %mul3A_319 : i32 to index
        %swap3A_330 = tpu.vector_load %arg13[%swap3A] {strides = array<i32>} : memref<10240xf32, #tpu.memory_space<vmem>>, vector<16xf32>,
        %swap3A_331 = vector.shape_cast %swap3A_330 : vector<16xf32> to vector<16xf32>
        %swap3A_332 = vector.shape_cast %add3A_329 : vector<16xf32> to vector<16xf32>
        tpu.vector_store %arg13[%swap3A], %swap3A_332 {strides = array<i32>} : memref<10240xf32, #tpu.memory_space<vmem>>, vector<16xf32>,
        %slice3A_333 = vector.extract_strided_slice %get3A_301 {offsets = [1], sizes = [1], strides = [1]} : vector<16xi32> to vector<1xi32>
        %squeeze3A_334 = vector.extract %slice3A_333[0] : i32 from vector<1xi32>
        %jit3A_335 = arith.constant 16 : i32
        %div3A_336 = arith.divsi %squeeze3A_334, %jit3A_335 : i32
        %sign3A_337 = arith.constant 0 : i32
        %sign3A_338 = arith.cmpi sgt, %squeeze3A_334, %sign3A_337 : i32
        %sign3A_339 = arith.extui %sign3A_338 : i1 to i32
        %sign3A_340 = arith.constant 0 : i32
        %sign3A_341 = arith.cmpi slt, %squeeze3A_334, %sign3A_340 : i32
        %sign3A_342 = arith.extui %sign3A_341 : i1 to i32
        %sign3A_343 = arith.subi %sign3A_339, %sign3A_342 : i32
        %sign3A_344 = arith.constant 0 : i32
        %sign3A_345 = arith.cmpi sgt, %jit3A_335, %sign3A_344 : i32
        %sign3A_346 = arith.extui %sign3A_345 : i1 to i32
        %sign3A_347 = arith.constant 0 : i32
        %sign3A_348 = arith.cmpi slt, %jit3A_335, %sign3A_347 : i32
        %sign3A_349 = arith.extui %sign3A_348 : i1 to i32
        %sign3A_350 = arith.subi %sign3A_346, %sign3A_349 : i32
        %ne3A_351 = arith.cmpi ne, %sign3A_343, %sign3A_350 : i32
        %rem3A_352 = arith.remsi %squeeze3A_334, %jit3A_335 : i32
        %ne3A_353 = arith.constant 0 : i32
        %ne3A_354 = arith.cmpi ne, %rem3A_352, %ne3A_353 : i32
        %and3A_355 = arith.andi %ne3A_351, %ne3A_354 : i1
        %sub3A_356 = arith.constant 1 : i32
        %sub3A_357 = arith.subi %div3A_336, %sub3A_356 : i32
        %select_n3A_358 = arith.select %and3A_355, %sub3A_357, %div3A_336 : i32
        %mul3A_359 = arith.constant 16 : i32
        %mul3A_360 = arith.muli %select_n3A_358, %mul3A_359 : i32
        %sub3A_361 = arith.subi %squeeze3A_334, %mul3A_360 : i32
        %eq3A_362 = vector.broadcast %sub3A_361 : i32 to vector<16xi32>
        %eq3A_363 = arith.cmpi eq, %iota3A, %eq3A_362 : vector<16xi32>
        %jit3A_364 = arith.constant 1.000000e+00 : f32
        %jit3A_365 = arith.constant 0.000000e+00 : f32
        %broadcast_in_dim3A_366 = vector.broadcast %jit3A_364 : f32 to vector<16xf32>
        %broadcast_in_dim3A_367 = vector.broadcast %jit3A_365 : f32 to vector<16xf32>
        %select_n3A_368 = arith.select %eq3A_363, %broadcast_in_dim3A_366, %broadcast_in_dim3A_367 : vector<16xi1>, vector<16xf32>
        %get3A_369 = arith.index_cast %mul3A_360 : i32 to index
        %get3A_370 = tpu.vector_load %arg13[%get3A_369] {strides = array<i32>} : memref<10240xf32, #tpu.memory_space<vmem>>, vector<16xf32>,
        %get3A_371 = vector.shape_cast %get3A_370 : vector<16xf32> to vector<16xf32>
        %add3A_372 = arith.addf %get3A_371, %select_n3A_368 : vector<16xf32>
        %swap3A_373 = arith.index_cast %mul3A_360 : i32 to index
        %swap3A_374 = tpu.vector_load %arg13[%swap3A_373] {strides = array<i32>} : memref<10240xf32, #tpu.memory_space<vmem>>, vector<16xf32>,
        %swap3A_375 = vector.shape_cast %swap3A_374 : vector<16xf32> to vector<16xf32>
        %swap3A_376 = vector.shape_cast %add3A_372 : vector<16xf32> to vector<16xf32>
        tpu.vector_store %arg13[%swap3A_373], %swap3A_376 {strides = array<i32>} : memref<10240xf32, #tpu.memory_space<vmem>>, vector<16xf32>,
        %slice3A_377 = vector.extract_strided_slice %get3A_301 {offsets = [2], sizes = [1], strides = [1]} : vector<16xi32> to vector<1xi32>
        %squeeze3A_378 = vector.extract %slice3A_377[0] : i32 from vector<1xi32>
        %jit3A_379 = arith.constant 16 : i32
        %div3A_380 = arith.divsi %squeeze3A_378, %jit3A_379 : i32
        %sign3A_381 = arith.constant 0 : i32
        %sign3A_382 = arith.cmpi sgt, %squeeze3A_378, %sign3A_381 : i32
        %sign3A_383 = arith.extui %sign3A_382 : i1 to i32
        %sign3A_384 = arith.constant 0 : i32
        %sign3A_385 = arith.cmpi slt, %squeeze3A_378, %sign3A_384 : i32
        %sign3A_386 = arith.extui %sign3A_385 : i1 to i32
        %sign3A_387 = arith.subi %sign3A_383, %sign3A_386 : i32
        %sign3A_388 = arith.constant 0 : i32
        %sign3A_389 = arith.cmpi sgt, %jit3A_379, %sign3A_388 : i32
        %sign3A_390 = arith.extui %sign3A_389 : i1 to i32
        %sign3A_391 = arith.constant 0 : i32
        %sign3A_392 = arith.cmpi slt, %jit3A_379, %sign3A_391 : i32
        %sign3A_393 = arith.extui %sign3A_392 : i1 to i32
        %sign3A_394 = arith.subi %sign3A_390, %sign3A_393 : i32
        %ne3A_395 = arith.cmpi ne, %sign3A_387, %sign3A_394 : i32
        %rem3A_396 = arith.remsi %squeeze3A_378, %jit3A_379 : i32
        %ne3A_397 = arith.constant 0 : i32
        %ne3A_398 = arith.cmpi ne, %rem3A_396, %ne3A_397 : i32
        %and3A_399 = arith.andi %ne3A_395, %ne3A_398 : i1
        %sub3A_400 = arith.constant 1 : i32
        %sub3A_401 = arith.subi %div3A_380, %sub3A_400 : i32
        %select_n3A_402 = arith.select %and3A_399, %sub3A_401, %div3A_380 : i32
        %mul3A_403 = arith.constant 16 : i32
        %mul3A_404 = arith.muli %select_n3A_402, %mul3A_403 : i32
        %sub3A_405 = arith.subi %squeeze3A_378, %mul3A_404 : i32
        %eq3A_406 = vector.broadcast %sub3A_405 : i32 to vector<16xi32>
        %eq3A_407 = arith.cmpi eq, %iota3A, %eq3A_406 : vector<16xi32>
        %jit3A_408 = arith.constant 1.000000e+00 : f32
        %jit3A_409 = arith.constant 0.000000e+00 : f32
        %broadcast_in_dim3A_410 = vector.broadcast %jit3A_408 : f32 to vector<16xf32>
        %broadcast_in_dim3A_411 = vector.broadcast %jit3A_409 : f32 to vector<16xf32>
        %select_n3A_412 = arith.select %eq3A_407, %broadcast_in_dim3A_410, %broadcast_in_dim3A_411 : vector<16xi1>, vector<16xf32>
        %get3A_413 = arith.index_cast %mul3A_404 : i32 to index
        %get3A_414 = tpu.vector_load %arg13[%get3A_413] {strides = array<i32>} : memref<10240xf32, #tpu.memory_space<vmem>>, vector<16xf32>,
        %get3A_415 = vector.shape_cast %get3A_414 : vector<16xf32> to vector<16xf32>
        %add3A_416 = arith.addf %get3A_415, %select_n3A_412 : vector<16xf32>
        %swap3A_417 = arith.index_cast %mul3A_404 : i32 to index
        %swap3A_418 = tpu.vector_load %arg13[%swap3A_417] {strides = array<i32>} : memref<10240xf32, #tpu.memory_space<vmem>>, vector<16xf32>,
        %swap3A_419 = vector.shape_cast %swap3A_418 : vector<16xf32> to vector<16xf32>
        %swap3A_420 = vector.shape_cast %add3A_416 : vector<16xf32> to vector<16xf32>
        tpu.vector_store %arg13[%swap3A_417], %swap3A_420 {strides = array<i32>} : memref<10240xf32, #tpu.memory_space<vmem>>, vector<16xf32>,
        %slice3A_421 = vector.extract_strided_slice %get3A_301 {offsets = [3], sizes = [1], strides = [1]} : vector<16xi32> to vector<1xi32>
        %squeeze3A_422 = vector.extract %slice3A_421[0] : i32 from vector<1xi32>
        %jit3A_423 = arith.constant 16 : i32
        %div3A_424 = arith.divsi %squeeze3A_422, %jit3A_423 : i32
        %sign3A_425 = arith.constant 0 : i32
        %sign3A_426 = arith.cmpi sgt, %squeeze3A_422, %sign3A_425 : i32
        %sign3A_427 = arith.extui %sign3A_426 : i1 to i32
        %sign3A_428 = arith.constant 0 : i32
        %sign3A_429 = arith.cmpi slt, %squeeze3A_422, %sign3A_428 : i32
        %sign3A_430 = arith.extui %sign3A_429 : i1 to i32
        %sign3A_431 = arith.subi %sign3A_427, %sign3A_430 : i32
        %sign3A_432 = arith.constant 0 : i32
        %sign3A_433 = arith.cmpi sgt, %jit3A_423, %sign3A_432 : i32
        %sign3A_434 = arith.extui %sign3A_433 : i1 to i32
        %sign3A_435 = arith.constant 0 : i32
        %sign3A_436 = arith.cmpi slt, %jit3A_423, %sign3A_435 : i32
        %sign3A_437 = arith.extui %sign3A_436 : i1 to i32
        %sign3A_438 = arith.subi %sign3A_434, %sign3A_437 : i32
        %ne3A_439 = arith.cmpi ne, %sign3A_431, %sign3A_438 : i32
        %rem3A_440 = arith.remsi %squeeze3A_422, %jit3A_423 : i32
        %ne3A_441 = arith.constant 0 : i32
        %ne3A_442 = arith.cmpi ne, %rem3A_440, %ne3A_441 : i32
        %and3A_443 = arith.andi %ne3A_439, %ne3A_442 : i1
        %sub3A_444 = arith.constant 1 : i32
        %sub3A_445 = arith.subi %div3A_424, %sub3A_444 : i32
        %select_n3A_446 = arith.select %and3A_443, %sub3A_445, %div3A_424 : i32
        %mul3A_447 = arith.constant 16 : i32
        %mul3A_448 = arith.muli %select_n3A_446, %mul3A_447 : i32
        %sub3A_449 = arith.subi %squeeze3A_422, %mul3A_448 : i32
        %eq3A_450 = vector.broadcast %sub3A_449 : i32 to vector<16xi32>
        %eq3A_451 = arith.cmpi eq, %iota3A, %eq3A_450 : vector<16xi32>
        %jit3A_452 = arith.constant 1.000000e+00 : f32
        %jit3A_453 = arith.constant 0.000000e+00 : f32
        %broadcast_in_dim3A_454 = vector.broadcast %jit3A_452 : f32 to vector<16xf32>
        %broadcast_in_dim3A_455 = vector.broadcast %jit3A_453 : f32 to vector<16xf32>
        %select_n3A_456 = arith.select %eq3A_451, %broadcast_in_dim3A_454, %broadcast_in_dim3A_455 : vector<16xi1>, vector<16xf32>
        %get3A_457 = arith.index_cast %mul3A_448 : i32 to index
        %get3A_458 = tpu.vector_load %arg13[%get3A_457] {strides = array<i32>} : memref<10240xf32, #tpu.memory_space<vmem>>, vector<16xf32>,
        %get3A_459 = vector.shape_cast %get3A_458 : vector<16xf32> to vector<16xf32>
        %add3A_460 = arith.addf %get3A_459, %select_n3A_456 : vector<16xf32>
        %swap3A_461 = arith.index_cast %mul3A_448 : i32 to index
        %swap3A_462 = tpu.vector_load %arg13[%swap3A_461] {strides = array<i32>} : memref<10240xf32, #tpu.memory_space<vmem>>, vector<16xf32>,
        %swap3A_463 = vector.shape_cast %swap3A_462 : vector<16xf32> to vector<16xf32>
        %swap3A_464 = vector.shape_cast %add3A_460 : vector<16xf32> to vector<16xf32>
        tpu.vector_store %arg13[%swap3A_461], %swap3A_464 {strides = array<i32>} : memref<10240xf32, #tpu.memory_space<vmem>>, vector<16xf32>,
        %slice3A_465 = vector.extract_strided_slice %get3A_301 {offsets = [4], sizes = [1], strides = [1]} : vector<16xi32> to vector<1xi32>
        %squeeze3A_466 = vector.extract %slice3A_465[0] : i32 from vector<1xi32>
        %jit3A_467 = arith.constant 16 : i32
        %div3A_468 = arith.divsi %squeeze3A_466, %jit3A_467 : i32
        %sign3A_469 = arith.constant 0 : i32
        %sign3A_470 = arith.cmpi sgt, %squeeze3A_466, %sign3A_469 : i32
        %sign3A_471 = arith.extui %sign3A_470 : i1 to i32
        %sign3A_472 = arith.constant 0 : i32
        %sign3A_473 = arith.cmpi slt, %squeeze3A_466, %sign3A_472 : i32
        %sign3A_474 = arith.extui %sign3A_473 : i1 to i32
        %sign3A_475 = arith.subi %sign3A_471, %sign3A_474 : i32
        %sign3A_476 = arith.constant 0 : i32
        %sign3A_477 = arith.cmpi sgt, %jit3A_467, %sign3A_476 : i32
        %sign3A_478 = arith.extui %sign3A_477 : i1 to i32
        %sign3A_479 = arith.constant 0 : i32
        %sign3A_480 = arith.cmpi slt, %jit3A_467, %sign3A_479 : i32
        %sign3A_481 = arith.extui %sign3A_480 : i1 to i32
        %sign3A_482 = arith.subi %sign3A_478, %sign3A_481 : i32
        %ne3A_483 = arith.cmpi ne, %sign3A_475, %sign3A_482 : i32
        %rem3A_484 = arith.remsi %squeeze3A_466, %jit3A_467 : i32
        %ne3A_485 = arith.constant 0 : i32
        %ne3A_486 = arith.cmpi ne, %rem3A_484, %ne3A_485 : i32
        %and3A_487 = arith.andi %ne3A_483, %ne3A_486 : i1
        %sub3A_488 = arith.constant 1 : i32
        %sub3A_489 = arith.subi %div3A_468, %sub3A_488 : i32
        %select_n3A_490 = arith.select %and3A_487, %sub3A_489, %div3A_468 : i32
        %mul3A_491 = arith.constant 16 : i32
        %mul3A_492 = arith.muli %select_n3A_490, %mul3A_491 : i32
        %sub3A_493 = arith.subi %squeeze3A_466, %mul3A_492 : i32
        %eq3A_494 = vector.broadcast %sub3A_493 : i32 to vector<16xi32>
        %eq3A_495 = arith.cmpi eq, %iota3A, %eq3A_494 : vector<16xi32>
        %jit3A_496 = arith.constant 1.000000e+00 : f32
        %jit3A_497 = arith.constant 0.000000e+00 : f32
        %broadcast_in_dim3A_498 = vector.broadcast %jit3A_496 : f32 to vector<16xf32>
        %broadcast_in_dim3A_499 = vector.broadcast %jit3A_497 : f32 to vector<16xf32>
        %select_n3A_500 = arith.select %eq3A_495, %broadcast_in_dim3A_498, %broadcast_in_dim3A_499 : vector<16xi1>, vector<16xf32>
        %get3A_501 = arith.index_cast %mul3A_492 : i32 to index
        %get3A_502 = tpu.vector_load %arg13[%get3A_501] {strides = array<i32>} : memref<10240xf32, #tpu.memory_space<vmem>>, vector<16xf32>,
        %get3A_503 = vector.shape_cast %get3A_502 : vector<16xf32> to vector<16xf32>
        %add3A_504 = arith.addf %get3A_503, %select_n3A_500 : vector<16xf32>
        %swap3A_505 = arith.index_cast %mul3A_492 : i32 to index
        %swap3A_506 = tpu.vector_load %arg13[%swap3A_505] {strides = array<i32>} : memref<10240xf32, #tpu.memory_space<vmem>>, vector<16xf32>,
        %swap3A_507 = vector.shape_cast %swap3A_506 : vector<16xf32> to vector<16xf32>
        %swap3A_508 = vector.shape_cast %add3A_504 : vector<16xf32> to vector<16xf32>
        tpu.vector_store %arg13[%swap3A_505], %swap3A_508 {strides = array<i32>} : memref<10240xf32, #tpu.memory_space<vmem>>, vector<16xf32>,
        %slice3A_509 = vector.extract_strided_slice %get3A_301 {offsets = [5], sizes = [1], strides = [1]} : vector<16xi32> to vector<1xi32>
        %squeeze3A_510 = vector.extract %slice3A_509[0] : i32 from vector<1xi32>
        %jit3A_511 = arith.constant 16 : i32
        %div3A_512 = arith.divsi %squeeze3A_510, %jit3A_511 : i32
        %sign3A_513 = arith.constant 0 : i32
        %sign3A_514 = arith.cmpi sgt, %squeeze3A_510, %sign3A_513 : i32
        %sign3A_515 = arith.extui %sign3A_514 : i1 to i32
        %sign3A_516 = arith.constant 0 : i32
        %sign3A_517 = arith.cmpi slt, %squeeze3A_510, %sign3A_516 : i32
        %sign3A_518 = arith.extui %sign3A_517 : i1 to i32
        %sign3A_519 = arith.subi %sign3A_515, %sign3A_518 : i32
        %sign3A_520 = arith.constant 0 : i32
        %sign3A_521 = arith.cmpi sgt, %jit3A_511, %sign3A_520 : i32
        %sign3A_522 = arith.extui %sign3A_521 : i1 to i32
        %sign3A_523 = arith.constant 0 : i32
        %sign3A_524 = arith.cmpi slt, %jit3A_511, %sign3A_523 : i32
        %sign3A_525 = arith.extui %sign3A_524 : i1 to i32
        %sign3A_526 = arith.subi %sign3A_522, %sign3A_525 : i32
        %ne3A_527 = arith.cmpi ne, %sign3A_519, %sign3A_526 : i32
        %rem3A_528 = arith.remsi %squeeze3A_510, %jit3A_511 : i32
        %ne3A_529 = arith.constant 0 : i32
        %ne3A_530 = arith.cmpi ne, %rem3A_528, %ne3A_529 : i32
        %and3A_531 = arith.andi %ne3A_527, %ne3A_530 : i1
        %sub3A_532 = arith.constant 1 : i32
        %sub3A_533 = arith.subi %div3A_512, %sub3A_532 : i32
        %select_n3A_534 = arith.select %and3A_531, %sub3A_533, %div3A_512 : i32
        %mul3A_535 = arith.constant 16 : i32
        %mul3A_536 = arith.muli %select_n3A_534, %mul3A_535 : i32
        %sub3A_537 = arith.subi %squeeze3A_510, %mul3A_536 : i32
        %eq3A_538 = vector.broadcast %sub3A_537 : i32 to vector<16xi32>
        %eq3A_539 = arith.cmpi eq, %iota3A, %eq3A_538 : vector<16xi32>
        %jit3A_540 = arith.constant 1.000000e+00 : f32
        %jit3A_541 = arith.constant 0.000000e+00 : f32
        %broadcast_in_dim3A_542 = vector.broadcast %jit3A_540 : f32 to vector<16xf32>
        %broadcast_in_dim3A_543 = vector.broadcast %jit3A_541 : f32 to vector<16xf32>
        %select_n3A_544 = arith.select %eq3A_539, %broadcast_in_dim3A_542, %broadcast_in_dim3A_543 : vector<16xi1>, vector<16xf32>
        %get3A_545 = arith.index_cast %mul3A_536 : i32 to index
        %get3A_546 = tpu.vector_load %arg13[%get3A_545] {strides = array<i32>} : memref<10240xf32, #tpu.memory_space<vmem>>, vector<16xf32>,
        %get3A_547 = vector.shape_cast %get3A_546 : vector<16xf32> to vector<16xf32>
        %add3A_548 = arith.addf %get3A_547, %select_n3A_544 : vector<16xf32>
        %swap3A_549 = arith.index_cast %mul3A_536 : i32 to index
        %swap3A_550 = tpu.vector_load %arg13[%swap3A_549] {strides = array<i32>} : memref<10240xf32, #tpu.memory_space<vmem>>, vector<16xf32>,
        %swap3A_551 = vector.shape_cast %swap3A_550 : vector<16xf32> to vector<16xf32>
        %swap3A_552 = vector.shape_cast %add3A_548 : vector<16xf32> to vector<16xf32>
        tpu.vector_store %arg13[%swap3A_549], %swap3A_552 {strides = array<i32>} : memref<10240xf32, #tpu.memory_space<vmem>>, vector<16xf32>,
        %slice3A_553 = vector.extract_strided_slice %get3A_301 {offsets = [6], sizes = [1], strides = [1]} : vector<16xi32> to vector<1xi32>
        %squeeze3A_554 = vector.extract %slice3A_553[0] : i32 from vector<1xi32>
        %jit3A_555 = arith.constant 16 : i32
        %div3A_556 = arith.divsi %squeeze3A_554, %jit3A_555 : i32
        %sign3A_557 = arith.constant 0 : i32
        %sign3A_558 = arith.cmpi sgt, %squeeze3A_554, %sign3A_557 : i32
        %sign3A_559 = arith.extui %sign3A_558 : i1 to i32
        %sign3A_560 = arith.constant 0 : i32
        %sign3A_561 = arith.cmpi slt, %squeeze3A_554, %sign3A_560 : i32
        %sign3A_562 = arith.extui %sign3A_561 : i1 to i32
        %sign3A_563 = arith.subi %sign3A_559, %sign3A_562 : i32
        %sign3A_564 = arith.constant 0 : i32
        %sign3A_565 = arith.cmpi sgt, %jit3A_555, %sign3A_564 : i32
        %sign3A_566 = arith.extui %sign3A_565 : i1 to i32
        %sign3A_567 = arith.constant 0 : i32
        %sign3A_568 = arith.cmpi slt, %jit3A_555, %sign3A_567 : i32
        %sign3A_569 = arith.extui %sign3A_568 : i1 to i32
        %sign3A_570 = arith.subi %sign3A_566, %sign3A_569 : i32
        %ne3A_571 = arith.cmpi ne, %sign3A_563, %sign3A_570 : i32
        %rem3A_572 = arith.remsi %squeeze3A_554, %jit3A_555 : i32
        %ne3A_573 = arith.constant 0 : i32
        %ne3A_574 = arith.cmpi ne, %rem3A_572, %ne3A_573 : i32
        %and3A_575 = arith.andi %ne3A_571, %ne3A_574 : i1
        %sub3A_576 = arith.constant 1 : i32
        %sub3A_577 = arith.subi %div3A_556, %sub3A_576 : i32
        %select_n3A_578 = arith.select %and3A_575, %sub3A_577, %div3A_556 : i32
        %mul3A_579 = arith.constant 16 : i32
        %mul3A_580 = arith.muli %select_n3A_578, %mul3A_579 : i32
        %sub3A_581 = arith.subi %squeeze3A_554, %mul3A_580 : i32
        %eq3A_582 = vector.broadcast %sub3A_581 : i32 to vector<16xi32>
        %eq3A_583 = arith.cmpi eq, %iota3A, %eq3A_582 : vector<16xi32>
        %jit3A_584 = arith.constant 1.000000e+00 : f32
        %jit3A_585 = arith.constant 0.000000e+00 : f32
        %broadcast_in_dim3A_586 = vector.broadcast %jit3A_584 : f32 to vector<16xf32>
        %broadcast_in_dim3A_587 = vector.broadcast %jit3A_585 : f32 to vector<16xf32>
        %select_n3A_588 = arith.select %eq3A_583, %broadcast_in_dim3A_586, %broadcast_in_dim3A_587 : vector<16xi1>, vector<16xf32>
        %get3A_589 = arith.index_cast %mul3A_580 : i32 to index
        %get3A_590 = tpu.vector_load %arg13[%get3A_589] {strides = array<i32>} : memref<10240xf32, #tpu.memory_space<vmem>>, vector<16xf32>,
        %get3A_591 = vector.shape_cast %get3A_590 : vector<16xf32> to vector<16xf32>
        %add3A_592 = arith.addf %get3A_591, %select_n3A_588 : vector<16xf32>
        %swap3A_593 = arith.index_cast %mul3A_580 : i32 to index
        %swap3A_594 = tpu.vector_load %arg13[%swap3A_593] {strides = array<i32>} : memref<10240xf32, #tpu.memory_space<vmem>>, vector<16xf32>,
        %swap3A_595 = vector.shape_cast %swap3A_594 : vector<16xf32> to vector<16xf32>
        %swap3A_596 = vector.shape_cast %add3A_592 : vector<16xf32> to vector<16xf32>
        tpu.vector_store %arg13[%swap3A_593], %swap3A_596 {strides = array<i32>} : memref<10240xf32, #tpu.memory_space<vmem>>, vector<16xf32>,
        %slice3A_597 = vector.extract_strided_slice %get3A_301 {offsets = [7], sizes = [1], strides = [1]} : vector<16xi32> to vector<1xi32>
        %squeeze3A_598 = vector.extract %slice3A_597[0] : i32 from vector<1xi32>
        %jit3A_599 = arith.constant 16 : i32
        %div3A_600 = arith.divsi %squeeze3A_598, %jit3A_599 : i32
        %sign3A_601 = arith.constant 0 : i32
        %sign3A_602 = arith.cmpi sgt, %squeeze3A_598, %sign3A_601 : i32
        %sign3A_603 = arith.extui %sign3A_602 : i1 to i32
        %sign3A_604 = arith.constant 0 : i32
        %sign3A_605 = arith.cmpi slt, %squeeze3A_598, %sign3A_604 : i32
        %sign3A_606 = arith.extui %sign3A_605 : i1 to i32
        %sign3A_607 = arith.subi %sign3A_603, %sign3A_606 : i32
        %sign3A_608 = arith.constant 0 : i32
        %sign3A_609 = arith.cmpi sgt, %jit3A_599, %sign3A_608 : i32
        %sign3A_610 = arith.extui %sign3A_609 : i1 to i32
        %sign3A_611 = arith.constant 0 : i32
        %sign3A_612 = arith.cmpi slt, %jit3A_599, %sign3A_611 : i32
        %sign3A_613 = arith.extui %sign3A_612 : i1 to i32
        %sign3A_614 = arith.subi %sign3A_610, %sign3A_613 : i32
        %ne3A_615 = arith.cmpi ne, %sign3A_607, %sign3A_614 : i32
        %rem3A_616 = arith.remsi %squeeze3A_598, %jit3A_599 : i32
        %ne3A_617 = arith.constant 0 : i32
        %ne3A_618 = arith.cmpi ne, %rem3A_616, %ne3A_617 : i32
        %and3A_619 = arith.andi %ne3A_615, %ne3A_618 : i1
        %sub3A_620 = arith.constant 1 : i32
        %sub3A_621 = arith.subi %div3A_600, %sub3A_620 : i32
        %select_n3A_622 = arith.select %and3A_619, %sub3A_621, %div3A_600 : i32
        %mul3A_623 = arith.constant 16 : i32
        %mul3A_624 = arith.muli %select_n3A_622, %mul3A_623 : i32
        %sub3A_625 = arith.subi %squeeze3A_598, %mul3A_624 : i32
        %eq3A_626 = vector.broadcast %sub3A_625 : i32 to vector<16xi32>
        %eq3A_627 = arith.cmpi eq, %iota3A, %eq3A_626 : vector<16xi32>
        %jit3A_628 = arith.constant 1.000000e+00 : f32
        %jit3A_629 = arith.constant 0.000000e+00 : f32
        %broadcast_in_dim3A_630 = vector.broadcast %jit3A_628 : f32 to vector<16xf32>
        %broadcast_in_dim3A_631 = vector.broadcast %jit3A_629 : f32 to vector<16xf32>
        %select_n3A_632 = arith.select %eq3A_627, %broadcast_in_dim3A_630, %broadcast_in_dim3A_631 : vector<16xi1>, vector<16xf32>
        %get3A_633 = arith.index_cast %mul3A_624 : i32 to index
        %get3A_634 = tpu.vector_load %arg13[%get3A_633] {strides = array<i32>} : memref<10240xf32, #tpu.memory_space<vmem>>, vector<16xf32>,
        %get3A_635 = vector.shape_cast %get3A_634 : vector<16xf32> to vector<16xf32>
        %add3A_636 = arith.addf %get3A_635, %select_n3A_632 : vector<16xf32>
        %swap3A_637 = arith.index_cast %mul3A_624 : i32 to index
        %swap3A_638 = tpu.vector_load %arg13[%swap3A_637] {strides = array<i32>} : memref<10240xf32, #tpu.memory_space<vmem>>, vector<16xf32>,
        %swap3A_639 = vector.shape_cast %swap3A_638 : vector<16xf32> to vector<16xf32>
        %swap3A_640 = vector.shape_cast %add3A_636 : vector<16xf32> to vector<16xf32>
        tpu.vector_store %arg13[%swap3A_637], %swap3A_640 {strides = array<i32>} : memref<10240xf32, #tpu.memory_space<vmem>>, vector<16xf32>,
        %slice3A_641 = vector.extract_strided_slice %get3A_301 {offsets = [8], sizes = [1], strides = [1]} : vector<16xi32> to vector<1xi32>
        %squeeze3A_642 = vector.extract %slice3A_641[0] : i32 from vector<1xi32>
        %jit3A_643 = arith.constant 16 : i32
        %div3A_644 = arith.divsi %squeeze3A_642, %jit3A_643 : i32
        %sign3A_645 = arith.constant 0 : i32
        %sign3A_646 = arith.cmpi sgt, %squeeze3A_642, %sign3A_645 : i32
        %sign3A_647 = arith.extui %sign3A_646 : i1 to i32
        %sign3A_648 = arith.constant 0 : i32
        %sign3A_649 = arith.cmpi slt, %squeeze3A_642, %sign3A_648 : i32
        %sign3A_650 = arith.extui %sign3A_649 : i1 to i32
        %sign3A_651 = arith.subi %sign3A_647, %sign3A_650 : i32
        %sign3A_652 = arith.constant 0 : i32
        %sign3A_653 = arith.cmpi sgt, %jit3A_643, %sign3A_652 : i32
        %sign3A_654 = arith.extui %sign3A_653 : i1 to i32
        %sign3A_655 = arith.constant 0 : i32
        %sign3A_656 = arith.cmpi slt, %jit3A_643, %sign3A_655 : i32
        %sign3A_657 = arith.extui %sign3A_656 : i1 to i32
        %sign3A_658 = arith.subi %sign3A_654, %sign3A_657 : i32
        %ne3A_659 = arith.cmpi ne, %sign3A_651, %sign3A_658 : i32
        %rem3A_660 = arith.remsi %squeeze3A_642, %jit3A_643 : i32
        %ne3A_661 = arith.constant 0 : i32
        %ne3A_662 = arith.cmpi ne, %rem3A_660, %ne3A_661 : i32
        %and3A_663 = arith.andi %ne3A_659, %ne3A_662 : i1
        %sub3A_664 = arith.constant 1 : i32
        %sub3A_665 = arith.subi %div3A_644, %sub3A_664 : i32
        %select_n3A_666 = arith.select %and3A_663, %sub3A_665, %div3A_644 : i32
        %mul3A_667 = arith.constant 16 : i32
        %mul3A_668 = arith.muli %select_n3A_666, %mul3A_667 : i32
        %sub3A_669 = arith.subi %squeeze3A_642, %mul3A_668 : i32
        %eq3A_670 = vector.broadcast %sub3A_669 : i32 to vector<16xi32>
        %eq3A_671 = arith.cmpi eq, %iota3A, %eq3A_670 : vector<16xi32>
        %jit3A_672 = arith.constant 1.000000e+00 : f32
        %jit3A_673 = arith.constant 0.000000e+00 : f32
        %broadcast_in_dim3A_674 = vector.broadcast %jit3A_672 : f32 to vector<16xf32>
        %broadcast_in_dim3A_675 = vector.broadcast %jit3A_673 : f32 to vector<16xf32>
        %select_n3A_676 = arith.select %eq3A_671, %broadcast_in_dim3A_674, %broadcast_in_dim3A_675 : vector<16xi1>, vector<16xf32>
        %get3A_677 = arith.index_cast %mul3A_668 : i32 to index
        %get3A_678 = tpu.vector_load %arg13[%get3A_677] {strides = array<i32>} : memref<10240xf32, #tpu.memory_space<vmem>>, vector<16xf32>,
        %get3A_679 = vector.shape_cast %get3A_678 : vector<16xf32> to vector<16xf32>
        %add3A_680 = arith.addf %get3A_679, %select_n3A_676 : vector<16xf32>
        %swap3A_681 = arith.index_cast %mul3A_668 : i32 to index
        %swap3A_682 = tpu.vector_load %arg13[%swap3A_681] {strides = array<i32>} : memref<10240xf32, #tpu.memory_space<vmem>>, vector<16xf32>,
        %swap3A_683 = vector.shape_cast %swap3A_682 : vector<16xf32> to vector<16xf32>
        %swap3A_684 = vector.shape_cast %add3A_680 : vector<16xf32> to vector<16xf32>
        tpu.vector_store %arg13[%swap3A_681], %swap3A_684 {strides = array<i32>} : memref<10240xf32, #tpu.memory_space<vmem>>, vector<16xf32>,
        %slice3A_685 = vector.extract_strided_slice %get3A_301 {offsets = [9], sizes = [1], strides = [1]} : vector<16xi32> to vector<1xi32>
        %squeeze3A_686 = vector.extract %slice3A_685[0] : i32 from vector<1xi32>
        %jit3A_687 = arith.constant 16 : i32
        %div3A_688 = arith.divsi %squeeze3A_686, %jit3A_687 : i32
        %sign3A_689 = arith.constant 0 : i32
        %sign3A_690 = arith.cmpi sgt, %squeeze3A_686, %sign3A_689 : i32
        %sign3A_691 = arith.extui %sign3A_690 : i1 to i32
        %sign3A_692 = arith.constant 0 : i32
        %sign3A_693 = arith.cmpi slt, %squeeze3A_686, %sign3A_692 : i32
        %sign3A_694 = arith.extui %sign3A_693 : i1 to i32
        %sign3A_695 = arith.subi %sign3A_691, %sign3A_694 : i32
        %sign3A_696 = arith.constant 0 : i32
        %sign3A_697 = arith.cmpi sgt, %jit3A_687, %sign3A_696 : i32
        %sign3A_698 = arith.extui %sign3A_697 : i1 to i32
        %sign3A_699 = arith.constant 0 : i32
        %sign3A_700 = arith.cmpi slt, %jit3A_687, %sign3A_699 : i32
        %sign3A_701 = arith.extui %sign3A_700 : i1 to i32
        %sign3A_702 = arith.subi %sign3A_698, %sign3A_701 : i32
        %ne3A_703 = arith.cmpi ne, %sign3A_695, %sign3A_702 : i32
        %rem3A_704 = arith.remsi %squeeze3A_686, %jit3A_687 : i32
        %ne3A_705 = arith.constant 0 : i32
        %ne3A_706 = arith.cmpi ne, %rem3A_704, %ne3A_705 : i32
        %and3A_707 = arith.andi %ne3A_703, %ne3A_706 : i1
        %sub3A_708 = arith.constant 1 : i32
        %sub3A_709 = arith.subi %div3A_688, %sub3A_708 : i32
        %select_n3A_710 = arith.select %and3A_707, %sub3A_709, %div3A_688 : i32
        %mul3A_711 = arith.constant 16 : i32
        %mul3A_712 = arith.muli %select_n3A_710, %mul3A_711 : i32
        %sub3A_713 = arith.subi %squeeze3A_686, %mul3A_712 : i32
        %eq3A_714 = vector.broadcast %sub3A_713 : i32 to vector<16xi32>
        %eq3A_715 = arith.cmpi eq, %iota3A, %eq3A_714 : vector<16xi32>
        %jit3A_716 = arith.constant 1.000000e+00 : f32
        %jit3A_717 = arith.constant 0.000000e+00 : f32
        %broadcast_in_dim3A_718 = vector.broadcast %jit3A_716 : f32 to vector<16xf32>
        %broadcast_in_dim3A_719 = vector.broadcast %jit3A_717 : f32 to vector<16xf32>
        %select_n3A_720 = arith.select %eq3A_715, %broadcast_in_dim3A_718, %broadcast_in_dim3A_719 : vector<16xi1>, vector<16xf32>
        %get3A_721 = arith.index_cast %mul3A_712 : i32 to index
        %get3A_722 = tpu.vector_load %arg13[%get3A_721] {strides = array<i32>} : memref<10240xf32, #tpu.memory_space<vmem>>, vector<16xf32>,
        %get3A_723 = vector.shape_cast %get3A_722 : vector<16xf32> to vector<16xf32>
        %add3A_724 = arith.addf %get3A_723, %select_n3A_720 : vector<16xf32>
        %swap3A_725 = arith.index_cast %mul3A_712 : i32 to index
        %swap3A_726 = tpu.vector_load %arg13[%swap3A_725] {strides = array<i32>} : memref<10240xf32, #tpu.memory_space<vmem>>, vector<16xf32>,
        %swap3A_727 = vector.shape_cast %swap3A_726 : vector<16xf32> to vector<16xf32>
        %swap3A_728 = vector.shape_cast %add3A_724 : vector<16xf32> to vector<16xf32>
        tpu.vector_store %arg13[%swap3A_725], %swap3A_728 {strides = array<i32>} : memref<10240xf32, #tpu.memory_space<vmem>>, vector<16xf32>,
        %slice3A_729 = vector.extract_strided_slice %get3A_301 {offsets = [10], sizes = [1], strides = [1]} : vector<16xi32> to vector<1xi32>
        %squeeze3A_730 = vector.extract %slice3A_729[0] : i32 from vector<1xi32>
        %jit3A_731 = arith.constant 16 : i32
        %div3A_732 = arith.divsi %squeeze3A_730, %jit3A_731 : i32
        %sign3A_733 = arith.constant 0 : i32
        %sign3A_734 = arith.cmpi sgt, %squeeze3A_730, %sign3A_733 : i32
        %sign3A_735 = arith.extui %sign3A_734 : i1 to i32
        %sign3A_736 = arith.constant 0 : i32
        %sign3A_737 = arith.cmpi slt, %squeeze3A_730, %sign3A_736 : i32
        %sign3A_738 = arith.extui %sign3A_737 : i1 to i32
        %sign3A_739 = arith.subi %sign3A_735, %sign3A_738 : i32
        %sign3A_740 = arith.constant 0 : i32
        %sign3A_741 = arith.cmpi sgt, %jit3A_731, %sign3A_740 : i32
        %sign3A_742 = arith.extui %sign3A_741 : i1 to i32
        %sign3A_743 = arith.constant 0 : i32
        %sign3A_744 = arith.cmpi slt, %jit3A_731, %sign3A_743 : i32
        %sign3A_745 = arith.extui %sign3A_744 : i1 to i32
        %sign3A_746 = arith.subi %sign3A_742, %sign3A_745 : i32
        %ne3A_747 = arith.cmpi ne, %sign3A_739, %sign3A_746 : i32
        %rem3A_748 = arith.remsi %squeeze3A_730, %jit3A_731 : i32
        %ne3A_749 = arith.constant 0 : i32
        %ne3A_750 = arith.cmpi ne, %rem3A_748, %ne3A_749 : i32
        %and3A_751 = arith.andi %ne3A_747, %ne3A_750 : i1
        %sub3A_752 = arith.constant 1 : i32
        %sub3A_753 = arith.subi %div3A_732, %sub3A_752 : i32
        %select_n3A_754 = arith.select %and3A_751, %sub3A_753, %div3A_732 : i32
        %mul3A_755 = arith.constant 16 : i32
        %mul3A_756 = arith.muli %select_n3A_754, %mul3A_755 : i32
        %sub3A_757 = arith.subi %squeeze3A_730, %mul3A_756 : i32
        %eq3A_758 = vector.broadcast %sub3A_757 : i32 to vector<16xi32>
        %eq3A_759 = arith.cmpi eq, %iota3A, %eq3A_758 : vector<16xi32>
        %jit3A_760 = arith.constant 1.000000e+00 : f32
        %jit3A_761 = arith.constant 0.000000e+00 : f32
        %broadcast_in_dim3A_762 = vector.broadcast %jit3A_760 : f32 to vector<16xf32>
        %broadcast_in_dim3A_763 = vector.broadcast %jit3A_761 : f32 to vector<16xf32>
        %select_n3A_764 = arith.select %eq3A_759, %broadcast_in_dim3A_762, %broadcast_in_dim3A_763 : vector<16xi1>, vector<16xf32>
        %get3A_765 = arith.index_cast %mul3A_756 : i32 to index
        %get3A_766 = tpu.vector_load %arg13[%get3A_765] {strides = array<i32>} : memref<10240xf32, #tpu.memory_space<vmem>>, vector<16xf32>,
        %get3A_767 = vector.shape_cast %get3A_766 : vector<16xf32> to vector<16xf32>
        %add3A_768 = arith.addf %get3A_767, %select_n3A_764 : vector<16xf32>
        %swap3A_769 = arith.index_cast %mul3A_756 : i32 to index
        %swap3A_770 = tpu.vector_load %arg13[%swap3A_769] {strides = array<i32>} : memref<10240xf32, #tpu.memory_space<vmem>>, vector<16xf32>,
        %swap3A_771 = vector.shape_cast %swap3A_770 : vector<16xf32> to vector<16xf32>
        %swap3A_772 = vector.shape_cast %add3A_768 : vector<16xf32> to vector<16xf32>
        tpu.vector_store %arg13[%swap3A_769], %swap3A_772 {strides = array<i32>} : memref<10240xf32, #tpu.memory_space<vmem>>, vector<16xf32>,
        %slice3A_773 = vector.extract_strided_slice %get3A_301 {offsets = [11], sizes = [1], strides = [1]} : vector<16xi32> to vector<1xi32>
        %squeeze3A_774 = vector.extract %slice3A_773[0] : i32 from vector<1xi32>
        %jit3A_775 = arith.constant 16 : i32
        %div3A_776 = arith.divsi %squeeze3A_774, %jit3A_775 : i32
        %sign3A_777 = arith.constant 0 : i32
        %sign3A_778 = arith.cmpi sgt, %squeeze3A_774, %sign3A_777 : i32
        %sign3A_779 = arith.extui %sign3A_778 : i1 to i32
        %sign3A_780 = arith.constant 0 : i32
        %sign3A_781 = arith.cmpi slt, %squeeze3A_774, %sign3A_780 : i32
        %sign3A_782 = arith.extui %sign3A_781 : i1 to i32
        %sign3A_783 = arith.subi %sign3A_779, %sign3A_782 : i32
        %sign3A_784 = arith.constant 0 : i32
        %sign3A_785 = arith.cmpi sgt, %jit3A_775, %sign3A_784 : i32
        %sign3A_786 = arith.extui %sign3A_785 : i1 to i32
        %sign3A_787 = arith.constant 0 : i32
        %sign3A_788 = arith.cmpi slt, %jit3A_775, %sign3A_787 : i32
        %sign3A_789 = arith.extui %sign3A_788 : i1 to i32
        %sign3A_790 = arith.subi %sign3A_786, %sign3A_789 : i32
        %ne3A_791 = arith.cmpi ne, %sign3A_783, %sign3A_790 : i32
        %rem3A_792 = arith.remsi %squeeze3A_774, %jit3A_775 : i32
        %ne3A_793 = arith.constant 0 : i32
        %ne3A_794 = arith.cmpi ne, %rem3A_792, %ne3A_793 : i32
        %and3A_795 = arith.andi %ne3A_791, %ne3A_794 : i1
        %sub3A_796 = arith.constant 1 : i32
        %sub3A_797 = arith.subi %div3A_776, %sub3A_796 : i32
        %select_n3A_798 = arith.select %and3A_795, %sub3A_797, %div3A_776 : i32
        %mul3A_799 = arith.constant 16 : i32
        %mul3A_800 = arith.muli %select_n3A_798, %mul3A_799 : i32
        %sub3A_801 = arith.subi %squeeze3A_774, %mul3A_800 : i32
        %eq3A_802 = vector.broadcast %sub3A_801 : i32 to vector<16xi32>
        %eq3A_803 = arith.cmpi eq, %iota3A, %eq3A_802 : vector<16xi32>
        %jit3A_804 = arith.constant 1.000000e+00 : f32
        %jit3A_805 = arith.constant 0.000000e+00 : f32
        %broadcast_in_dim3A_806 = vector.broadcast %jit3A_804 : f32 to vector<16xf32>
        %broadcast_in_dim3A_807 = vector.broadcast %jit3A_805 : f32 to vector<16xf32>
        %select_n3A_808 = arith.select %eq3A_803, %broadcast_in_dim3A_806, %broadcast_in_dim3A_807 : vector<16xi1>, vector<16xf32>
        %get3A_809 = arith.index_cast %mul3A_800 : i32 to index
        %get3A_810 = tpu.vector_load %arg13[%get3A_809] {strides = array<i32>} : memref<10240xf32, #tpu.memory_space<vmem>>, vector<16xf32>,
        %get3A_811 = vector.shape_cast %get3A_810 : vector<16xf32> to vector<16xf32>
        %add3A_812 = arith.addf %get3A_811, %select_n3A_808 : vector<16xf32>
        %swap3A_813 = arith.index_cast %mul3A_800 : i32 to index
        %swap3A_814 = tpu.vector_load %arg13[%swap3A_813] {strides = array<i32>} : memref<10240xf32, #tpu.memory_space<vmem>>, vector<16xf32>,
        %swap3A_815 = vector.shape_cast %swap3A_814 : vector<16xf32> to vector<16xf32>
        %swap3A_816 = vector.shape_cast %add3A_812 : vector<16xf32> to vector<16xf32>
        tpu.vector_store %arg13[%swap3A_813], %swap3A_816 {strides = array<i32>} : memref<10240xf32, #tpu.memory_space<vmem>>, vector<16xf32>,
        %slice3A_817 = vector.extract_strided_slice %get3A_301 {offsets = [12], sizes = [1], strides = [1]} : vector<16xi32> to vector<1xi32>
        %squeeze3A_818 = vector.extract %slice3A_817[0] : i32 from vector<1xi32>
        %jit3A_819 = arith.constant 16 : i32
        %div3A_820 = arith.divsi %squeeze3A_818, %jit3A_819 : i32
        %sign3A_821 = arith.constant 0 : i32
        %sign3A_822 = arith.cmpi sgt, %squeeze3A_818, %sign3A_821 : i32
        %sign3A_823 = arith.extui %sign3A_822 : i1 to i32
        %sign3A_824 = arith.constant 0 : i32
        %sign3A_825 = arith.cmpi slt, %squeeze3A_818, %sign3A_824 : i32
        %sign3A_826 = arith.extui %sign3A_825 : i1 to i32
        %sign3A_827 = arith.subi %sign3A_823, %sign3A_826 : i32
        %sign3A_828 = arith.constant 0 : i32
        %sign3A_829 = arith.cmpi sgt, %jit3A_819, %sign3A_828 : i32
        %sign3A_830 = arith.extui %sign3A_829 : i1 to i32
        %sign3A_831 = arith.constant 0 : i32
        %sign3A_832 = arith.cmpi slt, %jit3A_819, %sign3A_831 : i32
        %sign3A_833 = arith.extui %sign3A_832 : i1 to i32
        %sign3A_834 = arith.subi %sign3A_830, %sign3A_833 : i32
        %ne3A_835 = arith.cmpi ne, %sign3A_827, %sign3A_834 : i32
        %rem3A_836 = arith.remsi %squeeze3A_818, %jit3A_819 : i32
        %ne3A_837 = arith.constant 0 : i32
        %ne3A_838 = arith.cmpi ne, %rem3A_836, %ne3A_837 : i32
        %and3A_839 = arith.andi %ne3A_835, %ne3A_838 : i1
        %sub3A_840 = arith.constant 1 : i32
        %sub3A_841 = arith.subi %div3A_820, %sub3A_840 : i32
        %select_n3A_842 = arith.select %and3A_839, %sub3A_841, %div3A_820 : i32
        %mul3A_843 = arith.constant 16 : i32
        %mul3A_844 = arith.muli %select_n3A_842, %mul3A_843 : i32
        %sub3A_845 = arith.subi %squeeze3A_818, %mul3A_844 : i32
        %eq3A_846 = vector.broadcast %sub3A_845 : i32 to vector<16xi32>
        %eq3A_847 = arith.cmpi eq, %iota3A, %eq3A_846 : vector<16xi32>
        %jit3A_848 = arith.constant 1.000000e+00 : f32
        %jit3A_849 = arith.constant 0.000000e+00 : f32
        %broadcast_in_dim3A_850 = vector.broadcast %jit3A_848 : f32 to vector<16xf32>
        %broadcast_in_dim3A_851 = vector.broadcast %jit3A_849 : f32 to vector<16xf32>
        %select_n3A_852 = arith.select %eq3A_847, %broadcast_in_dim3A_850, %broadcast_in_dim3A_851 : vector<16xi1>, vector<16xf32>
        %get3A_853 = arith.index_cast %mul3A_844 : i32 to index
        %get3A_854 = tpu.vector_load %arg13[%get3A_853] {strides = array<i32>} : memref<10240xf32, #tpu.memory_space<vmem>>, vector<16xf32>,
        %get3A_855 = vector.shape_cast %get3A_854 : vector<16xf32> to vector<16xf32>
        %add3A_856 = arith.addf %get3A_855, %select_n3A_852 : vector<16xf32>
        %swap3A_857 = arith.index_cast %mul3A_844 : i32 to index
        %swap3A_858 = tpu.vector_load %arg13[%swap3A_857] {strides = array<i32>} : memref<10240xf32, #tpu.memory_space<vmem>>, vector<16xf32>,
        %swap3A_859 = vector.shape_cast %swap3A_858 : vector<16xf32> to vector<16xf32>
        %swap3A_860 = vector.shape_cast %add3A_856 : vector<16xf32> to vector<16xf32>
        tpu.vector_store %arg13[%swap3A_857], %swap3A_860 {strides = array<i32>} : memref<10240xf32, #tpu.memory_space<vmem>>, vector<16xf32>,
        %slice3A_861 = vector.extract_strided_slice %get3A_301 {offsets = [13], sizes = [1], strides = [1]} : vector<16xi32> to vector<1xi32>
        %squeeze3A_862 = vector.extract %slice3A_861[0] : i32 from vector<1xi32>
        %jit3A_863 = arith.constant 16 : i32
        %div3A_864 = arith.divsi %squeeze3A_862, %jit3A_863 : i32
        %sign3A_865 = arith.constant 0 : i32
        %sign3A_866 = arith.cmpi sgt, %squeeze3A_862, %sign3A_865 : i32
        %sign3A_867 = arith.extui %sign3A_866 : i1 to i32
        %sign3A_868 = arith.constant 0 : i32
        %sign3A_869 = arith.cmpi slt, %squeeze3A_862, %sign3A_868 : i32
        %sign3A_870 = arith.extui %sign3A_869 : i1 to i32
        %sign3A_871 = arith.subi %sign3A_867, %sign3A_870 : i32
        %sign3A_872 = arith.constant 0 : i32
        %sign3A_873 = arith.cmpi sgt, %jit3A_863, %sign3A_872 : i32
        %sign3A_874 = arith.extui %sign3A_873 : i1 to i32
        %sign3A_875 = arith.constant 0 : i32
        %sign3A_876 = arith.cmpi slt, %jit3A_863, %sign3A_875 : i32
        %sign3A_877 = arith.extui %sign3A_876 : i1 to i32
        %sign3A_878 = arith.subi %sign3A_874, %sign3A_877 : i32
        %ne3A_879 = arith.cmpi ne, %sign3A_871, %sign3A_878 : i32
        %rem3A_880 = arith.remsi %squeeze3A_862, %jit3A_863 : i32
        %ne3A_881 = arith.constant 0 : i32
        %ne3A_882 = arith.cmpi ne, %rem3A_880, %ne3A_881 : i32
        %and3A_883 = arith.andi %ne3A_879, %ne3A_882 : i1
        %sub3A_884 = arith.constant 1 : i32
        %sub3A_885 = arith.subi %div3A_864, %sub3A_884 : i32
        %select_n3A_886 = arith.select %and3A_883, %sub3A_885, %div3A_864 : i32
        %mul3A_887 = arith.constant 16 : i32
        %mul3A_888 = arith.muli %select_n3A_886, %mul3A_887 : i32
        %sub3A_889 = arith.subi %squeeze3A_862, %mul3A_888 : i32
        %eq3A_890 = vector.broadcast %sub3A_889 : i32 to vector<16xi32>
        %eq3A_891 = arith.cmpi eq, %iota3A, %eq3A_890 : vector<16xi32>
        %jit3A_892 = arith.constant 1.000000e+00 : f32
        %jit3A_893 = arith.constant 0.000000e+00 : f32
        %broadcast_in_dim3A_894 = vector.broadcast %jit3A_892 : f32 to vector<16xf32>
        %broadcast_in_dim3A_895 = vector.broadcast %jit3A_893 : f32 to vector<16xf32>
        %select_n3A_896 = arith.select %eq3A_891, %broadcast_in_dim3A_894, %broadcast_in_dim3A_895 : vector<16xi1>, vector<16xf32>
        %get3A_897 = arith.index_cast %mul3A_888 : i32 to index
        %get3A_898 = tpu.vector_load %arg13[%get3A_897] {strides = array<i32>} : memref<10240xf32, #tpu.memory_space<vmem>>, vector<16xf32>,
        %get3A_899 = vector.shape_cast %get3A_898 : vector<16xf32> to vector<16xf32>
        %add3A_900 = arith.addf %get3A_899, %select_n3A_896 : vector<16xf32>
        %swap3A_901 = arith.index_cast %mul3A_888 : i32 to index
        %swap3A_902 = tpu.vector_load %arg13[%swap3A_901] {strides = array<i32>} : memref<10240xf32, #tpu.memory_space<vmem>>, vector<16xf32>,
        %swap3A_903 = vector.shape_cast %swap3A_902 : vector<16xf32> to vector<16xf32>
        %swap3A_904 = vector.shape_cast %add3A_900 : vector<16xf32> to vector<16xf32>
        tpu.vector_store %arg13[%swap3A_901], %swap3A_904 {strides = array<i32>} : memref<10240xf32, #tpu.memory_space<vmem>>, vector<16xf32>,
        %slice3A_905 = vector.extract_strided_slice %get3A_301 {offsets = [14], sizes = [1], strides = [1]} : vector<16xi32> to vector<1xi32>
        %squeeze3A_906 = vector.extract %slice3A_905[0] : i32 from vector<1xi32>
        %jit3A_907 = arith.constant 16 : i32
        %div3A_908 = arith.divsi %squeeze3A_906, %jit3A_907 : i32
        %sign3A_909 = arith.constant 0 : i32
        %sign3A_910 = arith.cmpi sgt, %squeeze3A_906, %sign3A_909 : i32
        %sign3A_911 = arith.extui %sign3A_910 : i1 to i32
        %sign3A_912 = arith.constant 0 : i32
        %sign3A_913 = arith.cmpi slt, %squeeze3A_906, %sign3A_912 : i32
        %sign3A_914 = arith.extui %sign3A_913 : i1 to i32
        %sign3A_915 = arith.subi %sign3A_911, %sign3A_914 : i32
        %sign3A_916 = arith.constant 0 : i32
        %sign3A_917 = arith.cmpi sgt, %jit3A_907, %sign3A_916 : i32
        %sign3A_918 = arith.extui %sign3A_917 : i1 to i32
        %sign3A_919 = arith.constant 0 : i32
        %sign3A_920 = arith.cmpi slt, %jit3A_907, %sign3A_919 : i32
        %sign3A_921 = arith.extui %sign3A_920 : i1 to i32
        %sign3A_922 = arith.subi %sign3A_918, %sign3A_921 : i32
        %ne3A_923 = arith.cmpi ne, %sign3A_915, %sign3A_922 : i32
        %rem3A_924 = arith.remsi %squeeze3A_906, %jit3A_907 : i32
        %ne3A_925 = arith.constant 0 : i32
        %ne3A_926 = arith.cmpi ne, %rem3A_924, %ne3A_925 : i32
        %and3A_927 = arith.andi %ne3A_923, %ne3A_926 : i1
        %sub3A_928 = arith.constant 1 : i32
        %sub3A_929 = arith.subi %div3A_908, %sub3A_928 : i32
        %select_n3A_930 = arith.select %and3A_927, %sub3A_929, %div3A_908 : i32
        %mul3A_931 = arith.constant 16 : i32
        %mul3A_932 = arith.muli %select_n3A_930, %mul3A_931 : i32
        %sub3A_933 = arith.subi %squeeze3A_906, %mul3A_932 : i32
        %eq3A_934 = vector.broadcast %sub3A_933 : i32 to vector<16xi32>
        %eq3A_935 = arith.cmpi eq, %iota3A, %eq3A_934 : vector<16xi32>
        %jit3A_936 = arith.constant 1.000000e+00 : f32
        %jit3A_937 = arith.constant 0.000000e+00 : f32
        %broadcast_in_dim3A_938 = vector.broadcast %jit3A_936 : f32 to vector<16xf32>
        %broadcast_in_dim3A_939 = vector.broadcast %jit3A_937 : f32 to vector<16xf32>
        %select_n3A_940 = arith.select %eq3A_935, %broadcast_in_dim3A_938, %broadcast_in_dim3A_939 : vector<16xi1>, vector<16xf32>
        %get3A_941 = arith.index_cast %mul3A_932 : i32 to index
        %get3A_942 = tpu.vector_load %arg13[%get3A_941] {strides = array<i32>} : memref<10240xf32, #tpu.memory_space<vmem>>, vector<16xf32>,
        %get3A_943 = vector.shape_cast %get3A_942 : vector<16xf32> to vector<16xf32>
        %add3A_944 = arith.addf %get3A_943, %select_n3A_940 : vector<16xf32>
        %swap3A_945 = arith.index_cast %mul3A_932 : i32 to index
        %swap3A_946 = tpu.vector_load %arg13[%swap3A_945] {strides = array<i32>} : memref<10240xf32, #tpu.memory_space<vmem>>, vector<16xf32>,
        %swap3A_947 = vector.shape_cast %swap3A_946 : vector<16xf32> to vector<16xf32>
        %swap3A_948 = vector.shape_cast %add3A_944 : vector<16xf32> to vector<16xf32>
        tpu.vector_store %arg13[%swap3A_945], %swap3A_948 {strides = array<i32>} : memref<10240xf32, #tpu.memory_space<vmem>>, vector<16xf32>,
        %slice3A_949 = vector.extract_strided_slice %get3A_301 {offsets = [15], sizes = [1], strides = [1]} : vector<16xi32> to vector<1xi32>
        %squeeze3A_950 = vector.extract %slice3A_949[0] : i32 from vector<1xi32>
        %jit3A_951 = arith.constant 16 : i32
        %div3A_952 = arith.divsi %squeeze3A_950, %jit3A_951 : i32
        %sign3A_953 = arith.constant 0 : i32
        %sign3A_954 = arith.cmpi sgt, %squeeze3A_950, %sign3A_953 : i32
        %sign3A_955 = arith.extui %sign3A_954 : i1 to i32
        %sign3A_956 = arith.constant 0 : i32
        %sign3A_957 = arith.cmpi slt, %squeeze3A_950, %sign3A_956 : i32
        %sign3A_958 = arith.extui %sign3A_957 : i1 to i32
        %sign3A_959 = arith.subi %sign3A_955, %sign3A_958 : i32
        %sign3A_960 = arith.constant 0 : i32
        %sign3A_961 = arith.cmpi sgt, %jit3A_951, %sign3A_960 : i32
        %sign3A_962 = arith.extui %sign3A_961 : i1 to i32
        %sign3A_963 = arith.constant 0 : i32
        %sign3A_964 = arith.cmpi slt, %jit3A_951, %sign3A_963 : i32
        %sign3A_965 = arith.extui %sign3A_964 : i1 to i32
        %sign3A_966 = arith.subi %sign3A_962, %sign3A_965 : i32
        %ne3A_967 = arith.cmpi ne, %sign3A_959, %sign3A_966 : i32
        %rem3A_968 = arith.remsi %squeeze3A_950, %jit3A_951 : i32
        %ne3A_969 = arith.constant 0 : i32
        %ne3A_970 = arith.cmpi ne, %rem3A_968, %ne3A_969 : i32
        %and3A_971 = arith.andi %ne3A_967, %ne3A_970 : i1
        %sub3A_972 = arith.constant 1 : i32
        %sub3A_973 = arith.subi %div3A_952, %sub3A_972 : i32
        %select_n3A_974 = arith.select %and3A_971, %sub3A_973, %div3A_952 : i32
        %mul3A_975 = arith.constant 16 : i32
        %mul3A_976 = arith.muli %select_n3A_974, %mul3A_975 : i32
        %sub3A_977 = arith.subi %squeeze3A_950, %mul3A_976 : i32
        %eq3A_978 = vector.broadcast %sub3A_977 : i32 to vector<16xi32>
        %eq3A_979 = arith.cmpi eq, %iota3A, %eq3A_978 : vector<16xi32>
        %jit3A_980 = arith.constant 1.000000e+00 : f32
        %jit3A_981 = arith.constant 0.000000e+00 : f32
        %broadcast_in_dim3A_982 = vector.broadcast %jit3A_980 : f32 to vector<16xf32>
        %broadcast_in_dim3A_983 = vector.broadcast %jit3A_981 : f32 to vector<16xf32>
        %select_n3A_984 = arith.select %eq3A_979, %broadcast_in_dim3A_982, %broadcast_in_dim3A_983 : vector<16xi1>, vector<16xf32>
        %get3A_985 = arith.index_cast %mul3A_976 : i32 to index
        %get3A_986 = tpu.vector_load %arg13[%get3A_985] {strides = array<i32>} : memref<10240xf32, #tpu.memory_space<vmem>>, vector<16xf32>,
        %get3A_987 = vector.shape_cast %get3A_986 : vector<16xf32> to vector<16xf32>
        %add3A_988 = arith.addf %get3A_987, %select_n3A_984 : vector<16xf32>
        %swap3A_989 = arith.index_cast %mul3A_976 : i32 to index
        %swap3A_990 = tpu.vector_load %arg13[%swap3A_989] {strides = array<i32>} : memref<10240xf32, #tpu.memory_space<vmem>>, vector<16xf32>,
        %swap3A_991 = vector.shape_cast %swap3A_990 : vector<16xf32> to vector<16xf32>
        %swap3A_992 = vector.shape_cast %add3A_988 : vector<16xf32> to vector<16xf32>
        tpu.vector_store %arg13[%swap3A_989], %swap3A_992 {strides = array<i32>} : memref<10240xf32, #tpu.memory_space<vmem>>, vector<16xf32>,
      }
      %scan3A_281 = arith.constant 8 : i32
      %scan3A_282 = arith.constant 0 : i32
      %scan3A_283 = arith.constant 0 : i32
      %scan3A_284 = arith.constant 8 : i32
      %scan3A_285 = arith.addi %scan3A_283, %scan3A_284 : i32
      %scan3A_286 = arith.constant 1 : i32
      scf.for %scan3A_293 = %scan3A_283 to %scan3A_285 step %scan3A_286  : i32 {
        %mul3A_294 = arith.constant 16 : i32
        %mul3A_295 = arith.muli %scan3A_293, %mul3A_294 : i32
        %get3A = arith.constant 1 : i32
        %get3A_296 = arith.constant 1 : i32
        %get3A_297 = arith.index_cast %get3A : i32 to index
        %get3A_298 = arith.index_cast %get3A_296 : i32 to index
        %get3A_299 = arith.index_cast %mul3A_295 : i32 to index
        %get3A_300 = tpu.vector_load %arg14[%get3A_297, %get3A_298, %get3A_299] {strides = array<i32>} : memref<2x2x128xi32, #tpu.memory_space<vmem>>, vector<1x1x16xi32>,
        %get3A_301 = vector.shape_cast %get3A_300 : vector<1x1x16xi32> to vector<16xi32>
        %slice3A = vector.extract_strided_slice %get3A_301 {offsets = [0], sizes = [1], strides = [1]} : vector<16xi32> to vector<1xi32>
        %squeeze3A = vector.extract %slice3A[0] : i32 from vector<1xi32>
        %jit3A = arith.constant 16 : i32
        %div3A = arith.divsi %squeeze3A, %jit3A : i32
        %sign3A = arith.constant 0 : i32
        %sign3A_302 = arith.cmpi sgt, %squeeze3A, %sign3A : i32
        %sign3A_303 = arith.extui %sign3A_302 : i1 to i32
        %sign3A_304 = arith.constant 0 : i32
        %sign3A_305 = arith.cmpi slt, %squeeze3A, %sign3A_304 : i32
        %sign3A_306 = arith.extui %sign3A_305 : i1 to i32
        %sign3A_307 = arith.subi %sign3A_303, %sign3A_306 : i32
        %sign3A_308 = arith.constant 0 : i32
        %sign3A_309 = arith.cmpi sgt, %jit3A, %sign3A_308 : i32
        %sign3A_310 = arith.extui %sign3A_309 : i1 to i32
        %sign3A_311 = arith.constant 0 : i32
        %sign3A_312 = arith.cmpi slt, %jit3A, %sign3A_311 : i32
        %sign3A_313 = arith.extui %sign3A_312 : i1 to i32
        %sign3A_314 = arith.subi %sign3A_310, %sign3A_313 : i32
        %ne3A = arith.cmpi ne, %sign3A_307, %sign3A_314 : i32
        %rem3A = arith.remsi %squeeze3A, %jit3A : i32
        %ne3A_315 = arith.constant 0 : i32
        %ne3A_316 = arith.cmpi ne, %rem3A, %ne3A_315 : i32
        %and3A = arith.andi %ne3A, %ne3A_316 : i1
        %sub3A = arith.constant 1 : i32
        %sub3A_317 = arith.subi %div3A, %sub3A : i32
        %select_n3A = arith.select %and3A, %sub3A_317, %div3A : i32
        %mul3A_318 = arith.constant 16 : i32
        %mul3A_319 = arith.muli %select_n3A, %mul3A_318 : i32
        %sub3A_320 = arith.subi %squeeze3A, %mul3A_319 : i32
        %eq3A = vector.broadcast %sub3A_320 : i32 to vector<16xi32>
        %eq3A_321 = arith.cmpi eq, %iota3A, %eq3A : vector<16xi32>
        %jit3A_322 = arith.constant 1.000000e+00 : f32
        %jit3A_323 = arith.constant 0.000000e+00 : f32
        %broadcast_in_dim3A = vector.broadcast %jit3A_322 : f32 to vector<16xf32>
        %broadcast_in_dim3A_324 = vector.broadcast %jit3A_323 : f32 to vector<16xf32>
        %select_n3A_325 = arith.select %eq3A_321, %broadcast_in_dim3A, %broadcast_in_dim3A_324 : vector<16xi1>, vector<16xf32>
        %get3A_326 = arith.index_cast %mul3A_319 : i32 to index
        %get3A_327 = tpu.vector_load %arg13[%get3A_326] {strides = array<i32>} : memref<10240xf32, #tpu.memory_space<vmem>>, vector<16xf32>,
        %get3A_328 = vector.shape_cast %get3A_327 : vector<16xf32> to vector<16xf32>
        %add3A_329 = arith.addf %get3A_328, %select_n3A_325 : vector<16xf32>
        %swap3A = arith.index_cast %mul3A_319 : i32 to index
        %swap3A_330 = tpu.vector_load %arg13[%swap3A] {strides = array<i32>} : memref<10240xf32, #tpu.memory_space<vmem>>, vector<16xf32>,
        %swap3A_331 = vector.shape_cast %swap3A_330 : vector<16xf32> to vector<16xf32>
        %swap3A_332 = vector.shape_cast %add3A_329 : vector<16xf32> to vector<16xf32>
        tpu.vector_store %arg13[%swap3A], %swap3A_332 {strides = array<i32>} : memref<10240xf32, #tpu.memory_space<vmem>>, vector<16xf32>,
        %slice3A_333 = vector.extract_strided_slice %get3A_301 {offsets = [1], sizes = [1], strides = [1]} : vector<16xi32> to vector<1xi32>
        %squeeze3A_334 = vector.extract %slice3A_333[0] : i32 from vector<1xi32>
        %jit3A_335 = arith.constant 16 : i32
        %div3A_336 = arith.divsi %squeeze3A_334, %jit3A_335 : i32
        %sign3A_337 = arith.constant 0 : i32
        %sign3A_338 = arith.cmpi sgt, %squeeze3A_334, %sign3A_337 : i32
        %sign3A_339 = arith.extui %sign3A_338 : i1 to i32
        %sign3A_340 = arith.constant 0 : i32
        %sign3A_341 = arith.cmpi slt, %squeeze3A_334, %sign3A_340 : i32
        %sign3A_342 = arith.extui %sign3A_341 : i1 to i32
        %sign3A_343 = arith.subi %sign3A_339, %sign3A_342 : i32
        %sign3A_344 = arith.constant 0 : i32
        %sign3A_345 = arith.cmpi sgt, %jit3A_335, %sign3A_344 : i32
        %sign3A_346 = arith.extui %sign3A_345 : i1 to i32
        %sign3A_347 = arith.constant 0 : i32
        %sign3A_348 = arith.cmpi slt, %jit3A_335, %sign3A_347 : i32
        %sign3A_349 = arith.extui %sign3A_348 : i1 to i32
        %sign3A_350 = arith.subi %sign3A_346, %sign3A_349 : i32
        %ne3A_351 = arith.cmpi ne, %sign3A_343, %sign3A_350 : i32
        %rem3A_352 = arith.remsi %squeeze3A_334, %jit3A_335 : i32
        %ne3A_353 = arith.constant 0 : i32
        %ne3A_354 = arith.cmpi ne, %rem3A_352, %ne3A_353 : i32
        %and3A_355 = arith.andi %ne3A_351, %ne3A_354 : i1
        %sub3A_356 = arith.constant 1 : i32
        %sub3A_357 = arith.subi %div3A_336, %sub3A_356 : i32
        %select_n3A_358 = arith.select %and3A_355, %sub3A_357, %div3A_336 : i32
        %mul3A_359 = arith.constant 16 : i32
        %mul3A_360 = arith.muli %select_n3A_358, %mul3A_359 : i32
        %sub3A_361 = arith.subi %squeeze3A_334, %mul3A_360 : i32
        %eq3A_362 = vector.broadcast %sub3A_361 : i32 to vector<16xi32>
        %eq3A_363 = arith.cmpi eq, %iota3A, %eq3A_362 : vector<16xi32>
        %jit3A_364 = arith.constant 1.000000e+00 : f32
        %jit3A_365 = arith.constant 0.000000e+00 : f32
        %broadcast_in_dim3A_366 = vector.broadcast %jit3A_364 : f32 to vector<16xf32>
        %broadcast_in_dim3A_367 = vector.broadcast %jit3A_365 : f32 to vector<16xf32>
        %select_n3A_368 = arith.select %eq3A_363, %broadcast_in_dim3A_366, %broadcast_in_dim3A_367 : vector<16xi1>, vector<16xf32>
        %get3A_369 = arith.index_cast %mul3A_360 : i32 to index
        %get3A_370 = tpu.vector_load %arg13[%get3A_369] {strides = array<i32>} : memref<10240xf32, #tpu.memory_space<vmem>>, vector<16xf32>,
        %get3A_371 = vector.shape_cast %get3A_370 : vector<16xf32> to vector<16xf32>
        %add3A_372 = arith.addf %get3A_371, %select_n3A_368 : vector<16xf32>
        %swap3A_373 = arith.index_cast %mul3A_360 : i32 to index
        %swap3A_374 = tpu.vector_load %arg13[%swap3A_373] {strides = array<i32>} : memref<10240xf32, #tpu.memory_space<vmem>>, vector<16xf32>,
        %swap3A_375 = vector.shape_cast %swap3A_374 : vector<16xf32> to vector<16xf32>
        %swap3A_376 = vector.shape_cast %add3A_372 : vector<16xf32> to vector<16xf32>
        tpu.vector_store %arg13[%swap3A_373], %swap3A_376 {strides = array<i32>} : memref<10240xf32, #tpu.memory_space<vmem>>, vector<16xf32>,
        %slice3A_377 = vector.extract_strided_slice %get3A_301 {offsets = [2], sizes = [1], strides = [1]} : vector<16xi32> to vector<1xi32>
        %squeeze3A_378 = vector.extract %slice3A_377[0] : i32 from vector<1xi32>
        %jit3A_379 = arith.constant 16 : i32
        %div3A_380 = arith.divsi %squeeze3A_378, %jit3A_379 : i32
        %sign3A_381 = arith.constant 0 : i32
        %sign3A_382 = arith.cmpi sgt, %squeeze3A_378, %sign3A_381 : i32
        %sign3A_383 = arith.extui %sign3A_382 : i1 to i32
        %sign3A_384 = arith.constant 0 : i32
        %sign3A_385 = arith.cmpi slt, %squeeze3A_378, %sign3A_384 : i32
        %sign3A_386 = arith.extui %sign3A_385 : i1 to i32
        %sign3A_387 = arith.subi %sign3A_383, %sign3A_386 : i32
        %sign3A_388 = arith.constant 0 : i32
        %sign3A_389 = arith.cmpi sgt, %jit3A_379, %sign3A_388 : i32
        %sign3A_390 = arith.extui %sign3A_389 : i1 to i32
        %sign3A_391 = arith.constant 0 : i32
        %sign3A_392 = arith.cmpi slt, %jit3A_379, %sign3A_391 : i32
        %sign3A_393 = arith.extui %sign3A_392 : i1 to i32
        %sign3A_394 = arith.subi %sign3A_390, %sign3A_393 : i32
        %ne3A_395 = arith.cmpi ne, %sign3A_387, %sign3A_394 : i32
        %rem3A_396 = arith.remsi %squeeze3A_378, %jit3A_379 : i32
        %ne3A_397 = arith.constant 0 : i32
        %ne3A_398 = arith.cmpi ne, %rem3A_396, %ne3A_397 : i32
        %and3A_399 = arith.andi %ne3A_395, %ne3A_398 : i1
        %sub3A_400 = arith.constant 1 : i32
        %sub3A_401 = arith.subi %div3A_380, %sub3A_400 : i32
        %select_n3A_402 = arith.select %and3A_399, %sub3A_401, %div3A_380 : i32
        %mul3A_403 = arith.constant 16 : i32
        %mul3A_404 = arith.muli %select_n3A_402, %mul3A_403 : i32
        %sub3A_405 = arith.subi %squeeze3A_378, %mul3A_404 : i32
        %eq3A_406 = vector.broadcast %sub3A_405 : i32 to vector<16xi32>
        %eq3A_407 = arith.cmpi eq, %iota3A, %eq3A_406 : vector<16xi32>
        %jit3A_408 = arith.constant 1.000000e+00 : f32
        %jit3A_409 = arith.constant 0.000000e+00 : f32
        %broadcast_in_dim3A_410 = vector.broadcast %jit3A_408 : f32 to vector<16xf32>
        %broadcast_in_dim3A_411 = vector.broadcast %jit3A_409 : f32 to vector<16xf32>
        %select_n3A_412 = arith.select %eq3A_407, %broadcast_in_dim3A_410, %broadcast_in_dim3A_411 : vector<16xi1>, vector<16xf32>
        %get3A_413 = arith.index_cast %mul3A_404 : i32 to index
        %get3A_414 = tpu.vector_load %arg13[%get3A_413] {strides = array<i32>} : memref<10240xf32, #tpu.memory_space<vmem>>, vector<16xf32>,
        %get3A_415 = vector.shape_cast %get3A_414 : vector<16xf32> to vector<16xf32>
        %add3A_416 = arith.addf %get3A_415, %select_n3A_412 : vector<16xf32>
        %swap3A_417 = arith.index_cast %mul3A_404 : i32 to index
        %swap3A_418 = tpu.vector_load %arg13[%swap3A_417] {strides = array<i32>} : memref<10240xf32, #tpu.memory_space<vmem>>, vector<16xf32>,
        %swap3A_419 = vector.shape_cast %swap3A_418 : vector<16xf32> to vector<16xf32>
        %swap3A_420 = vector.shape_cast %add3A_416 : vector<16xf32> to vector<16xf32>
        tpu.vector_store %arg13[%swap3A_417], %swap3A_420 {strides = array<i32>} : memref<10240xf32, #tpu.memory_space<vmem>>, vector<16xf32>,
        %slice3A_421 = vector.extract_strided_slice %get3A_301 {offsets = [3], sizes = [1], strides = [1]} : vector<16xi32> to vector<1xi32>
        %squeeze3A_422 = vector.extract %slice3A_421[0] : i32 from vector<1xi32>
        %jit3A_423 = arith.constant 16 : i32
        %div3A_424 = arith.divsi %squeeze3A_422, %jit3A_423 : i32
        %sign3A_425 = arith.constant 0 : i32
        %sign3A_426 = arith.cmpi sgt, %squeeze3A_422, %sign3A_425 : i32
        %sign3A_427 = arith.extui %sign3A_426 : i1 to i32
        %sign3A_428 = arith.constant 0 : i32
        %sign3A_429 = arith.cmpi slt, %squeeze3A_422, %sign3A_428 : i32
        %sign3A_430 = arith.extui %sign3A_429 : i1 to i32
        %sign3A_431 = arith.subi %sign3A_427, %sign3A_430 : i32
        %sign3A_432 = arith.constant 0 : i32
        %sign3A_433 = arith.cmpi sgt, %jit3A_423, %sign3A_432 : i32
        %sign3A_434 = arith.extui %sign3A_433 : i1 to i32
        %sign3A_435 = arith.constant 0 : i32
        %sign3A_436 = arith.cmpi slt, %jit3A_423, %sign3A_435 : i32
        %sign3A_437 = arith.extui %sign3A_436 : i1 to i32
        %sign3A_438 = arith.subi %sign3A_434, %sign3A_437 : i32
        %ne3A_439 = arith.cmpi ne, %sign3A_431, %sign3A_438 : i32
        %rem3A_440 = arith.remsi %squeeze3A_422, %jit3A_423 : i32
        %ne3A_441 = arith.constant 0 : i32
        %ne3A_442 = arith.cmpi ne, %rem3A_440, %ne3A_441 : i32
        %and3A_443 = arith.andi %ne3A_439, %ne3A_442 : i1
        %sub3A_444 = arith.constant 1 : i32
        %sub3A_445 = arith.subi %div3A_424, %sub3A_444 : i32
        %select_n3A_446 = arith.select %and3A_443, %sub3A_445, %div3A_424 : i32
        %mul3A_447 = arith.constant 16 : i32
        %mul3A_448 = arith.muli %select_n3A_446, %mul3A_447 : i32
        %sub3A_449 = arith.subi %squeeze3A_422, %mul3A_448 : i32
        %eq3A_450 = vector.broadcast %sub3A_449 : i32 to vector<16xi32>
        %eq3A_451 = arith.cmpi eq, %iota3A, %eq3A_450 : vector<16xi32>
        %jit3A_452 = arith.constant 1.000000e+00 : f32
        %jit3A_453 = arith.constant 0.000000e+00 : f32
        %broadcast_in_dim3A_454 = vector.broadcast %jit3A_452 : f32 to vector<16xf32>
        %broadcast_in_dim3A_455 = vector.broadcast %jit3A_453 : f32 to vector<16xf32>
        %select_n3A_456 = arith.select %eq3A_451, %broadcast_in_dim3A_454, %broadcast_in_dim3A_455 : vector<16xi1>, vector<16xf32>
        %get3A_457 = arith.index_cast %mul3A_448 : i32 to index
        %get3A_458 = tpu.vector_load %arg13[%get3A_457] {strides = array<i32>} : memref<10240xf32, #tpu.memory_space<vmem>>, vector<16xf32>,
        %get3A_459 = vector.shape_cast %get3A_458 : vector<16xf32> to vector<16xf32>
        %add3A_460 = arith.addf %get3A_459, %select_n3A_456 : vector<16xf32>
        %swap3A_461 = arith.index_cast %mul3A_448 : i32 to index
        %swap3A_462 = tpu.vector_load %arg13[%swap3A_461] {strides = array<i32>} : memref<10240xf32, #tpu.memory_space<vmem>>, vector<16xf32>,
        %swap3A_463 = vector.shape_cast %swap3A_462 : vector<16xf32> to vector<16xf32>
        %swap3A_464 = vector.shape_cast %add3A_460 : vector<16xf32> to vector<16xf32>
        tpu.vector_store %arg13[%swap3A_461], %swap3A_464 {strides = array<i32>} : memref<10240xf32, #tpu.memory_space<vmem>>, vector<16xf32>,
        %slice3A_465 = vector.extract_strided_slice %get3A_301 {offsets = [4], sizes = [1], strides = [1]} : vector<16xi32> to vector<1xi32>
        %squeeze3A_466 = vector.extract %slice3A_465[0] : i32 from vector<1xi32>
        %jit3A_467 = arith.constant 16 : i32
        %div3A_468 = arith.divsi %squeeze3A_466, %jit3A_467 : i32
        %sign3A_469 = arith.constant 0 : i32
        %sign3A_470 = arith.cmpi sgt, %squeeze3A_466, %sign3A_469 : i32
        %sign3A_471 = arith.extui %sign3A_470 : i1 to i32
        %sign3A_472 = arith.constant 0 : i32
        %sign3A_473 = arith.cmpi slt, %squeeze3A_466, %sign3A_472 : i32
        %sign3A_474 = arith.extui %sign3A_473 : i1 to i32
        %sign3A_475 = arith.subi %sign3A_471, %sign3A_474 : i32
        %sign3A_476 = arith.constant 0 : i32
        %sign3A_477 = arith.cmpi sgt, %jit3A_467, %sign3A_476 : i32
        %sign3A_478 = arith.extui %sign3A_477 : i1 to i32
        %sign3A_479 = arith.constant 0 : i32
        %sign3A_480 = arith.cmpi slt, %jit3A_467, %sign3A_479 : i32
        %sign3A_481 = arith.extui %sign3A_480 : i1 to i32
        %sign3A_482 = arith.subi %sign3A_478, %sign3A_481 : i32
        %ne3A_483 = arith.cmpi ne, %sign3A_475, %sign3A_482 : i32
        %rem3A_484 = arith.remsi %squeeze3A_466, %jit3A_467 : i32
        %ne3A_485 = arith.constant 0 : i32
        %ne3A_486 = arith.cmpi ne, %rem3A_484, %ne3A_485 : i32
        %and3A_487 = arith.andi %ne3A_483, %ne3A_486 : i1
        %sub3A_488 = arith.constant 1 : i32
        %sub3A_489 = arith.subi %div3A_468, %sub3A_488 : i32
        %select_n3A_490 = arith.select %and3A_487, %sub3A_489, %div3A_468 : i32
        %mul3A_491 = arith.constant 16 : i32
        %mul3A_492 = arith.muli %select_n3A_490, %mul3A_491 : i32
        %sub3A_493 = arith.subi %squeeze3A_466, %mul3A_492 : i32
        %eq3A_494 = vector.broadcast %sub3A_493 : i32 to vector<16xi32>
        %eq3A_495 = arith.cmpi eq, %iota3A, %eq3A_494 : vector<16xi32>
        %jit3A_496 = arith.constant 1.000000e+00 : f32
        %jit3A_497 = arith.constant 0.000000e+00 : f32
        %broadcast_in_dim3A_498 = vector.broadcast %jit3A_496 : f32 to vector<16xf32>
        %broadcast_in_dim3A_499 = vector.broadcast %jit3A_497 : f32 to vector<16xf32>
        %select_n3A_500 = arith.select %eq3A_495, %broadcast_in_dim3A_498, %broadcast_in_dim3A_499 : vector<16xi1>, vector<16xf32>
        %get3A_501 = arith.index_cast %mul3A_492 : i32 to index
        %get3A_502 = tpu.vector_load %arg13[%get3A_501] {strides = array<i32>} : memref<10240xf32, #tpu.memory_space<vmem>>, vector<16xf32>,
        %get3A_503 = vector.shape_cast %get3A_502 : vector<16xf32> to vector<16xf32>
        %add3A_504 = arith.addf %get3A_503, %select_n3A_500 : vector<16xf32>
        %swap3A_505 = arith.index_cast %mul3A_492 : i32 to index
        %swap3A_506 = tpu.vector_load %arg13[%swap3A_505] {strides = array<i32>} : memref<10240xf32, #tpu.memory_space<vmem>>, vector<16xf32>,
        %swap3A_507 = vector.shape_cast %swap3A_506 : vector<16xf32> to vector<16xf32>
        %swap3A_508 = vector.shape_cast %add3A_504 : vector<16xf32> to vector<16xf32>
        tpu.vector_store %arg13[%swap3A_505], %swap3A_508 {strides = array<i32>} : memref<10240xf32, #tpu.memory_space<vmem>>, vector<16xf32>,
        %slice3A_509 = vector.extract_strided_slice %get3A_301 {offsets = [5], sizes = [1], strides = [1]} : vector<16xi32> to vector<1xi32>
        %squeeze3A_510 = vector.extract %slice3A_509[0] : i32 from vector<1xi32>
        %jit3A_511 = arith.constant 16 : i32
        %div3A_512 = arith.divsi %squeeze3A_510, %jit3A_511 : i32
        %sign3A_513 = arith.constant 0 : i32
        %sign3A_514 = arith.cmpi sgt, %squeeze3A_510, %sign3A_513 : i32
        %sign3A_515 = arith.extui %sign3A_514 : i1 to i32
        %sign3A_516 = arith.constant 0 : i32
        %sign3A_517 = arith.cmpi slt, %squeeze3A_510, %sign3A_516 : i32
        %sign3A_518 = arith.extui %sign3A_517 : i1 to i32
        %sign3A_519 = arith.subi %sign3A_515, %sign3A_518 : i32
        %sign3A_520 = arith.constant 0 : i32
        %sign3A_521 = arith.cmpi sgt, %jit3A_511, %sign3A_520 : i32
        %sign3A_522 = arith.extui %sign3A_521 : i1 to i32
        %sign3A_523 = arith.constant 0 : i32
        %sign3A_524 = arith.cmpi slt, %jit3A_511, %sign3A_523 : i32
        %sign3A_525 = arith.extui %sign3A_524 : i1 to i32
        %sign3A_526 = arith.subi %sign3A_522, %sign3A_525 : i32
        %ne3A_527 = arith.cmpi ne, %sign3A_519, %sign3A_526 : i32
        %rem3A_528 = arith.remsi %squeeze3A_510, %jit3A_511 : i32
        %ne3A_529 = arith.constant 0 : i32
        %ne3A_530 = arith.cmpi ne, %rem3A_528, %ne3A_529 : i32
        %and3A_531 = arith.andi %ne3A_527, %ne3A_530 : i1
        %sub3A_532 = arith.constant 1 : i32
        %sub3A_533 = arith.subi %div3A_512, %sub3A_532 : i32
        %select_n3A_534 = arith.select %and3A_531, %sub3A_533, %div3A_512 : i32
        %mul3A_535 = arith.constant 16 : i32
        %mul3A_536 = arith.muli %select_n3A_534, %mul3A_535 : i32
        %sub3A_537 = arith.subi %squeeze3A_510, %mul3A_536 : i32
        %eq3A_538 = vector.broadcast %sub3A_537 : i32 to vector<16xi32>
        %eq3A_539 = arith.cmpi eq, %iota3A, %eq3A_538 : vector<16xi32>
        %jit3A_540 = arith.constant 1.000000e+00 : f32
        %jit3A_541 = arith.constant 0.000000e+00 : f32
        %broadcast_in_dim3A_542 = vector.broadcast %jit3A_540 : f32 to vector<16xf32>
        %broadcast_in_dim3A_543 = vector.broadcast %jit3A_541 : f32 to vector<16xf32>
        %select_n3A_544 = arith.select %eq3A_539, %broadcast_in_dim3A_542, %broadcast_in_dim3A_543 : vector<16xi1>, vector<16xf32>
        %get3A_545 = arith.index_cast %mul3A_536 : i32 to index
        %get3A_546 = tpu.vector_load %arg13[%get3A_545] {strides = array<i32>} : memref<10240xf32, #tpu.memory_space<vmem>>, vector<16xf32>,
        %get3A_547 = vector.shape_cast %get3A_546 : vector<16xf32> to vector<16xf32>
        %add3A_548 = arith.addf %get3A_547, %select_n3A_544 : vector<16xf32>
        %swap3A_549 = arith.index_cast %mul3A_536 : i32 to index
        %swap3A_550 = tpu.vector_load %arg13[%swap3A_549] {strides = array<i32>} : memref<10240xf32, #tpu.memory_space<vmem>>, vector<16xf32>,
        %swap3A_551 = vector.shape_cast %swap3A_550 : vector<16xf32> to vector<16xf32>
        %swap3A_552 = vector.shape_cast %add3A_548 : vector<16xf32> to vector<16xf32>
        tpu.vector_store %arg13[%swap3A_549], %swap3A_552 {strides = array<i32>} : memref<10240xf32, #tpu.memory_space<vmem>>, vector<16xf32>,
        %slice3A_553 = vector.extract_strided_slice %get3A_301 {offsets = [6], sizes = [1], strides = [1]} : vector<16xi32> to vector<1xi32>
        %squeeze3A_554 = vector.extract %slice3A_553[0] : i32 from vector<1xi32>
        %jit3A_555 = arith.constant 16 : i32
        %div3A_556 = arith.divsi %squeeze3A_554, %jit3A_555 : i32
        %sign3A_557 = arith.constant 0 : i32
        %sign3A_558 = arith.cmpi sgt, %squeeze3A_554, %sign3A_557 : i32
        %sign3A_559 = arith.extui %sign3A_558 : i1 to i32
        %sign3A_560 = arith.constant 0 : i32
        %sign3A_561 = arith.cmpi slt, %squeeze3A_554, %sign3A_560 : i32
        %sign3A_562 = arith.extui %sign3A_561 : i1 to i32
        %sign3A_563 = arith.subi %sign3A_559, %sign3A_562 : i32
        %sign3A_564 = arith.constant 0 : i32
        %sign3A_565 = arith.cmpi sgt, %jit3A_555, %sign3A_564 : i32
        %sign3A_566 = arith.extui %sign3A_565 : i1 to i32
        %sign3A_567 = arith.constant 0 : i32
        %sign3A_568 = arith.cmpi slt, %jit3A_555, %sign3A_567 : i32
        %sign3A_569 = arith.extui %sign3A_568 : i1 to i32
        %sign3A_570 = arith.subi %sign3A_566, %sign3A_569 : i32
        %ne3A_571 = arith.cmpi ne, %sign3A_563, %sign3A_570 : i32
        %rem3A_572 = arith.remsi %squeeze3A_554, %jit3A_555 : i32
        %ne3A_573 = arith.constant 0 : i32
        %ne3A_574 = arith.cmpi ne, %rem3A_572, %ne3A_573 : i32
        %and3A_575 = arith.andi %ne3A_571, %ne3A_574 : i1
        %sub3A_576 = arith.constant 1 : i32
        %sub3A_577 = arith.subi %div3A_556, %sub3A_576 : i32
        %select_n3A_578 = arith.select %and3A_575, %sub3A_577, %div3A_556 : i32
        %mul3A_579 = arith.constant 16 : i32
        %mul3A_580 = arith.muli %select_n3A_578, %mul3A_579 : i32
        %sub3A_581 = arith.subi %squeeze3A_554, %mul3A_580 : i32
        %eq3A_582 = vector.broadcast %sub3A_581 : i32 to vector<16xi32>
        %eq3A_583 = arith.cmpi eq, %iota3A, %eq3A_582 : vector<16xi32>
        %jit3A_584 = arith.constant 1.000000e+00 : f32
        %jit3A_585 = arith.constant 0.000000e+00 : f32
        %broadcast_in_dim3A_586 = vector.broadcast %jit3A_584 : f32 to vector<16xf32>
        %broadcast_in_dim3A_587 = vector.broadcast %jit3A_585 : f32 to vector<16xf32>
        %select_n3A_588 = arith.select %eq3A_583, %broadcast_in_dim3A_586, %broadcast_in_dim3A_587 : vector<16xi1>, vector<16xf32>
        %get3A_589 = arith.index_cast %mul3A_580 : i32 to index
        %get3A_590 = tpu.vector_load %arg13[%get3A_589] {strides = array<i32>} : memref<10240xf32, #tpu.memory_space<vmem>>, vector<16xf32>,
        %get3A_591 = vector.shape_cast %get3A_590 : vector<16xf32> to vector<16xf32>
        %add3A_592 = arith.addf %get3A_591, %select_n3A_588 : vector<16xf32>
        %swap3A_593 = arith.index_cast %mul3A_580 : i32 to index
        %swap3A_594 = tpu.vector_load %arg13[%swap3A_593] {strides = array<i32>} : memref<10240xf32, #tpu.memory_space<vmem>>, vector<16xf32>,
        %swap3A_595 = vector.shape_cast %swap3A_594 : vector<16xf32> to vector<16xf32>
        %swap3A_596 = vector.shape_cast %add3A_592 : vector<16xf32> to vector<16xf32>
        tpu.vector_store %arg13[%swap3A_593], %swap3A_596 {strides = array<i32>} : memref<10240xf32, #tpu.memory_space<vmem>>, vector<16xf32>,
        %slice3A_597 = vector.extract_strided_slice %get3A_301 {offsets = [7], sizes = [1], strides = [1]} : vector<16xi32> to vector<1xi32>
        %squeeze3A_598 = vector.extract %slice3A_597[0] : i32 from vector<1xi32>
        %jit3A_599 = arith.constant 16 : i32
        %div3A_600 = arith.divsi %squeeze3A_598, %jit3A_599 : i32
        %sign3A_601 = arith.constant 0 : i32
        %sign3A_602 = arith.cmpi sgt, %squeeze3A_598, %sign3A_601 : i32
        %sign3A_603 = arith.extui %sign3A_602 : i1 to i32
        %sign3A_604 = arith.constant 0 : i32
        %sign3A_605 = arith.cmpi slt, %squeeze3A_598, %sign3A_604 : i32
        %sign3A_606 = arith.extui %sign3A_605 : i1 to i32
        %sign3A_607 = arith.subi %sign3A_603, %sign3A_606 : i32
        %sign3A_608 = arith.constant 0 : i32
        %sign3A_609 = arith.cmpi sgt, %jit3A_599, %sign3A_608 : i32
        %sign3A_610 = arith.extui %sign3A_609 : i1 to i32
        %sign3A_611 = arith.constant 0 : i32
        %sign3A_612 = arith.cmpi slt, %jit3A_599, %sign3A_611 : i32
        %sign3A_613 = arith.extui %sign3A_612 : i1 to i32
        %sign3A_614 = arith.subi %sign3A_610, %sign3A_613 : i32
        %ne3A_615 = arith.cmpi ne, %sign3A_607, %sign3A_614 : i32
        %rem3A_616 = arith.remsi %squeeze3A_598, %jit3A_599 : i32
        %ne3A_617 = arith.constant 0 : i32
        %ne3A_618 = arith.cmpi ne, %rem3A_616, %ne3A_617 : i32
        %and3A_619 = arith.andi %ne3A_615, %ne3A_618 : i1
        %sub3A_620 = arith.constant 1 : i32
        %sub3A_621 = arith.subi %div3A_600, %sub3A_620 : i32
        %select_n3A_622 = arith.select %and3A_619, %sub3A_621, %div3A_600 : i32
        %mul3A_623 = arith.constant 16 : i32
        %mul3A_624 = arith.muli %select_n3A_622, %mul3A_623 : i32
        %sub3A_625 = arith.subi %squeeze3A_598, %mul3A_624 : i32
        %eq3A_626 = vector.broadcast %sub3A_625 : i32 to vector<16xi32>
        %eq3A_627 = arith.cmpi eq, %iota3A, %eq3A_626 : vector<16xi32>
        %jit3A_628 = arith.constant 1.000000e+00 : f32
        %jit3A_629 = arith.constant 0.000000e+00 : f32
        %broadcast_in_dim3A_630 = vector.broadcast %jit3A_628 : f32 to vector<16xf32>
        %broadcast_in_dim3A_631 = vector.broadcast %jit3A_629 : f32 to vector<16xf32>
        %select_n3A_632 = arith.select %eq3A_627, %broadcast_in_dim3A_630, %broadcast_in_dim3A_631 : vector<16xi1>, vector<16xf32>
        %get3A_633 = arith.index_cast %mul3A_624 : i32 to index
        %get3A_634 = tpu.vector_load %arg13[%get3A_633] {strides = array<i32>} : memref<10240xf32, #tpu.memory_space<vmem>>, vector<16xf32>,
        %get3A_635 = vector.shape_cast %get3A_634 : vector<16xf32> to vector<16xf32>
        %add3A_636 = arith.addf %get3A_635, %select_n3A_632 : vector<16xf32>
        %swap3A_637 = arith.index_cast %mul3A_624 : i32 to index
        %swap3A_638 = tpu.vector_load %arg13[%swap3A_637] {strides = array<i32>} : memref<10240xf32, #tpu.memory_space<vmem>>, vector<16xf32>,
        %swap3A_639 = vector.shape_cast %swap3A_638 : vector<16xf32> to vector<16xf32>
        %swap3A_640 = vector.shape_cast %add3A_636 : vector<16xf32> to vector<16xf32>
        tpu.vector_store %arg13[%swap3A_637], %swap3A_640 {strides = array<i32>} : memref<10240xf32, #tpu.memory_space<vmem>>, vector<16xf32>,
        %slice3A_641 = vector.extract_strided_slice %get3A_301 {offsets = [8], sizes = [1], strides = [1]} : vector<16xi32> to vector<1xi32>
        %squeeze3A_642 = vector.extract %slice3A_641[0] : i32 from vector<1xi32>
        %jit3A_643 = arith.constant 16 : i32
        %div3A_644 = arith.divsi %squeeze3A_642, %jit3A_643 : i32
        %sign3A_645 = arith.constant 0 : i32
        %sign3A_646 = arith.cmpi sgt, %squeeze3A_642, %sign3A_645 : i32
        %sign3A_647 = arith.extui %sign3A_646 : i1 to i32
        %sign3A_648 = arith.constant 0 : i32
        %sign3A_649 = arith.cmpi slt, %squeeze3A_642, %sign3A_648 : i32
        %sign3A_650 = arith.extui %sign3A_649 : i1 to i32
        %sign3A_651 = arith.subi %sign3A_647, %sign3A_650 : i32
        %sign3A_652 = arith.constant 0 : i32
        %sign3A_653 = arith.cmpi sgt, %jit3A_643, %sign3A_652 : i32
        %sign3A_654 = arith.extui %sign3A_653 : i1 to i32
        %sign3A_655 = arith.constant 0 : i32
        %sign3A_656 = arith.cmpi slt, %jit3A_643, %sign3A_655 : i32
        %sign3A_657 = arith.extui %sign3A_656 : i1 to i32
        %sign3A_658 = arith.subi %sign3A_654, %sign3A_657 : i32
        %ne3A_659 = arith.cmpi ne, %sign3A_651, %sign3A_658 : i32
        %rem3A_660 = arith.remsi %squeeze3A_642, %jit3A_643 : i32
        %ne3A_661 = arith.constant 0 : i32
        %ne3A_662 = arith.cmpi ne, %rem3A_660, %ne3A_661 : i32
        %and3A_663 = arith.andi %ne3A_659, %ne3A_662 : i1
        %sub3A_664 = arith.constant 1 : i32
        %sub3A_665 = arith.subi %div3A_644, %sub3A_664 : i32
        %select_n3A_666 = arith.select %and3A_663, %sub3A_665, %div3A_644 : i32
        %mul3A_667 = arith.constant 16 : i32
        %mul3A_668 = arith.muli %select_n3A_666, %mul3A_667 : i32
        %sub3A_669 = arith.subi %squeeze3A_642, %mul3A_668 : i32
        %eq3A_670 = vector.broadcast %sub3A_669 : i32 to vector<16xi32>
        %eq3A_671 = arith.cmpi eq, %iota3A, %eq3A_670 : vector<16xi32>
        %jit3A_672 = arith.constant 1.000000e+00 : f32
        %jit3A_673 = arith.constant 0.000000e+00 : f32
        %broadcast_in_dim3A_674 = vector.broadcast %jit3A_672 : f32 to vector<16xf32>
        %broadcast_in_dim3A_675 = vector.broadcast %jit3A_673 : f32 to vector<16xf32>
        %select_n3A_676 = arith.select %eq3A_671, %broadcast_in_dim3A_674, %broadcast_in_dim3A_675 : vector<16xi1>, vector<16xf32>
        %get3A_677 = arith.index_cast %mul3A_668 : i32 to index
        %get3A_678 = tpu.vector_load %arg13[%get3A_677] {strides = array<i32>} : memref<10240xf32, #tpu.memory_space<vmem>>, vector<16xf32>,
        %get3A_679 = vector.shape_cast %get3A_678 : vector<16xf32> to vector<16xf32>
        %add3A_680 = arith.addf %get3A_679, %select_n3A_676 : vector<16xf32>
        %swap3A_681 = arith.index_cast %mul3A_668 : i32 to index
        %swap3A_682 = tpu.vector_load %arg13[%swap3A_681] {strides = array<i32>} : memref<10240xf32, #tpu.memory_space<vmem>>, vector<16xf32>,
        %swap3A_683 = vector.shape_cast %swap3A_682 : vector<16xf32> to vector<16xf32>
        %swap3A_684 = vector.shape_cast %add3A_680 : vector<16xf32> to vector<16xf32>
        tpu.vector_store %arg13[%swap3A_681], %swap3A_684 {strides = array<i32>} : memref<10240xf32, #tpu.memory_space<vmem>>, vector<16xf32>,
        %slice3A_685 = vector.extract_strided_slice %get3A_301 {offsets = [9], sizes = [1], strides = [1]} : vector<16xi32> to vector<1xi32>
        %squeeze3A_686 = vector.extract %slice3A_685[0] : i32 from vector<1xi32>
        %jit3A_687 = arith.constant 16 : i32
        %div3A_688 = arith.divsi %squeeze3A_686, %jit3A_687 : i32
        %sign3A_689 = arith.constant 0 : i32
        %sign3A_690 = arith.cmpi sgt, %squeeze3A_686, %sign3A_689 : i32
        %sign3A_691 = arith.extui %sign3A_690 : i1 to i32
        %sign3A_692 = arith.constant 0 : i32
        %sign3A_693 = arith.cmpi slt, %squeeze3A_686, %sign3A_692 : i32
        %sign3A_694 = arith.extui %sign3A_693 : i1 to i32
        %sign3A_695 = arith.subi %sign3A_691, %sign3A_694 : i32
        %sign3A_696 = arith.constant 0 : i32
        %sign3A_697 = arith.cmpi sgt, %jit3A_687, %sign3A_696 : i32
        %sign3A_698 = arith.extui %sign3A_697 : i1 to i32
        %sign3A_699 = arith.constant 0 : i32
        %sign3A_700 = arith.cmpi slt, %jit3A_687, %sign3A_699 : i32
        %sign3A_701 = arith.extui %sign3A_700 : i1 to i32
        %sign3A_702 = arith.subi %sign3A_698, %sign3A_701 : i32
        %ne3A_703 = arith.cmpi ne, %sign3A_695, %sign3A_702 : i32
        %rem3A_704 = arith.remsi %squeeze3A_686, %jit3A_687 : i32
        %ne3A_705 = arith.constant 0 : i32
        %ne3A_706 = arith.cmpi ne, %rem3A_704, %ne3A_705 : i32
        %and3A_707 = arith.andi %ne3A_703, %ne3A_706 : i1
        %sub3A_708 = arith.constant 1 : i32
        %sub3A_709 = arith.subi %div3A_688, %sub3A_708 : i32
        %select_n3A_710 = arith.select %and3A_707, %sub3A_709, %div3A_688 : i32
        %mul3A_711 = arith.constant 16 : i32
        %mul3A_712 = arith.muli %select_n3A_710, %mul3A_711 : i32
        %sub3A_713 = arith.subi %squeeze3A_686, %mul3A_712 : i32
        %eq3A_714 = vector.broadcast %sub3A_713 : i32 to vector<16xi32>
        %eq3A_715 = arith.cmpi eq, %iota3A, %eq3A_714 : vector<16xi32>
        %jit3A_716 = arith.constant 1.000000e+00 : f32
        %jit3A_717 = arith.constant 0.000000e+00 : f32
        %broadcast_in_dim3A_718 = vector.broadcast %jit3A_716 : f32 to vector<16xf32>
        %broadcast_in_dim3A_719 = vector.broadcast %jit3A_717 : f32 to vector<16xf32>
        %select_n3A_720 = arith.select %eq3A_715, %broadcast_in_dim3A_718, %broadcast_in_dim3A_719 : vector<16xi1>, vector<16xf32>
        %get3A_721 = arith.index_cast %mul3A_712 : i32 to index
        %get3A_722 = tpu.vector_load %arg13[%get3A_721] {strides = array<i32>} : memref<10240xf32, #tpu.memory_space<vmem>>, vector<16xf32>,
        %get3A_723 = vector.shape_cast %get3A_722 : vector<16xf32> to vector<16xf32>
        %add3A_724 = arith.addf %get3A_723, %select_n3A_720 : vector<16xf32>
        %swap3A_725 = arith.index_cast %mul3A_712 : i32 to index
        %swap3A_726 = tpu.vector_load %arg13[%swap3A_725] {strides = array<i32>} : memref<10240xf32, #tpu.memory_space<vmem>>, vector<16xf32>,
        %swap3A_727 = vector.shape_cast %swap3A_726 : vector<16xf32> to vector<16xf32>
        %swap3A_728 = vector.shape_cast %add3A_724 : vector<16xf32> to vector<16xf32>
        tpu.vector_store %arg13[%swap3A_725], %swap3A_728 {strides = array<i32>} : memref<10240xf32, #tpu.memory_space<vmem>>, vector<16xf32>,
        %slice3A_729 = vector.extract_strided_slice %get3A_301 {offsets = [10], sizes = [1], strides = [1]} : vector<16xi32> to vector<1xi32>
        %squeeze3A_730 = vector.extract %slice3A_729[0] : i32 from vector<1xi32>
        %jit3A_731 = arith.constant 16 : i32
        %div3A_732 = arith.divsi %squeeze3A_730, %jit3A_731 : i32
        %sign3A_733 = arith.constant 0 : i32
        %sign3A_734 = arith.cmpi sgt, %squeeze3A_730, %sign3A_733 : i32
        %sign3A_735 = arith.extui %sign3A_734 : i1 to i32
        %sign3A_736 = arith.constant 0 : i32
        %sign3A_737 = arith.cmpi slt, %squeeze3A_730, %sign3A_736 : i32
        %sign3A_738 = arith.extui %sign3A_737 : i1 to i32
        %sign3A_739 = arith.subi %sign3A_735, %sign3A_738 : i32
        %sign3A_740 = arith.constant 0 : i32
        %sign3A_741 = arith.cmpi sgt, %jit3A_731, %sign3A_740 : i32
        %sign3A_742 = arith.extui %sign3A_741 : i1 to i32
        %sign3A_743 = arith.constant 0 : i32
        %sign3A_744 = arith.cmpi slt, %jit3A_731, %sign3A_743 : i32
        %sign3A_745 = arith.extui %sign3A_744 : i1 to i32
        %sign3A_746 = arith.subi %sign3A_742, %sign3A_745 : i32
        %ne3A_747 = arith.cmpi ne, %sign3A_739, %sign3A_746 : i32
        %rem3A_748 = arith.remsi %squeeze3A_730, %jit3A_731 : i32
        %ne3A_749 = arith.constant 0 : i32
        %ne3A_750 = arith.cmpi ne, %rem3A_748, %ne3A_749 : i32
        %and3A_751 = arith.andi %ne3A_747, %ne3A_750 : i1
        %sub3A_752 = arith.constant 1 : i32
        %sub3A_753 = arith.subi %div3A_732, %sub3A_752 : i32
        %select_n3A_754 = arith.select %and3A_751, %sub3A_753, %div3A_732 : i32
        %mul3A_755 = arith.constant 16 : i32
        %mul3A_756 = arith.muli %select_n3A_754, %mul3A_755 : i32
        %sub3A_757 = arith.subi %squeeze3A_730, %mul3A_756 : i32
        %eq3A_758 = vector.broadcast %sub3A_757 : i32 to vector<16xi32>
        %eq3A_759 = arith.cmpi eq, %iota3A, %eq3A_758 : vector<16xi32>
        %jit3A_760 = arith.constant 1.000000e+00 : f32
        %jit3A_761 = arith.constant 0.000000e+00 : f32
        %broadcast_in_dim3A_762 = vector.broadcast %jit3A_760 : f32 to vector<16xf32>
        %broadcast_in_dim3A_763 = vector.broadcast %jit3A_761 : f32 to vector<16xf32>
        %select_n3A_764 = arith.select %eq3A_759, %broadcast_in_dim3A_762, %broadcast_in_dim3A_763 : vector<16xi1>, vector<16xf32>
        %get3A_765 = arith.index_cast %mul3A_756 : i32 to index
        %get3A_766 = tpu.vector_load %arg13[%get3A_765] {strides = array<i32>} : memref<10240xf32, #tpu.memory_space<vmem>>, vector<16xf32>,
        %get3A_767 = vector.shape_cast %get3A_766 : vector<16xf32> to vector<16xf32>
        %add3A_768 = arith.addf %get3A_767, %select_n3A_764 : vector<16xf32>
        %swap3A_769 = arith.index_cast %mul3A_756 : i32 to index
        %swap3A_770 = tpu.vector_load %arg13[%swap3A_769] {strides = array<i32>} : memref<10240xf32, #tpu.memory_space<vmem>>, vector<16xf32>,
        %swap3A_771 = vector.shape_cast %swap3A_770 : vector<16xf32> to vector<16xf32>
        %swap3A_772 = vector.shape_cast %add3A_768 : vector<16xf32> to vector<16xf32>
        tpu.vector_store %arg13[%swap3A_769], %swap3A_772 {strides = array<i32>} : memref<10240xf32, #tpu.memory_space<vmem>>, vector<16xf32>,
        %slice3A_773 = vector.extract_strided_slice %get3A_301 {offsets = [11], sizes = [1], strides = [1]} : vector<16xi32> to vector<1xi32>
        %squeeze3A_774 = vector.extract %slice3A_773[0] : i32 from vector<1xi32>
        %jit3A_775 = arith.constant 16 : i32
        %div3A_776 = arith.divsi %squeeze3A_774, %jit3A_775 : i32
        %sign3A_777 = arith.constant 0 : i32
        %sign3A_778 = arith.cmpi sgt, %squeeze3A_774, %sign3A_777 : i32
        %sign3A_779 = arith.extui %sign3A_778 : i1 to i32
        %sign3A_780 = arith.constant 0 : i32
        %sign3A_781 = arith.cmpi slt, %squeeze3A_774, %sign3A_780 : i32
        %sign3A_782 = arith.extui %sign3A_781 : i1 to i32
        %sign3A_783 = arith.subi %sign3A_779, %sign3A_782 : i32
        %sign3A_784 = arith.constant 0 : i32
        %sign3A_785 = arith.cmpi sgt, %jit3A_775, %sign3A_784 : i32
        %sign3A_786 = arith.extui %sign3A_785 : i1 to i32
        %sign3A_787 = arith.constant 0 : i32
        %sign3A_788 = arith.cmpi slt, %jit3A_775, %sign3A_787 : i32
        %sign3A_789 = arith.extui %sign3A_788 : i1 to i32
        %sign3A_790 = arith.subi %sign3A_786, %sign3A_789 : i32
        %ne3A_791 = arith.cmpi ne, %sign3A_783, %sign3A_790 : i32
        %rem3A_792 = arith.remsi %squeeze3A_774, %jit3A_775 : i32
        %ne3A_793 = arith.constant 0 : i32
        %ne3A_794 = arith.cmpi ne, %rem3A_792, %ne3A_793 : i32
        %and3A_795 = arith.andi %ne3A_791, %ne3A_794 : i1
        %sub3A_796 = arith.constant 1 : i32
        %sub3A_797 = arith.subi %div3A_776, %sub3A_796 : i32
        %select_n3A_798 = arith.select %and3A_795, %sub3A_797, %div3A_776 : i32
        %mul3A_799 = arith.constant 16 : i32
        %mul3A_800 = arith.muli %select_n3A_798, %mul3A_799 : i32
        %sub3A_801 = arith.subi %squeeze3A_774, %mul3A_800 : i32
        %eq3A_802 = vector.broadcast %sub3A_801 : i32 to vector<16xi32>
        %eq3A_803 = arith.cmpi eq, %iota3A, %eq3A_802 : vector<16xi32>
        %jit3A_804 = arith.constant 1.000000e+00 : f32
        %jit3A_805 = arith.constant 0.000000e+00 : f32
        %broadcast_in_dim3A_806 = vector.broadcast %jit3A_804 : f32 to vector<16xf32>
        %broadcast_in_dim3A_807 = vector.broadcast %jit3A_805 : f32 to vector<16xf32>
        %select_n3A_808 = arith.select %eq3A_803, %broadcast_in_dim3A_806, %broadcast_in_dim3A_807 : vector<16xi1>, vector<16xf32>
        %get3A_809 = arith.index_cast %mul3A_800 : i32 to index
        %get3A_810 = tpu.vector_load %arg13[%get3A_809] {strides = array<i32>} : memref<10240xf32, #tpu.memory_space<vmem>>, vector<16xf32>,
        %get3A_811 = vector.shape_cast %get3A_810 : vector<16xf32> to vector<16xf32>
        %add3A_812 = arith.addf %get3A_811, %select_n3A_808 : vector<16xf32>
        %swap3A_813 = arith.index_cast %mul3A_800 : i32 to index
        %swap3A_814 = tpu.vector_load %arg13[%swap3A_813] {strides = array<i32>} : memref<10240xf32, #tpu.memory_space<vmem>>, vector<16xf32>,
        %swap3A_815 = vector.shape_cast %swap3A_814 : vector<16xf32> to vector<16xf32>
        %swap3A_816 = vector.shape_cast %add3A_812 : vector<16xf32> to vector<16xf32>
        tpu.vector_store %arg13[%swap3A_813], %swap3A_816 {strides = array<i32>} : memref<10240xf32, #tpu.memory_space<vmem>>, vector<16xf32>,
        %slice3A_817 = vector.extract_strided_slice %get3A_301 {offsets = [12], sizes = [1], strides = [1]} : vector<16xi32> to vector<1xi32>
        %squeeze3A_818 = vector.extract %slice3A_817[0] : i32 from vector<1xi32>
        %jit3A_819 = arith.constant 16 : i32
        %div3A_820 = arith.divsi %squeeze3A_818, %jit3A_819 : i32
        %sign3A_821 = arith.constant 0 : i32
        %sign3A_822 = arith.cmpi sgt, %squeeze3A_818, %sign3A_821 : i32
        %sign3A_823 = arith.extui %sign3A_822 : i1 to i32
        %sign3A_824 = arith.constant 0 : i32
        %sign3A_825 = arith.cmpi slt, %squeeze3A_818, %sign3A_824 : i32
        %sign3A_826 = arith.extui %sign3A_825 : i1 to i32
        %sign3A_827 = arith.subi %sign3A_823, %sign3A_826 : i32
        %sign3A_828 = arith.constant 0 : i32
        %sign3A_829 = arith.cmpi sgt, %jit3A_819, %sign3A_828 : i32
        %sign3A_830 = arith.extui %sign3A_829 : i1 to i32
        %sign3A_831 = arith.constant 0 : i32
        %sign3A_832 = arith.cmpi slt, %jit3A_819, %sign3A_831 : i32
        %sign3A_833 = arith.extui %sign3A_832 : i1 to i32
        %sign3A_834 = arith.subi %sign3A_830, %sign3A_833 : i32
        %ne3A_835 = arith.cmpi ne, %sign3A_827, %sign3A_834 : i32
        %rem3A_836 = arith.remsi %squeeze3A_818, %jit3A_819 : i32
        %ne3A_837 = arith.constant 0 : i32
        %ne3A_838 = arith.cmpi ne, %rem3A_836, %ne3A_837 : i32
        %and3A_839 = arith.andi %ne3A_835, %ne3A_838 : i1
        %sub3A_840 = arith.constant 1 : i32
        %sub3A_841 = arith.subi %div3A_820, %sub3A_840 : i32
        %select_n3A_842 = arith.select %and3A_839, %sub3A_841, %div3A_820 : i32
        %mul3A_843 = arith.constant 16 : i32
        %mul3A_844 = arith.muli %select_n3A_842, %mul3A_843 : i32
        %sub3A_845 = arith.subi %squeeze3A_818, %mul3A_844 : i32
        %eq3A_846 = vector.broadcast %sub3A_845 : i32 to vector<16xi32>
        %eq3A_847 = arith.cmpi eq, %iota3A, %eq3A_846 : vector<16xi32>
        %jit3A_848 = arith.constant 1.000000e+00 : f32
        %jit3A_849 = arith.constant 0.000000e+00 : f32
        %broadcast_in_dim3A_850 = vector.broadcast %jit3A_848 : f32 to vector<16xf32>
        %broadcast_in_dim3A_851 = vector.broadcast %jit3A_849 : f32 to vector<16xf32>
        %select_n3A_852 = arith.select %eq3A_847, %broadcast_in_dim3A_850, %broadcast_in_dim3A_851 : vector<16xi1>, vector<16xf32>
        %get3A_853 = arith.index_cast %mul3A_844 : i32 to index
        %get3A_854 = tpu.vector_load %arg13[%get3A_853] {strides = array<i32>} : memref<10240xf32, #tpu.memory_space<vmem>>, vector<16xf32>,
        %get3A_855 = vector.shape_cast %get3A_854 : vector<16xf32> to vector<16xf32>
        %add3A_856 = arith.addf %get3A_855, %select_n3A_852 : vector<16xf32>
        %swap3A_857 = arith.index_cast %mul3A_844 : i32 to index
        %swap3A_858 = tpu.vector_load %arg13[%swap3A_857] {strides = array<i32>} : memref<10240xf32, #tpu.memory_space<vmem>>, vector<16xf32>,
        %swap3A_859 = vector.shape_cast %swap3A_858 : vector<16xf32> to vector<16xf32>
        %swap3A_860 = vector.shape_cast %add3A_856 : vector<16xf32> to vector<16xf32>
        tpu.vector_store %arg13[%swap3A_857], %swap3A_860 {strides = array<i32>} : memref<10240xf32, #tpu.memory_space<vmem>>, vector<16xf32>,
        %slice3A_861 = vector.extract_strided_slice %get3A_301 {offsets = [13], sizes = [1], strides = [1]} : vector<16xi32> to vector<1xi32>
        %squeeze3A_862 = vector.extract %slice3A_861[0] : i32 from vector<1xi32>
        %jit3A_863 = arith.constant 16 : i32
        %div3A_864 = arith.divsi %squeeze3A_862, %jit3A_863 : i32
        %sign3A_865 = arith.constant 0 : i32
        %sign3A_866 = arith.cmpi sgt, %squeeze3A_862, %sign3A_865 : i32
        %sign3A_867 = arith.extui %sign3A_866 : i1 to i32
        %sign3A_868 = arith.constant 0 : i32
        %sign3A_869 = arith.cmpi slt, %squeeze3A_862, %sign3A_868 : i32
        %sign3A_870 = arith.extui %sign3A_869 : i1 to i32
        %sign3A_871 = arith.subi %sign3A_867, %sign3A_870 : i32
        %sign3A_872 = arith.constant 0 : i32
        %sign3A_873 = arith.cmpi sgt, %jit3A_863, %sign3A_872 : i32
        %sign3A_874 = arith.extui %sign3A_873 : i1 to i32
        %sign3A_875 = arith.constant 0 : i32
        %sign3A_876 = arith.cmpi slt, %jit3A_863, %sign3A_875 : i32
        %sign3A_877 = arith.extui %sign3A_876 : i1 to i32
        %sign3A_878 = arith.subi %sign3A_874, %sign3A_877 : i32
        %ne3A_879 = arith.cmpi ne, %sign3A_871, %sign3A_878 : i32
        %rem3A_880 = arith.remsi %squeeze3A_862, %jit3A_863 : i32
        %ne3A_881 = arith.constant 0 : i32
        %ne3A_882 = arith.cmpi ne, %rem3A_880, %ne3A_881 : i32
        %and3A_883 = arith.andi %ne3A_879, %ne3A_882 : i1
        %sub3A_884 = arith.constant 1 : i32
        %sub3A_885 = arith.subi %div3A_864, %sub3A_884 : i32
        %select_n3A_886 = arith.select %and3A_883, %sub3A_885, %div3A_864 : i32
        %mul3A_887 = arith.constant 16 : i32
        %mul3A_888 = arith.muli %select_n3A_886, %mul3A_887 : i32
        %sub3A_889 = arith.subi %squeeze3A_862, %mul3A_888 : i32
        %eq3A_890 = vector.broadcast %sub3A_889 : i32 to vector<16xi32>
        %eq3A_891 = arith.cmpi eq, %iota3A, %eq3A_890 : vector<16xi32>
        %jit3A_892 = arith.constant 1.000000e+00 : f32
        %jit3A_893 = arith.constant 0.000000e+00 : f32
        %broadcast_in_dim3A_894 = vector.broadcast %jit3A_892 : f32 to vector<16xf32>
        %broadcast_in_dim3A_895 = vector.broadcast %jit3A_893 : f32 to vector<16xf32>
        %select_n3A_896 = arith.select %eq3A_891, %broadcast_in_dim3A_894, %broadcast_in_dim3A_895 : vector<16xi1>, vector<16xf32>
        %get3A_897 = arith.index_cast %mul3A_888 : i32 to index
        %get3A_898 = tpu.vector_load %arg13[%get3A_897] {strides = array<i32>} : memref<10240xf32, #tpu.memory_space<vmem>>, vector<16xf32>,
        %get3A_899 = vector.shape_cast %get3A_898 : vector<16xf32> to vector<16xf32>
        %add3A_900 = arith.addf %get3A_899, %select_n3A_896 : vector<16xf32>
        %swap3A_901 = arith.index_cast %mul3A_888 : i32 to index
        %swap3A_902 = tpu.vector_load %arg13[%swap3A_901] {strides = array<i32>} : memref<10240xf32, #tpu.memory_space<vmem>>, vector<16xf32>,
        %swap3A_903 = vector.shape_cast %swap3A_902 : vector<16xf32> to vector<16xf32>
        %swap3A_904 = vector.shape_cast %add3A_900 : vector<16xf32> to vector<16xf32>
        tpu.vector_store %arg13[%swap3A_901], %swap3A_904 {strides = array<i32>} : memref<10240xf32, #tpu.memory_space<vmem>>, vector<16xf32>,
        %slice3A_905 = vector.extract_strided_slice %get3A_301 {offsets = [14], sizes = [1], strides = [1]} : vector<16xi32> to vector<1xi32>
        %squeeze3A_906 = vector.extract %slice3A_905[0] : i32 from vector<1xi32>
        %jit3A_907 = arith.constant 16 : i32
        %div3A_908 = arith.divsi %squeeze3A_906, %jit3A_907 : i32
        %sign3A_909 = arith.constant 0 : i32
        %sign3A_910 = arith.cmpi sgt, %squeeze3A_906, %sign3A_909 : i32
        %sign3A_911 = arith.extui %sign3A_910 : i1 to i32
        %sign3A_912 = arith.constant 0 : i32
        %sign3A_913 = arith.cmpi slt, %squeeze3A_906, %sign3A_912 : i32
        %sign3A_914 = arith.extui %sign3A_913 : i1 to i32
        %sign3A_915 = arith.subi %sign3A_911, %sign3A_914 : i32
        %sign3A_916 = arith.constant 0 : i32
        %sign3A_917 = arith.cmpi sgt, %jit3A_907, %sign3A_916 : i32
        %sign3A_918 = arith.extui %sign3A_917 : i1 to i32
        %sign3A_919 = arith.constant 0 : i32
        %sign3A_920 = arith.cmpi slt, %jit3A_907, %sign3A_919 : i32
        %sign3A_921 = arith.extui %sign3A_920 : i1 to i32
        %sign3A_922 = arith.subi %sign3A_918, %sign3A_921 : i32
        %ne3A_923 = arith.cmpi ne, %sign3A_915, %sign3A_922 : i32
        %rem3A_924 = arith.remsi %squeeze3A_906, %jit3A_907 : i32
        %ne3A_925 = arith.constant 0 : i32
        %ne3A_926 = arith.cmpi ne, %rem3A_924, %ne3A_925 : i32
        %and3A_927 = arith.andi %ne3A_923, %ne3A_926 : i1
        %sub3A_928 = arith.constant 1 : i32
        %sub3A_929 = arith.subi %div3A_908, %sub3A_928 : i32
        %select_n3A_930 = arith.select %and3A_927, %sub3A_929, %div3A_908 : i32
        %mul3A_931 = arith.constant 16 : i32
        %mul3A_932 = arith.muli %select_n3A_930, %mul3A_931 : i32
        %sub3A_933 = arith.subi %squeeze3A_906, %mul3A_932 : i32
        %eq3A_934 = vector.broadcast %sub3A_933 : i32 to vector<16xi32>
        %eq3A_935 = arith.cmpi eq, %iota3A, %eq3A_934 : vector<16xi32>
        %jit3A_936 = arith.constant 1.000000e+00 : f32
        %jit3A_937 = arith.constant 0.000000e+00 : f32
        %broadcast_in_dim3A_938 = vector.broadcast %jit3A_936 : f32 to vector<16xf32>
        %broadcast_in_dim3A_939 = vector.broadcast %jit3A_937 : f32 to vector<16xf32>
        %select_n3A_940 = arith.select %eq3A_935, %broadcast_in_dim3A_938, %broadcast_in_dim3A_939 : vector<16xi1>, vector<16xf32>
        %get3A_941 = arith.index_cast %mul3A_932 : i32 to index
        %get3A_942 = tpu.vector_load %arg13[%get3A_941] {strides = array<i32>} : memref<10240xf32, #tpu.memory_space<vmem>>, vector<16xf32>,
        %get3A_943 = vector.shape_cast %get3A_942 : vector<16xf32> to vector<16xf32>
        %add3A_944 = arith.addf %get3A_943, %select_n3A_940 : vector<16xf32>
        %swap3A_945 = arith.index_cast %mul3A_932 : i32 to index
        %swap3A_946 = tpu.vector_load %arg13[%swap3A_945] {strides = array<i32>} : memref<10240xf32, #tpu.memory_space<vmem>>, vector<16xf32>,
        %swap3A_947 = vector.shape_cast %swap3A_946 : vector<16xf32> to vector<16xf32>
        %swap3A_948 = vector.shape_cast %add3A_944 : vector<16xf32> to vector<16xf32>
        tpu.vector_store %arg13[%swap3A_945], %swap3A_948 {strides = array<i32>} : memref<10240xf32, #tpu.memory_space<vmem>>, vector<16xf32>,
        %slice3A_949 = vector.extract_strided_slice %get3A_301 {offsets = [15], sizes = [1], strides = [1]} : vector<16xi32> to vector<1xi32>
        %squeeze3A_950 = vector.extract %slice3A_949[0] : i32 from vector<1xi32>
        %jit3A_951 = arith.constant 16 : i32
        %div3A_952 = arith.divsi %squeeze3A_950, %jit3A_951 : i32
        %sign3A_953 = arith.constant 0 : i32
        %sign3A_954 = arith.cmpi sgt, %squeeze3A_950, %sign3A_953 : i32
        %sign3A_955 = arith.extui %sign3A_954 : i1 to i32
        %sign3A_956 = arith.constant 0 : i32
        %sign3A_957 = arith.cmpi slt, %squeeze3A_950, %sign3A_956 : i32
        %sign3A_958 = arith.extui %sign3A_957 : i1 to i32
        %sign3A_959 = arith.subi %sign3A_955, %sign3A_958 : i32
        %sign3A_960 = arith.constant 0 : i32
        %sign3A_961 = arith.cmpi sgt, %jit3A_951, %sign3A_960 : i32
        %sign3A_962 = arith.extui %sign3A_961 : i1 to i32
        %sign3A_963 = arith.constant 0 : i32
        %sign3A_964 = arith.cmpi slt, %jit3A_951, %sign3A_963 : i32
        %sign3A_965 = arith.extui %sign3A_964 : i1 to i32
        %sign3A_966 = arith.subi %sign3A_962, %sign3A_965 : i32
        %ne3A_967 = arith.cmpi ne, %sign3A_959, %sign3A_966 : i32
        %rem3A_968 = arith.remsi %squeeze3A_950, %jit3A_951 : i32
        %ne3A_969 = arith.constant 0 : i32
        %ne3A_970 = arith.cmpi ne, %rem3A_968, %ne3A_969 : i32
        %and3A_971 = arith.andi %ne3A_967, %ne3A_970 : i1
        %sub3A_972 = arith.constant 1 : i32
        %sub3A_973 = arith.subi %div3A_952, %sub3A_972 : i32
        %select_n3A_974 = arith.select %and3A_971, %sub3A_973, %div3A_952 : i32
        %mul3A_975 = arith.constant 16 : i32
        %mul3A_976 = arith.muli %select_n3A_974, %mul3A_975 : i32
        %sub3A_977 = arith.subi %squeeze3A_950, %mul3A_976 : i32
        %eq3A_978 = vector.broadcast %sub3A_977 : i32 to vector<16xi32>
        %eq3A_979 = arith.cmpi eq, %iota3A, %eq3A_978 : vector<16xi32>
        %jit3A_980 = arith.constant 1.000000e+00 : f32
        %jit3A_981 = arith.constant 0.000000e+00 : f32
        %broadcast_in_dim3A_982 = vector.broadcast %jit3A_980 : f32 to vector<16xf32>
        %broadcast_in_dim3A_983 = vector.broadcast %jit3A_981 : f32 to vector<16xf32>
        %select_n3A_984 = arith.select %eq3A_979, %broadcast_in_dim3A_982, %broadcast_in_dim3A_983 : vector<16xi1>, vector<16xf32>
        %get3A_985 = arith.index_cast %mul3A_976 : i32 to index
        %get3A_986 = tpu.vector_load %arg13[%get3A_985] {strides = array<i32>} : memref<10240xf32, #tpu.memory_space<vmem>>, vector<16xf32>,
        %get3A_987 = vector.shape_cast %get3A_986 : vector<16xf32> to vector<16xf32>
        %add3A_988 = arith.addf %get3A_987, %select_n3A_984 : vector<16xf32>
        %swap3A_989 = arith.index_cast %mul3A_976 : i32 to index
        %swap3A_990 = tpu.vector_load %arg13[%swap3A_989] {strides = array<i32>} : memref<10240xf32, #tpu.memory_space<vmem>>, vector<16xf32>,
        %swap3A_991 = vector.shape_cast %swap3A_990 : vector<16xf32> to vector<16xf32>
        %swap3A_992 = vector.shape_cast %add3A_988 : vector<16xf32> to vector<16xf32>
        tpu.vector_store %arg13[%swap3A_989], %swap3A_992 {strides = array<i32>} : memref<10240xf32, #tpu.memory_space<vmem>>, vector<16xf32>,
      }
      %scan3A_287 = arith.constant 8 : i32
      %lt3A_288 = arith.constant 79 : i32
      %lt3A_289 = arith.cmpi slt, %add3A_195, %lt3A_288 : i32
      %convert_element_type3A_290 = arith.extui %lt3A_289 : i1 to i32
      %cond3A_291 = arith.constant 0 : i32
      %cond3A_292 = arith.cmpi ne, %convert_element_type3A_290, %cond3A_291 : i32
      scf.if %cond3A_292 {
        %add3A_293 = arith.constant 1 : i32
        %add3A_294 = arith.addi %add3A_195, %add3A_293 : i32
        %mul3A_295 = arith.constant 2 : i32
        %mul3A_296 = arith.muli %add3A_294, %mul3A_295 : i32
        %add3A_297 = arith.constant 0 : i32
        %add3A_298 = arith.addi %mul3A_296, %add3A_297 : i32
        %dma_wait3A_299 = arith.constant 0 : i32
        %dma_wait3A_300 = arith.constant 0 : i32
        %dma_wait3A_301 = arith.constant 0 : i32
        %dma_wait3A_302 = tpu.memref_slice %arg12[%dma_wait3A_299, %dma_wait3A_300, %dma_wait3A_301] : memref<2x128x128xf32, #tpu.memory_space<vmem>> -> memref<1x128x128xf32, #tpu.memory_space<vmem>>
        %dma_wait3A_303 = tpu.memref_squeeze %dma_wait3A_302 : memref<1x128x128xf32, #tpu.memory_space<vmem>> -> memref<128x128xf32, #tpu.memory_space<vmem>>
        %dma_wait3A_304 = arith.constant 0 : i32
        %dma_wait3A_305 = arith.constant 0 : i32
        %dma_wait3A_306 = tpu.memref_slice %arg5[%dma_wait3A_304, %dma_wait3A_305] : memref<1000x128xf32, #tpu.memory_space<hbm>> -> memref<128x128xf32, #tpu.memory_space<hbm>>
        %dma_wait3A_307 = arith.constant 0 : i32
        %dma_wait3A_308 = arith.constant 0 : i32
        %dma_wait3A_309 = tpu.memref_slice %arg12[%dma_wait3A_299, %dma_wait3A_307, %dma_wait3A_308] : memref<2x128x128xf32, #tpu.memory_space<vmem>> -> memref<1x128x128xf32, #tpu.memory_space<vmem>>
        %dma_wait3A_310 = tpu.memref_squeeze %dma_wait3A_309 : memref<1x128x128xf32, #tpu.memory_space<vmem>> -> memref<128x128xf32, #tpu.memory_space<vmem>>
        %dma_wait3A_311 = arith.constant 0 : i32
        %dma_wait3A_312 = arith.constant 0 : i32
        %dma_wait3A_313 = tpu.memref_slice %arg5[%dma_wait3A_311, %dma_wait3A_312] : memref<1000x128xf32, #tpu.memory_space<hbm>> -> memref<128x128xf32, #tpu.memory_space<hbm>>
        tpu.wait_dma2 semaphore(%arg18 : memref<!tpu.dma_semaphore, #tpu.memory_space<semaphore_mem>>) src(%dma_wait3A_313 : memref<128x128xf32, #tpu.memory_space<hbm>>) dst(%dma_wait3A_310 : memref<128x128xf32, #tpu.memory_space<vmem>>)
        %dma_start3A_314 = arith.constant 0 : i32
        %dma_start3A_315 = arith.constant 0 : i32
        %dma_start3A_316 = arith.constant 0 : i32
        %dma_start3A_317 = tpu.memref_slice %arg12[%dma_start3A_314, %dma_start3A_315, %dma_start3A_316] : memref<2x128x128xf32, #tpu.memory_space<vmem>> -> memref<1x128x128xf32, #tpu.memory_space<vmem>>
        %dma_start3A_318 = tpu.memref_squeeze %dma_start3A_317 : memref<1x128x128xf32, #tpu.memory_space<vmem>> -> memref<128x128xf32, #tpu.memory_space<vmem>>
        %dma_start3A_319 = arith.constant 0 : i32
        %dma_start3A_320 = tpu.memref_slice %arg11[%add3A_298, %dma_start3A_319] : memref<160x128xi32, #tpu.memory_space<vmem>> -> memref<1x128xi32, #tpu.memory_space<vmem>>
        %dma_start3A_321 = tpu.memref_squeeze %dma_start3A_320 : memref<1x128xi32, #tpu.memory_space<vmem>> -> memref<128xi32, #tpu.memory_space<vmem>>
        %dma_start3A_322 = arith.constant 0 : i32
        %dma_start3A_323 = arith.constant 0 : i32
        %dma_start3A_324 = tpu.memref_slice %arg5[%dma_start3A_322, %dma_start3A_323] : memref<1000x128xf32, #tpu.memory_space<hbm>> -> memref<1000x128xf32, #tpu.memory_space<hbm>>
        tpu.enqueue_indirect_dma source(%dma_start3A_324 : memref<1000x128xf32, #tpu.memory_space<hbm>>) target(%dma_start3A_318 : memref<128x128xf32, #tpu.memory_space<vmem>>) offsets(%dma_start3A_321 : memref<128xi32, #tpu.memory_space<vmem>>) semaphore(%arg16 : memref<!tpu.dma_semaphore, #tpu.memory_space<semaphore_mem>>)
        %add3A_325 = arith.constant 1 : i32
        %add3A_326 = arith.addi %add3A_195, %add3A_325 : i32
        %mul3A_327 = arith.constant 2 : i32
        %mul3A_328 = arith.muli %add3A_326, %mul3A_327 : i32
        %add3A_329 = arith.constant 1 : i32
        %add3A_330 = arith.addi %mul3A_328, %add3A_329 : i32
        %dma_wait3A_331 = arith.constant 0 : i32
        %dma_wait3A_332 = arith.constant 0 : i32
        %dma_wait3A_333 = arith.constant 0 : i32
        %dma_wait3A_334 = tpu.memref_slice %arg12[%dma_wait3A_331, %dma_wait3A_332, %dma_wait3A_333] : memref<2x128x128xf32, #tpu.memory_space<vmem>> -> memref<1x128x128xf32, #tpu.memory_space<vmem>>
        %dma_wait3A_335 = tpu.memref_squeeze %dma_wait3A_334 : memref<1x128x128xf32, #tpu.memory_space<vmem>> -> memref<128x128xf32, #tpu.memory_space<vmem>>
        %dma_wait3A_336 = arith.constant 0 : i32
        %dma_wait3A_337 = arith.constant 0 : i32
        %dma_wait3A_338 = tpu.memref_slice %arg5[%dma_wait3A_336, %dma_wait3A_337] : memref<1000x128xf32, #tpu.memory_space<hbm>> -> memref<128x128xf32, #tpu.memory_space<hbm>>
        %dma_wait3A_339 = arith.constant 0 : i32
        %dma_wait3A_340 = arith.constant 0 : i32
        %dma_wait3A_341 = tpu.memref_slice %arg12[%dma_wait3A_331, %dma_wait3A_339, %dma_wait3A_340] : memref<2x128x128xf32, #tpu.memory_space<vmem>> -> memref<1x128x128xf32, #tpu.memory_space<vmem>>
        %dma_wait3A_342 = tpu.memref_squeeze %dma_wait3A_341 : memref<1x128x128xf32, #tpu.memory_space<vmem>> -> memref<128x128xf32, #tpu.memory_space<vmem>>
        %dma_wait3A_343 = arith.constant 0 : i32
        %dma_wait3A_344 = arith.constant 0 : i32
        %dma_wait3A_345 = tpu.memref_slice %arg5[%dma_wait3A_343, %dma_wait3A_344] : memref<1000x128xf32, #tpu.memory_space<hbm>> -> memref<128x128xf32, #tpu.memory_space<hbm>>
        tpu.wait_dma2 semaphore(%arg19 : memref<!tpu.dma_semaphore, #tpu.memory_space<semaphore_mem>>) src(%dma_wait3A_345 : memref<128x128xf32, #tpu.memory_space<hbm>>) dst(%dma_wait3A_342 : memref<128x128xf32, #tpu.memory_space<vmem>>)
        %dma_start3A_346 = arith.constant 1 : i32
        %dma_start3A_347 = arith.constant 0 : i32
        %dma_start3A_348 = arith.constant 0 : i32
        %dma_start3A_349 = tpu.memref_slice %arg12[%dma_start3A_346, %dma_start3A_347, %dma_start3A_348] : memref<2x128x128xf32, #tpu.memory_space<vmem>> -> memref<1x128x128xf32, #tpu.memory_space<vmem>>
        %dma_start3A_350 = tpu.memref_squeeze %dma_start3A_349 : memref<1x128x128xf32, #tpu.memory_space<vmem>> -> memref<128x128xf32, #tpu.memory_space<vmem>>
        %dma_start3A_351 = arith.constant 0 : i32
        %dma_start3A_352 = tpu.memref_slice %arg11[%add3A_330, %dma_start3A_351] : memref<160x128xi32, #tpu.memory_space<vmem>> -> memref<1x128xi32, #tpu.memory_space<vmem>>
        %dma_start3A_353 = tpu.memref_squeeze %dma_start3A_352 : memref<1x128xi32, #tpu.memory_space<vmem>> -> memref<128xi32, #tpu.memory_space<vmem>>
        %dma_start3A_354 = arith.constant 0 : i32
        %dma_start3A_355 = arith.constant 0 : i32
        %dma_start3A_356 = tpu.memref_slice %arg5[%dma_start3A_354, %dma_start3A_355] : memref<1000x128xf32, #tpu.memory_space<hbm>> -> memref<1000x128xf32, #tpu.memory_space<hbm>>
        tpu.enqueue_indirect_dma source(%dma_start3A_356 : memref<1000x128xf32, #tpu.memory_space<hbm>>) target(%dma_start3A_350 : memref<128x128xf32, #tpu.memory_space<vmem>>) offsets(%dma_start3A_353 : memref<128xi32, #tpu.memory_space<vmem>>) semaphore(%arg17 : memref<!tpu.dma_semaphore, #tpu.memory_space<semaphore_mem>>)
      } else {
      }
    }
    %scan3A_50 = arith.constant 40 : i32
    %dma_wait3A = arith.constant 0 : i32
    %dma_wait3A_51 = arith.constant 0 : i32
    %dma_wait3A_52 = arith.constant 0 : i32
    %dma_wait3A_53 = tpu.memref_slice %arg12[%dma_wait3A, %dma_wait3A_51, %dma_wait3A_52] : memref<2x128x128xf32, #tpu.memory_space<vmem>> -> memref<1x128x128xf32, #tpu.memory_space<vmem>>
    %dma_wait3A_54 = tpu.memref_squeeze %dma_wait3A_53 : memref<1x128x128xf32, #tpu.memory_space<vmem>> -> memref<128x128xf32, #tpu.memory_space<vmem>>
    %dma_wait3A_55 = arith.constant 0 : i32
    %dma_wait3A_56 = arith.constant 0 : i32
    %dma_wait3A_57 = tpu.memref_slice %arg5[%dma_wait3A_55, %dma_wait3A_56] : memref<1000x128xf32, #tpu.memory_space<hbm>> -> memref<128x128xf32, #tpu.memory_space<hbm>>
    %dma_wait3A_58 = arith.constant 0 : i32
    %dma_wait3A_59 = arith.constant 0 : i32
    %dma_wait3A_60 = tpu.memref_slice %arg12[%dma_wait3A, %dma_wait3A_58, %dma_wait3A_59] : memref<2x128x128xf32, #tpu.memory_space<vmem>> -> memref<1x128x128xf32, #tpu.memory_space<vmem>>
    %dma_wait3A_61 = tpu.memref_squeeze %dma_wait3A_60 : memref<1x128x128xf32, #tpu.memory_space<vmem>> -> memref<128x128xf32, #tpu.memory_space<vmem>>
    %dma_wait3A_62 = arith.constant 0 : i32
    %dma_wait3A_63 = arith.constant 0 : i32
    %dma_wait3A_64 = tpu.memref_slice %arg5[%dma_wait3A_62, %dma_wait3A_63] : memref<1000x128xf32, #tpu.memory_space<hbm>> -> memref<128x128xf32, #tpu.memory_space<hbm>>
    tpu.wait_dma2 semaphore(%arg18 : memref<!tpu.dma_semaphore, #tpu.memory_space<semaphore_mem>>) src(%dma_wait3A_64 : memref<128x128xf32, #tpu.memory_space<hbm>>) dst(%dma_wait3A_61 : memref<128x128xf32, #tpu.memory_space<vmem>>)
    %dma_wait3A_65 = arith.constant 0 : i32
    %dma_wait3A_66 = arith.constant 0 : i32
    %dma_wait3A_67 = arith.constant 0 : i32
    %dma_wait3A_68 = tpu.memref_slice %arg12[%dma_wait3A_65, %dma_wait3A_66, %dma_wait3A_67] : memref<2x128x128xf32, #tpu.memory_space<vmem>> -> memref<1x128x128xf32, #tpu.memory_space<vmem>>
    %dma_wait3A_69 = tpu.memref_squeeze %dma_wait3A_68 : memref<1x128x128xf32, #tpu.memory_space<vmem>> -> memref<128x128xf32, #tpu.memory_space<vmem>>
    %dma_wait3A_70 = arith.constant 0 : i32
    %dma_wait3A_71 = arith.constant 0 : i32
    %dma_wait3A_72 = tpu.memref_slice %arg5[%dma_wait3A_70, %dma_wait3A_71] : memref<1000x128xf32, #tpu.memory_space<hbm>> -> memref<128x128xf32, #tpu.memory_space<hbm>>
    %dma_wait3A_73 = arith.constant 0 : i32
    %dma_wait3A_74 = arith.constant 0 : i32
    %dma_wait3A_75 = tpu.memref_slice %arg12[%dma_wait3A_65, %dma_wait3A_73, %dma_wait3A_74] : memref<2x128x128xf32, #tpu.memory_space<vmem>> -> memref<1x128x128xf32, #tpu.memory_space<vmem>>
    %dma_wait3A_76 = tpu.memref_squeeze %dma_wait3A_75 : memref<1x128x128xf32, #tpu.memory_space<vmem>> -> memref<128x128xf32, #tpu.memory_space<vmem>>
    %dma_wait3A_77 = arith.constant 0 : i32
    %dma_wait3A_78 = arith.constant 0 : i32
    %dma_wait3A_79 = tpu.memref_slice %arg5[%dma_wait3A_77, %dma_wait3A_78] : memref<1000x128xf32, #tpu.memory_space<hbm>> -> memref<128x128xf32, #tpu.memory_space<hbm>>
    tpu.wait_dma2 semaphore(%arg19 : memref<!tpu.dma_semaphore, #tpu.memory_space<semaphore_mem>>) src(%dma_wait3A_79 : memref<128x128xf32, #tpu.memory_space<hbm>>) dst(%dma_wait3A_76 : memref<128x128xf32, #tpu.memory_space<vmem>>)
    %barrier3A_80 = arith.constant 0 : index
    tpu.barrier barrier_id(%barrier3A_80)
    %mul3A_81 = arith.constant 320 : i32
    %mul3A_82 = arith.muli %arg1, %mul3A_81 : i32
    %mul3A_83 = arith.constant 5120 : i32
    %mul3A_84 = arith.muli %arg0, %mul3A_83 : i32
    %mul3A_85 = arith.constant 320 : i32
    %mul3A_86 = arith.muli %arg1, %mul3A_85 : i32
    %add3A_87 = arith.addi %mul3A_84, %mul3A_86 : i32
    "tpu.region"() ({
      %run_scoped3A = tpu.sem_alloc : memref<!tpu.dma_semaphore, #tpu.memory_space<semaphore_mem>>
      %dma_start3A_93 = arith.constant 0 : i32
      %dma_start3A_94 = tpu.memref_slice %arg8[%add3A_87, %dma_start3A_93] : memref<10240x128xf32, #tpu.memory_space<hbm>> -> memref<320x128xf32, #tpu.memory_space<hbm>>
      %dma_start3A_95 = arith.constant 0 : i32
      %dma_start3A_96 = tpu.memref_slice %arg15[%mul3A_82, %dma_start3A_95] : memref<5120x128xf32, #tpu.memory_space<vmem_shared>> -> memref<320x128xf32, #tpu.memory_space<vmem_shared>>
      tpu.enqueue_dma source(%dma_start3A_96 : memref<320x128xf32, #tpu.memory_space<vmem_shared>>) target(%dma_start3A_94 : memref<320x128xf32, #tpu.memory_space<hbm>>) target_semaphore(%run_scoped3A : memref<!tpu.dma_semaphore, #tpu.memory_space<semaphore_mem>>)
      %dma_wait3A_97 = arith.constant 0 : i32
      %dma_wait3A_98 = tpu.memref_slice %arg8[%add3A_87, %dma_wait3A_97] : memref<10240x128xf32, #tpu.memory_space<hbm>> -> memref<320x128xf32, #tpu.memory_space<hbm>>
      %dma_wait3A_99 = arith.constant 0 : i32
      %dma_wait3A_100 = tpu.memref_slice %arg15[%mul3A_82, %dma_wait3A_99] : memref<5120x128xf32, #tpu.memory_space<vmem_shared>> -> memref<320x128xf32, #tpu.memory_space<vmem_shared>>
      tpu.wait_dma2 semaphore(%run_scoped3A : memref<!tpu.dma_semaphore, #tpu.memory_space<semaphore_mem>>) src(%dma_wait3A_100 : memref<320x128xf32, #tpu.memory_space<vmem_shared>>) dst(%dma_wait3A_98 : memref<320x128xf32, #tpu.memory_space<hbm>>)
      tpu.yield
    }) : () -> ()
    %mul3A_88 = arith.constant 16 : i32
    %mul3A_89 = arith.muli %arg0, %mul3A_88 : i32
    %add3A_90 = arith.addi %mul3A_89, %arg1 : i32
    %mul3A_91 = arith.constant 10240 : i32
    %mul3A_92 = arith.muli %add3A_90, %mul3A_91 : i32
    "tpu.region"() ({
      %run_scoped3A = tpu.sem_alloc : memref<!tpu.dma_semaphore, #tpu.memory_space<semaphore_mem>>
      %dma_start3A_93 = tpu.memref_slice %arg9[%mul3A_92] : memref<327680xf32, #tpu.memory_space<hbm>> -> memref<10240xf32, #tpu.memory_space<hbm>>
      %dma_start3A_94 = tpu.memref_slice %arg9[%mul3A_92] : memref<327680xf32, #tpu.memory_space<hbm>> -> memref<10240xf32, #tpu.memory_space<hbm>>
      tpu.enqueue_dma source(%arg13 : memref<10240xf32, #tpu.memory_space<vmem>>) target(%dma_start3A_94 : memref<10240xf32, #tpu.memory_space<hbm>>) target_semaphore(%run_scoped3A : memref<!tpu.dma_semaphore, #tpu.memory_space<semaphore_mem>>)
      %dma_wait3A_95 = tpu.memref_slice %arg9[%mul3A_92] : memref<327680xf32, #tpu.memory_space<hbm>> -> memref<10240xf32, #tpu.memory_space<hbm>>
      %dma_wait3A_96 = tpu.memref_slice %arg9[%mul3A_92] : memref<327680xf32, #tpu.memory_space<hbm>> -> memref<10240xf32, #tpu.memory_space<hbm>>
      tpu.wait_dma2 semaphore(%run_scoped3A : memref<!tpu.dma_semaphore, #tpu.memory_space<semaphore_mem>>) src(%arg13 : memref<10240xf32, #tpu.memory_space<vmem>>) dst(%dma_wait3A_96 : memref<10240xf32, #tpu.memory_space<hbm>>)
      tpu.yield
    }) : () -> ()
    return
  }
}

module attributes {stable_mosaic.version = 14 : i64} {
  func.func @_tc_finish_body(%arg0: i32, %arg1: memref<1024x128xf32, #tpu.memory_space<vmem>>, %arg2: memref<1024x32xf32, #tpu.memory_space<vmem>>, %arg3: memref<1024x128xf32, #tpu.memory_space<vmem>>, %arg4: memref<128x128xf32, #tpu.memory_space<vmem>>, %arg5: memref<1x128xf32, #tpu.memory_space<vmem>>, %arg6: memref<128x128xf32, #tpu.memory_space<vmem>>, %arg7: memref<1x128xf32, #tpu.memory_space<vmem>>, %arg8: memref<1024x128xf32, #tpu.memory_space<vmem>>) attributes {dimension_semantics = [#tpu.dimension_semantics<arbitrary>], iteration_bounds = array<i64: 10>, scalar_prefetch = 0 : i64, scratch_operands = 0 : i64, tpu.core_type = #tpu.core_type<tc>, window_params = [{transform_indices = @transform_0, window_bounds = array<i64: 1024, 128>}, {transform_indices = @transform_1, window_bounds = array<i64: 1024, 32>}, {transform_indices = @transform_2, window_bounds = array<i64: 1024, 128>}, {pipeline_mode = #tpu.pipeline_mode<synchronous>, transform_indices = @transform_3, window_bounds = array<i64: 128, 128>}, {pipeline_mode = #tpu.pipeline_mode<synchronous>, transform_indices = @transform_4, window_bounds = array<i64: 1, 128>}, {pipeline_mode = #tpu.pipeline_mode<synchronous>, transform_indices = @transform_5, window_bounds = array<i64: 128, 128>}, {pipeline_mode = #tpu.pipeline_mode<synchronous>, transform_indices = @transform_6, window_bounds = array<i64: 1, 128>}, {transform_indices = @transform_7, window_bounds = array<i64: 1024, 128>}]} {
    %get3A = arith.constant 0 : index
    %get3A_0 = arith.constant 0 : index
    %get3A_1 = vector.load %arg1[%get3A, %get3A_0] : memref<1024x128xf32, #tpu.memory_space<vmem>>, vector<1024x128xf32>
    %get3A_2 = arith.constant 0 : index
    %get3A_3 = arith.constant 0 : index
    %get3A_4 = vector.load %arg2[%get3A_2, %get3A_3] : memref<1024x32xf32, #tpu.memory_space<vmem>>, vector<1024x32xf32>
    %slice3A = vector.extract_strided_slice %get3A_4 {offsets = [0, 0], sizes = [1024, 16], strides = [1, 1]} : vector<1024x32xf32> to vector<1024x16xf32>
    %reduce_sum3A = arith.constant dense<0.000000e+00> : vector<1024xf32>
    %reduce_sum3A_5 = vector.multi_reduction <add>, %slice3A, %reduce_sum3A [1] : vector<1024x16xf32> to vector<1024xf32>
    %slice3A_6 = vector.extract_strided_slice %get3A_4 {offsets = [0, 16], sizes = [1024, 16], strides = [1, 1]} : vector<1024x32xf32> to vector<1024x16xf32>
    %reduce_sum3A_7 = arith.constant dense<0.000000e+00> : vector<1024xf32>
    %reduce_sum3A_8 = vector.multi_reduction <add>, %slice3A_6, %reduce_sum3A_7 [1] : vector<1024x16xf32> to vector<1024xf32>
    %max3A = arith.constant 1.000000e+00 : f32
    %max3A_9 = vector.broadcast %max3A : f32 to vector<1024xf32>
    %max3A_10 = arith.maximumf %reduce_sum3A_5, %max3A_9 : vector<1024xf32>
    %broadcast_in_dim3A = vector.shape_cast %max3A_10 : vector<1024xf32> to vector<1024x1xf32>
    %div3A = vector.broadcast %broadcast_in_dim3A : vector<1024x1xf32> to vector<1024x128xf32>
    %div3A_11 = arith.divf %get3A_1, %div3A : vector<1024x128xf32>
    %add3A = arith.addf %reduce_sum3A_5, %reduce_sum3A_8 : vector<1024xf32>
    %eq3A = arith.constant 0.000000e+00 : f32
    %eq3A_12 = vector.broadcast %eq3A : f32 to vector<1024xf32>
    %eq3A_13 = arith.cmpf oeq, %add3A, %eq3A_12 : vector<1024xf32>
    %broadcast_in_dim3A_14 = vector.shape_cast %eq3A_13 : vector<1024xi1> to vector<1024x1xi1>
    %get3A_15 = arith.constant 0 : index
    %get3A_16 = arith.constant 0 : index
    %get3A_17 = vector.load %arg3[%get3A_15, %get3A_16] : memref<1024x128xf32, #tpu.memory_space<vmem>>, vector<1024x128xf32>
    %broadcast_in_dim3A_18 = vector.shape_cast %broadcast_in_dim3A_14 : vector<1024x1xi1> to vector<1024x1xi1>
    %broadcast_in_dim3A_19 = vector.broadcast %broadcast_in_dim3A_18 : vector<1024x1xi1> to vector<1024x128xi1>
    %select_n3A = arith.select %broadcast_in_dim3A_19, %get3A_17, %div3A_11 : vector<1024x128xi1>, vector<1024x128xf32>
    %get3A_20 = arith.constant 0 : index
    %get3A_21 = arith.constant 0 : index
    %get3A_22 = vector.load %arg4[%get3A_20, %get3A_21] : memref<128x128xf32, #tpu.memory_space<vmem>>, vector<128x128xf32>
    %dot_general3A = arith.constant dense<0.000000e+00> : vector<1024x128xf32>
    %dot_general3A_23 = tpu.matmul %select_n3A, %get3A_22, %dot_general3A {dimension_numbers = #tpu.dot_dimension_numbers<[1], [0], [0], [1], [0, 0, 1, 1], [], []>, transpose_lhs_hint = false} : vector<1024x128xf32>, vector<128x128xf32>, vector<1024x128xf32> -> vector<1024x128xf32>
    %get3A_24 = arith.constant 0 : index
    %get3A_25 = arith.constant 0 : index
    %get3A_26 = vector.load %arg5[%get3A_24, %get3A_25] : memref<1x128xf32, #tpu.memory_space<vmem>>, vector<1x128xf32>
    %add3A_27 = vector.broadcast %get3A_26 : vector<1x128xf32> to vector<1024x128xf32>
    %add3A_28 = arith.addf %dot_general3A_23, %add3A_27 : vector<1024x128xf32>
    %max3A_29 = arith.constant 0.000000e+00 : f32
    %max3A_30 = vector.broadcast %max3A_29 : f32 to vector<1024x128xf32>
    %max3A_31 = arith.maximumf %add3A_28, %max3A_30 : vector<1024x128xf32>
    %get3A_32 = arith.constant 0 : index
    %get3A_33 = arith.constant 0 : index
    %get3A_34 = vector.load %arg6[%get3A_32, %get3A_33] : memref<128x128xf32, #tpu.memory_space<vmem>>, vector<128x128xf32>
    %dot_general3A_35 = arith.constant dense<0.000000e+00> : vector<1024x128xf32>
    %dot_general3A_36 = tpu.matmul %max3A_31, %get3A_34, %dot_general3A_35 {dimension_numbers = #tpu.dot_dimension_numbers<[1], [0], [0], [1], [0, 0, 1, 1], [], []>, transpose_lhs_hint = false} : vector<1024x128xf32>, vector<128x128xf32>, vector<1024x128xf32> -> vector<1024x128xf32>
    %get3A_37 = arith.constant 0 : index
    %get3A_38 = arith.constant 0 : index
    %get3A_39 = vector.load %arg7[%get3A_37, %get3A_38] : memref<1x128xf32, #tpu.memory_space<vmem>>, vector<1x128xf32>
    %add3A_40 = vector.broadcast %get3A_39 : vector<1x128xf32> to vector<1024x128xf32>
    %add3A_41 = arith.addf %dot_general3A_36, %add3A_40 : vector<1024x128xf32>
    %swap3A = arith.constant 0 : index
    %swap3A_42 = arith.constant 0 : index
    %swap3A_43 = vector.load %arg8[%swap3A, %swap3A_42] : memref<1024x128xf32, #tpu.memory_space<vmem>>, vector<1024x128xf32>
    tpu.vector_store %arg8[%swap3A, %swap3A_42], %add3A_41 {strides = array<i32>} : memref<1024x128xf32, #tpu.memory_space<vmem>>, vector<1024x128xf32>,
    return
  }
  func.func @transform_0(%arg0: i32) -> (i32, i32) {
    %c0_i32 = arith.constant 0 : i32
    %c0_i32_0 = arith.constant 0 : i32
    return %arg0, %c0_i32 : i32, i32
  }
  func.func @transform_1(%arg0: i32) -> (i32, i32) {
    %c0_i32 = arith.constant 0 : i32
    %c0_i32_0 = arith.constant 0 : i32
    return %arg0, %c0_i32 : i32, i32
  }
  func.func @transform_2(%arg0: i32) -> (i32, i32) {
    %c0_i32 = arith.constant 0 : i32
    %c0_i32_0 = arith.constant 0 : i32
    return %arg0, %c0_i32 : i32, i32
  }
  func.func @transform_3(%arg0: i32) -> (i32, i32) {
    %c0_i32 = arith.constant 0 : i32
    %c0_i32_0 = arith.constant 0 : i32
    %c0_i32_1 = arith.constant 0 : i32
    return %c0_i32, %c0_i32_0 : i32, i32
  }
  func.func @transform_4(%arg0: i32) -> (i32, i32) {
    %c0_i32 = arith.constant 0 : i32
    %c0_i32_0 = arith.constant 0 : i32
    %c0_i32_1 = arith.constant 0 : i32
    return %c0_i32, %c0_i32_0 : i32, i32
  }
  func.func @transform_5(%arg0: i32) -> (i32, i32) {
    %c0_i32 = arith.constant 0 : i32
    %c0_i32_0 = arith.constant 0 : i32
    %c0_i32_1 = arith.constant 0 : i32
    return %c0_i32, %c0_i32_0 : i32, i32
  }
  func.func @transform_6(%arg0: i32) -> (i32, i32) {
    %c0_i32 = arith.constant 0 : i32
    %c0_i32_0 = arith.constant 0 : i32
    %c0_i32_1 = arith.constant 0 : i32
    return %c0_i32, %c0_i32_0 : i32, i32
  }
  func.func @transform_7(%arg0: i32) -> (i32, i32) {
    %c0_i32 = arith.constant 0 : i32
    %c0_i32_0 = arith.constant 0 : i32
    return %arg0, %c0_i32 : i32, i32
  }
}

</mosaic_0001>

<sc_bundles>
// kernel: kernel.4.cloned.1.call-start
scs
__scs_entry_jumppad:
0x0: {  	(pc) =	sbr.rel $0x88, $3  }
0x1: {  	(tag) =	ssettag $0x0;
	lr =	simm.s32 $0x1  }
0x2: {  	[smem:$0x3F98] =	sst lr;
	_ =	strace $0xD0000000  }
0x3: {  	_ = 	snop  }
0x4: {  	_ = 	snop  }
0x5: {  	_ = 	snop  }
0x6: {  	_ = 	snop  }
0x7: {  	_ = 	snop  }
__scs_overlays_trampoline_lowered:
0x8: {  	[smem:$0x3FA7] =	sst s0  }
0x9: {  	[smem:$0x3FA8] =	sst s1  }
0xa: {  	[smem:$0x3FA9] =	sst s2  }
0xb: {  	[smem:$0x3FAA] =	sst s3  }
0xc: {  	[smem:$0x3FAB] =	sst s4  }
0xd: {  	[smem:$0x3FAC] =	sst s5  }
0xe: {  	[smem:$0x3FAD] =	sst s6  }
0xf: {  	[smem:$0x3FAE] =	sst s7  }
0x10: {  	[smem:$0x3FAF] =	sst s8  }
0x11: {  	[smem:$0x3FB0] =	sst s9;
	s0 =	simm.s32 @!p0 $0x0  }
0x12: {  	s1 =	sld [smem:$0x3F96];
	s0 =	simm.s32 @p0 $0x1  }
0x13: {  	[smem:$0x3FB1] =	sst s0;
	s0 =	simm.s32 @!p1 $0x0  }
0x14: {  	s2 =	sld [smem:$0x3F95];
	s0 =	simm.s32 @p1 $0x1  }
0x15: {  	[smem:$0x3FB2] =	sst s0;
	s0 =	simm.s32 @!p2 $0x0  }
0x16: {  	s3 =	sld [smem:$0x3FDB];
	s0 =	simm.s32 @p2 $0x1  }
0x17: {  	s4 =	simm.s32 $0x1BF5;
	[smem:$0x3FB4] =	sst s0  }
0x18: {  	s0 =	sld [smem:$0x3F97];
	_ =	swait.ge [sflag:s4], $0x0  }
0x19: {  	s7 =	sld [smem:$0x3F98]  }
0x1a: {  	s8 =	sadd.s32 $0xFFFFE003, lr  }
0x1b: {  	s9 =	sadd.s32 $0xFFFFFEF7, lr;
	s5 =	simm.s32 $0xFFFFFFFF;
	p2 =	slt.u32 s8, $0xFFFFF086  }
0x1c: {  	p1 =	slt.u32 s9, $0xF7A;
	s5 =	simm.s32 @!p2 $0x0  }
0x1d: {  	s5 =	simm.s32 @p1 $0x1;
	p0 =	seq.s32 s7, s2  }
0x1e: {  	s7 =	smul.u32 @!p0 $0xF7A, s2;
	p2 =	seq.s32 @!p0 s5, $0x0  }
0x1f: {  	s9 =	smul.u32 $0xF7A, s1;
	s8 =	simm.s32 @!p0 $0x1BF5;
	p2 =	por !p2, p0  }
0x20: {  	[sflag:s8] =	ssyncset.s32 @!p0 $0xFFFFF086;
	s6 =	sadd.s32 @!p0 s3, s7;
	s7 =	simm.s32 @!p0 $0x108  }
0x21: {  	s3 =	sadd.s32 s3, s9;
	s6 =	sadd.s32 @!p0 $0x88, s6;
	s7 =	simm.s32 @p2 $0x1082  }
0x22: {  	[simem:s7], [sflag:s8] =	dma.local @!p0 [hbm:s6], $0xF7A  }
0x23: {  	s9 =	sor.u32 $0xD0000000, s2;
	s6 =	simm.s32 $0x108;
	_ =	swait.ge @!p0 [sflag:s8], $0x0  }
0x24: {  	s3 =	sadd.s32 $0x88, s3;
	s6 =	simm.s32 @!p1 $0x1082;
	[sflag:s4] =	ssyncset.s32 $0xFFFFF086  }
0x25: {  	[simem:s6], [sflag:s4] =	dma.local [hbm:s3], $0xF7A  }
0x26: {  	[smem:$0x3F98] =	sst s1;
	(tag) =	ssettag s2;
	_ =	strace s9  }
0x27: {  	s1 =	sld [smem:$0x3FA8]  }
0x28: {  	s2 =	sld [smem:$0x3FA9]  }
0x29: {  	s4 =	sld [smem:$0x3FAB]  }
0x2a: {  	p0 =	seq.s32 s5, $0x0;
	s5 =	sld [smem:$0x3FAC]  }
0x2b: {  	s6 =	sld [smem:$0x3FAD]  }
0x2c: {  	s7 =	sld [smem:$0x3FAE]  }
0x2d: {  	s3 =	simm.s32 $0x108;
	s8 =	sld [smem:$0x3FAF]  }
0x2e: {  	s3 =	simm.s32 @!p0 $0x1082;
	s9 =	sld [smem:$0x3FB0]  }
0x2f: {  	lr =	sadd.s32 s0, s3;
	s0 =	sld [smem:$0x3FA7]  }
0x30: {  	s3 =	sld [smem:$0x3FAA]  }
0x31: {  	[smem:$0x3FB3] =	sst s10  }
0x32: {  	s10 =	sld [smem:$0x3FB1];
	_ =	sdelay $0x3  }
0x33: {  	p0 =	seq.s32 s10, $0x1;
	s10 =	sld [smem:$0x3FB3];
	_ =	sdelay $0x3  }
0x34: {  	[smem:$0x3FB3] =	sst s10  }
0x35: {  	s10 =	sld [smem:$0x3FB2];
	_ =	sdelay $0x3  }
0x36: {  	p1 =	seq.s32 s10, $0x1;
	s10 =	sld [smem:$0x3FB3];
	_ =	sdelay $0x3  }
0x37: {  	[smem:$0x3FB3] =	sst s10  }
0x38: {  	s10 =	sld [smem:$0x3FB4]  }
0x39: {  	_ = 	snop;
	(pc) =	sbr.ind lr, $3  }
0x3a: {  	_ = 	snop  }
0x3b: {  	_ = 	snop  }
0x3c: {  	p2 =	seq.s32 s10, $0x1;
	s10 =	sld [smem:$0x3FB3]  }
0x3d: {  	_ =	shalt  }
0x3e: {  	_ =	shalt  }
0x3f: {  	_ =	shalt  }
0x40: {  	_ =	shalt  }
0x41: {  	_ =	shalt  }
0x42: {  	_ =	shalt  }
0x43: {  	_ =	shalt  }
0x44: {  	_ =	shalt  }
0x45: {  	_ =	shalt  }
0x46: {  	_ =	shalt  }
0x47: {  	_ =	shalt  }
0x48: {  	_ =	shalt  }
0x49: {  	_ =	shalt  }
0x4a: {  	_ =	shalt  }
0x4b: {  	_ =	shalt  }
0x4c: {  	_ =	shalt  }
0x4d: {  	_ =	shalt  }
0x4e: {  	_ =	shalt  }
0x4f: {  	_ =	shalt  }
0x50: {  	_ =	shalt  }
0x51: {  	_ =	shalt  }
0x52: {  	_ =	shalt  }
0x53: {  	_ =	shalt  }
0x54: {  	_ =	shalt  }
0x55: {  	_ =	shalt  }
0x56: {  	_ =	shalt  }
0x57: {  	_ =	shalt  }
0x58: {  	_ =	shalt  }
0x59: {  	_ =	shalt  }
0x5a: {  	_ =	shalt  }
0x5b: {  	_ =	shalt  }
0x5c: {  	_ =	shalt  }
0x5d: {  	_ =	shalt  }
0x5e: {  	_ =	shalt  }
0x5f: {  	_ =	shalt  }
0x60: {  	_ =	shalt  }
0x61: {  	_ =	shalt  }
0x62: {  	_ =	shalt  }
0x63: {  	_ =	shalt  }
0x64: {  	_ =	shalt  }
0x65: {  	_ =	shalt  }
0x66: {  	_ =	shalt  }
0x67: {  	_ =	shalt  }
0x68: {  	_ =	shalt  }
0x69: {  	_ =	shalt  }
0x6a: {  	_ =	shalt  }
0x6b: {  	_ =	shalt  }
0x6c: {  	_ =	shalt  }
0x6d: {  	_ =	shalt  }
0x6e: {  	_ =	shalt  }
0x6f: {  	_ =	shalt  }
0x70: {  	_ =	shalt  }
0x71: {  	_ =	shalt  }
0x72: {  	_ =	shalt  }
0x73: {  	_ =	shalt  }
0x74: {  	_ =	shalt  }
0x75: {  	_ =	shalt  }
0x76: {  	_ =	shalt  }
0x77: {  	_ =	shalt  }
0x78: {  	_ =	shalt  }
0x79: {  	_ =	shalt  }
0x7a: {  	_ =	shalt  }
0x7b: {  	_ =	shalt  }
0x7c: {  	_ =	shalt  }
0x7d: {  	_ =	shalt  }
0x7e: {  	_ =	shalt  }
0x7f: {  	_ =	shalt  }
0x80: {  	_ =	shalt  }
0x81: {  	_ =	shalt  }
0x82: {  	_ =	shalt  }
0x83: {  	_ =	shalt  }
0x84: {  	_ =	shalt  }
0x85: {  	_ =	shalt  }
0x86: {  	_ =	shalt  }
0x87: {  	_ =	shalt  }
.Lfunc_end0:
.L_simem_size_0:
called_computation_lowered:
.L_overlay_start_0:
0x88: {  	s2 =	sld [smem:$0x3FD9]  }
0x89: {  	s3 =	sld [smem:$0x3FFE];
	_ =	sdelay $0x1  }
0x8a: {  	s1 =	srdreg.scid  }
0x8b: {  	s0 =	sand.u32 $0x1, s1  }
0x8c: {  	s17 =	sshll.u32 s0, $0xA;
	s2 =	sadd.s32 s3, s2  }
0x8d: {  	s2 =	sadd.s32 s2, s17  }
0x8e: {  	[smem:$0x3FBF] =	sst s2  }
0x8f: {  	_ = 	snop  }
0x90: {  	s2 =	sld [smem:$0x3FD0];
	(tm) =	ssettm $0x1  }
0x91: {  	s18 =	sld [smem:$0x3FFB];
	_ =	sdelay $0x3  }
0x92: {  	_ =	strace s18  }
0x93: {  	s3 =	sld [smem:$0x3FFC];
	_ =	sdelay $0x3  }
0x94: {  	_ =	strace s3  }
0x95: {  	s3 =	sld [smem:$0x3FFD];
	_ =	sdelay $0x3  }
0x96: {  	_ =	strace s3  }
0x97: {  	_ =	strace $0x8FFFFFFF  }
0x98: {  	s19 =	sld [smem:$0x3FDB];
	_ =	sdelay $0x1  }
0x99: {  	s4 =	simm.s32 $_scs_section_size  }
0x9a: {  	s5 =	simm.s32 $_size__tile_overlayer_lowered;
	s6 =	simm.s32 $_tile_overlayer_lowered  }
0x9b: {  	s22 =	simm.s32 $0x1BFF;
	s21 =	sshll.u32 s6, $0x1;
	s3 =	sadd.s32 s4, s19  }
0x9c: {  	s7 =	simm.s32 $0x0;
	s20 =	sshll.u32 s5, $0x1;
	s5 =	sadd.s32 s21, s3  }
0x9d: {  	[timem:s7], [sflag:s22] =	dma.local [hbm:s5], s20  }
0x9e: {  	_ =	swait.ge [sflag:s22], s20  }
0x9f: {  	s4 =	ssub.s32 $0x0, s20;
	[sflag:s22] =	ssyncset.done $0x0  }
0xa0: {  	[sflag:s22] =	ssyncadd.s32 s4;
	_ =	sdelay $0x1  }
0xa1: {  	s23 =	simm.s32 $0x1B8B  }
0xa2: {  	_ =	swait.ge [sflag:s23], $0x1  }
0xa3: {  	[sflag:s23] =	ssyncset.done $0x0  }
0xa4: {  	s25 =	simm.s32 $0x1B8E;
	s24 =	sld [smem:$0x3FFE];
	[sflag:s23] =	ssyncadd.s32 $0xFFFFFFFF  }
0xa5: {  	s26 =	simm.s32 $execute0_lowered;
	[smem:$0x3FD2] =	sst s25  }
0xa6: {  	s5 =	sshll.u32 s26, $0x1;
	_ =	strace $0x80000046;
	[dreg:$0x1] =	wrdreg $0xFFFFFFFF  }
0xa7: {  	s28 =	simm.s32 $_size_execute0_lowered;
	s3 =	sadd.s32 s3, s5;
	[dreg:$0x0] =	wrdreg $0x0  }
0xa8: {  	s5 =	sshll.u32 s28, $0x1;
	[dreg:$0x2] =	wrdreg s3  }
0xa9: {  	[dreg:$0x3] =	wrdreg s5  }
0xaa: {  	[dreg:$0x4] =	wrdreg $0xC0  }
0xab: {  	_ =	task [dreg:s7], $0x5FFFF  }
0xac: {  	[dreg:$0x1] =	wrdreg $0xFFFFFFFF  }
0xad: {  	[dreg:$0x0] =	wrdreg $0x60  }
0xae: {  	[dreg:$0x2] =	wrdreg s2  }
0xaf: {  	[dreg:$0x3] =	wrdreg s24  }
0xb0: {  	[dreg:$0x4] =	wrdreg $0x14A000  }
0xb1: {  	[dreg:$0x5] =	wrdreg $0x9  }
0xb2: {  	_ =	task.clear_ibuf [dreg:s7], $0x6FFFF;
	_ =	strace $0x90000046  }
0xb3: {  	s29 =	simm.s32 $0x9;
	_ =	strace $0x80000048  }
0xb4: {  	_ =	swait.ge [sflag:s29], $0x1  }
0xb5: {  	[sflag:s29] =	ssyncadd.s32 $0xFFFFFFFF  }
0xb6: {  	_ =	strace $0x90000048  }
0xb7: {  	_ =	sfence  }
0xb8: {  	s30 =	sld [smem:$0x0];
	_ =	sdelay $0x2  }
0xb9: {  	s31 =	sshll.u32 s1, $0xD;
	s1 =	sshrl.u32 s1, $0x2  }
0xba: {  	s3 =	sand.u32 $0x4000, s31;
	s1 =	sadd.s32 s1, s30  }
0xbb: {  	s0 =	sor.u32 s3, s0;
	s1 =	sshll.u32 s1, $0x11  }
0xbc: {  	s0 =	sor.u32 s1, s0  }
0xbd: {  	s0 =	sadd.s32 $0x8F2B, s0  }
0xbe: {  	[sflag:s0] =	ssyncadd.remote.s32 $0x1  }
0xbf: {  	_ =	sfence.sel $0xFFFF  }
0xc0: {  	[dreg:$0x0] =	wrdreg $0xFFFFFFFF;
	(pc) =	sbr.abs _section_cstart, $3  }
0xc1: {  	[dreg:$0x1] =	wrdreg $0xFFFFFFFF  }
0xc2: {  	_ =	task.clear_ibuf [dreg:s7], $0x2FFFF;
	_ =	strace $0x9FFFFFFF  }
0xc3: {  	(tm) =	ssettm $0x7FFFFFFF  }
tec
execute0_lowered:
.L_overlay_start_1:
0x0: {  	(tag) =	ssettag $0x1  }
0x1: {  	s0 =	rddreg [dreg:$0x0]  }
0x2: {  	s1 =	rddreg [dreg:$0x1]  }
0x3: {  	s31 =	rddreg [dreg:$0x2];
	s2 =	stileid.u32  }
0x4: {  	s3 =	srdreg.scid;
	s12 =	simm.s32 $0x0;
	s4 =	smul.u32 $0xA00, s2  }
0x5: {  	s28 =	simm.s32 $0x2;
	s3 =	sand.u32 $0x1, s3;
	s6 =	smul.u32 $0x1400, s2  }
0x6: {  	[smem:$0x7FF] =	sst s12;
	s16 =	sadd.s32 $0xF600, s1;
	s10 =	smul.u32 $0x28000, s2  }
0x7: {  	s11 =	sadd.s32 $0x23C00, s1;
	s17 =	sadd.s32 $0x23600, s1;
	s18 =	smul.u32 $0xA0, s2  }
0x8: {  	s23 =	sshll.u32 s2, $0x6;
	_ =	strace $0x80000047;
	[dreg:$0x5] =	wrdreg s11  }
0x9: {  	s5 =	sshll.u32 s3, $0x4;
	s7 =	smul.u32 $0x14000, s3;
	[dreg:$0x6] =	wrdreg s17  }
0xa: {  	s19 =	ssub.s32 $0x2, s3;
	s3 =	smul.u32 $0xA00, s3;
	[dreg:$0x4] =	wrdreg s16  }
0xb: {  	s5 =	sor.u32 s2, s5;
	s9 =	sadd.s32 s4, s1;
	s20 =	sshrl.u32 s19, $0x1  }
0xc: {  	s10 =	sshrl.u32 s10, $0x2;
	s2 =	sor.u32 $0x1C07, s23;
	s4 =	simm.s32 $0x12000  }
0xd: {  	s8 =	smul.u32 $0x500, s5;
	s5 =	sadd.s32 $0xB600, s1;
	s6 =	sadd.s32 s6, s7  }
0xe: {  	s7 =	ssub.s32 s19, s20;
	s21 =	sadd.s32 s18, s3;
	[dreg:$0x8] =	wrdreg s2  }
0xf: {  	s22 =	sadd.s32 s10, s31;
	s24 =	sadd.s32 $0x1600, s9;
	[dreg:$0x7] =	wrdreg s21  }
0x10: {  	s11 =	sshll.u32 s21, $0x4;
	[dreg:$0xa] =	wrdreg s24;
	s30 =	smax.u32 s7, $0x1  }
0x11: {  	s3 =	simm.s32 $0x7;
	s0 =	sadd.s32 s0, s11;
	[dreg:$0xe] =	wrdreg s30  }
0x12: {  	s6 =	sadd.s32 s6, s1;
	s25 =	sadd.s32 s16, s11;
	[dreg:$0x9] =	wrdreg s0  }
0x13: {  	s1 =	sadd.s32 s8, s1;
	s26 =	sadd.s32 $0x25000, s6;
	[dreg:$0xb] =	wrdreg s25  }
0x14: {  	s20 =	simm.s32 $0x80;
	[dreg:$0xc] =	wrdreg s26;
	s29 =	sadd.s32 $0x4D000, s1  }
0x15: {  	s8 =	simm.s32 $0xA000;
	s1 =	sshrl.u32 s22, $0x3;
	[dreg:$0xd] =	wrdreg s29  }
0x16: {  	v0 =	vlaneseq.u32;
	v1 =	vimm.f32 $0.0e+00;
	s6 =	simm.s32 $0x0;
	s26 =	simm.s32 $0xE000;
	[dreg:$0xf] =	wrdreg s1  }
.LBB2_1:
0x17: {  	[dreg:$0x10] =	wrdreg s6  }
0x18: {  	s0 =	rddreg [dreg:$0x5]  }
0x19: {  	[spmem:s1], [sflag:s2] =	dma.local [hbm:s0], $0x1400  }
0x1a: {  	_ =	swait.ge [sflag:s3], $0x1400  }
0x1b: {  	[sflag:s3] =	ssyncset.done $0x0  }
0x1c: {  	s21 =	rddreg [dreg:$0x6];
	[sflag:s3] =	ssyncadd.s32 $0xFFFFEC00  }
0x1d: {  	[tilespmem:s4], [sflag:$0x7] =	stream.linear.gather [hbm4b:s21+s12], $0x2800, $0x38;
	[tilespmem:$0x1EA00] =	vst v63  }
0x1e: {  	_ =	swait.ge [sflag:s3], $0x2800  }
0x1f: {  	[sflag:s3] =	ssyncset.done $0x0  }
0x20: {  	[sflag:s3] =	ssyncadd.s32 $0xFFFFD800  }
0x21: {  	[bflag:$0x0] =	sbarrier.arrive $0xFFFF  }
0x22: {  	s22 =	rddreg [dreg:$0x9]  }
0x23: {  	[tilespmem:s12], [sflag:$0x7] =	stream.linear.gather [hbm4b:s22+s12], $0x5000, $0x38;
	[tilespmem:$0x1EA00] =	vst v63  }
0x24: {  	_ =	swait.ge [sflag:s3], $0x5000  }
0x25: {  	[sflag:s3] =	ssyncset.done $0x0  }
0x26: {  	s24 =	simm.s32 $0x5000;
	s23 =	rddreg [dreg:$0xa];
	[sflag:s3] =	ssyncadd.s32 $0xFFFFB000  }
0x27: {  	[tilespmem:s24], [sflag:$0x7] =	stream.linear.gather [hbm4b:s23+s12], $0x5000, $0x38;
	[tilespmem:$0x1EA00] =	vst v63  }
0x28: {  	_ =	swait.ge [sflag:s3], $0x5000  }
0x29: {  	[sflag:s3] =	ssyncset.done $0x0  }
0x2a: {  	[sflag:s3] =	ssyncadd.s32 $0xFFFFB000  }
0x2b: {  	[tilespmem:s8], [sflag:$0x1] =	stream.indirect.gather [hbm4b:s5+s20], $0x80, s24, s20, $0xb8;
	[tilespmem:$0x1EA00] =	vst v63  }
0x2c: {  	s25 =	simm.s32 $0x5080  }
0x2d: {  	[tilespmem:s26], [sflag:$0x2] =	stream.indirect.gather [hbm4b:s5+s20], $0x80, s25, s20, $0xb8;
	[tilespmem:$0x1EA00] =	vst v63  }
0x2e: {  	s30 =	simm.s32 $0x14800;
	s22 =	simm.s32 $0x0;
	s29 =	rddreg [dreg:$0xb]  }
0x2f: {  	[tilespmem:s30], [sflag:$0x5] =	stream.linear.gather [hbm4b:s29+s12], $0x100, $0x38;
	[tilespmem:$0x1EA00] =	vst v63  }
.LBB2_2:
0x30: {  	s18 =	sshll.u32 s22, $0x2;
	s0 =	rddreg [dreg:$0x7]  }
0x31: {  	s1 =	sshll.u32 s22, $0x6;
	s0 =	sadd.s32 s0, s18  }
0x32: {  	s2 =	rddreg [dreg:$0x4];
	s1 =	sand.u32 $0x40, s1;
	s0 =	sshll.u32 s0, $0x4  }
0x33: {  	s1 =	sadd.s32 s1, s2;
	s0 =	sand.u32 $0x3FF80, s0  }
0x34: {  	s3 =	simm.s32 $0x0;
	s0 =	sadd.s32 s0, s1  }
0x35: {  	s4 =	simm.s32 $0x14900;
	s6 =	simm.s32 $0x1;
	s0 =	sadd.s32 $0x20, s0  }
0x36: {  	[tilespmem:s4], [sflag:$0x6] =	stream.linear.gather [hbm4b:s0+s3], $0x100, $0x38;
	[tilespmem:$0x1EA00] =	vst v63  }
0x37: {  	_ =	swait.ge [sflag:s6], $0x4000  }
0x38: {  	s7 =	sshll.u32 s22, $0xB;
	[sflag:s6] =	ssyncset.done $0x0  }
0x39: {  	s24 =	sshrl.u32 s7, $0x2;
	[sflag:s6] =	ssyncadd.s32 $0xFFFFC000  }
0x3a: {  	[spmem:s31] =	stream.indirect.scatter.add.f32 [tilespmem:s8], [sflag:$0x3], $0x80, s24, s20, $0xb8;
	[tilespmem:$0x1EA00] =	vst v63  }
0x3b: {  	_ =	swait.ge [sflag:s28], $0x4000  }
0x3c: {  	[sflag:s28] =	ssyncset.done $0x0  }
0x3d: {  	s9 =	simm.s32 $0x5;
	s0 =	sor.u32 $0x80, s24;
	[sflag:s28] =	ssyncadd.s32 $0xFFFFC000  }
0x3e: {  	[spmem:s31] =	stream.indirect.scatter.add.f32 [tilespmem:s26], [sflag:$0x4], $0x80, s0, s20, $0xb8;
	[tilespmem:$0x1EA00] =	vst v63  }
0x3f: {  	_ =	swait.ge [sflag:s9], $0x100  }
0x40: {  	[sflag:s9] =	ssyncset.done $0x0  }
0x41: {  	s6 =	simm.s32 $0x0;
	[sflag:s9] =	ssyncadd.s32 $0xFFFFFF00  }
0x42: {  	v2 =	vld [tilespmem:s6+$0x14800];
	_ =	sdelay $0x4  }
0x43: {  	(v2sf) =	vpush v2, $0x0;
	_ =	sdelay $0x7  }
0x44: {  	(v2sf) =	vpush v2, $0x1;
	_ =	sdelay $0x6  }
0x45: {  	s10 =	spop (v2sf)  }
0x46: {  	(v2sf) =	vpush v2, $0x2;
	s11 =	sand.u32 $0xF, s10  }
0x47: {  	s3 =	sshra.s32 s10, $0x1F;
	p0 =	slt.s32 s10, $0x1;
	p1 =	sne.s32 s11, $0x0  }
0x48: {  	s12 =	sshrl.u32 s3, $0x1C;
	p0 =	por !p0, !p1  }
0x49: {  	s3 =	simm.s32 $0x1;
	s1 =	sadd.s32 s12, s10;
	p0 =	por !p0, !p0  }
0x4a: {  	s1 =	sshrl.u32 s1, $0x4;
	s3 =	simm.s32 @!p0 $0x0  }
0x4b: {  	s1 =	ssub.s32 s1, s3  }
0x4c: {  	s1 =	sshll.u32 s1, $0x4  }
0x4d: {  	s13 =	spop (v2sf);
	v3 =	vld [tilespmem:s1+$0x12000]  }
0x4e: {  	(v2sf) =	vpush v2, $0x3;
	s7 =	sand.u32 $0xF, s13;
	s0 =	ssub.s32 s10, s1  }
0x4f: {  	s14 =	sshra.s32 s13, $0x1F;
	p2 =	slt.s32 s13, $0x1;
	p1 =	sne.s32 s7, $0x0;
	v4 =	vmov s0  }
0x50: {  	s15 =	sshrl.u32 s14, $0x1C;
	p0 =	por !p2, !p1;
	vm0 =	veq.s32 v4, v0  }
0x51: {  	s7 =	simm.s32 $0x1;
	p0 =	por !p0, !p0;
	s0 =	sadd.s32 s15, s13;
	v4 =	vsel vm0, $0x3F800000, v1  }
0x52: {  	s7 =	simm.s32 @!p0 $0x0;
	s0 =	sshrl.u32 s0, $0x4;
	v3 =	vadd.f32 v4, v3  }
0x53: {  	s0 =	ssub.s32 s0, s7  }
0x54: {  	s0 =	sshll.u32 s0, $0x4;
	[tilespmem:s1+$0x12000] =	vst v3  }
0x55: {  	s16 =	spop (v2sf);
	v3 =	vld [tilespmem:s0+$0x12000]  }
0x56: {  	(v2sf) =	vpush v2, $0x4;
	s17 =	sand.u32 $0xF, s16;
	s3 =	ssub.s32 s13, s0  }
0x57: {  	s9 =	sshra.s32 s16, $0x1F;
	p3 =	slt.s32 s16, $0x1;
	p4 =	sne.s32 s17, $0x0;
	v4 =	vmov s3  }
0x58: {  	s19 =	sshrl.u32 s9, $0x1C;
	p0 =	por !p3, !p4;
	vm13 =	veq.s32 v4, v0  }
0x59: {  	p0 =	por !p0, !p0;
	s7 =	simm.s32 $0x1;
	s3 =	sadd.s32 s19, s16;
	v4 =	vsel vm13, $0x3F800000, v1  }
0x5a: {  	s7 =	simm.s32 @!p0 $0x0;
	s3 =	sshrl.u32 s3, $0x4;
	v3 =	vadd.f32 v4, v3  }
0x5b: {  	s3 =	ssub.s32 s3, s7  }
0x5c: {  	s21 =	sshll.u32 s3, $0x4;
	[tilespmem:s0+$0x12000] =	vst v3  }
0x5d: {  	s23 =	spop (v2sf);
	v3 =	vld [tilespmem:s21+$0x12000]  }
0x5e: {  	(v2sf) =	vpush v2, $0x5;
	s25 =	sand.u32 $0xF, s23;
	s1 =	ssub.s32 s16, s21  }
0x5f: {  	p5 =	slt.s32 s23, $0x1;
	s26 =	sshra.s32 s23, $0x1F;
	p6 =	sne.s32 s25, $0x0;
	v4 =	vmov s1  }
0x60: {  	s29 =	sshrl.u32 s26, $0x1C;
	p0 =	por !p5, !p6;
	vm14 =	veq.s32 v4, v0  }
0x61: {  	s7 =	simm.s32 $0x1;
	p0 =	por !p0, !p0;
	s1 =	sadd.s32 s29, s23;
	v4 =	vsel vm14, $0x3F800000, v1  }
0x62: {  	s7 =	simm.s32 @!p0 $0x0;
	s1 =	sshrl.u32 s1, $0x4;
	v3 =	vadd.f32 v4, v3  }
0x63: {  	s1 =	ssub.s32 s1, s7  }
0x64: {  	s30 =	sshll.u32 s1, $0x4;
	[tilespmem:s21+$0x12000] =	vst v3  }
0x65: {  	s8 =	smov.u32 s31;
	s31 =	spop (v2sf);
	v3 =	vld [tilespmem:s30+$0x12000]  }
0x66: {  	(v2sf) =	vpush v2, $0x6;
	s2 =	sand.u32 $0xF, s31;
	s3 =	ssub.s32 s23, s30  }
0x67: {  	s4 =	sshra.s32 s31, $0x1F;
	p1 =	slt.s32 s31, $0x1;
	p2 =	sne.s32 s2, $0x0;
	v4 =	vmov s3  }
0x68: {  	s10 =	sshrl.u32 s4, $0x1C;
	p0 =	por !p1, !p2;
	vm15 =	veq.s32 v4, v0  }
0x69: {  	p0 =	por !p0, !p0;
	s7 =	simm.s32 $0x1;
	s3 =	sadd.s32 s10, s31;
	v4 =	vsel vm15, $0x3F800000, v1  }
0x6a: {  	s7 =	simm.s32 @!p0 $0x0;
	s3 =	sshrl.u32 s3, $0x4;
	v3 =	vadd.f32 v4, v3  }
0x6b: {  	s3 =	ssub.s32 s3, s7  }
0x6c: {  	s11 =	sshll.u32 s3, $0x4;
	[tilespmem:s30+$0x12000] =	vst v3  }
0x6d: {  	s12 =	spop (v2sf);
	v3 =	vld [tilespmem:s11+$0x12000]  }
0x6e: {  	(v2sf) =	vpush v2, $0x7;
	s13 =	sand.u32 $0xF, s12;
	s1 =	ssub.s32 s31, s11  }
0x6f: {  	p3 =	slt.s32 s12, $0x1;
	s14 =	sshra.s32 s12, $0x1F;
	p4 =	sne.s32 s13, $0x0;
	v4 =	vmov s1  }
0x70: {  	s15 =	sshrl.u32 s14, $0x1C;
	p0 =	por !p3, !p4;
	vm4 =	veq.s32 v4, v0  }
0x71: {  	s7 =	simm.s32 $0x1;
	p0 =	por !p0, !p0;
	s1 =	sadd.s32 s15, s12;
	v4 =	vsel vm4, $0x3F800000, v1  }
0x72: {  	s7 =	simm.s32 @!p0 $0x0;
	s1 =	sshrl.u32 s1, $0x4;
	v3 =	vadd.f32 v4, v3  }
0x73: {  	s1 =	ssub.s32 s1, s7  }
0x74: {  	s16 =	sshll.u32 s1, $0x4;
	[tilespmem:s11+$0x12000] =	vst v3  }
0x75: {  	s17 =	spop (v2sf);
	v3 =	vld [tilespmem:s16+$0x12000]  }
0x76: {  	(v2sf) =	vpush v2, $0x8;
	s19 =	sand.u32 $0xF, s17;
	s3 =	ssub.s32 s12, s16  }
0x77: {  	s21 =	sshra.s32 s17, $0x1F;
	p6 =	slt.s32 s17, $0x1;
	p5 =	sne.s32 s19, $0x0;
	v4 =	vmov s3  }
0x78: {  	s23 =	sshrl.u32 s21, $0x1C;
	p0 =	por !p6, !p5;
	vm5 =	veq.s32 v4, v0  }
0x79: {  	p0 =	por !p0, !p0;
	s7 =	simm.s32 $0x1;
	s3 =	sadd.s32 s23, s17;
	v4 =	vsel vm5, $0x3F800000, v1  }
0x7a: {  	s7 =	simm.s32 @!p0 $0x0;
	s3 =	sshrl.u32 s3, $0x4;
	v3 =	vadd.f32 v4, v3  }
0x7b: {  	s3 =	ssub.s32 s3, s7  }
0x7c: {  	s25 =	sshll.u32 s3, $0x4;
	[tilespmem:s16+$0x12000] =	vst v3  }
0x7d: {  	s26 =	spop (v2sf);
	v3 =	vld [tilespmem:s25+$0x12000]  }
0x7e: {  	(v2sf) =	vpush v2, $0x9;
	s29 =	sand.u32 $0xF, s26;
	s1 =	ssub.s32 s17, s25  }
0x7f: {  	s30 =	sshra.s32 s26, $0x1F;
	p1 =	slt.s32 s26, $0x1;
	p2 =	sne.s32 s29, $0x0;
	v4 =	vmov s1  }
0x80: {  	s31 =	sshrl.u32 s30, $0x1C;
	p0 =	por !p1, !p2;
	vm6 =	veq.s32 v4, v0  }
0x81: {  	s7 =	simm.s32 $0x1;
	p0 =	por !p0, !p0;
	s1 =	sadd.s32 s31, s26;
	v4 =	vsel vm6, $0x3F800000, v1  }
0x82: {  	s7 =	simm.s32 @!p0 $0x0;
	s1 =	sshrl.u32 s1, $0x4;
	v3 =	vadd.f32 v3, v4  }
0x83: {  	s1 =	ssub.s32 s1, s7  }
0x84: {  	s1 =	sshll.u32 s1, $0x4;
	[tilespmem:s25+$0x12000] =	vst v3  }
0x85: {  	s2 =	spop (v2sf);
	v3 =	vld [tilespmem:s1+$0x12000]  }
0x86: {  	(v2sf) =	vpush v2, $0xA;
	s4 =	sand.u32 $0xF, s2;
	s3 =	ssub.s32 s26, s1  }
0x87: {  	p3 =	slt.s32 s2, $0x1;
	s9 =	sshra.s32 s2, $0x1F;
	p4 =	sne.s32 s4, $0x0;
	v4 =	vmov s3  }
0x88: {  	s10 =	sshrl.u32 s9, $0x1C;
	p0 =	por !p3, !p4;
	vm7 =	veq.s32 v4, v0  }
0x89: {  	p0 =	por !p0, !p0;
	s7 =	simm.s32 $0x1;
	s3 =	sadd.s32 s10, s2;
	v4 =	vsel vm7, $0x3F800000, v1  }
0x8a: {  	s7 =	simm.s32 @!p0 $0x0;
	s3 =	sshrl.u32 s3, $0x4;
	v3 =	vadd.f32 v3, v4  }
0x8b: {  	s3 =	ssub.s32 s3, s7  }
0x8c: {  	s11 =	sshll.u32 s3, $0x4;
	[tilespmem:s1+$0x12000] =	vst v3  }
0x8d: {  	s12 =	spop (v2sf);
	v3 =	vld [tilespmem:s11+$0x12000]  }
0x8e: {  	(v2sf) =	vpush v2, $0xB;
	s13 =	sand.u32 $0xF, s12;
	s1 =	ssub.s32 s2, s11  }
0x8f: {  	s14 =	sshra.s32 s12, $0x1F;
	p6 =	slt.s32 s12, $0x1;
	p5 =	sne.s32 s13, $0x0;
	v4 =	vmov s1  }
0x90: {  	s15 =	sshrl.u32 s14, $0x1C;
	p0 =	por !p6, !p5;
	vm8 =	veq.s32 v4, v0  }
0x91: {  	s7 =	simm.s32 $0x1;
	p0 =	por !p0, !p0;
	s1 =	sadd.s32 s15, s12;
	v4 =	vsel vm8, $0x3F800000, v1  }
0x92: {  	s7 =	simm.s32 @!p0 $0x0;
	s1 =	sshrl.u32 s1, $0x4;
	v3 =	vadd.f32 v3, v4  }
0x93: {  	s1 =	ssub.s32 s1, s7  }
0x94: {  	s16 =	sshll.u32 s1, $0x4;
	[tilespmem:s11+$0x12000] =	vst v3  }
0x95: {  	s17 =	spop (v2sf);
	v3 =	vld [tilespmem:s16+$0x12000]  }
0x96: {  	(v2sf) =	vpush v2, $0xC;
	s19 =	sand.u32 $0xF, s17;
	s3 =	ssub.s32 s12, s16  }
0x97: {  	s21 =	sshra.s32 s17, $0x1F;
	p1 =	slt.s32 s17, $0x1;
	p2 =	sne.s32 s19, $0x0;
	v4 =	vmov s3  }
0x98: {  	s23 =	sshrl.u32 s21, $0x1C;
	p0 =	por !p1, !p2;
	vm9 =	veq.s32 v4, v0  }
0x99: {  	p0 =	por !p0, !p0;
	s7 =	simm.s32 $0x1;
	s3 =	sadd.s32 s23, s17;
	v4 =	vsel vm9, $0x3F800000, v1  }
0x9a: {  	s7 =	simm.s32 @!p0 $0x0;
	s3 =	sshrl.u32 s3, $0x4;
	v3 =	vadd.f32 v3, v4  }
0x9b: {  	s3 =	ssub.s32 s3, s7  }
0x9c: {  	s25 =	sshll.u32 s3, $0x4;
	[tilespmem:s16+$0x12000] =	vst v3  }
0x9d: {  	s26 =	spop (v2sf);
	v3 =	vld [tilespmem:s25+$0x12000]  }
0x9e: {  	(v2sf) =	vpush v2, $0xD;
	s29 =	sand.u32 $0xF, s26;
	s1 =	ssub.s32 s17, s25  }
0x9f: {  	s30 =	sshra.s32 s26, $0x1F;
	p3 =	slt.s32 s26, $0x1;
	p4 =	sne.s32 s29, $0x0;
	v4 =	vmov s1  }
0xa0: {  	s31 =	sshrl.u32 s30, $0x1C;
	p0 =	por !p3, !p4;
	vm10 =	veq.s32 v4, v0  }
0xa1: {  	s7 =	simm.s32 $0x1;
	p0 =	por !p0, !p0;
	s1 =	sadd.s32 s31, s26;
	v4 =	vsel vm10, $0x3F800000, v1  }
0xa2: {  	s7 =	simm.s32 @!p0 $0x0;
	s1 =	sshrl.u32 s1, $0x4;
	v3 =	vadd.f32 v3, v4  }
0xa3: {  	s1 =	ssub.s32 s1, s7  }
0xa4: {  	s2 =	sshll.u32 s1, $0x4;
	[tilespmem:s25+$0x12000] =	vst v3  }
0xa5: {  	s4 =	spop (v2sf);
	v3 =	vld [tilespmem:s2+$0x12000]  }
0xa6: {  	(v2sf) =	vpush v2, $0xE;
	s9 =	sand.u32 $0xF, s4;
	s3 =	ssub.s32 s26, s2  }
0xa7: {  	p5 =	slt.s32 s4, $0x1;
	s10 =	sshra.s32 s4, $0x1F;
	p6 =	sne.s32 s9, $0x0;
	v4 =	vmov s3  }
0xa8: {  	s11 =	sshrl.u32 s10, $0x1C;
	p0 =	por !p5, !p6;
	vm11 =	veq.s32 v4, v0  }
0xa9: {  	p0 =	por !p0, !p0;
	s7 =	simm.s32 $0x1;
	s3 =	sadd.s32 s11, s4;
	v4 =	vsel vm11, $0x3F800000, v1  }
0xaa: {  	(v2sf) =	vpush v2, $0xF;
	s7 =	simm.s32 @!p0 $0x0;
	s3 =	sshrl.u32 s3, $0x4;
	v2 =	vadd.f32 v3, v4  }
0xab: {  	s3 =	ssub.s32 s3, s7  }
0xac: {  	s12 =	sshll.u32 s3, $0x4;
	[tilespmem:s2+$0x12000] =	vst v2  }
0xad: {  	s13 =	spop (v2sf);
	v2 =	vld [tilespmem:s12+$0x12000]  }
0xae: {  	s14 =	sand.u32 $0xF, s13;
	s1 =	ssub.s32 s4, s12  }
0xaf: {  	s15 =	sshra.s32 s13, $0x1F;
	p1 =	slt.s32 s13, $0x1;
	p2 =	sne.s32 s14, $0x0;
	v3 =	vmov s1  }
0xb0: {  	s16 =	sshrl.u32 s15, $0x1C;
	p0 =	por !p1, !p2;
	vm12 =	veq.s32 v3, v0  }
0xb1: {  	p0 =	por !p0, !p0;
	s7 =	simm.s32 $0x1;
	s1 =	sadd.s32 s16, s13;
	v3 =	vsel vm12, $0x3F800000, v1  }
0xb2: {  	s7 =	simm.s32 @!p0 $0x0;
	s1 =	sshrl.u32 s1, $0x4;
	v2 =	vadd.f32 v2, v3  }
0xb3: {  	s1 =	ssub.s32 s1, s7  }
0xb4: {  	s17 =	sshll.u32 s1, $0x4;
	[tilespmem:s12+$0x12000] =	vst v2  }
0xb5: {  	s19 =	spop (v2sf);
	v2 =	vld [tilespmem:s17+$0x12000]  }
0xb6: {  	s23 =	sand.u32 $0xF, s19;
	s3 =	ssub.s32 s13, s17  }
0xb7: {  	s21 =	sshra.s32 s19, $0x1F;
	p4 =	slt.s32 s19, $0x1;
	p3 =	sne.s32 s23, $0x0;
	v3 =	vmov s3  }
0xb8: {  	p0 =	por !p4, !p3;
	s7 =	sshrl.u32 s21, $0x1C;
	vm13 =	veq.s32 v3, v0  }
0xb9: {  	s9 =	simm.s32 $0x1;
	p0 =	por !p0, !p0;
	s25 =	sadd.s32 s7, s19;
	v3 =	vsel vm13, $0x3F800000, v1  }
0xba: {  	s9 =	simm.s32 @!p0 $0x0;
	s3 =	sshrl.u32 s25, $0x4;
	v2 =	vadd.f32 v2, v3  }
0xbb: {  	s3 =	ssub.s32 s3, s9  }
0xbc: {  	s26 =	spop (v2sf);
	s3 =	sshll.u32 s3, $0x4;
	[tilespmem:s17+$0x12000] =	vst v2  }
0xbd: {  	s10 =	sand.u32 $0xF, s26;
	s29 =	sshra.s32 s26, $0x1F;
	v2 =	vld [tilespmem:s3+$0x12000]  }
0xbe: {  	p6 =	slt.s32 s26, $0x1;
	p5 =	sne.s32 s10, $0x0;
	s1 =	ssub.s32 s19, s3  }
0xbf: {  	p0 =	por !p6, !p5;
	s9 =	sshrl.u32 s29, $0x1C;
	v3 =	vmov s1  }
0xc0: {  	p0 =	por !p0, !p0;
	s30 =	sadd.s32 s9, s26;
	s9 =	simm.s32 $0x1;
	vm14 =	veq.s32 v3, v0  }
0xc1: {  	s0 =	sshrl.u32 s30, $0x4;
	s9 =	simm.s32 @!p0 $0x0;
	v3 =	vsel vm14, $0x3F800000, v1  }
0xc2: {  	s0 =	ssub.s32 s0, s9;
	v2 =	vadd.f32 v2, v3  }
0xc3: {  	s0 =	sshll.u32 s0, $0x4  }
0xc4: {  	s31 =	ssub.s32 s26, s0;
	[tilespmem:s3+$0x12000] =	vst v2  }
0xc5: {  	v3 =	vmov s31;
	v2 =	vld [tilespmem:s0+$0x12000]  }
0xc6: {  	vm15 =	veq.s32 v3, v0  }
0xc7: {  	s10 =	simm.s32 $0x40;
	s7 =	simm.s32 $0x80;
	s19 =	simm.s32 $0x40;
	v3 =	vsel vm15, $0x3F800000, v1  }
.LBB2_3:
0xc8: {  	p0 =	sne.s32 s7, $0x1C0  }
0xc9: {  	s1 =	sshra.s32 s10, $0x2;
	s10 =	smov.u32 s7;
	s7 =	sadd.s32 $0x40, s7  }
0xca: {  	v2 =	vadd.f32 v2, v3;
	_ =	sdelay $0x1  }
0xcb: {  	[tilespmem:s0+$0x12000] =	vst v2  }
0xcc: {  	v2 =	vld [tilespmem:s1+$0x14800];
	_ =	sdelay $0x4  }
0xcd: {  	(v2sf) =	vpush v2, $0x0;
	_ =	sdelay $0x1  }
0xce: {  	(v2sf) =	vpush v2, $0x1;
	_ =	sdelay $0x6  }
0xcf: {  	(v2sf) =	vpush v2, $0x2  }
0xd0: {  	(v2sf) =	vpush v2, $0x3;
	_ =	sdelay $0x4  }
0xd1: {  	s1 =	spop (v2sf)  }
0xd2: {  	s0 =	sshra.s32 s1, $0x1F;
	p1 =	slt.s32 s1, $0x1;
	s3 =	sand.u32 $0xF, s1  }
0xd3: {  	s9 =	sshrl.u32 s0, $0x1C;
	p2 =	sne.s32 s3, $0x0;
	s0 =	spop (v2sf)  }
0xd4: {  	(v2sf) =	vpush v2, $0x4;
	s3 =	sadd.s32 s9, s1;
	p1 =	por !p1, !p2;
	s9 =	sand.u32 $0xF, s0  }
0xd5: {  	p1 =	por !p1, !p1;
	p2 =	sne.s32 s9, $0x0;
	s9 =	simm.s32 $0x1  }
0xd6: {  	s3 =	sshrl.u32 s3, $0x4;
	s9 =	simm.s32 @!p1 $0x0  }
0xd7: {  	s11 =	sshra.s32 s0, $0x1F;
	p1 =	slt.s32 s0, $0x1;
	s3 =	ssub.s32 s3, s9  }
0xd8: {  	s9 =	sshrl.u32 s11, $0x1C;
	p1 =	por !p1, !p2;
	(v2sf) =	vpush v2, $0x5;
	s11 =	sshll.u32 s3, $0x4  }
0xd9: {  	s3 =	sadd.s32 s9, s0;
	p1 =	por !p1, !p1;
	s9 =	simm.s32 $0x1  }
0xda: {  	s1 =	ssub.s32 s1, s11;
	v3 =	vld [tilespmem:s11+$0x12000];
	s3 =	sshrl.u32 s3, $0x4;
	s9 =	simm.s32 @!p1 $0x0  }
0xdb: {  	v4 =	vmov s1;
	s1 =	ssub.s32 s3, s9;
	s9 =	spop (v2sf)  }
0xdc: {  	s23 =	simm.s32 $0x1;
	s12 =	sshra.s32 s9, $0x1F  }
0xdd: {  	vm0 =	veq.s32 v4, v0;
	s13 =	sand.u32 $0xF, s9;
	s3 =	spop (v2sf);
	(v2sf) =	vpush v2, $0x6;
	p1 =	slt.s32 s9, $0x1  }
0xde: {  	p2 =	sne.s32 s13, $0x0;
	s13 =	sand.u32 $0xF, s3;
	s12 =	sshrl.u32 s12, $0x1C  }
0xdf: {  	v4 =	vsel vm0, $0x3F800000, v1;
	s14 =	sshra.s32 s3, $0x1F;
	p1 =	por !p1, !p2;
	p2 =	slt.s32 s3, $0x1  }
0xe0: {  	p3 =	sne.s32 s13, $0x0;
	s13 =	simm.s32 $0x1;
	v3 =	vadd.f32 v4, v3;
	p1 =	por !p1, !p1  }
0xe1: {  	s12 =	sadd.s32 s12, s9;
	s13 =	simm.s32 @!p1 $0x0;
	p1 =	por !p2, !p3;
	(v2sf) =	vpush v2, $0x7  }
0xe2: {  	[tilespmem:s11+$0x12000] =	vst v3;
	s11 =	sshll.u32 s1, $0x4;
	s1 =	sshrl.u32 s12, $0x4;
	p1 =	por !p1, !p1  }
0xe3: {  	s12 =	ssub.s32 s1, s13;
	s1 =	simm.s32 $0x1;
	s13 =	sshrl.u32 s14, $0x1C  }
0xe4: {  	s0 =	ssub.s32 s0, s11;
	v3 =	vld [tilespmem:s11+$0x12000];
	s1 =	simm.s32 @!p1 $0x0;
	s13 =	sadd.s32 s13, s3  }
0xe5: {  	v4 =	vmov s0;
	s12 =	sshll.u32 s12, $0x4;
	s0 =	spop (v2sf);
	s13 =	sshrl.u32 s13, $0x4  }
0xe6: {  	vm0 =	veq.s32 v4, v0;
	s9 =	ssub.s32 s9, s12;
	s14 =	sshra.s32 s0, $0x1F;
	s15 =	sand.u32 $0xF, s0  }
0xe7: {  	p1 =	slt.s32 s0, $0x1;
	s13 =	ssub.s32 s13, s1;
	p2 =	sne.s32 s15, $0x0;
	(v2sf) =	vpush v2, $0x8  }
0xe8: {  	v4 =	vsel vm0, $0x3F800000, v1;
	s1 =	sshrl.u32 s14, $0x1C;
	s15 =	simm.s32 $0x1;
	p1 =	por !p1, !p2  }
0xe9: {  	v3 =	vadd.f32 v4, v3;
	s14 =	sadd.s32 s1, s0;
	p1 =	por !p1, !p1;
	s1 =	spop (v2sf)  }
0xea: {  	s14 =	sshrl.u32 s14, $0x4;
	s15 =	simm.s32 @!p1 $0x0;
	p1 =	slt.s32 s1, $0x1  }
0xeb: {  	[tilespmem:s11+$0x12000] =	vst v3;
	s11 =	ssub.s32 s14, s15;
	s14 =	sand.u32 $0xF, s1;
	(v2sf) =	vpush v2, $0x9;
	s15 =	sshra.s32 s1, $0x1F  }
0xec: {  	v4 =	vmov s9;
	v3 =	vld [tilespmem:s12+$0x12000];
	p2 =	sne.s32 s14, $0x0;
	s9 =	sshrl.u32 s15, $0x1C;
	s15 =	simm.s32 $0x1  }
0xed: {  	p1 =	por !p1, !p2;
	s16 =	spop (v2sf);
	(v2sf) =	vpush v2, $0xA;
	s9 =	sadd.s32 s9, s1  }
0xee: {  	vm0 =	veq.s32 v4, v0;
	p1 =	por !p1, !p1;
	s14 =	sand.u32 $0xF, s16;
	s9 =	sshrl.u32 s9, $0x4  }
0xef: {  	s15 =	simm.s32 @!p1 $0x0;
	p1 =	sne.s32 s14, $0x0;
	(v2sf) =	vpush v2, $0xB;
	s14 =	sshra.s32 s16, $0x1F  }
0xf0: {  	v4 =	vsel vm0, $0x3F800000, v1;
	p2 =	slt.s32 s16, $0x1;
	s9 =	ssub.s32 s9, s15;
	s14 =	sshrl.u32 s14, $0x1C  }
0xf1: {  	p1 =	por !p2, !p1;
	v3 =	vadd.f32 v4, v3;
	s15 =	spop (v2sf);
	s14 =	sadd.s32 s14, s16  }
0xf2: {  	p1 =	por !p1, !p1;
	s30 =	sshll.u32 s9, $0x4;
	s17 =	sshra.s32 s15, $0x1F  }
0xf3: {  	s21 =	sand.u32 $0xF, s15;
	[tilespmem:s12+$0x12000] =	vst v3;
	s12 =	sshll.u32 s13, $0x4;
	s13 =	simm.s32 $0x1  }
0xf4: {  	s14 =	sshrl.u32 s14, $0x4;
	p2 =	sne.s32 s21, $0x0;
	s13 =	simm.s32 @!p1 $0x0  }
0xf5: {  	s21 =	simm.s32 $0x1;
	s3 =	ssub.s32 s3, s12;
	p1 =	slt.s32 s15, $0x1;
	v3 =	vld [tilespmem:s12+$0x12000]  }
0xf6: {  	v4 =	vmov s3;
	s3 =	ssub.s32 s14, s13;
	s13 =	sshrl.u32 s17, $0x1C;
	p1 =	por !p1, !p2  }
0xf7: {  	s14 =	sadd.s32 s13, s15;
	p1 =	por !p1, !p1;
	s13 =	spop (v2sf)  }
0xf8: {  	vm0 =	veq.s32 v4, v0;
	s14 =	sshrl.u32 s14, $0x4;
	s21 =	simm.s32 @!p1 $0x0;
	p2 =	slt.s32 s13, $0x1  }
0xf9: {  	s17 =	sand.u32 $0xF, s13;
	s25 =	ssub.s32 s14, s21;
	s14 =	sshra.s32 s13, $0x1F  }
0xfa: {  	v4 =	vsel vm0, $0x3F800000, v1;
	s21 =	sshll.u32 s11, $0x4;
	p1 =	sne.s32 s17, $0x0;
	(v2sf) =	vpush v2, $0xC;
	s17 =	sshrl.u32 s14, $0x1C  }
0xfb: {  	s0 =	ssub.s32 s0, s21;
	v3 =	vadd.f32 v4, v3;
	p1 =	por !p2, !p1;
	s17 =	sadd.s32 s17, s13  }
0xfc: {  	v4 =	vmov s0;
	p1 =	por !p1, !p1;
	s14 =	spop (v2sf);
	s0 =	sshrl.u32 s17, $0x4  }
0xfd: {  	[tilespmem:s12+$0x12000] =	vst v3;
	s23 =	simm.s32 @!p1 $0x0;
	s11 =	sand.u32 $0xF, s14;
	s17 =	sshra.s32 s14, $0x1F  }
0xfe: {  	p2 =	slt.s32 s14, $0x1;
	v3 =	vld [tilespmem:s21+$0x12000];
	s12 =	spop (v2sf);
	s29 =	sshrl.u32 s17, $0x1C  }
0xff: {  	p1 =	sne.s32 s11, $0x0;
	s17 =	ssub.s32 s0, s23;
	s0 =	sadd.s32 s29, s14  }
0x100: {  	vm0 =	veq.s32 v4, v0;
	p1 =	por !p2, !p1;
	s23 =	sand.u32 $0xF, s12;
	s11 =	spop (v2sf);
	(v2sf) =	vpush v2, $0xD  }
0x101: {  	s29 =	sshra.s32 s12, $0x1F;
	p2 =	slt.s32 s12, $0x1;
	s0 =	sshrl.u32 s0, $0x4  }
0x102: {  	v4 =	vsel vm0, $0x3F800000, v1;
	p1 =	por !p1, !p1;
	p3 =	sne.s32 s23, $0x0;
	s23 =	simm.s32 $0x1  }
0x103: {  	s29 =	sshrl.u32 s29, $0x1C;
	s23 =	simm.s32 @!p1 $0x0;
	p1 =	por !p2, !p3;
	v3 =	vadd.f32 v4, v3;
	(v2sf) =	vpush v2, $0xE  }
0x104: {  	s9 =	sadd.s32 s29, s12;
	s29 =	simm.s32 $0x1;
	p1 =	por !p1, !p1  }
0x105: {  	s1 =	ssub.s32 s1, s30;
	s9 =	sshrl.u32 s9, $0x4;
	s29 =	simm.s32 @!p1 $0x0;
	[tilespmem:s21+$0x12000] =	vst v3  }
0x106: {  	p1 =	slt.s32 s11, $0x1;
	s21 =	ssub.s32 s0, s23;
	s0 =	sand.u32 $0xF, s11;
	v3 =	vld [tilespmem:s30+$0x12000]  }
0x107: {  	v4 =	vmov s1;
	s1 =	ssub.s32 s9, s29;
	s9 =	sshra.s32 s11, $0x1F;
	p2 =	sne.s32 s0, $0x0  }
0x108: {  	vm0 =	veq.s32 v4, v0;
	s23 =	simm.s32 $0x1;
	s0 =	sshrl.u32 s9, $0x1C;
	p1 =	por !p1, !p2;
	(v2sf) =	vpush v2, $0xF  }
0x109: {  	s0 =	sadd.s32 s0, s11;
	p2 =	por !p1, !p1;
	s9 =	spop (v2sf)  }
0x10a: {  	v2 =	vsel vm0, $0x3F800000, v1;
	s0 =	sshrl.u32 s0, $0x4;
	s23 =	simm.s32 @!p2 $0x0;
	p1 =	slt.s32 s9, $0x1  }
0x10b: {  	s31 =	sand.u32 $0xF, s9;
	s29 =	ssub.s32 s0, s23;
	v2 =	vadd.f32 v2, v3  }
0x10c: {  	s0 =	sshra.s32 s9, $0x1F;
	s23 =	sshll.u32 s3, $0x4;
	p2 =	sne.s32 s31, $0x0  }
0x10d: {  	s0 =	sshrl.u32 s0, $0x1C;
	s3 =	ssub.s32 s16, s23;
	p1 =	por !p1, !p2;
	[tilespmem:s30+$0x12000] =	vst v2  }
0x10e: {  	s16 =	simm.s32 $0x1;
	s0 =	sadd.s32 s0, s9;
	p1 =	por !p1, !p1;
	v2 =	vld [tilespmem:s23+$0x12000]  }
0x10f: {  	v3 =	vmov s3;
	s0 =	sshrl.u32 s0, $0x4;
	s16 =	simm.s32 @!p1 $0x0;
	s3 =	spop (v2sf)  }
0x110: {  	s0 =	ssub.s32 s0, s16;
	s30 =	sand.u32 $0xF, s3  }
0x111: {  	vm0 =	veq.s32 v3, v0;
	s16 =	sshra.s32 s3, $0x1F;
	p1 =	slt.s32 s3, $0x1;
	p2 =	sne.s32 s30, $0x0  }
0x112: {  	s4 =	simm.s32 $0x1;
	s16 =	sshrl.u32 s16, $0x1C;
	p1 =	por !p1, !p2  }
0x113: {  	v3 =	vsel vm0, $0x3F800000, v1;
	s30 =	sadd.s32 s16, s3;
	s16 =	spop (v2sf);
	p1 =	por !p1, !p1  }
0x114: {  	v2 =	vadd.f32 v2, v3;
	s31 =	sshra.s32 s16, $0x1F;
	s2 =	sand.u32 $0xF, s16;
	s30 =	sshrl.u32 s30, $0x4  }
0x115: {  	s4 =	simm.s32 @!p1 $0x0;
	p1 =	sne.s32 s2, $0x0;
	s2 =	sshll.u32 s25, $0x4  }
0x116: {  	p2 =	slt.s32 s16, $0x1;
	[tilespmem:s23+$0x12000] =	vst v2;
	s25 =	ssub.s32 s30, s4;
	s4 =	ssub.s32 s15, s2  }
0x117: {  	s15 =	sshrl.u32 s31, $0x1C;
	p1 =	por !p2, !p1;
	s23 =	simm.s32 $0x1;
	v2 =	vld [tilespmem:s2+$0x12000]  }
0x118: {  	v3 =	vmov s4;
	s4 =	sadd.s32 s15, s16;
	p1 =	por !p1, !p1;
	s15 =	spop (v2sf)  }
0x119: {  	vm0 =	veq.s32 v3, v0;
	s4 =	sshrl.u32 s4, $0x4;
	s23 =	simm.s32 @!p1 $0x0;
	p1 =	slt.s32 s15, $0x1  }
0x11a: {  	s23 =	ssub.s32 s4, s23;
	s4 =	sshra.s32 s15, $0x1F;
	s30 =	sand.u32 $0xF, s15  }
0x11b: {  	v3 =	vsel vm0, $0x3F800000, v1;
	s4 =	sshrl.u32 s4, $0x1C;
	p2 =	sne.s32 s30, $0x0  }
0x11c: {  	s4 =	sadd.s32 s4, s15;
	p1 =	por !p1, !p2;
	v2 =	vadd.f32 v2, v3  }
0x11d: {  	s4 =	sshrl.u32 s4, $0x4;
	p1 =	por !p1, !p1  }
0x11e: {  	[tilespmem:s2+$0x12000] =	vst v2;
	s2 =	sshll.u32 s17, $0x4;
	s17 =	simm.s32 $0x1  }
0x11f: {  	s17 =	simm.s32 @!p1 $0x0  }
0x120: {  	s30 =	ssub.s32 s13, s2;
	v2 =	vld [tilespmem:s2+$0x12000];
	s13 =	ssub.s32 s4, s17  }
0x121: {  	v3 =	vmov s30  }
0x122: {  	vm0 =	veq.s32 v3, v0;
	_ =	sdelay $0x1  }
0x123: {  	v3 =	vsel vm0, $0x3F800000, v1  }
0x124: {  	v2 =	vadd.f32 v2, v3;
	_ =	sdelay $0x1  }
0x125: {  	[tilespmem:s2+$0x12000] =	vst v2;
	s2 =	sshll.u32 s21, $0x4  }
0x126: {  	s4 =	ssub.s32 s14, s2;
	v2 =	vld [tilespmem:s2+$0x12000]  }
0x127: {  	v3 =	vmov s4  }
0x128: {  	vm0 =	veq.s32 v3, v0;
	_ =	sdelay $0x1  }
0x129: {  	v3 =	vsel vm0, $0x3F800000, v1  }
0x12a: {  	v2 =	vadd.f32 v2, v3;
	_ =	sdelay $0x1  }
0x12b: {  	s1 =	sshll.u32 s1, $0x4;
	[tilespmem:s2+$0x12000] =	vst v2  }
0x12c: {  	s2 =	ssub.s32 s12, s1;
	v2 =	vld [tilespmem:s1+$0x12000]  }
0x12d: {  	v3 =	vmov s2  }
0x12e: {  	vm0 =	veq.s32 v3, v0;
	_ =	sdelay $0x1  }
0x12f: {  	v3 =	vsel vm0, $0x3F800000, v1  }
0x130: {  	v2 =	vadd.f32 v2, v3;
	_ =	sdelay $0x1  }
0x131: {  	[tilespmem:s1+$0x12000] =	vst v2;
	s1 =	sshll.u32 s29, $0x4  }
0x132: {  	s2 =	ssub.s32 s11, s1;
	v2 =	vld [tilespmem:s1+$0x12000]  }
0x133: {  	v3 =	vmov s2  }
0x134: {  	vm0 =	veq.s32 v3, v0;
	_ =	sdelay $0x1  }
0x135: {  	v3 =	vsel vm0, $0x3F800000, v1  }
0x136: {  	v2 =	vadd.f32 v2, v3;
	_ =	sdelay $0x1  }
0x137: {  	s0 =	sshll.u32 s0, $0x4;
	[tilespmem:s1+$0x12000] =	vst v2  }
0x138: {  	s1 =	ssub.s32 s9, s0;
	v2 =	vld [tilespmem:s0+$0x12000]  }
0x139: {  	v3 =	vmov s1  }
0x13a: {  	vm0 =	veq.s32 v3, v0;
	_ =	sdelay $0x1  }
0x13b: {  	v3 =	vsel vm0, $0x3F800000, v1  }
0x13c: {  	v2 =	vadd.f32 v2, v3;
	_ =	sdelay $0x1  }
0x13d: {  	[tilespmem:s0+$0x12000] =	vst v2;
	s0 =	sshll.u32 s25, $0x4  }
0x13e: {  	s1 =	ssub.s32 s3, s0;
	v2 =	vld [tilespmem:s0+$0x12000]  }
0x13f: {  	v3 =	vmov s1  }
0x140: {  	vm0 =	veq.s32 v3, v0;
	_ =	sdelay $0x1  }
0x141: {  	v3 =	vsel vm0, $0x3F800000, v1  }
0x142: {  	v2 =	vadd.f32 v2, v3;
	_ =	sdelay $0x1  }
0x143: {  	[tilespmem:s0+$0x12000] =	vst v2;
	s0 =	sshll.u32 s23, $0x4  }
0x144: {  	s1 =	ssub.s32 s16, s0;
	v2 =	vld [tilespmem:s0+$0x12000]  }
0x145: {  	v3 =	vmov s1  }
0x146: {  	vm0 =	veq.s32 v3, v0;
	_ =	sdelay $0x1  }
0x147: {  	v3 =	vsel vm0, $0x3F800000, v1  }
0x148: {  	v2 =	vadd.f32 v2, v3;
	_ =	sdelay $0x1  }
.Ltmp0:
0x149: {  	[tilespmem:s0+$0x12000] =	vst v2;
	s0 =	sshll.u32 s13, $0x4;
	(pc) =	sbr.rel @p0 .LBB2_3-.Ltmp0, $4  }
0x14a: {  	s1 =	ssub.s32 s15, s0;
	v2 =	vld [tilespmem:s0+$0x12000]  }
0x14b: {  	v3 =	vmov s1  }
0x14c: {  	vm0 =	veq.s32 v3, v0  }
0x14d: {  	v3 =	vsel vm0, $0x3F800000, v1  }
0x14e: {  	_ = 	snop  }
0x14f: {  	v2 =	vadd.f32 v2, v3;
	_ =	sdelay $0x1  }
0x150: {  	s1 =	sshra.s32 s10, $0x2;
	[tilespmem:s0+$0x12000] =	vst v2  }
0x151: {  	v2 =	vld [tilespmem:s1+$0x14800];
	_ =	sdelay $0x4  }
0x152: {  	(v2sf) =	vpush v2, $0x0;
	_ =	sdelay $0x7  }
0x153: {  	(v2sf) =	vpush v2, $0x1;
	_ =	sdelay $0x6  }
0x154: {  	s25 =	spop (v2sf)  }
0x155: {  	(v2sf) =	vpush v2, $0x2;
	s26 =	sand.u32 $0xF, s25  }
0x156: {  	s2 =	sshra.s32 s25, $0x1F;
	p0 =	slt.s32 s25, $0x1;
	p1 =	sne.s32 s26, $0x0  }
0x157: {  	s29 =	sshrl.u32 s2, $0x1C;
	p0 =	por !p0, !p1  }
0x158: {  	s2 =	simm.s32 $0x1;
	s1 =	sadd.s32 s29, s25;
	p0 =	por !p0, !p0  }
0x159: {  	s1 =	sshrl.u32 s1, $0x4;
	s2 =	simm.s32 @!p0 $0x0  }
0x15a: {  	s1 =	ssub.s32 s1, s2  }
0x15b: {  	s1 =	sshll.u32 s1, $0x4  }
0x15c: {  	s30 =	spop (v2sf);
	v3 =	vld [tilespmem:s1+$0x12000]  }
0x15d: {  	(v2sf) =	vpush v2, $0x3;
	s3 =	sand.u32 $0xF, s30;
	s0 =	ssub.s32 s25, s1  }
0x15e: {  	s31 =	sshra.s32 s30, $0x1F;
	p6 =	slt.s32 s30, $0x1;
	p5 =	sne.s32 s3, $0x0;
	v4 =	vmov s0  }
0x15f: {  	s4 =	sshrl.u32 s31, $0x1C;
	p0 =	por !p6, !p5;
	vm0 =	veq.s32 v4, v0  }
0x160: {  	s3 =	simm.s32 $0x1;
	p0 =	por !p0, !p0;
	s0 =	sadd.s32 s4, s30;
	v4 =	vsel vm0, $0x3F800000, v1  }
0x161: {  	s3 =	simm.s32 @!p0 $0x0;
	s0 =	sshrl.u32 s0, $0x4;
	v3 =	vadd.f32 v4, v3  }
0x162: {  	s0 =	ssub.s32 s0, s3  }
0x163: {  	s0 =	sshll.u32 s0, $0x4;
	[tilespmem:s1+$0x12000] =	vst v3  }
0x164: {  	s7 =	spop (v2sf);
	v3 =	vld [tilespmem:s0+$0x12000]  }
0x165: {  	s2 =	ssub.s32 s30, s0;
	(v2sf) =	vpush v2, $0x4;
	s9 =	sand.u32 $0xF, s7  }
0x166: {  	v4 =	vmov s2;
	s4 =	sshra.s32 s7, $0x1F;
	p1 =	slt.s32 s7, $0x1;
	p2 =	sne.s32 s9, $0x0  }
0x167: {  	vm9 =	veq.s32 v4, v0;
	s10 =	sshrl.u32 s4, $0x1C;
	p0 =	por !p1, !p2  }
0x168: {  	s3 =	simm.s32 $0x1;
	v4 =	vsel vm9, $0x3F800000, v1;
	s2 =	sadd.s32 s10, s7;
	p0 =	por !p0, !p0  }
0x169: {  	s2 =	sshrl.u32 s2, $0x4;
	s3 =	simm.s32 @!p0 $0x0;
	v3 =	vadd.f32 v4, v3  }
0x16a: {  	s2 =	ssub.s32 s2, s3  }
0x16b: {  	s11 =	sshll.u32 s2, $0x4;
	[tilespmem:s0+$0x12000] =	vst v3  }
0x16c: {  	s12 =	spop (v2sf);
	v3 =	vld [tilespmem:s11+$0x12000]  }
0x16d: {  	(v2sf) =	vpush v2, $0x5;
	s13 =	sand.u32 $0xF, s12;
	s1 =	ssub.s32 s7, s11  }
0x16e: {  	p3 =	slt.s32 s12, $0x1;
	s14 =	sshra.s32 s12, $0x1F;
	p4 =	sne.s32 s13, $0x0;
	v4 =	vmov s1  }
0x16f: {  	s15 =	sshrl.u32 s14, $0x1C;
	p0 =	por !p3, !p4;
	vm10 =	veq.s32 v4, v0  }
0x170: {  	p0 =	por !p0, !p0;
	s3 =	simm.s32 $0x1;
	s1 =	sadd.s32 s15, s12;
	v4 =	vsel vm10, $0x3F800000, v1  }
0x171: {  	s3 =	simm.s32 @!p0 $0x0;
	s1 =	sshrl.u32 s1, $0x4;
	v3 =	vadd.f32 v4, v3  }
0x172: {  	s1 =	ssub.s32 s1, s3  }
0x173: {  	s16 =	sshll.u32 s1, $0x4;
	[tilespmem:s11+$0x12000] =	vst v3  }
0x174: {  	s17 =	spop (v2sf);
	v3 =	vld [tilespmem:s16+$0x12000]  }
0x175: {  	s2 =	ssub.s32 s12, s16;
	(v2sf) =	vpush v2, $0x6;
	s21 =	sand.u32 $0xF, s17  }
0x176: {  	v4 =	vmov s2;
	s23 =	sshra.s32 s17, $0x1F;
	p5 =	slt.s32 s17, $0x1;
	p6 =	sne.s32 s21, $0x0  }
0x177: {  	vm11 =	veq.s32 v4, v0;
	s25 =	sshrl.u32 s23, $0x1C;
	p0 =	por !p5, !p6  }
0x178: {  	s3 =	simm.s32 $0x1;
	v4 =	vsel vm11, $0x3F800000, v1;
	s2 =	sadd.s32 s25, s17;
	p0 =	por !p0, !p0  }
0x179: {  	s2 =	sshrl.u32 s2, $0x4;
	s3 =	simm.s32 @!p0 $0x0;
	v3 =	vadd.f32 v4, v3  }
0x17a: {  	s2 =	ssub.s32 s2, s3  }
0x17b: {  	s26 =	sshll.u32 s2, $0x4;
	[tilespmem:s16+$0x12000] =	vst v3  }
0x17c: {  	s29 =	spop (v2sf);
	v3 =	vld [tilespmem:s26+$0x12000]  }
0x17d: {  	(v2sf) =	vpush v2, $0x7;
	s30 =	sand.u32 $0xF, s29;
	s1 =	ssub.s32 s17, s26  }
0x17e: {  	p1 =	slt.s32 s29, $0x1;
	s31 =	sshra.s32 s29, $0x1F;
	p2 =	sne.s32 s30, $0x0;
	v4 =	vmov s1  }
0x17f: {  	s4 =	sshrl.u32 s31, $0x1C;
	p0 =	por !p1, !p2;
	vm12 =	veq.s32 v4, v0  }
0x180: {  	p0 =	por !p0, !p0;
	s3 =	simm.s32 $0x1;
	s1 =	sadd.s32 s4, s29;
	v4 =	vsel vm12, $0x3F800000, v1  }
0x181: {  	s3 =	simm.s32 @!p0 $0x0;
	s1 =	sshrl.u32 s1, $0x4;
	v3 =	vadd.f32 v4, v3  }
0x182: {  	s1 =	ssub.s32 s1, s3  }
0x183: {  	s7 =	sshll.u32 s1, $0x4;
	[tilespmem:s26+$0x12000] =	vst v3  }
0x184: {  	s9 =	spop (v2sf);
	v3 =	vld [tilespmem:s7+$0x12000]  }
0x185: {  	s2 =	ssub.s32 s29, s7;
	(v2sf) =	vpush v2, $0x8;
	s10 =	sand.u32 $0xF, s9  }
0x186: {  	v4 =	vmov s2;
	s11 =	sshra.s32 s9, $0x1F;
	p4 =	slt.s32 s9, $0x1;
	p3 =	sne.s32 s10, $0x0  }
0x187: {  	vm13 =	veq.s32 v4, v0;
	s12 =	sshrl.u32 s11, $0x1C;
	p0 =	por !p4, !p3  }
0x188: {  	s3 =	simm.s32 $0x1;
	v4 =	vsel vm13, $0x3F800000, v1;
	s2 =	sadd.s32 s12, s9;
	p0 =	por !p0, !p0  }
0x189: {  	s2 =	sshrl.u32 s2, $0x4;
	s3 =	simm.s32 @!p0 $0x0;
	v3 =	vadd.f32 v4, v3  }
0x18a: {  	s2 =	ssub.s32 s2, s3  }
0x18b: {  	s13 =	sshll.u32 s2, $0x4;
	[tilespmem:s7+$0x12000] =	vst v3  }
0x18c: {  	s14 =	spop (v2sf);
	v3 =	vld [tilespmem:s13+$0x12000]  }
0x18d: {  	(v2sf) =	vpush v2, $0x9;
	s15 =	sand.u32 $0xF, s14;
	s1 =	ssub.s32 s9, s13  }
0x18e: {  	s16 =	sshra.s32 s14, $0x1F;
	p5 =	slt.s32 s14, $0x1;
	p6 =	sne.s32 s15, $0x0;
	v4 =	vmov s1  }
0x18f: {  	s17 =	sshrl.u32 s16, $0x1C;
	p0 =	por !p5, !p6;
	vm14 =	veq.s32 v4, v0  }
0x190: {  	p0 =	por !p0, !p0;
	s3 =	simm.s32 $0x1;
	s1 =	sadd.s32 s17, s14;
	v4 =	vsel vm14, $0x3F800000, v1  }
0x191: {  	s3 =	simm.s32 @!p0 $0x0;
	s1 =	sshrl.u32 s1, $0x4;
	v3 =	vadd.f32 v3, v4  }
0x192: {  	s1 =	ssub.s32 s1, s3  }
0x193: {  	s21 =	sshll.u32 s1, $0x4;
	[tilespmem:s13+$0x12000] =	vst v3  }
0x194: {  	s23 =	spop (v2sf);
	v3 =	vld [tilespmem:s21+$0x12000]  }
0x195: {  	s2 =	ssub.s32 s14, s21;
	(v2sf) =	vpush v2, $0xA;
	s25 =	sand.u32 $0xF, s23  }
0x196: {  	p1 =	slt.s32 s23, $0x1;
	s26 =	sshra.s32 s23, $0x1F;
	v4 =	vmov s2;
	p2 =	sne.s32 s25, $0x0  }
0x197: {  	s29 =	sshrl.u32 s26, $0x1C;
	vm15 =	veq.s32 v4, v0;
	p0 =	por !p1, !p2  }
0x198: {  	s3 =	simm.s32 $0x1;
	s2 =	sadd.s32 s29, s23;
	v4 =	vsel vm15, $0x3F800000, v1;
	p0 =	por !p0, !p0  }
0x199: {  	s2 =	sshrl.u32 s2, $0x4;
	s3 =	simm.s32 @!p0 $0x0;
	v3 =	vadd.f32 v3, v4  }
0x19a: {  	s2 =	ssub.s32 s2, s3  }
0x19b: {  	s30 =	sshll.u32 s2, $0x4;
	[tilespmem:s21+$0x12000] =	vst v3  }
0x19c: {  	s31 =	spop (v2sf);
	v3 =	vld [tilespmem:s30+$0x12000]  }
0x19d: {  	(v2sf) =	vpush v2, $0xB;
	s7 =	sand.u32 $0xF, s31;
	s1 =	ssub.s32 s23, s30  }
0x19e: {  	s9 =	sshra.s32 s31, $0x1F;
	p4 =	slt.s32 s31, $0x1;
	p3 =	sne.s32 s7, $0x0;
	v4 =	vmov s1  }
0x19f: {  	s10 =	sshrl.u32 s9, $0x1C;
	p0 =	por !p4, !p3;
	vm4 =	veq.s32 v4, v0  }
0x1a0: {  	p0 =	por !p0, !p0;
	s3 =	simm.s32 $0x1;
	s1 =	sadd.s32 s10, s31;
	v4 =	vsel vm4, $0x3F800000, v1  }
0x1a1: {  	s3 =	simm.s32 @!p0 $0x0;
	s1 =	sshrl.u32 s1, $0x4;
	v3 =	vadd.f32 v3, v4  }
0x1a2: {  	s1 =	ssub.s32 s1, s3  }
0x1a3: {  	s11 =	sshll.u32 s1, $0x4;
	[tilespmem:s30+$0x12000] =	vst v3  }
0x1a4: {  	s12 =	spop (v2sf);
	v3 =	vld [tilespmem:s11+$0x12000]  }
0x1a5: {  	s2 =	ssub.s32 s31, s11;
	(v2sf) =	vpush v2, $0xC;
	s13 =	sand.u32 $0xF, s12  }
0x1a6: {  	s14 =	sshra.s32 s12, $0x1F;
	p5 =	slt.s32 s12, $0x1;
	p6 =	sne.s32 s13, $0x0;
	v4 =	vmov s2  }
0x1a7: {  	s15 =	sshrl.u32 s14, $0x1C;
	p0 =	por !p5, !p6;
	vm5 =	veq.s32 v4, v0  }
0x1a8: {  	s3 =	simm.s32 $0x1;
	s2 =	sadd.s32 s15, s12;
	p0 =	por !p0, !p0;
	v4 =	vsel vm5, $0x3F800000, v1  }
0x1a9: {  	s2 =	sshrl.u32 s2, $0x4;
	s3 =	simm.s32 @!p0 $0x0;
	v3 =	vadd.f32 v3, v4  }
0x1aa: {  	s2 =	ssub.s32 s2, s3  }
0x1ab: {  	s16 =	sshll.u32 s2, $0x4;
	[tilespmem:s11+$0x12000] =	vst v3  }
0x1ac: {  	s17 =	spop (v2sf);
	v3 =	vld [tilespmem:s16+$0x12000]  }
0x1ad: {  	(v2sf) =	vpush v2, $0xD;
	s21 =	sand.u32 $0xF, s17;
	s1 =	ssub.s32 s12, s16  }
0x1ae: {  	s23 =	sshra.s32 s17, $0x1F;
	p1 =	slt.s32 s17, $0x1;
	p2 =	sne.s32 s21, $0x0;
	v4 =	vmov s1  }
0x1af: {  	s25 =	sshrl.u32 s23, $0x1C;
	p0 =	por !p1, !p2;
	vm6 =	veq.s32 v4, v0  }
0x1b0: {  	p0 =	por !p0, !p0;
	s3 =	simm.s32 $0x1;
	s1 =	sadd.s32 s25, s17;
	v4 =	vsel vm6, $0x3F800000, v1  }
0x1b1: {  	s3 =	simm.s32 @!p0 $0x0;
	s1 =	sshrl.u32 s1, $0x4;
	v3 =	vadd.f32 v3, v4  }
0x1b2: {  	s1 =	ssub.s32 s1, s3  }
0x1b3: {  	s26 =	sshll.u32 s1, $0x4;
	[tilespmem:s16+$0x12000] =	vst v3  }
0x1b4: {  	s29 =	spop (v2sf);
	v3 =	vld [tilespmem:s26+$0x12000]  }
0x1b5: {  	s2 =	ssub.s32 s17, s26;
	(v2sf) =	vpush v2, $0xE;
	s30 =	sand.u32 $0xF, s29  }
0x1b6: {  	p3 =	slt.s32 s29, $0x1;
	s31 =	sshra.s32 s29, $0x1F;
	p4 =	sne.s32 s30, $0x0;
	v4 =	vmov s2  }
0x1b7: {  	s4 =	sshrl.u32 s31, $0x1C;
	p0 =	por !p3, !p4;
	vm7 =	veq.s32 v4, v0  }
0x1b8: {  	s3 =	simm.s32 $0x1;
	s2 =	sadd.s32 s4, s29;
	p0 =	por !p0, !p0;
	v4 =	vsel vm7, $0x3F800000, v1  }
0x1b9: {  	s2 =	sshrl.u32 s2, $0x4;
	s3 =	simm.s32 @!p0 $0x0;
	v3 =	vadd.f32 v3, v4  }
0x1ba: {  	s2 =	ssub.s32 s2, s3  }
0x1bb: {  	s7 =	sshll.u32 s2, $0x4;
	[tilespmem:s26+$0x12000] =	vst v3  }
0x1bc: {  	s9 =	spop (v2sf);
	v3 =	vld [tilespmem:s7+$0x12000]  }
0x1bd: {  	(v2sf) =	vpush v2, $0xF;
	s10 =	sand.u32 $0xF, s9;
	s1 =	ssub.s32 s29, s7  }
0x1be: {  	s11 =	sshra.s32 s9, $0x1F;
	p5 =	slt.s32 s9, $0x1;
	p6 =	sne.s32 s10, $0x0;
	v2 =	vmov s1  }
0x1bf: {  	s12 =	sshrl.u32 s11, $0x1C;
	p0 =	por !p5, !p6;
	vm8 =	veq.s32 v2, v0  }
0x1c0: {  	p0 =	por !p0, !p0;
	s3 =	simm.s32 $0x1;
	s1 =	sadd.s32 s12, s9;
	v2 =	vsel vm8, $0x3F800000, v1  }
0x1c1: {  	s3 =	simm.s32 @!p0 $0x0;
	s1 =	sshrl.u32 s1, $0x4;
	v2 =	vadd.f32 v3, v2  }
0x1c2: {  	s1 =	ssub.s32 s1, s3  }
0x1c3: {  	s13 =	sshll.u32 s1, $0x4;
	[tilespmem:s7+$0x12000] =	vst v2  }
0x1c4: {  	s14 =	spop (v2sf);
	v2 =	vld [tilespmem:s13+$0x12000]  }
0x1c5: {  	s2 =	ssub.s32 s9, s13;
	s15 =	sand.u32 $0xF, s14  }
0x1c6: {  	s16 =	sshra.s32 s14, $0x1F;
	p2 =	slt.s32 s14, $0x1;
	p1 =	sne.s32 s15, $0x0;
	v3 =	vmov s2  }
0x1c7: {  	s17 =	sshrl.u32 s16, $0x1C;
	p0 =	por !p2, !p1;
	vm9 =	veq.s32 v3, v0  }
0x1c8: {  	s3 =	simm.s32 $0x1;
	s2 =	sadd.s32 s17, s14;
	p0 =	por !p0, !p0;
	v3 =	vsel vm9, $0x3F800000, v1  }
0x1c9: {  	s2 =	sshrl.u32 s2, $0x4;
	s3 =	simm.s32 @!p0 $0x0;
	v2 =	vadd.f32 v2, v3  }
0x1ca: {  	s2 =	ssub.s32 s2, s3  }
0x1cb: {  	s21 =	sshll.u32 s2, $0x4;
	[tilespmem:s13+$0x12000] =	vst v2  }
0x1cc: {  	s23 =	spop (v2sf);
	v2 =	vld [tilespmem:s21+$0x12000]  }
0x1cd: {  	s25 =	sand.u32 $0xF, s23;
	s1 =	ssub.s32 s14, s21  }
0x1ce: {  	p3 =	slt.s32 s23, $0x1;
	s26 =	sshra.s32 s23, $0x1F;
	p4 =	sne.s32 s25, $0x0;
	v3 =	vmov s1  }
0x1cf: {  	s29 =	sshrl.u32 s26, $0x1C;
	p0 =	por !p3, !p4;
	vm10 =	veq.s32 v3, v0  }
0x1d0: {  	p0 =	por !p0, !p0;
	s3 =	simm.s32 $0x1;
	s1 =	sadd.s32 s29, s23;
	v3 =	vsel vm10, $0x3F800000, v1  }
0x1d1: {  	s3 =	simm.s32 @!p0 $0x0;
	s1 =	sshrl.u32 s1, $0x4;
	v2 =	vadd.f32 v2, v3  }
0x1d2: {  	s1 =	ssub.s32 s1, s3  }
0x1d3: {  	s30 =	sshll.u32 s1, $0x4;
	[tilespmem:s21+$0x12000] =	vst v2  }
0x1d4: {  	v2 =	vld [tilespmem:s30+$0x12000]  }
0x1d5: {  	s1 =	ssub.s32 s23, s30  }
0x1d6: {  	v3 =	vmov s1  }
0x1d7: {  	vm11 =	veq.s32 v3, v0  }
0x1d8: {  	v3 =	vsel vm11, $0x3F800000, v1  }
0x1d9: {  	v2 =	vadd.f32 v2, v3;
	_ =	sdelay $0x1  }
0x1da: {  	[tilespmem:s30+$0x12000] =	vst v2  }
0x1db: {  	v2 =	vld [tilespmem:s6+$0x14880];
	_ =	sdelay $0x4  }
0x1dc: {  	(v2sf) =	vpush v2, $0x0;
	_ =	sdelay $0x7  }
0x1dd: {  	(v2sf) =	vpush v2, $0x1;
	_ =	sdelay $0x6  }
0x1de: {  	s31 =	spop (v2sf)  }
0x1df: {  	(v2sf) =	vpush v2, $0x2;
	s3 =	sand.u32 $0xF, s31  }
0x1e0: {  	s4 =	sshra.s32 s31, $0x1F;
	p5 =	slt.s32 s31, $0x1;
	p6 =	sne.s32 s3, $0x0  }
0x1e1: {  	s6 =	sshrl.u32 s4, $0x1C;
	p0 =	por !p5, !p6  }
0x1e2: {  	s2 =	simm.s32 $0x1;
	s1 =	sadd.s32 s6, s31;
	p0 =	por !p0, !p0  }
0x1e3: {  	s1 =	sshrl.u32 s1, $0x4;
	s2 =	simm.s32 @!p0 $0x0  }
0x1e4: {  	s1 =	ssub.s32 s1, s2  }
0x1e5: {  	s1 =	sshll.u32 s1, $0x4  }
0x1e6: {  	s7 =	spop (v2sf);
	v3 =	vld [tilespmem:s1+$0x12000]  }
0x1e7: {  	(v2sf) =	vpush v2, $0x3;
	s9 =	sand.u32 $0xF, s7;
	s0 =	ssub.s32 s31, s1  }
0x1e8: {  	s10 =	sshra.s32 s7, $0x1F;
	p2 =	slt.s32 s7, $0x1;
	p1 =	sne.s32 s9, $0x0;
	v4 =	vmov s0  }
0x1e9: {  	s11 =	sshrl.u32 s10, $0x1C;
	p0 =	por !p2, !p1;
	vm12 =	veq.s32 v4, v0  }
0x1ea: {  	s3 =	simm.s32 $0x1;
	p0 =	por !p0, !p0;
	s0 =	sadd.s32 s11, s7;
	v4 =	vsel vm12, $0x3F800000, v1  }
0x1eb: {  	s3 =	simm.s32 @!p0 $0x0;
	s0 =	sshrl.u32 s0, $0x4;
	v3 =	vadd.f32 v4, v3  }
0x1ec: {  	s0 =	ssub.s32 s0, s3  }
0x1ed: {  	s0 =	sshll.u32 s0, $0x4;
	[tilespmem:s1+$0x12000] =	vst v3  }
0x1ee: {  	s12 =	spop (v2sf);
	v3 =	vld [tilespmem:s0+$0x12000]  }
0x1ef: {  	s2 =	ssub.s32 s7, s0;
	(v2sf) =	vpush v2, $0x4;
	s13 =	sand.u32 $0xF, s12  }
0x1f0: {  	v4 =	vmov s2;
	s14 =	sshra.s32 s12, $0x1F;
	p3 =	slt.s32 s12, $0x1;
	p4 =	sne.s32 s13, $0x0  }
0x1f1: {  	vm13 =	veq.s32 v4, v0;
	s15 =	sshrl.u32 s14, $0x1C;
	p0 =	por !p3, !p4  }
0x1f2: {  	s3 =	simm.s32 $0x1;
	v4 =	vsel vm13, $0x3F800000, v1;
	s2 =	sadd.s32 s15, s12;
	p0 =	por !p0, !p0  }
0x1f3: {  	s2 =	sshrl.u32 s2, $0x4;
	s3 =	simm.s32 @!p0 $0x0;
	v3 =	vadd.f32 v4, v3  }
0x1f4: {  	s2 =	ssub.s32 s2, s3  }
0x1f5: {  	s16 =	sshll.u32 s2, $0x4;
	[tilespmem:s0+$0x12000] =	vst v3  }
0x1f6: {  	s17 =	spop (v2sf);
	v3 =	vld [tilespmem:s16+$0x12000]  }
0x1f7: {  	(v2sf) =	vpush v2, $0x5;
	s21 =	sand.u32 $0xF, s17;
	s1 =	ssub.s32 s12, s16  }
0x1f8: {  	p5 =	slt.s32 s17, $0x1;
	s23 =	sshra.s32 s17, $0x1F;
	p6 =	sne.s32 s21, $0x0;
	v4 =	vmov s1  }
0x1f9: {  	s25 =	sshrl.u32 s23, $0x1C;
	p0 =	por !p5, !p6;
	vm14 =	veq.s32 v4, v0  }
0x1fa: {  	p0 =	por !p0, !p0;
	s3 =	simm.s32 $0x1;
	s1 =	sadd.s32 s25, s17;
	v4 =	vsel vm14, $0x3F800000, v1  }
0x1fb: {  	s3 =	simm.s32 @!p0 $0x0;
	s1 =	sshrl.u32 s1, $0x4;
	v3 =	vadd.f32 v4, v3  }
0x1fc: {  	s1 =	ssub.s32 s1, s3  }
0x1fd: {  	s26 =	sshll.u32 s1, $0x4;
	[tilespmem:s16+$0x12000] =	vst v3  }
0x1fe: {  	s29 =	spop (v2sf);
	v3 =	vld [tilespmem:s26+$0x12000]  }
0x1ff: {  	s2 =	ssub.s32 s17, s26;
	(v2sf) =	vpush v2, $0x6;
	s30 =	sand.u32 $0xF, s29  }
0x200: {  	v4 =	vmov s2;
	s31 =	sshra.s32 s29, $0x1F;
	p1 =	slt.s32 s29, $0x1;
	p2 =	sne.s32 s30, $0x0  }
0x201: {  	vm15 =	veq.s32 v4, v0;
	s4 =	sshrl.u32 s31, $0x1C;
	p0 =	por !p1, !p2  }
0x202: {  	s3 =	simm.s32 $0x1;
	v4 =	vsel vm15, $0x3F800000, v1;
	s2 =	sadd.s32 s4, s29;
	p0 =	por !p0, !p0  }
0x203: {  	s2 =	sshrl.u32 s2, $0x4;
	s3 =	simm.s32 @!p0 $0x0;
	v3 =	vadd.f32 v4, v3  }
0x204: {  	s2 =	ssub.s32 s2, s3  }
0x205: {  	s6 =	sshll.u32 s2, $0x4;
	[tilespmem:s26+$0x12000] =	vst v3  }
0x206: {  	s7 =	spop (v2sf);
	v3 =	vld [tilespmem:s6+$0x12000]  }
0x207: {  	(v2sf) =	vpush v2, $0x7;
	s9 =	sand.u32 $0xF, s7;
	s1 =	ssub.s32 s29, s6  }
0x208: {  	p3 =	slt.s32 s7, $0x1;
	s10 =	sshra.s32 s7, $0x1F;
	p4 =	sne.s32 s9, $0x0;
	v4 =	vmov s1  }
0x209: {  	s11 =	sshrl.u32 s10, $0x1C;
	p0 =	por !p3, !p4;
	vm4 =	veq.s32 v4, v0  }
0x20a: {  	p0 =	por !p0, !p0;
	s3 =	simm.s32 $0x1;
	s1 =	sadd.s32 s11, s7;
	v4 =	vsel vm4, $0x3F800000, v1  }
0x20b: {  	s3 =	simm.s32 @!p0 $0x0;
	s1 =	sshrl.u32 s1, $0x4;
	v3 =	vadd.f32 v4, v3  }
0x20c: {  	s1 =	ssub.s32 s1, s3  }
0x20d: {  	s12 =	sshll.u32 s1, $0x4;
	[tilespmem:s6+$0x12000] =	vst v3  }
0x20e: {  	s13 =	spop (v2sf);
	v3 =	vld [tilespmem:s12+$0x12000]  }
0x20f: {  	s2 =	ssub.s32 s7, s12;
	(v2sf) =	vpush v2, $0x8;
	s14 =	sand.u32 $0xF, s13  }
0x210: {  	v4 =	vmov s2;
	s15 =	sshra.s32 s13, $0x1F;
	p6 =	slt.s32 s13, $0x1;
	p5 =	sne.s32 s14, $0x0  }
0x211: {  	vm5 =	veq.s32 v4, v0;
	s16 =	sshrl.u32 s15, $0x1C;
	p0 =	por !p6, !p5  }
0x212: {  	s3 =	simm.s32 $0x1;
	v4 =	vsel vm5, $0x3F800000, v1;
	s2 =	sadd.s32 s16, s13;
	p0 =	por !p0, !p0  }
0x213: {  	s2 =	sshrl.u32 s2, $0x4;
	s3 =	simm.s32 @!p0 $0x0;
	v3 =	vadd.f32 v4, v3  }
0x214: {  	s2 =	ssub.s32 s2, s3  }
0x215: {  	s17 =	sshll.u32 s2, $0x4;
	[tilespmem:s12+$0x12000] =	vst v3  }
0x216: {  	s21 =	spop (v2sf);
	v3 =	vld [tilespmem:s17+$0x12000]  }
0x217: {  	(v2sf) =	vpush v2, $0x9;
	s23 =	sand.u32 $0xF, s21;
	s1 =	ssub.s32 s13, s17  }
0x218: {  	s25 =	sshra.s32 s21, $0x1F;
	p1 =	slt.s32 s21, $0x1;
	p2 =	sne.s32 s23, $0x0;
	v4 =	vmov s1  }
0x219: {  	s26 =	sshrl.u32 s25, $0x1C;
	p0 =	por !p1, !p2;
	vm6 =	veq.s32 v4, v0  }
0x21a: {  	p0 =	por !p0, !p0;
	s3 =	simm.s32 $0x1;
	s1 =	sadd.s32 s26, s21;
	v4 =	vsel vm6, $0x3F800000, v1  }
0x21b: {  	s3 =	simm.s32 @!p0 $0x0;
	s1 =	sshrl.u32 s1, $0x4;
	v3 =	vadd.f32 v3, v4  }
0x21c: {  	s1 =	ssub.s32 s1, s3  }
0x21d: {  	s29 =	sshll.u32 s1, $0x4;
	[tilespmem:s17+$0x12000] =	vst v3  }
0x21e: {  	s30 =	spop (v2sf);
	v3 =	vld [tilespmem:s29+$0x12000]  }
0x21f: {  	s2 =	ssub.s32 s21, s29;
	(v2sf) =	vpush v2, $0xA;
	s31 =	sand.u32 $0xF, s30  }
0x220: {  	p3 =	slt.s32 s30, $0x1;
	s4 =	sshra.s32 s30, $0x1F;
	v4 =	vmov s2;
	p4 =	sne.s32 s31, $0x0  }
0x221: {  	s6 =	sshrl.u32 s4, $0x1C;
	vm7 =	veq.s32 v4, v0;
	p0 =	por !p3, !p4  }
0x222: {  	s3 =	simm.s32 $0x1;
	s2 =	sadd.s32 s6, s30;
	v4 =	vsel vm7, $0x3F800000, v1;
	p0 =	por !p0, !p0  }
0x223: {  	s2 =	sshrl.u32 s2, $0x4;
	s3 =	simm.s32 @!p0 $0x0;
	v3 =	vadd.f32 v3, v4  }
0x224: {  	s2 =	ssub.s32 s2, s3  }
0x225: {  	s7 =	sshll.u32 s2, $0x4;
	[tilespmem:s29+$0x12000] =	vst v3  }
0x226: {  	s9 =	spop (v2sf);
	v3 =	vld [tilespmem:s7+$0x12000]  }
0x227: {  	(v2sf) =	vpush v2, $0xB;
	s10 =	sand.u32 $0xF, s9;
	s1 =	ssub.s32 s30, s7  }
0x228: {  	s11 =	sshra.s32 s9, $0x1F;
	p6 =	slt.s32 s9, $0x1;
	p5 =	sne.s32 s10, $0x0;
	v4 =	vmov s1  }
0x229: {  	s12 =	sshrl.u32 s11, $0x1C;
	p0 =	por !p6, !p5;
	vm8 =	veq.s32 v4, v0  }
0x22a: {  	p0 =	por !p0, !p0;
	s3 =	simm.s32 $0x1;
	s1 =	sadd.s32 s12, s9;
	v4 =	vsel vm8, $0x3F800000, v1  }
0x22b: {  	s3 =	simm.s32 @!p0 $0x0;
	s1 =	sshrl.u32 s1, $0x4;
	v3 =	vadd.f32 v3, v4  }
0x22c: {  	s1 =	ssub.s32 s1, s3  }
0x22d: {  	s13 =	sshll.u32 s1, $0x4;
	[tilespmem:s7+$0x12000] =	vst v3  }
0x22e: {  	s14 =	spop (v2sf);
	v3 =	vld [tilespmem:s13+$0x12000]  }
0x22f: {  	s2 =	ssub.s32 s9, s13;
	(v2sf) =	vpush v2, $0xC;
	s15 =	sand.u32 $0xF, s14  }
0x230: {  	s16 =	sshra.s32 s14, $0x1F;
	p1 =	slt.s32 s14, $0x1;
	p2 =	sne.s32 s15, $0x0;
	v4 =	vmov s2  }
0x231: {  	s17 =	sshrl.u32 s16, $0x1C;
	p0 =	por !p1, !p2;
	vm9 =	veq.s32 v4, v0  }
0x232: {  	s3 =	simm.s32 $0x1;
	s2 =	sadd.s32 s17, s14;
	p0 =	por !p0, !p0;
	v4 =	vsel vm9, $0x3F800000, v1  }
0x233: {  	s2 =	sshrl.u32 s2, $0x4;
	s3 =	simm.s32 @!p0 $0x0;
	v3 =	vadd.f32 v3, v4  }
0x234: {  	s2 =	ssub.s32 s2, s3  }
0x235: {  	s21 =	sshll.u32 s2, $0x4;
	[tilespmem:s13+$0x12000] =	vst v3  }
0x236: {  	s23 =	spop (v2sf);
	v3 =	vld [tilespmem:s21+$0x12000]  }
0x237: {  	(v2sf) =	vpush v2, $0xD;
	s25 =	sand.u32 $0xF, s23;
	s1 =	ssub.s32 s14, s21  }
0x238: {  	s26 =	sshra.s32 s23, $0x1F;
	p3 =	slt.s32 s23, $0x1;
	p4 =	sne.s32 s25, $0x0;
	v4 =	vmov s1  }
0x239: {  	s29 =	sshrl.u32 s26, $0x1C;
	p0 =	por !p3, !p4;
	vm10 =	veq.s32 v4, v0  }
0x23a: {  	p0 =	por !p0, !p0;
	s3 =	simm.s32 $0x1;
	s1 =	sadd.s32 s29, s23;
	v4 =	vsel vm10, $0x3F800000, v1  }
0x23b: {  	s3 =	simm.s32 @!p0 $0x0;
	s1 =	sshrl.u32 s1, $0x4;
	v3 =	vadd.f32 v3, v4  }
0x23c: {  	s1 =	ssub.s32 s1, s3  }
0x23d: {  	s30 =	sshll.u32 s1, $0x4;
	[tilespmem:s21+$0x12000] =	vst v3  }
0x23e: {  	s31 =	spop (v2sf);
	v3 =	vld [tilespmem:s30+$0x12000]  }
0x23f: {  	(v2sf) =	vpush v2, $0xE;
	s2 =	ssub.s32 s23, s30;
	s6 =	sand.u32 $0xF, s31  }
0x240: {  	p5 =	slt.s32 s31, $0x1;
	s7 =	sshra.s32 s31, $0x1F;
	p6 =	sne.s32 s6, $0x0;
	v4 =	vmov s2  }
0x241: {  	s9 =	sshrl.u32 s7, $0x1C;
	p0 =	por !p5, !p6;
	vm11 =	veq.s32 v4, v0  }
0x242: {  	s3 =	simm.s32 $0x1;
	s2 =	sadd.s32 s9, s31;
	p0 =	por !p0, !p0;
	v4 =	vsel vm11, $0x3F800000, v1  }
0x243: {  	(v2sf) =	vpush v2, $0xF;
	s2 =	sshrl.u32 s2, $0x4;
	s3 =	simm.s32 @!p0 $0x0;
	v2 =	vadd.f32 v3, v4  }
0x244: {  	s2 =	ssub.s32 s2, s3  }
0x245: {  	s10 =	sshll.u32 s2, $0x4;
	[tilespmem:s30+$0x12000] =	vst v2  }
0x246: {  	s11 =	spop (v2sf);
	v2 =	vld [tilespmem:s10+$0x12000]  }
0x247: {  	s12 =	sand.u32 $0xF, s11;
	s1 =	ssub.s32 s31, s10  }
0x248: {  	s13 =	sshra.s32 s11, $0x1F;
	p1 =	slt.s32 s11, $0x1;
	p2 =	sne.s32 s12, $0x0;
	v3 =	vmov s1  }
0x249: {  	s14 =	sshrl.u32 s13, $0x1C;
	p0 =	por !p1, !p2;
	vm12 =	veq.s32 v3, v0  }
0x24a: {  	p0 =	por !p0, !p0;
	s3 =	simm.s32 $0x1;
	s1 =	sadd.s32 s14, s11;
	v3 =	vsel vm12, $0x3F800000, v1  }
0x24b: {  	s3 =	simm.s32 @!p0 $0x0;
	s1 =	sshrl.u32 s1, $0x4;
	v2 =	vadd.f32 v2, v3  }
0x24c: {  	s1 =	ssub.s32 s1, s3  }
0x24d: {  	s15 =	sshll.u32 s1, $0x4;
	[tilespmem:s10+$0x12000] =	vst v2  }
0x24e: {  	s16 =	spop (v2sf);
	v2 =	vld [tilespmem:s15+$0x12000]  }
0x24f: {  	s21 =	sand.u32 $0xF, s16;
	s2 =	ssub.s32 s11, s15  }
0x250: {  	s17 =	sshra.s32 s16, $0x1F;
	p4 =	slt.s32 s16, $0x1;
	p3 =	sne.s32 s21, $0x0;
	v3 =	vmov s2  }
0x251: {  	p0 =	por !p4, !p3;
	s3 =	sshrl.u32 s17, $0x1C;
	vm13 =	veq.s32 v3, v0  }
0x252: {  	s4 =	simm.s32 $0x1;
	p0 =	por !p0, !p0;
	s23 =	sadd.s32 s3, s16;
	v3 =	vsel vm13, $0x3F800000, v1  }
0x253: {  	s4 =	simm.s32 @!p0 $0x0;
	s2 =	sshrl.u32 s23, $0x4;
	v2 =	vadd.f32 v2, v3  }
0x254: {  	s2 =	ssub.s32 s2, s4  }
0x255: {  	s25 =	spop (v2sf);
	s2 =	sshll.u32 s2, $0x4;
	[tilespmem:s15+$0x12000] =	vst v2  }
0x256: {  	p5 =	slt.s32 s25, $0x1;
	s29 =	sand.u32 $0xF, s25;
	v2 =	vld [tilespmem:s2+$0x12000]  }
0x257: {  	s26 =	sshra.s32 s25, $0x1F;
	p6 =	sne.s32 s29, $0x0;
	s1 =	ssub.s32 s16, s2  }
0x258: {  	p0 =	por !p5, !p6;
	s4 =	sshrl.u32 s26, $0x1C;
	v3 =	vmov s1  }
0x259: {  	p0 =	por !p0, !p0;
	s30 =	sadd.s32 s4, s25;
	s4 =	simm.s32 $0x1;
	vm14 =	veq.s32 v3, v0  }
0x25a: {  	s0 =	sshrl.u32 s30, $0x4;
	s4 =	simm.s32 @!p0 $0x0;
	v3 =	vsel vm14, $0x3F800000, v1  }
0x25b: {  	s0 =	ssub.s32 s0, s4;
	v2 =	vadd.f32 v2, v3  }
0x25c: {  	s0 =	sshll.u32 s0, $0x4  }
0x25d: {  	s31 =	ssub.s32 s25, s0;
	[tilespmem:s2+$0x12000] =	vst v2  }
0x25e: {  	v3 =	vmov s31;
	v2 =	vld [tilespmem:s0+$0x12000]  }
0x25f: {  	vm15 =	veq.s32 v3, v0  }
0x260: {  	s6 =	simm.s32 $0x80;
	v3 =	vsel vm15, $0x3F800000, v1  }
.LBB2_5:
0x261: {  	p0 =	sne.s32 s6, $0x1C0  }
0x262: {  	s1 =	sshra.s32 s19, $0x2;
	s19 =	smov.u32 s6;
	s6 =	sadd.s32 $0x40, s6  }
0x263: {  	v2 =	vadd.f32 v2, v3;
	_ =	sdelay $0x1  }
0x264: {  	[tilespmem:s0+$0x12000] =	vst v2  }
0x265: {  	v2 =	vld [tilespmem:s1+$0x14880];
	_ =	sdelay $0x4  }
0x266: {  	(v2sf) =	vpush v2, $0x0;
	_ =	sdelay $0x1  }
0x267: {  	(v2sf) =	vpush v2, $0x1;
	_ =	sdelay $0x6  }
0x268: {  	(v2sf) =	vpush v2, $0x2  }
0x269: {  	(v2sf) =	vpush v2, $0x3;
	_ =	sdelay $0x4  }
0x26a: {  	s1 =	spop (v2sf)  }
0x26b: {  	s0 =	sshra.s32 s1, $0x1F;
	p1 =	slt.s32 s1, $0x1;
	s2 =	sand.u32 $0xF, s1  }
0x26c: {  	s3 =	sshrl.u32 s0, $0x1C;
	p2 =	sne.s32 s2, $0x0;
	s0 =	spop (v2sf)  }
0x26d: {  	(v2sf) =	vpush v2, $0x4;
	s2 =	sadd.s32 s3, s1;
	p1 =	por !p1, !p2;
	s3 =	sand.u32 $0xF, s0  }
0x26e: {  	p1 =	por !p1, !p1;
	p2 =	sne.s32 s3, $0x0;
	s3 =	simm.s32 $0x1  }
0x26f: {  	s2 =	sshrl.u32 s2, $0x4;
	s3 =	simm.s32 @!p1 $0x0  }
0x270: {  	s4 =	sshra.s32 s0, $0x1F;
	p1 =	slt.s32 s0, $0x1;
	s2 =	ssub.s32 s2, s3  }
0x271: {  	s3 =	sshrl.u32 s4, $0x1C;
	p1 =	por !p1, !p2;
	(v2sf) =	vpush v2, $0x5;
	s4 =	simm.s32 $0x1  }
0x272: {  	s2 =	sshll.u32 s2, $0x4;
	s3 =	sadd.s32 s3, s0;
	p1 =	por !p1, !p1  }
0x273: {  	s1 =	ssub.s32 s1, s2;
	v3 =	vld [tilespmem:s2+$0x12000];
	s3 =	sshrl.u32 s3, $0x4;
	s4 =	simm.s32 @!p1 $0x0  }
0x274: {  	s9 =	spop (v2sf)  }
0x275: {  	v4 =	vmov s1;
	s1 =	ssub.s32 s3, s4;
	s4 =	sshra.s32 s9, $0x1F  }
0x276: {  	vm0 =	veq.s32 v4, v0;
	s7 =	sand.u32 $0xF, s9;
	s3 =	spop (v2sf);
	(v2sf) =	vpush v2, $0x6;
	p1 =	slt.s32 s9, $0x1  }
0x277: {  	p2 =	sne.s32 s7, $0x0;
	s7 =	sand.u32 $0xF, s3;
	s4 =	sshrl.u32 s4, $0x1C  }
0x278: {  	v4 =	vsel vm0, $0x3F800000, v1;
	s10 =	sshra.s32 s3, $0x1F;
	p1 =	por !p1, !p2;
	p2 =	slt.s32 s3, $0x1  }
0x279: {  	p3 =	sne.s32 s7, $0x0;
	s7 =	simm.s32 $0x1;
	v3 =	vadd.f32 v4, v3;
	p1 =	por !p1, !p1  }
0x27a: {  	s4 =	sadd.s32 s4, s9;
	s7 =	simm.s32 @!p1 $0x0;
	p1 =	por !p2, !p3;
	(v2sf) =	vpush v2, $0x7  }
0x27b: {  	[tilespmem:s2+$0x12000] =	vst v3;
	s2 =	sshll.u32 s1, $0x4;
	s1 =	sshrl.u32 s4, $0x4  }
0x27c: {  	p1 =	por !p1, !p1;
	s4 =	ssub.s32 s1, s7;
	s1 =	simm.s32 $0x1  }
0x27d: {  	s0 =	ssub.s32 s0, s2;
	v3 =	vld [tilespmem:s2+$0x12000];
	s7 =	sshrl.u32 s10, $0x1C;
	s1 =	simm.s32 @!p1 $0x0  }
0x27e: {  	v4 =	vmov s0;
	s7 =	sadd.s32 s7, s3;
	s0 =	spop (v2sf)  }
0x27f: {  	vm0 =	veq.s32 v4, v0;
	s7 =	sshrl.u32 s7, $0x4;
	s10 =	sshra.s32 s0, $0x1F;
	s11 =	sand.u32 $0xF, s0  }
0x280: {  	p1 =	slt.s32 s0, $0x1;
	p2 =	sne.s32 s11, $0x0;
	(v2sf) =	vpush v2, $0x8;
	s11 =	ssub.s32 s7, s1  }
0x281: {  	v4 =	vsel vm0, $0x3F800000, v1;
	s1 =	sshrl.u32 s10, $0x1C;
	s10 =	simm.s32 $0x1;
	p1 =	por !p1, !p2  }
0x282: {  	v3 =	vadd.f32 v4, v3;
	s7 =	sadd.s32 s1, s0;
	p1 =	por !p1, !p1;
	s1 =	spop (v2sf)  }
0x283: {  	s7 =	sshrl.u32 s7, $0x4;
	s10 =	simm.s32 @!p1 $0x0;
	p1 =	slt.s32 s1, $0x1  }
0x284: {  	[tilespmem:s2+$0x12000] =	vst v3;
	s2 =	sshll.u32 s4, $0x4  }
0x285: {  	s7 =	ssub.s32 s7, s10;
	s4 =	sand.u32 $0xF, s1;
	(v2sf) =	vpush v2, $0x9;
	s10 =	sshra.s32 s1, $0x1F  }
0x286: {  	s9 =	ssub.s32 s9, s2;
	v3 =	vld [tilespmem:s2+$0x12000];
	p2 =	sne.s32 s4, $0x0;
	s4 =	sshrl.u32 s10, $0x1C  }
0x287: {  	s10 =	simm.s32 $0x1;
	v4 =	vmov s9;
	p1 =	por !p1, !p2;
	s14 =	spop (v2sf);
	(v2sf) =	vpush v2, $0xA  }
0x288: {  	s4 =	sadd.s32 s4, s1;
	vm0 =	veq.s32 v4, v0;
	p1 =	por !p1, !p1;
	s9 =	sand.u32 $0xF, s14  }
0x289: {  	s4 =	sshrl.u32 s4, $0x4;
	s10 =	simm.s32 @!p1 $0x0;
	p1 =	sne.s32 s9, $0x0;
	(v2sf) =	vpush v2, $0xB  }
0x28a: {  	p2 =	slt.s32 s14, $0x1;
	v4 =	vsel vm0, $0x3F800000, v1;
	s9 =	ssub.s32 s4, s10;
	s4 =	sshra.s32 s14, $0x1F  }
0x28b: {  	p1 =	por !p2, !p1;
	v3 =	vadd.f32 v4, v3;
	s4 =	sshrl.u32 s4, $0x1C;
	s13 =	spop (v2sf)  }
0x28c: {  	p1 =	por !p1, !p1;
	s4 =	sadd.s32 s4, s14;
	s10 =	sshra.s32 s13, $0x1F  }
0x28d: {  	s15 =	simm.s32 $0x1;
	[tilespmem:s2+$0x12000] =	vst v3;
	s2 =	sshll.u32 s11, $0x4;
	s11 =	simm.s32 $0x1  }
0x28e: {  	s12 =	sand.u32 $0xF, s13;
	s4 =	sshrl.u32 s4, $0x4;
	s11 =	simm.s32 @!p1 $0x0  }
0x28f: {  	p2 =	sne.s32 s12, $0x0;
	s3 =	ssub.s32 s3, s2;
	p1 =	slt.s32 s13, $0x1;
	v3 =	vld [tilespmem:s2+$0x12000]  }
0x290: {  	s12 =	simm.s32 $0x1;
	v4 =	vmov s3;
	s3 =	ssub.s32 s4, s11;
	s4 =	sshrl.u32 s10, $0x1C  }
0x291: {  	p1 =	por !p1, !p2;
	vm0 =	veq.s32 v4, v0;
	s4 =	sadd.s32 s4, s13;
	s11 =	spop (v2sf)  }
0x292: {  	p1 =	por !p1, !p1;
	p2 =	slt.s32 s11, $0x1;
	s10 =	sand.u32 $0xF, s11  }
0x293: {  	v4 =	vsel vm0, $0x3F800000, v1;
	s4 =	sshrl.u32 s4, $0x4;
	s12 =	simm.s32 @!p1 $0x0;
	p1 =	sne.s32 s10, $0x0;
	(v2sf) =	vpush v2, $0xC  }
0x294: {  	s16 =	ssub.s32 s4, s12;
	s4 =	sshra.s32 s11, $0x1F;
	v3 =	vadd.f32 v4, v3;
	p1 =	por !p2, !p1  }
0x295: {  	s4 =	sshrl.u32 s4, $0x1C;
	p1 =	por !p1, !p1;
	s12 =	spop (v2sf)  }
0x296: {  	s4 =	sadd.s32 s4, s11;
	[tilespmem:s2+$0x12000] =	vst v3;
	s2 =	sshll.u32 s7, $0x4;
	s15 =	simm.s32 @!p1 $0x0  }
0x297: {  	s7 =	sand.u32 $0xF, s12;
	p2 =	slt.s32 s12, $0x1;
	s0 =	ssub.s32 s0, s2  }
0x298: {  	v3 =	vld [tilespmem:s2+$0x12000];
	s10 =	spop (v2sf);
	p1 =	sne.s32 s7, $0x0;
	v4 =	vmov s0;
	s0 =	sshrl.u32 s4, $0x4  }
0x299: {  	s4 =	sshra.s32 s12, $0x1F;
	p1 =	por !p2, !p1;
	s17 =	sshra.s32 s10, $0x1F  }
0x29a: {  	p2 =	slt.s32 s10, $0x1;
	s4 =	sshrl.u32 s4, $0x1C;
	s7 =	spop (v2sf)  }
0x29b: {  	vm0 =	veq.s32 v4, v0;
	(v2sf) =	vpush v2, $0xD;
	s15 =	ssub.s32 s0, s15;
	s0 =	sadd.s32 s4, s12;
	s4 =	sand.u32 $0xF, s10  }
0x29c: {  	p1 =	por !p1, !p1;
	p3 =	sne.s32 s4, $0x0;
	s4 =	simm.s32 $0x1  }
0x29d: {  	v4 =	vsel vm0, $0x3F800000, v1;
	s0 =	sshrl.u32 s0, $0x4;
	s4 =	simm.s32 @!p1 $0x0;
	p1 =	por !p2, !p3  }
0x29e: {  	s17 =	sshrl.u32 s17, $0x1C;
	v3 =	vadd.f32 v4, v3;
	(v2sf) =	vpush v2, $0xE;
	p1 =	por !p1, !p1  }
0x29f: {  	s21 =	ssub.s32 s0, s4;
	s0 =	sand.u32 $0xF, s7;
	s4 =	sshra.s32 s7, $0x1F  }
0x2a0: {  	[tilespmem:s2+$0x12000] =	vst v3;
	s2 =	sshll.u32 s9, $0x4;
	s9 =	sadd.s32 s17, s10;
	s17 =	simm.s32 $0x1  }
0x2a1: {  	s1 =	ssub.s32 s1, s2;
	v3 =	vld [tilespmem:s2+$0x12000];
	s9 =	sshrl.u32 s9, $0x4;
	s17 =	simm.s32 @!p1 $0x0  }
0x2a2: {  	p2 =	sne.s32 s0, $0x0;
	p1 =	slt.s32 s7, $0x1;
	v4 =	vmov s1;
	s1 =	ssub.s32 s9, s17  }
0x2a3: {  	s0 =	sshrl.u32 s4, $0x1C;
	s4 =	simm.s32 $0x1;
	p1 =	por !p1, !p2;
	vm0 =	veq.s32 v4, v0;
	(v2sf) =	vpush v2, $0xF  }
0x2a4: {  	s0 =	sadd.s32 s0, s7;
	p2 =	por !p1, !p1;
	s9 =	spop (v2sf)  }
0x2a5: {  	s0 =	sshrl.u32 s0, $0x4;
	v2 =	vsel vm0, $0x3F800000, v1;
	s4 =	simm.s32 @!p2 $0x0;
	p1 =	slt.s32 s9, $0x1  }
0x2a6: {  	s23 =	sand.u32 $0xF, s9;
	s17 =	ssub.s32 s0, s4;
	v2 =	vadd.f32 v2, v3  }
0x2a7: {  	s0 =	sshra.s32 s9, $0x1F;
	s4 =	simm.s32 $0x1;
	p2 =	sne.s32 s23, $0x0  }
0x2a8: {  	s0 =	sshrl.u32 s0, $0x1C;
	p1 =	por !p1, !p2;
	[tilespmem:s2+$0x12000] =	vst v2;
	s2 =	sshll.u32 s3, $0x4  }
0x2a9: {  	s0 =	sadd.s32 s0, s9;
	p1 =	por !p1, !p1;
	s3 =	ssub.s32 s14, s2;
	v2 =	vld [tilespmem:s2+$0x12000]  }
0x2aa: {  	s0 =	sshrl.u32 s0, $0x4;
	s4 =	simm.s32 @!p1 $0x0;
	v3 =	vmov s3;
	s3 =	spop (v2sf)  }
0x2ab: {  	s0 =	ssub.s32 s0, s4;
	s14 =	sand.u32 $0xF, s3  }
0x2ac: {  	vm0 =	veq.s32 v3, v0;
	s4 =	sshra.s32 s3, $0x1F;
	p1 =	slt.s32 s3, $0x1;
	p2 =	sne.s32 s14, $0x0  }
0x2ad: {  	s29 =	simm.s32 $0x1;
	s4 =	sshrl.u32 s4, $0x1C;
	p1 =	por !p1, !p2  }
0x2ae: {  	v3 =	vsel vm0, $0x3F800000, v1;
	s4 =	sadd.s32 s4, s3;
	s14 =	spop (v2sf);
	p1 =	por !p1, !p1  }
0x2af: {  	v2 =	vadd.f32 v2, v3;
	s23 =	sshra.s32 s14, $0x1F;
	s25 =	sand.u32 $0xF, s14;
	s4 =	sshrl.u32 s4, $0x4  }
0x2b0: {  	p2 =	slt.s32 s14, $0x1;
	s29 =	simm.s32 @!p1 $0x0;
	p1 =	sne.s32 s25, $0x0  }
0x2b1: {  	[tilespmem:s2+$0x12000] =	vst v2;
	s2 =	sshll.u32 s16, $0x4;
	s16 =	ssub.s32 s4, s29;
	p1 =	por !p2, !p1  }
0x2b2: {  	s4 =	ssub.s32 s13, s2;
	v2 =	vld [tilespmem:s2+$0x12000];
	s13 =	sshrl.u32 s23, $0x1C;
	p1 =	por !p1, !p1  }
0x2b3: {  	s23 =	simm.s32 $0x1;
	v3 =	vmov s4;
	s4 =	sadd.s32 s13, s14;
	s13 =	spop (v2sf)  }
0x2b4: {  	s23 =	simm.s32 @!p1 $0x0;
	vm0 =	veq.s32 v3, v0;
	s4 =	sshrl.u32 s4, $0x4;
	p1 =	slt.s32 s13, $0x1  }
0x2b5: {  	s25 =	sand.u32 $0xF, s13;
	s23 =	ssub.s32 s4, s23;
	s4 =	sshra.s32 s13, $0x1F  }
0x2b6: {  	v3 =	vsel vm0, $0x3F800000, v1;
	p2 =	sne.s32 s25, $0x0;
	s4 =	sshrl.u32 s4, $0x1C  }
0x2b7: {  	p1 =	por !p1, !p2;
	v2 =	vadd.f32 v2, v3;
	s4 =	sadd.s32 s4, s13  }
0x2b8: {  	p1 =	por !p1, !p1;
	s4 =	sshrl.u32 s4, $0x4  }
0x2b9: {  	[tilespmem:s2+$0x12000] =	vst v2;
	s2 =	sshll.u32 s15, $0x4;
	s15 =	simm.s32 $0x1  }
0x2ba: {  	s15 =	simm.s32 @!p1 $0x0  }
0x2bb: {  	s25 =	ssub.s32 s11, s2;
	v2 =	vld [tilespmem:s2+$0x12000];
	s11 =	ssub.s32 s4, s15  }
0x2bc: {  	v3 =	vmov s25  }
0x2bd: {  	vm0 =	veq.s32 v3, v0;
	_ =	sdelay $0x1  }
0x2be: {  	v3 =	vsel vm0, $0x3F800000, v1  }
0x2bf: {  	v2 =	vadd.f32 v2, v3;
	_ =	sdelay $0x1  }
0x2c0: {  	[tilespmem:s2+$0x12000] =	vst v2;
	s2 =	sshll.u32 s21, $0x4  }
0x2c1: {  	s4 =	ssub.s32 s12, s2;
	v2 =	vld [tilespmem:s2+$0x12000]  }
0x2c2: {  	v3 =	vmov s4  }
0x2c3: {  	vm0 =	veq.s32 v3, v0;
	_ =	sdelay $0x1  }
0x2c4: {  	v3 =	vsel vm0, $0x3F800000, v1  }
0x2c5: {  	v2 =	vadd.f32 v2, v3;
	_ =	sdelay $0x1  }
0x2c6: {  	s1 =	sshll.u32 s1, $0x4;
	[tilespmem:s2+$0x12000] =	vst v2  }
0x2c7: {  	s2 =	ssub.s32 s10, s1;
	v2 =	vld [tilespmem:s1+$0x12000]  }
0x2c8: {  	v3 =	vmov s2  }
0x2c9: {  	vm0 =	veq.s32 v3, v0;
	_ =	sdelay $0x1  }
0x2ca: {  	v3 =	vsel vm0, $0x3F800000, v1  }
0x2cb: {  	v2 =	vadd.f32 v2, v3;
	_ =	sdelay $0x1  }
0x2cc: {  	[tilespmem:s1+$0x12000] =	vst v2;
	s1 =	sshll.u32 s17, $0x4  }
0x2cd: {  	s2 =	ssub.s32 s7, s1;
	v2 =	vld [tilespmem:s1+$0x12000]  }
0x2ce: {  	v3 =	vmov s2  }
0x2cf: {  	vm0 =	veq.s32 v3, v0;
	_ =	sdelay $0x1  }
0x2d0: {  	v3 =	vsel vm0, $0x3F800000, v1  }
0x2d1: {  	v2 =	vadd.f32 v2, v3;
	_ =	sdelay $0x1  }
0x2d2: {  	s0 =	sshll.u32 s0, $0x4;
	[tilespmem:s1+$0x12000] =	vst v2  }
0x2d3: {  	s1 =	ssub.s32 s9, s0;
	v2 =	vld [tilespmem:s0+$0x12000]  }
0x2d4: {  	v3 =	vmov s1  }
0x2d5: {  	vm0 =	veq.s32 v3, v0;
	_ =	sdelay $0x1  }
0x2d6: {  	v3 =	vsel vm0, $0x3F800000, v1  }
0x2d7: {  	v2 =	vadd.f32 v2, v3;
	_ =	sdelay $0x1  }
0x2d8: {  	[tilespmem:s0+$0x12000] =	vst v2;
	s0 =	sshll.u32 s16, $0x4  }
0x2d9: {  	s1 =	ssub.s32 s3, s0;
	v2 =	vld [tilespmem:s0+$0x12000]  }
0x2da: {  	v3 =	vmov s1  }
0x2db: {  	vm0 =	veq.s32 v3, v0;
	_ =	sdelay $0x1  }
0x2dc: {  	v3 =	vsel vm0, $0x3F800000, v1  }
0x2dd: {  	v2 =	vadd.f32 v2, v3;
	_ =	sdelay $0x1  }
0x2de: {  	[tilespmem:s0+$0x12000] =	vst v2;
	s0 =	sshll.u32 s23, $0x4  }
0x2df: {  	s1 =	ssub.s32 s14, s0;
	v2 =	vld [tilespmem:s0+$0x12000]  }
0x2e0: {  	v3 =	vmov s1  }
0x2e1: {  	vm0 =	veq.s32 v3, v0;
	_ =	sdelay $0x1  }
0x2e2: {  	v3 =	vsel vm0, $0x3F800000, v1  }
0x2e3: {  	v2 =	vadd.f32 v2, v3;
	_ =	sdelay $0x1  }
.Ltmp1:
0x2e4: {  	[tilespmem:s0+$0x12000] =	vst v2;
	s0 =	sshll.u32 s11, $0x4;
	(pc) =	sbr.rel @p0 .LBB2_5-.Ltmp1, $4  }
0x2e5: {  	s1 =	ssub.s32 s13, s0;
	v2 =	vld [tilespmem:s0+$0x12000]  }
0x2e6: {  	v3 =	vmov s1  }
0x2e7: {  	vm0 =	veq.s32 v3, v0  }
0x2e8: {  	v3 =	vsel vm0, $0x3F800000, v1  }
0x2e9: {  	_ = 	snop  }
0x2ea: {  	v2 =	vadd.f32 v2, v3;
	_ =	sdelay $0x1  }
0x2eb: {  	s1 =	sshra.s32 s19, $0x2;
	[tilespmem:s0+$0x12000] =	vst v2  }
0x2ec: {  	v2 =	vld [tilespmem:s1+$0x14880];
	_ =	sdelay $0x4  }
0x2ed: {  	(v2sf) =	vpush v2, $0x0;
	_ =	sdelay $0x7  }
0x2ee: {  	(v2sf) =	vpush v2, $0x1;
	_ =	sdelay $0x6  }
0x2ef: {  	s11 =	spop (v2sf)  }
0x2f0: {  	(v2sf) =	vpush v2, $0x2;
	s12 =	sand.u32 $0xF, s11  }
0x2f1: {  	s2 =	sshra.s32 s11, $0x1F;
	p0 =	slt.s32 s11, $0x1;
	p1 =	sne.s32 s12, $0x0  }
0x2f2: {  	s13 =	sshrl.u32 s2, $0x1C;
	p0 =	por !p0, !p1  }
0x2f3: {  	s2 =	simm.s32 $0x1;
	s1 =	sadd.s32 s13, s11;
	p0 =	por !p0, !p0  }
0x2f4: {  	s1 =	sshrl.u32 s1, $0x4;
	s2 =	simm.s32 @!p0 $0x0  }
0x2f5: {  	s1 =	ssub.s32 s1, s2  }
0x2f6: {  	s1 =	sshll.u32 s1, $0x4  }
0x2f7: {  	s14 =	spop (v2sf);
	v3 =	vld [tilespmem:s1+$0x12000]  }
0x2f8: {  	(v2sf) =	vpush v2, $0x3;
	s3 =	sand.u32 $0xF, s14;
	s0 =	ssub.s32 s11, s1  }
0x2f9: {  	s15 =	sshra.s32 s14, $0x1F;
	p4 =	slt.s32 s14, $0x1;
	p3 =	sne.s32 s3, $0x0;
	v4 =	vmov s0  }
0x2fa: {  	s16 =	sshrl.u32 s15, $0x1C;
	p0 =	por !p4, !p3;
	vm0 =	veq.s32 v4, v0  }
0x2fb: {  	s3 =	simm.s32 $0x1;
	p0 =	por !p0, !p0;
	s0 =	sadd.s32 s16, s14;
	v4 =	vsel vm0, $0x3F800000, v1  }
0x2fc: {  	s3 =	simm.s32 @!p0 $0x0;
	s0 =	sshrl.u32 s0, $0x4;
	v3 =	vadd.f32 v4, v3  }
0x2fd: {  	s0 =	ssub.s32 s0, s3  }
0x2fe: {  	s0 =	sshll.u32 s0, $0x4;
	[tilespmem:s1+$0x12000] =	vst v3  }
0x2ff: {  	s17 =	spop (v2sf);
	v3 =	vld [tilespmem:s0+$0x12000]  }
0x300: {  	s2 =	ssub.s32 s14, s0;
	(v2sf) =	vpush v2, $0x4;
	s19 =	sand.u32 $0xF, s17  }
0x301: {  	v4 =	vmov s2;
	s4 =	sshra.s32 s17, $0x1F;
	p5 =	slt.s32 s17, $0x1;
	p6 =	sne.s32 s19, $0x0  }
0x302: {  	vm9 =	veq.s32 v4, v0;
	s21 =	sshrl.u32 s4, $0x1C;
	p0 =	por !p5, !p6  }
0x303: {  	s3 =	simm.s32 $0x1;
	v4 =	vsel vm9, $0x3F800000, v1;
	s2 =	sadd.s32 s21, s17;
	p0 =	por !p0, !p0  }
0x304: {  	s2 =	sshrl.u32 s2, $0x4;
	s3 =	simm.s32 @!p0 $0x0;
	v3 =	vadd.f32 v4, v3  }
0x305: {  	s2 =	ssub.s32 s2, s3  }
0x306: {  	s23 =	sshll.u32 s2, $0x4;
	[tilespmem:s0+$0x12000] =	vst v3  }
0x307: {  	s25 =	spop (v2sf);
	v3 =	vld [tilespmem:s23+$0x12000]  }
0x308: {  	(v2sf) =	vpush v2, $0x5;
	s26 =	sand.u32 $0xF, s25;
	s1 =	ssub.s32 s17, s23  }
0x309: {  	p1 =	slt.s32 s25, $0x1;
	s29 =	sshra.s32 s25, $0x1F;
	p2 =	sne.s32 s26, $0x0;
	v4 =	vmov s1  }
0x30a: {  	s30 =	sshrl.u32 s29, $0x1C;
	p0 =	por !p1, !p2;
	vm10 =	veq.s32 v4, v0  }
0x30b: {  	p0 =	por !p0, !p0;
	s3 =	simm.s32 $0x1;
	s1 =	sadd.s32 s30, s25;
	v4 =	vsel vm10, $0x3F800000, v1  }
0x30c: {  	s3 =	simm.s32 @!p0 $0x0;
	s1 =	sshrl.u32 s1, $0x4;
	v3 =	vadd.f32 v4, v3  }
0x30d: {  	s1 =	ssub.s32 s1, s3  }
0x30e: {  	s1 =	sshll.u32 s1, $0x4;
	[tilespmem:s23+$0x12000] =	vst v3  }
0x30f: {  	s6 =	spop (v2sf);
	v3 =	vld [tilespmem:s1+$0x12000]  }
0x310: {  	s2 =	ssub.s32 s25, s1;
	(v2sf) =	vpush v2, $0x6;
	s7 =	sand.u32 $0xF, s6  }
0x311: {  	v4 =	vmov s2;
	s9 =	sshra.s32 s6, $0x1F;
	p3 =	slt.s32 s6, $0x1;
	p4 =	sne.s32 s7, $0x0  }
0x312: {  	vm11 =	veq.s32 v4, v0;
	s10 =	sshrl.u32 s9, $0x1C;
	p0 =	por !p3, !p4  }
0x313: {  	s3 =	simm.s32 $0x1;
	v4 =	vsel vm11, $0x3F800000, v1;
	s2 =	sadd.s32 s10, s6;
	p0 =	por !p0, !p0  }
0x314: {  	s2 =	sshrl.u32 s2, $0x4;
	s3 =	simm.s32 @!p0 $0x0;
	v3 =	vadd.f32 v4, v3  }
0x315: {  	s2 =	ssub.s32 s2, s3  }
0x316: {  	s11 =	sshll.u32 s2, $0x4;
	[tilespmem:s1+$0x12000] =	vst v3  }
0x317: {  	s12 =	spop (v2sf);
	v3 =	vld [tilespmem:s11+$0x12000]  }
0x318: {  	(v2sf) =	vpush v2, $0x7;
	s13 =	sand.u32 $0xF, s12;
	s1 =	ssub.s32 s6, s11  }
0x319: {  	p5 =	slt.s32 s12, $0x1;
	s14 =	sshra.s32 s12, $0x1F;
	p6 =	sne.s32 s13, $0x0;
	v4 =	vmov s1  }
0x31a: {  	s15 =	sshrl.u32 s14, $0x1C;
	p0 =	por !p5, !p6;
	vm12 =	veq.s32 v4, v0  }
0x31b: {  	p0 =	por !p0, !p0;
	s3 =	simm.s32 $0x1;
	s1 =	sadd.s32 s15, s12;
	v4 =	vsel vm12, $0x3F800000, v1  }
0x31c: {  	s3 =	simm.s32 @!p0 $0x0;
	s1 =	sshrl.u32 s1, $0x4;
	v3 =	vadd.f32 v4, v3  }
0x31d: {  	s1 =	ssub.s32 s1, s3  }
0x31e: {  	s16 =	sshll.u32 s1, $0x4;
	[tilespmem:s11+$0x12000] =	vst v3  }
0x31f: {  	s17 =	spop (v2sf);
	v3 =	vld [tilespmem:s16+$0x12000]  }
0x320: {  	s2 =	ssub.s32 s12, s16;
	(v2sf) =	vpush v2, $0x8;
	s19 =	sand.u32 $0xF, s17  }
0x321: {  	v4 =	vmov s2;
	s21 =	sshra.s32 s17, $0x1F;
	p2 =	slt.s32 s17, $0x1;
	p1 =	sne.s32 s19, $0x0  }
0x322: {  	vm13 =	veq.s32 v4, v0;
	s23 =	sshrl.u32 s21, $0x1C;
	p0 =	por !p2, !p1  }
0x323: {  	s3 =	simm.s32 $0x1;
	v4 =	vsel vm13, $0x3F800000, v1;
	s2 =	sadd.s32 s23, s17;
	p0 =	por !p0, !p0  }
0x324: {  	s2 =	sshrl.u32 s2, $0x4;
	s3 =	simm.s32 @!p0 $0x0;
	v3 =	vadd.f32 v4, v3  }
0x325: {  	s2 =	ssub.s32 s2, s3  }
0x326: {  	s25 =	sshll.u32 s2, $0x4;
	[tilespmem:s16+$0x12000] =	vst v3  }
0x327: {  	s26 =	spop (v2sf);
	v3 =	vld [tilespmem:s25+$0x12000]  }
0x328: {  	(v2sf) =	vpush v2, $0x9;
	s29 =	sand.u32 $0xF, s26;
	s1 =	ssub.s32 s17, s25  }
0x329: {  	s30 =	sshra.s32 s26, $0x1F;
	p3 =	slt.s32 s26, $0x1;
	p4 =	sne.s32 s29, $0x0;
	v4 =	vmov s1  }
0x32a: {  	p0 =	por !p3, !p4;
	s3 =	sshrl.u32 s30, $0x1C;
	vm14 =	veq.s32 v4, v0  }
0x32b: {  	p0 =	por !p0, !p0;
	s1 =	sadd.s32 s3, s26;
	s3 =	simm.s32 $0x1;
	v4 =	vsel vm14, $0x3F800000, v1  }
0x32c: {  	s1 =	sshrl.u32 s1, $0x4;
	s3 =	simm.s32 @!p0 $0x0;
	v3 =	vadd.f32 v3, v4  }
0x32d: {  	s1 =	ssub.s32 s1, s3  }
0x32e: {  	s4 =	sshll.u32 s1, $0x4;
	[tilespmem:s25+$0x12000] =	vst v3  }
0x32f: {  	s6 =	spop (v2sf);
	v3 =	vld [tilespmem:s4+$0x12000]  }
0x330: {  	s2 =	ssub.s32 s26, s4;
	(v2sf) =	vpush v2, $0xA;
	s7 =	sand.u32 $0xF, s6  }
0x331: {  	p5 =	slt.s32 s6, $0x1;
	s9 =	sshra.s32 s6, $0x1F;
	v4 =	vmov s2;
	p6 =	sne.s32 s7, $0x0  }
0x332: {  	s10 =	sshrl.u32 s9, $0x1C;
	vm15 =	veq.s32 v4, v0;
	p0 =	por !p5, !p6  }
0x333: {  	s3 =	simm.s32 $0x1;
	s2 =	sadd.s32 s10, s6;
	v4 =	vsel vm15, $0x3F800000, v1;
	p0 =	por !p0, !p0  }
0x334: {  	s2 =	sshrl.u32 s2, $0x4;
	s3 =	simm.s32 @!p0 $0x0;
	v3 =	vadd.f32 v3, v4  }
0x335: {  	s2 =	ssub.s32 s2, s3  }
0x336: {  	s11 =	sshll.u32 s2, $0x4;
	[tilespmem:s4+$0x12000] =	vst v3  }
0x337: {  	s12 =	spop (v2sf);
	v3 =	vld [tilespmem:s11+$0x12000]  }
0x338: {  	(v2sf) =	vpush v2, $0xB;
	s13 =	sand.u32 $0xF, s12;
	s1 =	ssub.s32 s6, s11  }
0x339: {  	s14 =	sshra.s32 s12, $0x1F;
	p2 =	slt.s32 s12, $0x1;
	p1 =	sne.s32 s13, $0x0;
	v4 =	vmov s1  }
0x33a: {  	s15 =	sshrl.u32 s14, $0x1C;
	p0 =	por !p2, !p1;
	vm4 =	veq.s32 v4, v0  }
0x33b: {  	p0 =	por !p0, !p0;
	s3 =	simm.s32 $0x1;
	s1 =	sadd.s32 s15, s12;
	v4 =	vsel vm4, $0x3F800000, v1  }
0x33c: {  	s3 =	simm.s32 @!p0 $0x0;
	s1 =	sshrl.u32 s1, $0x4;
	v3 =	vadd.f32 v3, v4  }
0x33d: {  	s1 =	ssub.s32 s1, s3  }
0x33e: {  	s16 =	sshll.u32 s1, $0x4;
	[tilespmem:s11+$0x12000] =	vst v3  }
0x33f: {  	s17 =	spop (v2sf);
	v3 =	vld [tilespmem:s16+$0x12000]  }
0x340: {  	s2 =	ssub.s32 s12, s16;
	(v2sf) =	vpush v2, $0xC;
	s19 =	sand.u32 $0xF, s17  }
0x341: {  	s21 =	sshra.s32 s17, $0x1F;
	p3 =	slt.s32 s17, $0x1;
	p4 =	sne.s32 s19, $0x0;
	v4 =	vmov s2  }
0x342: {  	s23 =	sshrl.u32 s21, $0x1C;
	p0 =	por !p3, !p4;
	vm5 =	veq.s32 v4, v0  }
0x343: {  	s3 =	simm.s32 $0x1;
	s2 =	sadd.s32 s23, s17;
	p0 =	por !p0, !p0;
	v4 =	vsel vm5, $0x3F800000, v1  }
0x344: {  	s2 =	sshrl.u32 s2, $0x4;
	s3 =	simm.s32 @!p0 $0x0;
	v3 =	vadd.f32 v3, v4  }
0x345: {  	s2 =	ssub.s32 s2, s3  }
0x346: {  	s25 =	sshll.u32 s2, $0x4;
	[tilespmem:s16+$0x12000] =	vst v3  }
0x347: {  	s26 =	spop (v2sf);
	v3 =	vld [tilespmem:s25+$0x12000]  }
0x348: {  	(v2sf) =	vpush v2, $0xD;
	s29 =	sand.u32 $0xF, s26;
	s1 =	ssub.s32 s17, s25  }
0x349: {  	s30 =	sshra.s32 s26, $0x1F;
	p5 =	slt.s32 s26, $0x1;
	p6 =	sne.s32 s29, $0x0;
	v4 =	vmov s1  }
0x34a: {  	s6 =	sshrl.u32 s30, $0x1C;
	p0 =	por !p5, !p6;
	vm6 =	veq.s32 v4, v0  }
0x34b: {  	p0 =	por !p0, !p0;
	s3 =	simm.s32 $0x1;
	s1 =	sadd.s32 s6, s26;
	v4 =	vsel vm6, $0x3F800000, v1  }
0x34c: {  	s3 =	simm.s32 @!p0 $0x0;
	s1 =	sshrl.u32 s1, $0x4;
	v3 =	vadd.f32 v3, v4  }
0x34d: {  	s1 =	ssub.s32 s1, s3  }
0x34e: {  	s7 =	sshll.u32 s1, $0x4;
	[tilespmem:s25+$0x12000] =	vst v3  }
0x34f: {  	s9 =	spop (v2sf);
	v3 =	vld [tilespmem:s7+$0x12000]  }
0x350: {  	s2 =	ssub.s32 s26, s7;
	(v2sf) =	vpush v2, $0xE;
	s10 =	sand.u32 $0xF, s9  }
0x351: {  	p1 =	slt.s32 s9, $0x1;
	s11 =	sshra.s32 s9, $0x1F;
	p2 =	sne.s32 s10, $0x0;
	v4 =	vmov s2  }
0x352: {  	s12 =	sshrl.u32 s11, $0x1C;
	p0 =	por !p1, !p2;
	vm7 =	veq.s32 v4, v0  }
0x353: {  	s3 =	simm.s32 $0x1;
	s2 =	sadd.s32 s12, s9;
	p0 =	por !p0, !p0;
	v4 =	vsel vm7, $0x3F800000, v1  }
0x354: {  	s2 =	sshrl.u32 s2, $0x4;
	s3 =	simm.s32 @!p0 $0x0;
	v3 =	vadd.f32 v3, v4  }
0x355: {  	s2 =	ssub.s32 s2, s3  }
0x356: {  	s13 =	sshll.u32 s2, $0x4;
	[tilespmem:s7+$0x12000] =	vst v3  }
0x357: {  	s14 =	spop (v2sf);
	v3 =	vld [tilespmem:s13+$0x12000]  }
0x358: {  	(v2sf) =	vpush v2, $0xF;
	s15 =	sand.u32 $0xF, s14;
	s1 =	ssub.s32 s9, s13  }
0x359: {  	s16 =	sshra.s32 s14, $0x1F;
	p3 =	slt.s32 s14, $0x1;
	p4 =	sne.s32 s15, $0x0;
	v2 =	vmov s1  }
0x35a: {  	s17 =	sshrl.u32 s16, $0x1C;
	p0 =	por !p3, !p4;
	vm8 =	veq.s32 v2, v0  }
0x35b: {  	p0 =	por !p0, !p0;
	s3 =	simm.s32 $0x1;
	s1 =	sadd.s32 s17, s14;
	v2 =	vsel vm8, $0x3F800000, v1  }
0x35c: {  	s3 =	simm.s32 @!p0 $0x0;
	s1 =	sshrl.u32 s1, $0x4;
	v2 =	vadd.f32 v3, v2  }
0x35d: {  	s1 =	ssub.s32 s1, s3  }
0x35e: {  	s19 =	sshll.u32 s1, $0x4;
	[tilespmem:s13+$0x12000] =	vst v2  }
0x35f: {  	s21 =	spop (v2sf);
	v2 =	vld [tilespmem:s19+$0x12000]  }
0x360: {  	s2 =	ssub.s32 s14, s19;
	s23 =	sand.u32 $0xF, s21  }
0x361: {  	s25 =	sshra.s32 s21, $0x1F;
	p6 =	slt.s32 s21, $0x1;
	p5 =	sne.s32 s23, $0x0;
	v3 =	vmov s2  }
0x362: {  	s26 =	sshrl.u32 s25, $0x1C;
	p0 =	por !p6, !p5;
	vm9 =	veq.s32 v3, v0  }
0x363: {  	s3 =	simm.s32 $0x1;
	s2 =	sadd.s32 s26, s21;
	p0 =	por !p0, !p0;
	v3 =	vsel vm9, $0x3F800000, v1  }
0x364: {  	s2 =	sshrl.u32 s2, $0x4;
	s3 =	simm.s32 @!p0 $0x0;
	v2 =	vadd.f32 v2, v3  }
0x365: {  	s2 =	ssub.s32 s2, s3  }
0x366: {  	s29 =	sshll.u32 s2, $0x4;
	[tilespmem:s19+$0x12000] =	vst v2  }
0x367: {  	s30 =	spop (v2sf);
	v2 =	vld [tilespmem:s29+$0x12000]  }
0x368: {  	s6 =	sand.u32 $0xF, s30;
	s1 =	ssub.s32 s21, s29  }
0x369: {  	p2 =	slt.s32 s30, $0x1;
	s7 =	sshra.s32 s30, $0x1F;
	p3 =	sne.s32 s6, $0x0;
	v3 =	vmov s1  }
0x36a: {  	s9 =	sshrl.u32 s7, $0x1C;
	p0 =	por !p2, !p3;
	vm10 =	veq.s32 v3, v0  }
0x36b: {  	p0 =	por !p0, !p0;
	s3 =	simm.s32 $0x1;
	s1 =	sadd.s32 s9, s30;
	v3 =	vsel vm10, $0x3F800000, v1  }
0x36c: {  	s3 =	simm.s32 @!p0 $0x0;
	s1 =	sshrl.u32 s1, $0x4;
	v2 =	vadd.f32 v2, v3  }
0x36d: {  	s1 =	ssub.s32 s1, s3  }
0x36e: {  	s10 =	sshll.u32 s1, $0x4;
	[tilespmem:s29+$0x12000] =	vst v2  }
0x36f: {  	v2 =	vld [tilespmem:s10+$0x12000]  }
0x370: {  	s1 =	ssub.s32 s30, s10  }
0x371: {  	v3 =	vmov s1  }
0x372: {  	vm11 =	veq.s32 v3, v0  }
0x373: {  	v3 =	vsel vm11, $0x3F800000, v1  }
0x374: {  	v2 =	vadd.f32 v2, v3;
	_ =	sdelay $0x1  }
0x375: {  	s11 =	simm.s32 $0x3;
	[tilespmem:s10+$0x12000] =	vst v2  }
0x376: {  	s12 =	sadd.s32 $0x5100, s24;
	_ =	swait.ge [sflag:s11], $0x4000  }
0x377: {  	s15 =	sadd.s32 $0x5180, s24;
	s16 =	sshllo.u32 s22, $0x1;
	[sflag:s11] =	ssyncset.done $0x0  }
0x378: {  	s14 =	simm.s32 $0x4;
	s13 =	simm.s32 $0xA000;
	[sflag:s11] =	ssyncadd.s32 $0xFFFFC000  }
0x379: {  	[tilespmem:s13], [sflag:$0x1] =	stream.indirect.gather [hbm4b:s5+s20], $0x80, s12, s20, $0xb8;
	[tilespmem:$0x1EA00] =	vst v63  }
0x37a: {  	s6 =	simm.s32 $0xE000;
	p0 =	sgt.u32 s16, $0x4E;
	_ =	swait.ge [sflag:s14], $0x4000  }
0x37b: {  	s1 =	sadd.s32 @!p0 $0x4, s18;
	[sflag:s14] =	ssyncset.done $0x0;
	s2 =	rddreg [dreg:$0x7]  }
0x37c: {  	[sflag:s14] =	ssyncadd.s32 $0xFFFFC000;
	s2 =	sadd.s32 @!p0 s2, s1;
	s1 =	sshll.u32 @!p0 s1, $0x4  }
0x37d: {  	[tilespmem:s6], [sflag:$0x2] =	stream.indirect.gather [hbm4b:s5+s20], $0x80, s15, s20, $0xb8;
	[tilespmem:$0x1EA00] =	vst v63  }
0x37e: {  	s3 =	rddreg [dreg:$0x4];
	s2 =	sshll.u32 @!p0 s2, $0x4;
	s1 =	sand.u32 @!p0 $0x40, s1  }
0x37f: {  	s17 =	simm.s32 $0x1;
	s2 =	sand.u32 @!p0 $0x3FF80, s2;
	s1 =	sadd.s32 @!p0 s3, s1  }
0x380: {  	s3 =	simm.s32 @!p0 $0x14800;
	s1 =	sadd.s32 @!p0 s2, s1;
	s2 =	simm.s32 @!p0 $0x0  }
0x381: {  	[tilespmem:s3], [sflag:$0x5] =	stream.linear.gather @!p0 [hbm4b:s1+s2], $0x100, $0x38;
	[tilespmem:$0x1EA00] =	vst v63  }
0x382: {  	_ =	swait.ge [sflag:s17], $0x4000  }
0x383: {  	s0 =	sshll.u32 s16, $0x8;
	[sflag:s17] =	ssyncset.done $0x0  }
0x384: {  	s31 =	smov.u32 s8;
	s0 =	sand.u32 $0x3FFFFF00, s0;
	[sflag:s17] =	ssyncadd.s32 $0xFFFFC000  }
0x385: {  	[spmem:s31] =	stream.indirect.scatter.add.f32 [tilespmem:s13], [sflag:$0x3], $0x80, s0, s20, $0xb8;
	[tilespmem:$0x1EA00] =	vst v63  }
0x386: {  	_ =	swait.ge [sflag:s28], $0x4000  }
0x387: {  	[sflag:s28] =	ssyncset.done $0x0  }
0x388: {  	s18 =	simm.s32 $0x6;
	s0 =	sor.u32 $0x80, s0;
	[sflag:s28] =	ssyncadd.s32 $0xFFFFC000  }
0x389: {  	[spmem:s31] =	stream.indirect.scatter.add.f32 [tilespmem:s6], [sflag:$0x4], $0x80, s0, s20, $0xb8;
	[tilespmem:$0x1EA00] =	vst v63  }
0x38a: {  	_ =	swait.ge [sflag:s18], $0x100  }
0x38b: {  	[sflag:s18] =	ssyncset.done $0x0  }
0x38c: {  	s6 =	simm.s32 $0x0;
	[sflag:s18] =	ssyncadd.s32 $0xFFFFFF00  }
0x38d: {  	v2 =	vld [tilespmem:s6+$0x14900];
	_ =	sdelay $0x4  }
0x38e: {  	(v2sf) =	vpush v2, $0x0;
	_ =	sdelay $0x7  }
0x38f: {  	(v2sf) =	vpush v2, $0x1;
	_ =	sdelay $0x6  }
0x390: {  	s19 =	spop (v2sf)  }
0x391: {  	(v2sf) =	vpush v2, $0x2;
	s21 =	sand.u32 $0xF, s19  }
0x392: {  	s23 =	sshra.s32 s19, $0x1F;
	p4 =	slt.s32 s19, $0x1;
	p2 =	sne.s32 s21, $0x0  }
0x393: {  	s25 =	sshrl.u32 s23, $0x1C;
	p1 =	por !p4, !p2  }
0x394: {  	s2 =	simm.s32 $0x1;
	s1 =	sadd.s32 s25, s19;
	p1 =	por !p1, !p1  }
0x395: {  	s1 =	sshrl.u32 s1, $0x4;
	s2 =	simm.s32 @!p1 $0x0  }
0x396: {  	s1 =	ssub.s32 s1, s2  }
0x397: {  	s1 =	sshll.u32 s1, $0x4  }
0x398: {  	s29 =	spop (v2sf);
	v3 =	vld [tilespmem:s1+$0x12000]  }
0x399: {  	(v2sf) =	vpush v2, $0x3;
	s30 =	sand.u32 $0xF, s29;
	s0 =	ssub.s32 s19, s1  }
0x39a: {  	s4 =	sshra.s32 s29, $0x1F;
	p6 =	slt.s32 s29, $0x1;
	p5 =	sne.s32 s30, $0x0;
	v4 =	vmov s0  }
0x39b: {  	s7 =	sshrl.u32 s4, $0x1C;
	p1 =	por !p6, !p5;
	vm12 =	veq.s32 v4, v0  }
0x39c: {  	s3 =	simm.s32 $0x1;
	p1 =	por !p1, !p1;
	s0 =	sadd.s32 s7, s29;
	v4 =	vsel vm12, $0x3F800000, v1  }
0x39d: {  	s3 =	simm.s32 @!p1 $0x0;
	s0 =	sshrl.u32 s0, $0x4;
	v3 =	vadd.f32 v4, v3  }
0x39e: {  	s0 =	ssub.s32 s0, s3  }
0x39f: {  	s0 =	sshll.u32 s0, $0x4;
	[tilespmem:s1+$0x12000] =	vst v3  }
0x3a0: {  	s9 =	spop (v2sf);
	v3 =	vld [tilespmem:s0+$0x12000]  }
0x3a1: {  	s2 =	ssub.s32 s29, s0;
	(v2sf) =	vpush v2, $0x4;
	s10 =	sand.u32 $0xF, s9  }
0x3a2: {  	v4 =	vmov s2;
	s11 =	sshra.s32 s9, $0x1F;
	p3 =	slt.s32 s9, $0x1;
	p4 =	sne.s32 s10, $0x0  }
0x3a3: {  	vm13 =	veq.s32 v4, v0;
	s12 =	sshrl.u32 s11, $0x1C;
	p1 =	por !p3, !p4  }
0x3a4: {  	s3 =	simm.s32 $0x1;
	v4 =	vsel vm13, $0x3F800000, v1;
	s2 =	sadd.s32 s12, s9;
	p1 =	por !p1, !p1  }
0x3a5: {  	s2 =	sshrl.u32 s2, $0x4;
	s3 =	simm.s32 @!p1 $0x0;
	v3 =	vadd.f32 v4, v3  }
0x3a6: {  	s2 =	ssub.s32 s2, s3  }
0x3a7: {  	s13 =	sshll.u32 s2, $0x4;
	[tilespmem:s0+$0x12000] =	vst v3  }
0x3a8: {  	s14 =	spop (v2sf);
	v3 =	vld [tilespmem:s13+$0x12000]  }
0x3a9: {  	(v2sf) =	vpush v2, $0x5;
	s15 =	sand.u32 $0xF, s14;
	s1 =	ssub.s32 s9, s13  }
0x3aa: {  	p5 =	slt.s32 s14, $0x1;
	s16 =	sshra.s32 s14, $0x1F;
	p6 =	sne.s32 s15, $0x0;
	v4 =	vmov s1  }
0x3ab: {  	s17 =	sshrl.u32 s16, $0x1C;
	p1 =	por !p5, !p6;
	vm14 =	veq.s32 v4, v0  }
0x3ac: {  	p1 =	por !p1, !p1;
	s3 =	simm.s32 $0x1;
	s1 =	sadd.s32 s17, s14;
	v4 =	vsel vm14, $0x3F800000, v1  }
0x3ad: {  	s3 =	simm.s32 @!p1 $0x0;
	s1 =	sshrl.u32 s1, $0x4;
	v3 =	vadd.f32 v4, v3  }
0x3ae: {  	s1 =	ssub.s32 s1, s3  }
0x3af: {  	s18 =	sshll.u32 s1, $0x4;
	[tilespmem:s13+$0x12000] =	vst v3  }
0x3b0: {  	s19 =	spop (v2sf);
	v3 =	vld [tilespmem:s18+$0x12000]  }
0x3b1: {  	s2 =	ssub.s32 s14, s18;
	(v2sf) =	vpush v2, $0x6;
	s21 =	sand.u32 $0xF, s19  }
0x3b2: {  	v4 =	vmov s2;
	s23 =	sshra.s32 s19, $0x1F;
	p3 =	slt.s32 s19, $0x1;
	p4 =	sne.s32 s21, $0x0  }
0x3b3: {  	vm15 =	veq.s32 v4, v0;
	s25 =	sshrl.u32 s23, $0x1C;
	p1 =	por !p3, !p4  }
0x3b4: {  	s3 =	simm.s32 $0x1;
	v4 =	vsel vm15, $0x3F800000, v1;
	s2 =	sadd.s32 s25, s19;
	p1 =	por !p1, !p1  }
0x3b5: {  	s2 =	sshrl.u32 s2, $0x4;
	s3 =	simm.s32 @!p1 $0x0;
	v3 =	vadd.f32 v4, v3  }
0x3b6: {  	s2 =	ssub.s32 s2, s3  }
0x3b7: {  	s29 =	sshll.u32 s2, $0x4;
	[tilespmem:s18+$0x12000] =	vst v3  }
0x3b8: {  	s30 =	spop (v2sf);
	v3 =	vld [tilespmem:s29+$0x12000]  }
0x3b9: {  	(v2sf) =	vpush v2, $0x7;
	s7 =	sand.u32 $0xF, s30;
	s1 =	ssub.s32 s19, s29  }
0x3ba: {  	p5 =	slt.s32 s30, $0x1;
	s9 =	sshra.s32 s30, $0x1F;
	p6 =	sne.s32 s7, $0x0;
	v4 =	vmov s1  }
0x3bb: {  	s10 =	sshrl.u32 s9, $0x1C;
	p1 =	por !p5, !p6;
	vm4 =	veq.s32 v4, v0  }
0x3bc: {  	p1 =	por !p1, !p1;
	s3 =	simm.s32 $0x1;
	s1 =	sadd.s32 s10, s30;
	v4 =	vsel vm4, $0x3F800000, v1  }
0x3bd: {  	s3 =	simm.s32 @!p1 $0x0;
	s1 =	sshrl.u32 s1, $0x4;
	v3 =	vadd.f32 v4, v3  }
0x3be: {  	s1 =	ssub.s32 s1, s3  }
0x3bf: {  	s11 =	sshll.u32 s1, $0x4;
	[tilespmem:s29+$0x12000] =	vst v3  }
0x3c0: {  	s12 =	spop (v2sf);
	v3 =	vld [tilespmem:s11+$0x12000]  }
0x3c1: {  	s2 =	ssub.s32 s30, s11;
	(v2sf) =	vpush v2, $0x8;
	s13 =	sand.u32 $0xF, s12  }
0x3c2: {  	v4 =	vmov s2;
	s14 =	sshra.s32 s12, $0x1F;
	p4 =	slt.s32 s12, $0x1;
	p3 =	sne.s32 s13, $0x0  }
0x3c3: {  	vm5 =	veq.s32 v4, v0;
	s15 =	sshrl.u32 s14, $0x1C;
	p1 =	por !p4, !p3  }
0x3c4: {  	s3 =	simm.s32 $0x1;
	v4 =	vsel vm5, $0x3F800000, v1;
	s2 =	sadd.s32 s15, s12;
	p1 =	por !p1, !p1  }
0x3c5: {  	s2 =	sshrl.u32 s2, $0x4;
	s3 =	simm.s32 @!p1 $0x0;
	v3 =	vadd.f32 v4, v3  }
0x3c6: {  	s2 =	ssub.s32 s2, s3  }
0x3c7: {  	s16 =	sshll.u32 s2, $0x4;
	[tilespmem:s11+$0x12000] =	vst v3  }
0x3c8: {  	s17 =	spop (v2sf);
	v3 =	vld [tilespmem:s16+$0x12000]  }
0x3c9: {  	(v2sf) =	vpush v2, $0x9;
	s18 =	sand.u32 $0xF, s17;
	s1 =	ssub.s32 s12, s16  }
0x3ca: {  	s19 =	sshra.s32 s17, $0x1F;
	p5 =	slt.s32 s17, $0x1;
	p6 =	sne.s32 s18, $0x0;
	v4 =	vmov s1  }
0x3cb: {  	s21 =	sshrl.u32 s19, $0x1C;
	p1 =	por !p5, !p6;
	vm6 =	veq.s32 v4, v0  }
0x3cc: {  	p1 =	por !p1, !p1;
	s3 =	simm.s32 $0x1;
	s1 =	sadd.s32 s21, s17;
	v4 =	vsel vm6, $0x3F800000, v1  }
0x3cd: {  	s3 =	simm.s32 @!p1 $0x0;
	s1 =	sshrl.u32 s1, $0x4;
	v3 =	vadd.f32 v3, v4  }
0x3ce: {  	s1 =	ssub.s32 s1, s3  }
0x3cf: {  	s23 =	sshll.u32 s1, $0x4;
	[tilespmem:s16+$0x12000] =	vst v3  }
0x3d0: {  	s25 =	spop (v2sf);
	v3 =	vld [tilespmem:s23+$0x12000]  }
0x3d1: {  	s2 =	ssub.s32 s17, s23;
	(v2sf) =	vpush v2, $0xA;
	s29 =	sand.u32 $0xF, s25  }
0x3d2: {  	p3 =	slt.s32 s25, $0x1;
	s30 =	sshra.s32 s25, $0x1F;
	v4 =	vmov s2;
	p4 =	sne.s32 s29, $0x0  }
0x3d3: {  	s4 =	sshrl.u32 s30, $0x1C;
	vm7 =	veq.s32 v4, v0;
	p1 =	por !p3, !p4  }
0x3d4: {  	s3 =	simm.s32 $0x1;
	s2 =	sadd.s32 s4, s25;
	v4 =	vsel vm7, $0x3F800000, v1;
	p1 =	por !p1, !p1  }
0x3d5: {  	s2 =	sshrl.u32 s2, $0x4;
	s3 =	simm.s32 @!p1 $0x0;
	v3 =	vadd.f32 v3, v4  }
0x3d6: {  	s2 =	ssub.s32 s2, s3  }
0x3d7: {  	s7 =	sshll.u32 s2, $0x4;
	[tilespmem:s23+$0x12000] =	vst v3  }
0x3d8: {  	s9 =	spop (v2sf);
	v3 =	vld [tilespmem:s7+$0x12000]  }
0x3d9: {  	(v2sf) =	vpush v2, $0xB;
	s10 =	sand.u32 $0xF, s9;
	s1 =	ssub.s32 s25, s7  }
0x3da: {  	s11 =	sshra.s32 s9, $0x1F;
	p6 =	slt.s32 s9, $0x1;
	p5 =	sne.s32 s10, $0x0;
	v4 =	vmov s1  }
0x3db: {  	s12 =	sshrl.u32 s11, $0x1C;
	p1 =	por !p6, !p5;
	vm8 =	veq.s32 v4, v0  }
0x3dc: {  	p1 =	por !p1, !p1;
	s3 =	simm.s32 $0x1;
	s1 =	sadd.s32 s12, s9;
	v4 =	vsel vm8, $0x3F800000, v1  }
0x3dd: {  	s3 =	simm.s32 @!p1 $0x0;
	s1 =	sshrl.u32 s1, $0x4;
	v3 =	vadd.f32 v3, v4  }
0x3de: {  	s1 =	ssub.s32 s1, s3  }
0x3df: {  	s13 =	sshll.u32 s1, $0x4;
	[tilespmem:s7+$0x12000] =	vst v3  }
0x3e0: {  	s14 =	spop (v2sf);
	v3 =	vld [tilespmem:s13+$0x12000]  }
0x3e1: {  	s2 =	ssub.s32 s9, s13;
	(v2sf) =	vpush v2, $0xC;
	s15 =	sand.u32 $0xF, s14  }
0x3e2: {  	s16 =	sshra.s32 s14, $0x1F;
	p3 =	slt.s32 s14, $0x1;
	p4 =	sne.s32 s15, $0x0;
	v4 =	vmov s2  }
0x3e3: {  	s17 =	sshrl.u32 s16, $0x1C;
	p1 =	por !p3, !p4;
	vm9 =	veq.s32 v4, v0  }
0x3e4: {  	s3 =	simm.s32 $0x1;
	s2 =	sadd.s32 s17, s14;
	p1 =	por !p1, !p1;
	v4 =	vsel vm9, $0x3F800000, v1  }
0x3e5: {  	s2 =	sshrl.u32 s2, $0x4;
	s3 =	simm.s32 @!p1 $0x0;
	v3 =	vadd.f32 v3, v4  }
0x3e6: {  	s2 =	ssub.s32 s2, s3  }
0x3e7: {  	s18 =	sshll.u32 s2, $0x4;
	[tilespmem:s13+$0x12000] =	vst v3  }
0x3e8: {  	s19 =	spop (v2sf);
	v3 =	vld [tilespmem:s18+$0x12000]  }
0x3e9: {  	(v2sf) =	vpush v2, $0xD;
	s21 =	sand.u32 $0xF, s19;
	s1 =	ssub.s32 s14, s18  }
0x3ea: {  	s23 =	sshra.s32 s19, $0x1F;
	p5 =	slt.s32 s19, $0x1;
	p6 =	sne.s32 s21, $0x0;
	v4 =	vmov s1  }
0x3eb: {  	s25 =	sshrl.u32 s23, $0x1C;
	p1 =	por !p5, !p6;
	vm10 =	veq.s32 v4, v0  }
0x3ec: {  	p1 =	por !p1, !p1;
	s3 =	simm.s32 $0x1;
	s1 =	sadd.s32 s25, s19;
	v4 =	vsel vm10, $0x3F800000, v1  }
0x3ed: {  	s3 =	simm.s32 @!p1 $0x0;
	s1 =	sshrl.u32 s1, $0x4;
	v3 =	vadd.f32 v3, v4  }
0x3ee: {  	s1 =	ssub.s32 s1, s3  }
0x3ef: {  	s29 =	sshll.u32 s1, $0x4;
	[tilespmem:s18+$0x12000] =	vst v3  }
0x3f0: {  	s30 =	spop (v2sf);
	v3 =	vld [tilespmem:s29+$0x12000]  }
0x3f1: {  	(v2sf) =	vpush v2, $0xE;
	s2 =	ssub.s32 s19, s29;
	s7 =	sand.u32 $0xF, s30  }
0x3f2: {  	p3 =	slt.s32 s30, $0x1;
	s9 =	sshra.s32 s30, $0x1F;
	p4 =	sne.s32 s7, $0x0;
	v4 =	vmov s2  }
0x3f3: {  	s10 =	sshrl.u32 s9, $0x1C;
	p1 =	por !p3, !p4;
	vm11 =	veq.s32 v4, v0  }
0x3f4: {  	s3 =	simm.s32 $0x1;
	s2 =	sadd.s32 s10, s30;
	p1 =	por !p1, !p1;
	v4 =	vsel vm11, $0x3F800000, v1  }
0x3f5: {  	(v2sf) =	vpush v2, $0xF;
	s2 =	sshrl.u32 s2, $0x4;
	s3 =	simm.s32 @!p1 $0x0;
	v2 =	vadd.f32 v3, v4  }
0x3f6: {  	s2 =	ssub.s32 s2, s3  }
0x3f7: {  	s11 =	sshll.u32 s2, $0x4;
	[tilespmem:s29+$0x12000] =	vst v2  }
0x3f8: {  	s12 =	spop (v2sf);
	v2 =	vld [tilespmem:s11+$0x12000]  }
0x3f9: {  	s13 =	sand.u32 $0xF, s12;
	s1 =	ssub.s32 s30, s11  }
0x3fa: {  	s14 =	sshra.s32 s12, $0x1F;
	p5 =	slt.s32 s12, $0x1;
	p6 =	sne.s32 s13, $0x0;
	v3 =	vmov s1  }
0x3fb: {  	s15 =	sshrl.u32 s14, $0x1C;
	p1 =	por !p5, !p6;
	vm12 =	veq.s32 v3, v0  }
0x3fc: {  	p1 =	por !p1, !p1;
	s3 =	simm.s32 $0x1;
	s1 =	sadd.s32 s15, s12;
	v3 =	vsel vm12, $0x3F800000, v1  }
0x3fd: {  	s3 =	simm.s32 @!p1 $0x0;
	s1 =	sshrl.u32 s1, $0x4;
	v2 =	vadd.f32 v2, v3  }
0x3fe: {  	s1 =	ssub.s32 s1, s3  }
0x3ff: {  	s16 =	sshll.u32 s1, $0x4;
	[tilespmem:s11+$0x12000] =	vst v2  }
0x400: {  	s17 =	spop (v2sf);
	v2 =	vld [tilespmem:s16+$0x12000]  }
0x401: {  	s19 =	sand.u32 $0xF, s17;
	s2 =	ssub.s32 s12, s16  }
0x402: {  	p4 =	slt.s32 s17, $0x1;
	p3 =	sne.s32 s19, $0x0;
	s18 =	sshra.s32 s17, $0x1F;
	v3 =	vmov s2  }
0x403: {  	p1 =	por !p4, !p3;
	s3 =	sshrl.u32 s18, $0x1C;
	vm13 =	veq.s32 v3, v0  }
0x404: {  	s4 =	simm.s32 $0x1;
	p1 =	por !p1, !p1;
	s21 =	sadd.s32 s3, s17;
	v3 =	vsel vm13, $0x3F800000, v1  }
0x405: {  	s4 =	simm.s32 @!p1 $0x0;
	s2 =	sshrl.u32 s21, $0x4;
	v2 =	vadd.f32 v2, v3  }
0x406: {  	s2 =	ssub.s32 s2, s4  }
0x407: {  	s23 =	spop (v2sf);
	s2 =	sshll.u32 s2, $0x4;
	[tilespmem:s16+$0x12000] =	vst v2  }
0x408: {  	s7 =	sand.u32 $0xF, s23;
	s25 =	sshra.s32 s23, $0x1F;
	v2 =	vld [tilespmem:s2+$0x12000]  }
0x409: {  	p6 =	slt.s32 s23, $0x1;
	p5 =	sne.s32 s7, $0x0;
	s1 =	ssub.s32 s17, s2  }
0x40a: {  	p1 =	por !p6, !p5;
	s4 =	sshrl.u32 s25, $0x1C;
	v3 =	vmov s1  }
0x40b: {  	p1 =	por !p1, !p1;
	s29 =	sadd.s32 s4, s23;
	s4 =	simm.s32 $0x1;
	vm14 =	veq.s32 v3, v0  }
0x40c: {  	s0 =	sshrl.u32 s29, $0x4;
	s4 =	simm.s32 @!p1 $0x0;
	v3 =	vsel vm14, $0x3F800000, v1  }
0x40d: {  	s0 =	ssub.s32 s0, s4;
	v2 =	vadd.f32 v2, v3  }
0x40e: {  	s0 =	sshll.u32 s0, $0x4  }
0x40f: {  	s30 =	ssub.s32 s23, s0;
	[tilespmem:s2+$0x12000] =	vst v2  }
0x410: {  	v3 =	vmov s30;
	v2 =	vld [tilespmem:s0+$0x12000]  }
0x411: {  	s8 =	simm.s32 $0xA000;
	s26 =	simm.s32 $0xE000;
	vm15 =	veq.s32 v3, v0  }
0x412: {  	s10 =	simm.s32 $0x40;
	s18 =	simm.s32 $0x40;
	s7 =	simm.s32 $0x80;
	v3 =	vsel vm15, $0x3F800000, v1  }
.LBB2_7:
0x413: {  	p1 =	sne.s32 s7, $0x1C0  }
0x414: {  	s1 =	sshra.s32 s10, $0x2;
	s10 =	smov.u32 s7;
	s7 =	sadd.s32 $0x40, s7  }
0x415: {  	v2 =	vadd.f32 v2, v3;
	_ =	sdelay $0x1  }
0x416: {  	[tilespmem:s0+$0x12000] =	vst v2  }
0x417: {  	v2 =	vld [tilespmem:s1+$0x14900];
	_ =	sdelay $0x4  }
0x418: {  	(v2sf) =	vpush v2, $0x0;
	_ =	sdelay $0x1  }
0x419: {  	(v2sf) =	vpush v2, $0x1;
	_ =	sdelay $0x6  }
0x41a: {  	(v2sf) =	vpush v2, $0x2  }
0x41b: {  	(v2sf) =	vpush v2, $0x3;
	_ =	sdelay $0x4  }
0x41c: {  	s1 =	spop (v2sf)  }
0x41d: {  	s0 =	sshra.s32 s1, $0x1F;
	p2 =	slt.s32 s1, $0x1;
	s2 =	sand.u32 $0xF, s1  }
0x41e: {  	s3 =	sshrl.u32 s0, $0x1C;
	p3 =	sne.s32 s2, $0x0;
	s0 =	spop (v2sf)  }
0x41f: {  	(v2sf) =	vpush v2, $0x4;
	s2 =	sadd.s32 s3, s1;
	p2 =	por !p2, !p3;
	s3 =	sand.u32 $0xF, s0  }
0x420: {  	p2 =	por !p2, !p2;
	p3 =	sne.s32 s3, $0x0;
	s3 =	simm.s32 $0x1  }
0x421: {  	s2 =	sshrl.u32 s2, $0x4;
	s3 =	simm.s32 @!p2 $0x0  }
0x422: {  	s4 =	sshra.s32 s0, $0x1F;
	p2 =	slt.s32 s0, $0x1;
	s2 =	ssub.s32 s2, s3  }
0x423: {  	s3 =	sshrl.u32 s4, $0x1C;
	p2 =	por !p2, !p3;
	(v2sf) =	vpush v2, $0x5;
	s4 =	simm.s32 $0x1  }
0x424: {  	s2 =	sshll.u32 s2, $0x4;
	s3 =	sadd.s32 s3, s0;
	p2 =	por !p2, !p2  }
0x425: {  	s1 =	ssub.s32 s1, s2;
	v3 =	vld [tilespmem:s2+$0x12000];
	s3 =	sshrl.u32 s3, $0x4;
	s4 =	simm.s32 @!p2 $0x0  }
0x426: {  	s9 =	spop (v2sf)  }
0x427: {  	v4 =	vmov s1;
	s1 =	ssub.s32 s3, s4;
	s4 =	sshra.s32 s9, $0x1F  }
0x428: {  	vm0 =	veq.s32 v4, v0;
	s11 =	sand.u32 $0xF, s9;
	s3 =	spop (v2sf);
	(v2sf) =	vpush v2, $0x6;
	p2 =	slt.s32 s9, $0x1  }
0x429: {  	p3 =	sne.s32 s11, $0x0;
	s11 =	sand.u32 $0xF, s3;
	s4 =	sshrl.u32 s4, $0x1C  }
0x42a: {  	v4 =	vsel vm0, $0x3F800000, v1;
	s12 =	sshra.s32 s3, $0x1F;
	p2 =	por !p2, !p3;
	p3 =	slt.s32 s3, $0x1  }
0x42b: {  	p4 =	sne.s32 s11, $0x0;
	s11 =	simm.s32 $0x1;
	v3 =	vadd.f32 v4, v3;
	p2 =	por !p2, !p2  }
0x42c: {  	s4 =	sadd.s32 s4, s9;
	s11 =	simm.s32 @!p2 $0x0;
	p2 =	por !p3, !p4;
	(v2sf) =	vpush v2, $0x7  }
0x42d: {  	[tilespmem:s2+$0x12000] =	vst v3;
	s2 =	sshll.u32 s1, $0x4;
	s1 =	sshrl.u32 s4, $0x4  }
0x42e: {  	p2 =	por !p2, !p2;
	s4 =	ssub.s32 s1, s11;
	s1 =	simm.s32 $0x1  }
0x42f: {  	s0 =	ssub.s32 s0, s2;
	v3 =	vld [tilespmem:s2+$0x12000];
	s11 =	sshrl.u32 s12, $0x1C;
	s1 =	simm.s32 @!p2 $0x0  }
0x430: {  	v4 =	vmov s0;
	s11 =	sadd.s32 s11, s3;
	s0 =	spop (v2sf)  }
0x431: {  	vm0 =	veq.s32 v4, v0;
	s11 =	sshrl.u32 s11, $0x4;
	s12 =	sshra.s32 s0, $0x1F;
	s13 =	sand.u32 $0xF, s0  }
0x432: {  	p2 =	slt.s32 s0, $0x1;
	p3 =	sne.s32 s13, $0x0;
	(v2sf) =	vpush v2, $0x8;
	s13 =	ssub.s32 s11, s1  }
0x433: {  	v4 =	vsel vm0, $0x3F800000, v1;
	s1 =	sshrl.u32 s12, $0x1C;
	s12 =	simm.s32 $0x1;
	p2 =	por !p2, !p3  }
0x434: {  	v3 =	vadd.f32 v4, v3;
	s11 =	sadd.s32 s1, s0;
	p2 =	por !p2, !p2;
	s1 =	spop (v2sf)  }
0x435: {  	s11 =	sshrl.u32 s11, $0x4;
	s12 =	simm.s32 @!p2 $0x0;
	p2 =	slt.s32 s1, $0x1  }
0x436: {  	s17 =	simm.s32 $0x1;
	[tilespmem:s2+$0x12000] =	vst v3;
	s2 =	sshll.u32 s4, $0x4;
	s11 =	ssub.s32 s11, s12  }
0x437: {  	s4 =	sand.u32 $0xF, s1;
	(v2sf) =	vpush v2, $0x9;
	s12 =	sshra.s32 s1, $0x1F;
	s9 =	ssub.s32 s9, s2  }
0x438: {  	v3 =	vld [tilespmem:s2+$0x12000];
	p3 =	sne.s32 s4, $0x0;
	s4 =	sshrl.u32 s12, $0x1C;
	s12 =	simm.s32 $0x1  }
0x439: {  	v4 =	vmov s9;
	p2 =	por !p2, !p3;
	s16 =	spop (v2sf);
	(v2sf) =	vpush v2, $0xA;
	s4 =	sadd.s32 s4, s1  }
0x43a: {  	vm0 =	veq.s32 v4, v0;
	p2 =	por !p2, !p2;
	s9 =	sand.u32 $0xF, s16;
	s4 =	sshrl.u32 s4, $0x4  }
0x43b: {  	p3 =	slt.s32 s16, $0x1;
	s12 =	simm.s32 @!p2 $0x0;
	p2 =	sne.s32 s9, $0x0;
	(v2sf) =	vpush v2, $0xB  }
0x43c: {  	v4 =	vsel vm0, $0x3F800000, v1;
	s9 =	ssub.s32 s4, s12;
	s4 =	sshra.s32 s16, $0x1F;
	p2 =	por !p3, !p2  }
0x43d: {  	v3 =	vadd.f32 v4, v3;
	s4 =	sshrl.u32 s4, $0x1C;
	s15 =	spop (v2sf);
	p2 =	por !p2, !p2  }
0x43e: {  	s4 =	sadd.s32 s4, s16;
	s12 =	sshra.s32 s15, $0x1F;
	s14 =	sand.u32 $0xF, s15  }
0x43f: {  	[tilespmem:s2+$0x12000] =	vst v3;
	s2 =	sshll.u32 s13, $0x4;
	s13 =	simm.s32 $0x1;
	s4 =	sshrl.u32 s4, $0x4  }
0x440: {  	p3 =	sne.s32 s14, $0x0;
	s13 =	simm.s32 @!p2 $0x0;
	s3 =	ssub.s32 s3, s2  }
0x441: {  	p2 =	slt.s32 s15, $0x1;
	v3 =	vld [tilespmem:s2+$0x12000];
	v4 =	vmov s3;
	s3 =	ssub.s32 s4, s13;
	s4 =	sshrl.u32 s12, $0x1C  }
0x442: {  	s14 =	simm.s32 $0x1;
	p2 =	por !p2, !p3;
	s4 =	sadd.s32 s4, s15  }
0x443: {  	vm0 =	veq.s32 v4, v0;
	p2 =	por !p2, !p2;
	s13 =	spop (v2sf);
	s4 =	sshrl.u32 s4, $0x4  }
0x444: {  	s14 =	simm.s32 @!p2 $0x0;
	p3 =	slt.s32 s13, $0x1;
	s12 =	sand.u32 $0xF, s13  }
0x445: {  	v4 =	vsel vm0, $0x3F800000, v1;
	s19 =	ssub.s32 s4, s14;
	s4 =	sshra.s32 s13, $0x1F;
	p2 =	sne.s32 s12, $0x0;
	(v2sf) =	vpush v2, $0xC  }
0x446: {  	s23 =	simm.s32 $0x1;
	s4 =	sshrl.u32 s4, $0x1C;
	v3 =	vadd.f32 v4, v3;
	p2 =	por !p3, !p2  }
0x447: {  	s4 =	sadd.s32 s4, s13;
	p2 =	por !p2, !p2;
	s14 =	spop (v2sf)  }
0x448: {  	[tilespmem:s2+$0x12000] =	vst v3;
	s2 =	sshll.u32 s11, $0x4;
	s17 =	simm.s32 @!p2 $0x0;
	s11 =	sand.u32 $0xF, s14  }
0x449: {  	p3 =	slt.s32 s14, $0x1;
	s0 =	ssub.s32 s0, s2;
	v3 =	vld [tilespmem:s2+$0x12000];
	s12 =	spop (v2sf)  }
0x44a: {  	p2 =	sne.s32 s11, $0x0;
	v4 =	vmov s0;
	s0 =	sshrl.u32 s4, $0x4;
	s4 =	sshra.s32 s14, $0x1F  }
0x44b: {  	p2 =	por !p3, !p2;
	vm0 =	veq.s32 v4, v0;
	s4 =	sshrl.u32 s4, $0x1C;
	s11 =	spop (v2sf);
	(v2sf) =	vpush v2, $0xD  }
0x44c: {  	s21 =	sshra.s32 s12, $0x1F;
	s17 =	ssub.s32 s0, s17;
	s0 =	sadd.s32 s4, s14  }
0x44d: {  	p2 =	por !p2, !p2;
	v4 =	vsel vm0, $0x3F800000, v1;
	s4 =	sand.u32 $0xF, s12;
	s0 =	sshrl.u32 s0, $0x4  }
0x44e: {  	p3 =	slt.s32 s12, $0x1;
	p4 =	sne.s32 s4, $0x0;
	s4 =	simm.s32 $0x1;
	v3 =	vadd.f32 v4, v3;
	(v2sf) =	vpush v2, $0xE  }
0x44f: {  	s21 =	sshrl.u32 s21, $0x1C;
	s4 =	simm.s32 @!p2 $0x0;
	p2 =	por !p3, !p4  }
0x450: {  	p2 =	por !p2, !p2;
	[tilespmem:s2+$0x12000] =	vst v3;
	s2 =	sshll.u32 s9, $0x4;
	s9 =	sadd.s32 s21, s12  }
0x451: {  	s23 =	simm.s32 @!p2 $0x0;
	s21 =	ssub.s32 s0, s4;
	s0 =	sand.u32 $0xF, s11  }
0x452: {  	s4 =	sshra.s32 s11, $0x1F;
	s1 =	ssub.s32 s1, s2;
	v3 =	vld [tilespmem:s2+$0x12000];
	s9 =	sshrl.u32 s9, $0x4  }
0x453: {  	p2 =	slt.s32 s11, $0x1;
	p3 =	sne.s32 s0, $0x0;
	v4 =	vmov s1;
	s1 =	ssub.s32 s9, s23  }
0x454: {  	s0 =	sshrl.u32 s4, $0x1C;
	s4 =	simm.s32 $0x1;
	p2 =	por !p2, !p3;
	vm0 =	veq.s32 v4, v0;
	(v2sf) =	vpush v2, $0xF  }
0x455: {  	s0 =	sadd.s32 s0, s11;
	p3 =	por !p2, !p2;
	s9 =	spop (v2sf)  }
0x456: {  	s0 =	sshrl.u32 s0, $0x4;
	v2 =	vsel vm0, $0x3F800000, v1;
	s4 =	simm.s32 @!p3 $0x0;
	p2 =	slt.s32 s9, $0x1  }
0x457: {  	s23 =	sand.u32 $0xF, s9;
	s25 =	ssub.s32 s0, s4;
	v2 =	vadd.f32 v2, v3  }
0x458: {  	s0 =	sshra.s32 s9, $0x1F;
	s4 =	simm.s32 $0x1;
	p3 =	sne.s32 s23, $0x0  }
0x459: {  	s0 =	sshrl.u32 s0, $0x1C;
	p2 =	por !p2, !p3;
	[tilespmem:s2+$0x12000] =	vst v2;
	s2 =	sshll.u32 s3, $0x4  }
0x45a: {  	s0 =	sadd.s32 s0, s9;
	p2 =	por !p2, !p2;
	s3 =	ssub.s32 s16, s2;
	v2 =	vld [tilespmem:s2+$0x12000]  }
0x45b: {  	s0 =	sshrl.u32 s0, $0x4;
	s4 =	simm.s32 @!p2 $0x0;
	v3 =	vmov s3;
	s3 =	spop (v2sf)  }
0x45c: {  	s0 =	ssub.s32 s0, s4;
	s16 =	sand.u32 $0xF, s3  }
0x45d: {  	vm0 =	veq.s32 v3, v0;
	s4 =	sshra.s32 s3, $0x1F;
	p2 =	slt.s32 s3, $0x1;
	p3 =	sne.s32 s16, $0x0  }
0x45e: {  	s30 =	simm.s32 $0x1;
	s4 =	sshrl.u32 s4, $0x1C;
	p2 =	por !p2, !p3  }
0x45f: {  	v3 =	vsel vm0, $0x3F800000, v1;
	s4 =	sadd.s32 s4, s3;
	s16 =	spop (v2sf);
	p2 =	por !p2, !p2  }
0x460: {  	v2 =	vadd.f32 v2, v3;
	s23 =	sshra.s32 s16, $0x1F;
	s29 =	sand.u32 $0xF, s16;
	s4 =	sshrl.u32 s4, $0x4  }
0x461: {  	p3 =	slt.s32 s16, $0x1;
	s30 =	simm.s32 @!p2 $0x0;
	p2 =	sne.s32 s29, $0x0  }
0x462: {  	[tilespmem:s2+$0x12000] =	vst v2;
	s2 =	sshll.u32 s19, $0x4;
	s19 =	ssub.s32 s4, s30;
	p2 =	por !p3, !p2  }
0x463: {  	s4 =	ssub.s32 s15, s2;
	v2 =	vld [tilespmem:s2+$0x12000];
	s15 =	sshrl.u32 s23, $0x1C;
	p2 =	por !p2, !p2  }
0x464: {  	s23 =	simm.s32 $0x1;
	v3 =	vmov s4;
	s4 =	sadd.s32 s15, s16;
	s15 =	spop (v2sf)  }
0x465: {  	s23 =	simm.s32 @!p2 $0x0;
	vm0 =	veq.s32 v3, v0;
	s4 =	sshrl.u32 s4, $0x4;
	p2 =	slt.s32 s15, $0x1  }
0x466: {  	s29 =	sand.u32 $0xF, s15;
	s23 =	ssub.s32 s4, s23;
	s4 =	sshra.s32 s15, $0x1F  }
0x467: {  	v3 =	vsel vm0, $0x3F800000, v1;
	p3 =	sne.s32 s29, $0x0;
	s4 =	sshrl.u32 s4, $0x1C  }
0x468: {  	p2 =	por !p2, !p3;
	v2 =	vadd.f32 v2, v3;
	s4 =	sadd.s32 s4, s15  }
0x469: {  	p2 =	por !p2, !p2;
	s4 =	sshrl.u32 s4, $0x4  }
0x46a: {  	[tilespmem:s2+$0x12000] =	vst v2;
	s2 =	sshll.u32 s17, $0x4;
	s17 =	simm.s32 $0x1  }
0x46b: {  	s17 =	simm.s32 @!p2 $0x0  }
0x46c: {  	s29 =	ssub.s32 s13, s2;
	v2 =	vld [tilespmem:s2+$0x12000];
	s13 =	ssub.s32 s4, s17  }
0x46d: {  	v3 =	vmov s29  }
0x46e: {  	vm0 =	veq.s32 v3, v0;
	_ =	sdelay $0x1  }
0x46f: {  	v3 =	vsel vm0, $0x3F800000, v1  }
0x470: {  	v2 =	vadd.f32 v2, v3;
	_ =	sdelay $0x1  }
0x471: {  	[tilespmem:s2+$0x12000] =	vst v2;
	s2 =	sshll.u32 s21, $0x4  }
0x472: {  	s4 =	ssub.s32 s14, s2;
	v2 =	vld [tilespmem:s2+$0x12000]  }
0x473: {  	v3 =	vmov s4  }
0x474: {  	vm0 =	veq.s32 v3, v0;
	_ =	sdelay $0x1  }
0x475: {  	v3 =	vsel vm0, $0x3F800000, v1  }
0x476: {  	v2 =	vadd.f32 v2, v3;
	_ =	sdelay $0x1  }
0x477: {  	s1 =	sshll.u32 s1, $0x4;
	[tilespmem:s2+$0x12000] =	vst v2  }
0x478: {  	s2 =	ssub.s32 s12, s1;
	v2 =	vld [tilespmem:s1+$0x12000]  }
0x479: {  	v3 =	vmov s2  }
0x47a: {  	vm0 =	veq.s32 v3, v0;
	_ =	sdelay $0x1  }
0x47b: {  	v3 =	vsel vm0, $0x3F800000, v1  }
0x47c: {  	v2 =	vadd.f32 v2, v3;
	_ =	sdelay $0x1  }
0x47d: {  	[tilespmem:s1+$0x12000] =	vst v2;
	s1 =	sshll.u32 s25, $0x4  }
0x47e: {  	s2 =	ssub.s32 s11, s1;
	v2 =	vld [tilespmem:s1+$0x12000]  }
0x47f: {  	v3 =	vmov s2  }
0x480: {  	vm0 =	veq.s32 v3, v0;
	_ =	sdelay $0x1  }
0x481: {  	v3 =	vsel vm0, $0x3F800000, v1  }
0x482: {  	v2 =	vadd.f32 v2, v3;
	_ =	sdelay $0x1  }
0x483: {  	s0 =	sshll.u32 s0, $0x4;
	[tilespmem:s1+$0x12000] =	vst v2  }
0x484: {  	s1 =	ssub.s32 s9, s0;
	v2 =	vld [tilespmem:s0+$0x12000]  }
0x485: {  	v3 =	vmov s1  }
0x486: {  	vm0 =	veq.s32 v3, v0;
	_ =	sdelay $0x1  }
0x487: {  	v3 =	vsel vm0, $0x3F800000, v1  }
0x488: {  	v2 =	vadd.f32 v2, v3;
	_ =	sdelay $0x1  }
0x489: {  	[tilespmem:s0+$0x12000] =	vst v2;
	s0 =	sshll.u32 s19, $0x4  }
0x48a: {  	s1 =	ssub.s32 s3, s0;
	v2 =	vld [tilespmem:s0+$0x12000]  }
0x48b: {  	v3 =	vmov s1  }
0x48c: {  	vm0 =	veq.s32 v3, v0;
	_ =	sdelay $0x1  }
0x48d: {  	v3 =	vsel vm0, $0x3F800000, v1  }
0x48e: {  	v2 =	vadd.f32 v2, v3;
	_ =	sdelay $0x1  }
0x48f: {  	[tilespmem:s0+$0x12000] =	vst v2;
	s0 =	sshll.u32 s23, $0x4  }
0x490: {  	s1 =	ssub.s32 s16, s0;
	v2 =	vld [tilespmem:s0+$0x12000]  }
0x491: {  	v3 =	vmov s1  }
0x492: {  	vm0 =	veq.s32 v3, v0;
	_ =	sdelay $0x1  }
0x493: {  	v3 =	vsel vm0, $0x3F800000, v1  }
0x494: {  	v2 =	vadd.f32 v2, v3;
	_ =	sdelay $0x1  }
.Ltmp2:
0x495: {  	[tilespmem:s0+$0x12000] =	vst v2;
	s0 =	sshll.u32 s13, $0x4;
	(pc) =	sbr.rel @p1 .LBB2_7-.Ltmp2, $4  }
0x496: {  	s1 =	ssub.s32 s15, s0;
	v2 =	vld [tilespmem:s0+$0x12000]  }
0x497: {  	v3 =	vmov s1  }
0x498: {  	vm0 =	veq.s32 v3, v0  }
0x499: {  	v3 =	vsel vm0, $0x3F800000, v1  }
0x49a: {  	_ = 	snop  }
0x49b: {  	v2 =	vadd.f32 v2, v3;
	_ =	sdelay $0x1  }
0x49c: {  	s1 =	sshra.s32 s10, $0x2;
	[tilespmem:s0+$0x12000] =	vst v2  }
0x49d: {  	v2 =	vld [tilespmem:s1+$0x14900];
	_ =	sdelay $0x4  }
0x49e: {  	(v2sf) =	vpush v2, $0x0;
	_ =	sdelay $0x7  }
0x49f: {  	(v2sf) =	vpush v2, $0x1;
	_ =	sdelay $0x6  }
0x4a0: {  	s10 =	spop (v2sf)  }
0x4a1: {  	(v2sf) =	vpush v2, $0x2;
	s11 =	sand.u32 $0xF, s10  }
0x4a2: {  	s2 =	sshra.s32 s10, $0x1F;
	p1 =	slt.s32 s10, $0x1;
	p2 =	sne.s32 s11, $0x0  }
0x4a3: {  	s12 =	sshrl.u32 s2, $0x1C;
	p1 =	por !p1, !p2  }
0x4a4: {  	s2 =	simm.s32 $0x1;
	s1 =	sadd.s32 s12, s10;
	p1 =	por !p1, !p1  }
0x4a5: {  	s1 =	sshrl.u32 s1, $0x4;
	s2 =	simm.s32 @!p1 $0x0  }
0x4a6: {  	s1 =	ssub.s32 s1, s2  }
0x4a7: {  	s1 =	sshll.u32 s1, $0x4  }
0x4a8: {  	s13 =	spop (v2sf);
	v3 =	vld [tilespmem:s1+$0x12000]  }
0x4a9: {  	(v2sf) =	vpush v2, $0x3;
	s3 =	sand.u32 $0xF, s13;
	s0 =	ssub.s32 s10, s1  }
0x4aa: {  	s14 =	sshra.s32 s13, $0x1F;
	p6 =	slt.s32 s13, $0x1;
	p5 =	sne.s32 s3, $0x0;
	v4 =	vmov s0  }
0x4ab: {  	s15 =	sshrl.u32 s14, $0x1C;
	p1 =	por !p6, !p5;
	vm0 =	veq.s32 v4, v0  }
0x4ac: {  	s3 =	simm.s32 $0x1;
	p1 =	por !p1, !p1;
	s0 =	sadd.s32 s15, s13;
	v4 =	vsel vm0, $0x3F800000, v1  }
0x4ad: {  	s3 =	simm.s32 @!p1 $0x0;
	s0 =	sshrl.u32 s0, $0x4;
	v3 =	vadd.f32 v4, v3  }
0x4ae: {  	s0 =	ssub.s32 s0, s3  }
0x4af: {  	s0 =	sshll.u32 s0, $0x4;
	[tilespmem:s1+$0x12000] =	vst v3  }
0x4b0: {  	s16 =	spop (v2sf);
	v3 =	vld [tilespmem:s0+$0x12000]  }
0x4b1: {  	s2 =	ssub.s32 s13, s0;
	(v2sf) =	vpush v2, $0x4;
	s17 =	sand.u32 $0xF, s16  }
0x4b2: {  	v4 =	vmov s2;
	s4 =	sshra.s32 s16, $0x1F;
	p3 =	slt.s32 s16, $0x1;
	p4 =	sne.s32 s17, $0x0  }
0x4b3: {  	vm9 =	veq.s32 v4, v0;
	s19 =	sshrl.u32 s4, $0x1C;
	p1 =	por !p3, !p4  }
0x4b4: {  	s3 =	simm.s32 $0x1;
	v4 =	vsel vm9, $0x3F800000, v1;
	s2 =	sadd.s32 s19, s16;
	p1 =	por !p1, !p1  }
0x4b5: {  	s2 =	sshrl.u32 s2, $0x4;
	s3 =	simm.s32 @!p1 $0x0;
	v3 =	vadd.f32 v4, v3  }
0x4b6: {  	s2 =	ssub.s32 s2, s3  }
0x4b7: {  	s21 =	sshll.u32 s2, $0x4;
	[tilespmem:s0+$0x12000] =	vst v3  }
0x4b8: {  	s23 =	spop (v2sf);
	v3 =	vld [tilespmem:s21+$0x12000]  }
0x4b9: {  	(v2sf) =	vpush v2, $0x5;
	s25 =	sand.u32 $0xF, s23;
	s1 =	ssub.s32 s16, s21  }
0x4ba: {  	p5 =	slt.s32 s23, $0x1;
	s29 =	sshra.s32 s23, $0x1F;
	p6 =	sne.s32 s25, $0x0;
	v4 =	vmov s1  }
0x4bb: {  	s30 =	sshrl.u32 s29, $0x1C;
	p1 =	por !p5, !p6;
	vm10 =	veq.s32 v4, v0  }
0x4bc: {  	p1 =	por !p1, !p1;
	s3 =	simm.s32 $0x1;
	s1 =	sadd.s32 s30, s23;
	v4 =	vsel vm10, $0x3F800000, v1  }
0x4bd: {  	s3 =	simm.s32 @!p1 $0x0;
	s1 =	sshrl.u32 s1, $0x4;
	v3 =	vadd.f32 v4, v3  }
0x4be: {  	s1 =	ssub.s32 s1, s3  }
0x4bf: {  	s1 =	sshll.u32 s1, $0x4;
	[tilespmem:s21+$0x12000] =	vst v3  }
0x4c0: {  	s7 =	spop (v2sf);
	v3 =	vld [tilespmem:s1+$0x12000]  }
0x4c1: {  	s2 =	ssub.s32 s23, s1;
	(v2sf) =	vpush v2, $0x6;
	s9 =	sand.u32 $0xF, s7  }
0x4c2: {  	v4 =	vmov s2;
	s10 =	sshra.s32 s7, $0x1F;
	p3 =	slt.s32 s7, $0x1;
	p4 =	sne.s32 s9, $0x0  }
0x4c3: {  	vm11 =	veq.s32 v4, v0;
	s11 =	sshrl.u32 s10, $0x1C;
	p1 =	por !p3, !p4  }
0x4c4: {  	s3 =	simm.s32 $0x1;
	v4 =	vsel vm11, $0x3F800000, v1;
	s2 =	sadd.s32 s11, s7;
	p1 =	por !p1, !p1  }
0x4c5: {  	s2 =	sshrl.u32 s2, $0x4;
	s3 =	simm.s32 @!p1 $0x0;
	v3 =	vadd.f32 v4, v3  }
0x4c6: {  	s2 =	ssub.s32 s2, s3  }
0x4c7: {  	s12 =	sshll.u32 s2, $0x4;
	[tilespmem:s1+$0x12000] =	vst v3  }
0x4c8: {  	s13 =	spop (v2sf);
	v3 =	vld [tilespmem:s12+$0x12000]  }
0x4c9: {  	(v2sf) =	vpush v2, $0x7;
	s14 =	sand.u32 $0xF, s13;
	s1 =	ssub.s32 s7, s12  }
0x4ca: {  	p5 =	slt.s32 s13, $0x1;
	s15 =	sshra.s32 s13, $0x1F;
	p6 =	sne.s32 s14, $0x0;
	v4 =	vmov s1  }
0x4cb: {  	s16 =	sshrl.u32 s15, $0x1C;
	p1 =	por !p5, !p6;
	vm12 =	veq.s32 v4, v0  }
0x4cc: {  	p1 =	por !p1, !p1;
	s3 =	simm.s32 $0x1;
	s1 =	sadd.s32 s16, s13;
	v4 =	vsel vm12, $0x3F800000, v1  }
0x4cd: {  	s3 =	simm.s32 @!p1 $0x0;
	s1 =	sshrl.u32 s1, $0x4;
	v3 =	vadd.f32 v4, v3  }
0x4ce: {  	s1 =	ssub.s32 s1, s3  }
0x4cf: {  	s17 =	sshll.u32 s1, $0x4;
	[tilespmem:s12+$0x12000] =	vst v3  }
0x4d0: {  	s19 =	spop (v2sf);
	v3 =	vld [tilespmem:s17+$0x12000]  }
0x4d1: {  	s2 =	ssub.s32 s13, s17;
	(v2sf) =	vpush v2, $0x8;
	s21 =	sand.u32 $0xF, s19  }
0x4d2: {  	v4 =	vmov s2;
	s23 =	sshra.s32 s19, $0x1F;
	p4 =	slt.s32 s19, $0x1;
	p3 =	sne.s32 s21, $0x0  }
0x4d3: {  	vm13 =	veq.s32 v4, v0;
	s25 =	sshrl.u32 s23, $0x1C;
	p1 =	por !p4, !p3  }
0x4d4: {  	s3 =	simm.s32 $0x1;
	v4 =	vsel vm13, $0x3F800000, v1;
	s2 =	sadd.s32 s25, s19;
	p1 =	por !p1, !p1  }
0x4d5: {  	s2 =	sshrl.u32 s2, $0x4;
	s3 =	simm.s32 @!p1 $0x0;
	v3 =	vadd.f32 v4, v3  }
0x4d6: {  	s2 =	ssub.s32 s2, s3  }
0x4d7: {  	s29 =	sshll.u32 s2, $0x4;
	[tilespmem:s17+$0x12000] =	vst v3  }
0x4d8: {  	s30 =	spop (v2sf);
	v3 =	vld [tilespmem:s29+$0x12000]  }
0x4d9: {  	(v2sf) =	vpush v2, $0x9;
	s4 =	sand.u32 $0xF, s30;
	s1 =	ssub.s32 s19, s29  }
0x4da: {  	s7 =	sshra.s32 s30, $0x1F;
	p5 =	slt.s32 s30, $0x1;
	p6 =	sne.s32 s4, $0x0;
	v4 =	vmov s1  }
0x4db: {  	s9 =	sshrl.u32 s7, $0x1C;
	p1 =	por !p5, !p6;
	vm14 =	veq.s32 v4, v0  }
0x4dc: {  	p1 =	por !p1, !p1;
	s3 =	simm.s32 $0x1;
	s1 =	sadd.s32 s9, s30;
	v4 =	vsel vm14, $0x3F800000, v1  }
0x4dd: {  	s3 =	simm.s32 @!p1 $0x0;
	s1 =	sshrl.u32 s1, $0x4;
	v3 =	vadd.f32 v3, v4  }
0x4de: {  	s1 =	ssub.s32 s1, s3  }
0x4df: {  	s10 =	sshll.u32 s1, $0x4;
	[tilespmem:s29+$0x12000] =	vst v3  }
0x4e0: {  	s11 =	spop (v2sf);
	v3 =	vld [tilespmem:s10+$0x12000]  }
0x4e1: {  	s2 =	ssub.s32 s30, s10;
	(v2sf) =	vpush v2, $0xA;
	s12 =	sand.u32 $0xF, s11  }
0x4e2: {  	p3 =	slt.s32 s11, $0x1;
	s13 =	sshra.s32 s11, $0x1F;
	v4 =	vmov s2;
	p4 =	sne.s32 s12, $0x0  }
0x4e3: {  	s14 =	sshrl.u32 s13, $0x1C;
	vm15 =	veq.s32 v4, v0;
	p1 =	por !p3, !p4  }
0x4e4: {  	s3 =	simm.s32 $0x1;
	s2 =	sadd.s32 s14, s11;
	v4 =	vsel vm15, $0x3F800000, v1;
	p1 =	por !p1, !p1  }
0x4e5: {  	s2 =	sshrl.u32 s2, $0x4;
	s3 =	simm.s32 @!p1 $0x0;
	v3 =	vadd.f32 v3, v4  }
0x4e6: {  	s2 =	ssub.s32 s2, s3  }
0x4e7: {  	s15 =	sshll.u32 s2, $0x4;
	[tilespmem:s10+$0x12000] =	vst v3  }
0x4e8: {  	s16 =	spop (v2sf);
	v3 =	vld [tilespmem:s15+$0x12000]  }
0x4e9: {  	(v2sf) =	vpush v2, $0xB;
	s17 =	sand.u32 $0xF, s16;
	s1 =	ssub.s32 s11, s15  }
0x4ea: {  	s19 =	sshra.s32 s16, $0x1F;
	p6 =	slt.s32 s16, $0x1;
	p5 =	sne.s32 s17, $0x0;
	v4 =	vmov s1  }
0x4eb: {  	s21 =	sshrl.u32 s19, $0x1C;
	p1 =	por !p6, !p5;
	vm4 =	veq.s32 v4, v0  }
0x4ec: {  	p1 =	por !p1, !p1;
	s3 =	simm.s32 $0x1;
	s1 =	sadd.s32 s21, s16;
	v4 =	vsel vm4, $0x3F800000, v1  }
0x4ed: {  	s3 =	simm.s32 @!p1 $0x0;
	s1 =	sshrl.u32 s1, $0x4;
	v3 =	vadd.f32 v3, v4  }
0x4ee: {  	s1 =	ssub.s32 s1, s3  }
0x4ef: {  	s23 =	sshll.u32 s1, $0x4;
	[tilespmem:s15+$0x12000] =	vst v3  }
0x4f0: {  	s25 =	spop (v2sf);
	v3 =	vld [tilespmem:s23+$0x12000]  }
0x4f1: {  	s2 =	ssub.s32 s16, s23;
	(v2sf) =	vpush v2, $0xC;
	s29 =	sand.u32 $0xF, s25  }
0x4f2: {  	s30 =	sshra.s32 s25, $0x1F;
	p3 =	slt.s32 s25, $0x1;
	p4 =	sne.s32 s29, $0x0;
	v4 =	vmov s2  }
0x4f3: {  	s7 =	sshrl.u32 s30, $0x1C;
	p1 =	por !p3, !p4;
	vm5 =	veq.s32 v4, v0  }
0x4f4: {  	s3 =	simm.s32 $0x1;
	s2 =	sadd.s32 s7, s25;
	p1 =	por !p1, !p1;
	v4 =	vsel vm5, $0x3F800000, v1  }
0x4f5: {  	s2 =	sshrl.u32 s2, $0x4;
	s3 =	simm.s32 @!p1 $0x0;
	v3 =	vadd.f32 v3, v4  }
0x4f6: {  	s2 =	ssub.s32 s2, s3  }
0x4f7: {  	s9 =	sshll.u32 s2, $0x4;
	[tilespmem:s23+$0x12000] =	vst v3  }
0x4f8: {  	s10 =	spop (v2sf);
	v3 =	vld [tilespmem:s9+$0x12000]  }
0x4f9: {  	(v2sf) =	vpush v2, $0xD;
	s11 =	sand.u32 $0xF, s10;
	s1 =	ssub.s32 s25, s9  }
0x4fa: {  	s12 =	sshra.s32 s10, $0x1F;
	p5 =	slt.s32 s10, $0x1;
	p6 =	sne.s32 s11, $0x0;
	v4 =	vmov s1  }
0x4fb: {  	s13 =	sshrl.u32 s12, $0x1C;
	p1 =	por !p5, !p6;
	vm6 =	veq.s32 v4, v0  }
0x4fc: {  	p1 =	por !p1, !p1;
	s3 =	simm.s32 $0x1;
	s1 =	sadd.s32 s13, s10;
	v4 =	vsel vm6, $0x3F800000, v1  }
0x4fd: {  	s3 =	simm.s32 @!p1 $0x0;
	s1 =	sshrl.u32 s1, $0x4;
	v3 =	vadd.f32 v3, v4  }
0x4fe: {  	s1 =	ssub.s32 s1, s3  }
0x4ff: {  	s14 =	sshll.u32 s1, $0x4;
	[tilespmem:s9+$0x12000] =	vst v3  }
0x500: {  	s15 =	spop (v2sf);
	v3 =	vld [tilespmem:s14+$0x12000]  }
0x501: {  	s2 =	ssub.s32 s10, s14;
	(v2sf) =	vpush v2, $0xE;
	s16 =	sand.u32 $0xF, s15  }
0x502: {  	p3 =	slt.s32 s15, $0x1;
	s17 =	sshra.s32 s15, $0x1F;
	p4 =	sne.s32 s16, $0x0;
	v4 =	vmov s2  }
0x503: {  	s19 =	sshrl.u32 s17, $0x1C;
	p1 =	por !p3, !p4;
	vm7 =	veq.s32 v4, v0  }
0x504: {  	s3 =	simm.s32 $0x1;
	s2 =	sadd.s32 s19, s15;
	p1 =	por !p1, !p1;
	v4 =	vsel vm7, $0x3F800000, v1  }
0x505: {  	s2 =	sshrl.u32 s2, $0x4;
	s3 =	simm.s32 @!p1 $0x0;
	v3 =	vadd.f32 v3, v4  }
0x506: {  	s2 =	ssub.s32 s2, s3  }
0x507: {  	s21 =	sshll.u32 s2, $0x4;
	[tilespmem:s14+$0x12000] =	vst v3  }
0x508: {  	s23 =	spop (v2sf);
	v3 =	vld [tilespmem:s21+$0x12000]  }
0x509: {  	(v2sf) =	vpush v2, $0xF;
	s25 =	sand.u32 $0xF, s23;
	s1 =	ssub.s32 s15, s21  }
0x50a: {  	s29 =	sshra.s32 s23, $0x1F;
	p5 =	slt.s32 s23, $0x1;
	p6 =	sne.s32 s25, $0x0;
	v2 =	vmov s1  }
0x50b: {  	s30 =	sshrl.u32 s29, $0x1C;
	p1 =	por !p5, !p6;
	vm8 =	veq.s32 v2, v0  }
0x50c: {  	p1 =	por !p1, !p1;
	s3 =	simm.s32 $0x1;
	s1 =	sadd.s32 s30, s23;
	v2 =	vsel vm8, $0x3F800000, v1  }
0x50d: {  	s3 =	simm.s32 @!p1 $0x0;
	s1 =	sshrl.u32 s1, $0x4;
	v2 =	vadd.f32 v3, v2  }
0x50e: {  	s1 =	ssub.s32 s1, s3  }
0x50f: {  	s1 =	sshll.u32 s1, $0x4;
	[tilespmem:s21+$0x12000] =	vst v2  }
0x510: {  	s7 =	spop (v2sf);
	v2 =	vld [tilespmem:s1+$0x12000]  }
0x511: {  	s2 =	ssub.s32 s23, s1;
	s9 =	sand.u32 $0xF, s7  }
0x512: {  	s10 =	sshra.s32 s7, $0x1F;
	p4 =	slt.s32 s7, $0x1;
	p3 =	sne.s32 s9, $0x0;
	v3 =	vmov s2  }
0x513: {  	s11 =	sshrl.u32 s10, $0x1C;
	p1 =	por !p4, !p3;
	vm9 =	veq.s32 v3, v0  }
0x514: {  	s3 =	simm.s32 $0x1;
	s2 =	sadd.s32 s11, s7;
	p1 =	por !p1, !p1;
	v3 =	vsel vm9, $0x3F800000, v1  }
0x515: {  	s2 =	sshrl.u32 s2, $0x4;
	s3 =	simm.s32 @!p1 $0x0;
	v2 =	vadd.f32 v2, v3  }
0x516: {  	s2 =	ssub.s32 s2, s3  }
0x517: {  	s12 =	sshll.u32 s2, $0x4;
	[tilespmem:s1+$0x12000] =	vst v2  }
0x518: {  	s13 =	spop (v2sf);
	v2 =	vld [tilespmem:s12+$0x12000]  }
0x519: {  	s14 =	sand.u32 $0xF, s13;
	s1 =	ssub.s32 s7, s12  }
0x51a: {  	p5 =	slt.s32 s13, $0x1;
	s15 =	sshra.s32 s13, $0x1F;
	p6 =	sne.s32 s14, $0x0;
	v3 =	vmov s1  }
0x51b: {  	s16 =	sshrl.u32 s15, $0x1C;
	p1 =	por !p5, !p6;
	vm10 =	veq.s32 v3, v0  }
0x51c: {  	p1 =	por !p1, !p1;
	s3 =	simm.s32 $0x1;
	s1 =	sadd.s32 s16, s13;
	v3 =	vsel vm10, $0x3F800000, v1  }
0x51d: {  	s3 =	simm.s32 @!p1 $0x0;
	s1 =	sshrl.u32 s1, $0x4;
	v2 =	vadd.f32 v2, v3  }
0x51e: {  	s1 =	ssub.s32 s1, s3  }
0x51f: {  	s17 =	sshll.u32 s1, $0x4;
	[tilespmem:s12+$0x12000] =	vst v2  }
0x520: {  	v2 =	vld [tilespmem:s17+$0x12000]  }
0x521: {  	s1 =	ssub.s32 s13, s17  }
0x522: {  	v3 =	vmov s1  }
0x523: {  	vm11 =	veq.s32 v3, v0  }
0x524: {  	v3 =	vsel vm11, $0x3F800000, v1  }
0x525: {  	v2 =	vadd.f32 v2, v3;
	_ =	sdelay $0x1  }
0x526: {  	[tilespmem:s17+$0x12000] =	vst v2  }
0x527: {  	v2 =	vld [tilespmem:s6+$0x14980];
	_ =	sdelay $0x4  }
0x528: {  	(v2sf) =	vpush v2, $0x0;
	_ =	sdelay $0x7  }
0x529: {  	(v2sf) =	vpush v2, $0x1;
	_ =	sdelay $0x6  }
0x52a: {  	s19 =	spop (v2sf)  }
0x52b: {  	(v2sf) =	vpush v2, $0x2;
	s21 =	sand.u32 $0xF, s19  }
0x52c: {  	s23 =	sshra.s32 s19, $0x1F;
	p3 =	slt.s32 s19, $0x1;
	p4 =	sne.s32 s21, $0x0  }
0x52d: {  	s25 =	sshrl.u32 s23, $0x1C;
	p1 =	por !p3, !p4  }
0x52e: {  	s2 =	simm.s32 $0x1;
	s1 =	sadd.s32 s25, s19;
	p1 =	por !p1, !p1  }
0x52f: {  	s1 =	sshrl.u32 s1, $0x4;
	s2 =	simm.s32 @!p1 $0x0  }
0x530: {  	s1 =	ssub.s32 s1, s2  }
0x531: {  	s1 =	sshll.u32 s1, $0x4  }
0x532: {  	s29 =	spop (v2sf);
	v3 =	vld [tilespmem:s1+$0x12000]  }
0x533: {  	(v2sf) =	vpush v2, $0x3;
	s30 =	sand.u32 $0xF, s29;
	s0 =	ssub.s32 s19, s1  }
0x534: {  	s4 =	sshra.s32 s29, $0x1F;
	p6 =	slt.s32 s29, $0x1;
	p5 =	sne.s32 s30, $0x0;
	v4 =	vmov s0  }
0x535: {  	s6 =	sshrl.u32 s4, $0x1C;
	p1 =	por !p6, !p5;
	vm12 =	veq.s32 v4, v0  }
0x536: {  	s3 =	simm.s32 $0x1;
	p1 =	por !p1, !p1;
	s0 =	sadd.s32 s6, s29;
	v4 =	vsel vm12, $0x3F800000, v1  }
0x537: {  	s3 =	simm.s32 @!p1 $0x0;
	s0 =	sshrl.u32 s0, $0x4;
	v3 =	vadd.f32 v4, v3  }
0x538: {  	s0 =	ssub.s32 s0, s3  }
0x539: {  	s0 =	sshll.u32 s0, $0x4;
	[tilespmem:s1+$0x12000] =	vst v3  }
0x53a: {  	s7 =	spop (v2sf);
	v3 =	vld [tilespmem:s0+$0x12000]  }
0x53b: {  	s2 =	ssub.s32 s29, s0;
	(v2sf) =	vpush v2, $0x4;
	s9 =	sand.u32 $0xF, s7  }
0x53c: {  	v4 =	vmov s2;
	s10 =	sshra.s32 s7, $0x1F;
	p3 =	slt.s32 s7, $0x1;
	p4 =	sne.s32 s9, $0x0  }
0x53d: {  	vm13 =	veq.s32 v4, v0;
	s11 =	sshrl.u32 s10, $0x1C;
	p1 =	por !p3, !p4  }
0x53e: {  	s3 =	simm.s32 $0x1;
	v4 =	vsel vm13, $0x3F800000, v1;
	s2 =	sadd.s32 s11, s7;
	p1 =	por !p1, !p1  }
0x53f: {  	s2 =	sshrl.u32 s2, $0x4;
	s3 =	simm.s32 @!p1 $0x0;
	v3 =	vadd.f32 v4, v3  }
0x540: {  	s2 =	ssub.s32 s2, s3  }
0x541: {  	s12 =	sshll.u32 s2, $0x4;
	[tilespmem:s0+$0x12000] =	vst v3  }
0x542: {  	s13 =	spop (v2sf);
	v3 =	vld [tilespmem:s12+$0x12000]  }
0x543: {  	(v2sf) =	vpush v2, $0x5;
	s14 =	sand.u32 $0xF, s13;
	s1 =	ssub.s32 s7, s12  }
0x544: {  	p5 =	slt.s32 s13, $0x1;
	s15 =	sshra.s32 s13, $0x1F;
	p6 =	sne.s32 s14, $0x0;
	v4 =	vmov s1  }
0x545: {  	s16 =	sshrl.u32 s15, $0x1C;
	p1 =	por !p5, !p6;
	vm14 =	veq.s32 v4, v0  }
0x546: {  	p1 =	por !p1, !p1;
	s3 =	simm.s32 $0x1;
	s1 =	sadd.s32 s16, s13;
	v4 =	vsel vm14, $0x3F800000, v1  }
0x547: {  	s3 =	simm.s32 @!p1 $0x0;
	s1 =	sshrl.u32 s1, $0x4;
	v3 =	vadd.f32 v4, v3  }
0x548: {  	s1 =	ssub.s32 s1, s3  }
0x549: {  	s17 =	sshll.u32 s1, $0x4;
	[tilespmem:s12+$0x12000] =	vst v3  }
0x54a: {  	s19 =	spop (v2sf);
	v3 =	vld [tilespmem:s17+$0x12000]  }
0x54b: {  	s2 =	ssub.s32 s13, s17;
	(v2sf) =	vpush v2, $0x6;
	s21 =	sand.u32 $0xF, s19  }
0x54c: {  	v4 =	vmov s2;
	s23 =	sshra.s32 s19, $0x1F;
	p3 =	slt.s32 s19, $0x1;
	p4 =	sne.s32 s21, $0x0  }
0x54d: {  	vm15 =	veq.s32 v4, v0;
	s25 =	sshrl.u32 s23, $0x1C;
	p1 =	por !p3, !p4  }
0x54e: {  	s3 =	simm.s32 $0x1;
	v4 =	vsel vm15, $0x3F800000, v1;
	s2 =	sadd.s32 s25, s19;
	p1 =	por !p1, !p1  }
0x54f: {  	s2 =	sshrl.u32 s2, $0x4;
	s3 =	simm.s32 @!p1 $0x0;
	v3 =	vadd.f32 v4, v3  }
0x550: {  	s2 =	ssub.s32 s2, s3  }
0x551: {  	s29 =	sshll.u32 s2, $0x4;
	[tilespmem:s17+$0x12000] =	vst v3  }
0x552: {  	s30 =	spop (v2sf);
	v3 =	vld [tilespmem:s29+$0x12000]  }
0x553: {  	(v2sf) =	vpush v2, $0x7;
	s6 =	sand.u32 $0xF, s30;
	s1 =	ssub.s32 s19, s29  }
0x554: {  	p5 =	slt.s32 s30, $0x1;
	s7 =	sshra.s32 s30, $0x1F;
	p6 =	sne.s32 s6, $0x0;
	v4 =	vmov s1  }
0x555: {  	s9 =	sshrl.u32 s7, $0x1C;
	p1 =	por !p5, !p6;
	vm4 =	veq.s32 v4, v0  }
0x556: {  	p1 =	por !p1, !p1;
	s3 =	simm.s32 $0x1;
	s1 =	sadd.s32 s9, s30;
	v4 =	vsel vm4, $0x3F800000, v1  }
0x557: {  	s3 =	simm.s32 @!p1 $0x0;
	s1 =	sshrl.u32 s1, $0x4;
	v3 =	vadd.f32 v4, v3  }
0x558: {  	s1 =	ssub.s32 s1, s3  }
0x559: {  	s10 =	sshll.u32 s1, $0x4;
	[tilespmem:s29+$0x12000] =	vst v3  }
0x55a: {  	s11 =	spop (v2sf);
	v3 =	vld [tilespmem:s10+$0x12000]  }
0x55b: {  	s2 =	ssub.s32 s30, s10;
	(v2sf) =	vpush v2, $0x8;
	s12 =	sand.u32 $0xF, s11  }
0x55c: {  	v4 =	vmov s2;
	s13 =	sshra.s32 s11, $0x1F;
	p4 =	slt.s32 s11, $0x1;
	p3 =	sne.s32 s12, $0x0  }
0x55d: {  	vm5 =	veq.s32 v4, v0;
	s14 =	sshrl.u32 s13, $0x1C;
	p1 =	por !p4, !p3  }
0x55e: {  	s3 =	simm.s32 $0x1;
	v4 =	vsel vm5, $0x3F800000, v1;
	s2 =	sadd.s32 s14, s11;
	p1 =	por !p1, !p1  }
0x55f: {  	s2 =	sshrl.u32 s2, $0x4;
	s3 =	simm.s32 @!p1 $0x0;
	v3 =	vadd.f32 v4, v3  }
0x560: {  	s2 =	ssub.s32 s2, s3  }
0x561: {  	s15 =	sshll.u32 s2, $0x4;
	[tilespmem:s10+$0x12000] =	vst v3  }
0x562: {  	s16 =	spop (v2sf);
	v3 =	vld [tilespmem:s15+$0x12000]  }
0x563: {  	(v2sf) =	vpush v2, $0x9;
	s17 =	sand.u32 $0xF, s16;
	s1 =	ssub.s32 s11, s15  }
0x564: {  	s19 =	sshra.s32 s16, $0x1F;
	p5 =	slt.s32 s16, $0x1;
	p6 =	sne.s32 s17, $0x0;
	v4 =	vmov s1  }
0x565: {  	s21 =	sshrl.u32 s19, $0x1C;
	p1 =	por !p5, !p6;
	vm6 =	veq.s32 v4, v0  }
0x566: {  	p1 =	por !p1, !p1;
	s3 =	simm.s32 $0x1;
	s1 =	sadd.s32 s21, s16;
	v4 =	vsel vm6, $0x3F800000, v1  }
0x567: {  	s3 =	simm.s32 @!p1 $0x0;
	s1 =	sshrl.u32 s1, $0x4;
	v3 =	vadd.f32 v3, v4  }
0x568: {  	s1 =	ssub.s32 s1, s3  }
0x569: {  	s23 =	sshll.u32 s1, $0x4;
	[tilespmem:s15+$0x12000] =	vst v3  }
0x56a: {  	s25 =	spop (v2sf);
	v3 =	vld [tilespmem:s23+$0x12000]  }
0x56b: {  	s2 =	ssub.s32 s16, s23;
	(v2sf) =	vpush v2, $0xA;
	s29 =	sand.u32 $0xF, s25  }
0x56c: {  	p3 =	slt.s32 s25, $0x1;
	s30 =	sshra.s32 s25, $0x1F;
	v4 =	vmov s2;
	p4 =	sne.s32 s29, $0x0  }
0x56d: {  	s4 =	sshrl.u32 s30, $0x1C;
	vm7 =	veq.s32 v4, v0;
	p1 =	por !p3, !p4  }
0x56e: {  	s3 =	simm.s32 $0x1;
	s2 =	sadd.s32 s4, s25;
	v4 =	vsel vm7, $0x3F800000, v1;
	p1 =	por !p1, !p1  }
0x56f: {  	s2 =	sshrl.u32 s2, $0x4;
	s3 =	simm.s32 @!p1 $0x0;
	v3 =	vadd.f32 v3, v4  }
0x570: {  	s2 =	ssub.s32 s2, s3  }
0x571: {  	s6 =	sshll.u32 s2, $0x4;
	[tilespmem:s23+$0x12000] =	vst v3  }
0x572: {  	s7 =	spop (v2sf);
	v3 =	vld [tilespmem:s6+$0x12000]  }
0x573: {  	(v2sf) =	vpush v2, $0xB;
	s9 =	sand.u32 $0xF, s7;
	s1 =	ssub.s32 s25, s6  }
0x574: {  	s10 =	sshra.s32 s7, $0x1F;
	p6 =	slt.s32 s7, $0x1;
	p5 =	sne.s32 s9, $0x0;
	v4 =	vmov s1  }
0x575: {  	s11 =	sshrl.u32 s10, $0x1C;
	p1 =	por !p6, !p5;
	vm8 =	veq.s32 v4, v0  }
0x576: {  	p1 =	por !p1, !p1;
	s3 =	simm.s32 $0x1;
	s1 =	sadd.s32 s11, s7;
	v4 =	vsel vm8, $0x3F800000, v1  }
0x577: {  	s3 =	simm.s32 @!p1 $0x0;
	s1 =	sshrl.u32 s1, $0x4;
	v3 =	vadd.f32 v3, v4  }
0x578: {  	s1 =	ssub.s32 s1, s3  }
0x579: {  	s12 =	sshll.u32 s1, $0x4;
	[tilespmem:s6+$0x12000] =	vst v3  }
0x57a: {  	s13 =	spop (v2sf);
	v3 =	vld [tilespmem:s12+$0x12000]  }
0x57b: {  	s2 =	ssub.s32 s7, s12;
	(v2sf) =	vpush v2, $0xC;
	s14 =	sand.u32 $0xF, s13  }
0x57c: {  	s15 =	sshra.s32 s13, $0x1F;
	p3 =	slt.s32 s13, $0x1;
	p4 =	sne.s32 s14, $0x0;
	v4 =	vmov s2  }
0x57d: {  	s16 =	sshrl.u32 s15, $0x1C;
	p1 =	por !p3, !p4;
	vm9 =	veq.s32 v4, v0  }
0x57e: {  	s3 =	simm.s32 $0x1;
	s2 =	sadd.s32 s16, s13;
	p1 =	por !p1, !p1;
	v4 =	vsel vm9, $0x3F800000, v1  }
0x57f: {  	s2 =	sshrl.u32 s2, $0x4;
	s3 =	simm.s32 @!p1 $0x0;
	v3 =	vadd.f32 v3, v4  }
0x580: {  	s2 =	ssub.s32 s2, s3  }
0x581: {  	s17 =	sshll.u32 s2, $0x4;
	[tilespmem:s12+$0x12000] =	vst v3  }
0x582: {  	s19 =	spop (v2sf);
	v3 =	vld [tilespmem:s17+$0x12000]  }
0x583: {  	(v2sf) =	vpush v2, $0xD;
	s21 =	sand.u32 $0xF, s19;
	s1 =	ssub.s32 s13, s17  }
0x584: {  	s23 =	sshra.s32 s19, $0x1F;
	p5 =	slt.s32 s19, $0x1;
	p6 =	sne.s32 s21, $0x0;
	v4 =	vmov s1  }
0x585: {  	s25 =	sshrl.u32 s23, $0x1C;
	p1 =	por !p5, !p6;
	vm10 =	veq.s32 v4, v0  }
0x586: {  	p1 =	por !p1, !p1;
	s3 =	simm.s32 $0x1;
	s1 =	sadd.s32 s25, s19;
	v4 =	vsel vm10, $0x3F800000, v1  }
0x587: {  	s3 =	simm.s32 @!p1 $0x0;
	s1 =	sshrl.u32 s1, $0x4;
	v3 =	vadd.f32 v3, v4  }
0x588: {  	s1 =	ssub.s32 s1, s3  }
0x589: {  	s29 =	sshll.u32 s1, $0x4;
	[tilespmem:s17+$0x12000] =	vst v3  }
0x58a: {  	s30 =	spop (v2sf);
	v3 =	vld [tilespmem:s29+$0x12000]  }
0x58b: {  	(v2sf) =	vpush v2, $0xE;
	s2 =	ssub.s32 s19, s29;
	s4 =	sand.u32 $0xF, s30  }
0x58c: {  	p3 =	slt.s32 s30, $0x1;
	s6 =	sshra.s32 s30, $0x1F;
	p4 =	sne.s32 s4, $0x0;
	v4 =	vmov s2  }
0x58d: {  	s7 =	sshrl.u32 s6, $0x1C;
	p1 =	por !p3, !p4;
	vm11 =	veq.s32 v4, v0  }
0x58e: {  	s3 =	simm.s32 $0x1;
	s2 =	sadd.s32 s7, s30;
	p1 =	por !p1, !p1;
	v4 =	vsel vm11, $0x3F800000, v1  }
0x58f: {  	(v2sf) =	vpush v2, $0xF;
	s2 =	sshrl.u32 s2, $0x4;
	s3 =	simm.s32 @!p1 $0x0;
	v2 =	vadd.f32 v3, v4  }
0x590: {  	s2 =	ssub.s32 s2, s3  }
0x591: {  	s9 =	sshll.u32 s2, $0x4;
	[tilespmem:s29+$0x12000] =	vst v2  }
0x592: {  	s10 =	spop (v2sf);
	v2 =	vld [tilespmem:s9+$0x12000]  }
0x593: {  	s11 =	sand.u32 $0xF, s10;
	s1 =	ssub.s32 s30, s9  }
0x594: {  	s12 =	sshra.s32 s10, $0x1F;
	p5 =	slt.s32 s10, $0x1;
	p6 =	sne.s32 s11, $0x0;
	v3 =	vmov s1  }
0x595: {  	s13 =	sshrl.u32 s12, $0x1C;
	p1 =	por !p5, !p6;
	vm12 =	veq.s32 v3, v0  }
0x596: {  	p1 =	por !p1, !p1;
	s3 =	simm.s32 $0x1;
	s1 =	sadd.s32 s13, s10;
	v3 =	vsel vm12, $0x3F800000, v1  }
0x597: {  	s3 =	simm.s32 @!p1 $0x0;
	s1 =	sshrl.u32 s1, $0x4;
	v2 =	vadd.f32 v2, v3  }
0x598: {  	s1 =	ssub.s32 s1, s3  }
0x599: {  	s14 =	sshll.u32 s1, $0x4;
	[tilespmem:s9+$0x12000] =	vst v2  }
0x59a: {  	s15 =	spop (v2sf);
	v2 =	vld [tilespmem:s14+$0x12000]  }
0x59b: {  	s17 =	sand.u32 $0xF, s15;
	s2 =	ssub.s32 s10, s14  }
0x59c: {  	s16 =	sshra.s32 s15, $0x1F;
	p4 =	slt.s32 s15, $0x1;
	p3 =	sne.s32 s17, $0x0;
	v3 =	vmov s2  }
0x59d: {  	p1 =	por !p4, !p3;
	s3 =	sshrl.u32 s16, $0x1C;
	vm13 =	veq.s32 v3, v0  }
0x59e: {  	s4 =	simm.s32 $0x1;
	p1 =	por !p1, !p1;
	s19 =	sadd.s32 s3, s15;
	v3 =	vsel vm13, $0x3F800000, v1  }
0x59f: {  	s4 =	simm.s32 @!p1 $0x0;
	s2 =	sshrl.u32 s19, $0x4;
	v2 =	vadd.f32 v2, v3  }
0x5a0: {  	s2 =	ssub.s32 s2, s4  }
0x5a1: {  	s21 =	spop (v2sf);
	s2 =	sshll.u32 s2, $0x4;
	[tilespmem:s14+$0x12000] =	vst v2  }
0x5a2: {  	p5 =	slt.s32 s21, $0x1;
	s25 =	sand.u32 $0xF, s21;
	v2 =	vld [tilespmem:s2+$0x12000]  }
0x5a3: {  	s23 =	sshra.s32 s21, $0x1F;
	p6 =	sne.s32 s25, $0x0;
	s1 =	ssub.s32 s15, s2  }
0x5a4: {  	p1 =	por !p5, !p6;
	s4 =	sshrl.u32 s23, $0x1C;
	v3 =	vmov s1  }
0x5a5: {  	p1 =	por !p1, !p1;
	s29 =	sadd.s32 s4, s21;
	s4 =	simm.s32 $0x1;
	vm14 =	veq.s32 v3, v0  }
0x5a6: {  	s0 =	sshrl.u32 s29, $0x4;
	s4 =	simm.s32 @!p1 $0x0;
	v3 =	vsel vm14, $0x3F800000, v1  }
0x5a7: {  	s0 =	ssub.s32 s0, s4;
	v2 =	vadd.f32 v2, v3  }
0x5a8: {  	s0 =	sshll.u32 s0, $0x4  }
0x5a9: {  	s30 =	ssub.s32 s21, s0;
	[tilespmem:s2+$0x12000] =	vst v2  }
0x5aa: {  	v3 =	vmov s30;
	v2 =	vld [tilespmem:s0+$0x12000]  }
0x5ab: {  	vm15 =	veq.s32 v3, v0  }
0x5ac: {  	s6 =	simm.s32 $0x80;
	v3 =	vsel vm15, $0x3F800000, v1  }
.LBB2_9:
0x5ad: {  	p1 =	sne.s32 s6, $0x1C0  }
0x5ae: {  	s1 =	sshra.s32 s18, $0x2;
	s18 =	smov.u32 s6;
	s6 =	sadd.s32 $0x40, s6  }
0x5af: {  	v2 =	vadd.f32 v2, v3;
	_ =	sdelay $0x1  }
0x5b0: {  	[tilespmem:s0+$0x12000] =	vst v2  }
0x5b1: {  	v2 =	vld [tilespmem:s1+$0x14980];
	_ =	sdelay $0x4  }
0x5b2: {  	(v2sf) =	vpush v2, $0x0;
	_ =	sdelay $0x1  }
0x5b3: {  	(v2sf) =	vpush v2, $0x1;
	_ =	sdelay $0x6  }
0x5b4: {  	(v2sf) =	vpush v2, $0x2  }
0x5b5: {  	(v2sf) =	vpush v2, $0x3;
	_ =	sdelay $0x4  }
0x5b6: {  	s1 =	spop (v2sf)  }
0x5b7: {  	s0 =	sshra.s32 s1, $0x1F;
	p2 =	slt.s32 s1, $0x1;
	s2 =	sand.u32 $0xF, s1  }
0x5b8: {  	s3 =	sshrl.u32 s0, $0x1C;
	p3 =	sne.s32 s2, $0x0;
	s0 =	spop (v2sf)  }
0x5b9: {  	(v2sf) =	vpush v2, $0x4;
	s2 =	sadd.s32 s3, s1;
	p2 =	por !p2, !p3;
	s3 =	sand.u32 $0xF, s0  }
0x5ba: {  	p2 =	por !p2, !p2;
	p3 =	sne.s32 s3, $0x0;
	s3 =	simm.s32 $0x1  }
0x5bb: {  	s2 =	sshrl.u32 s2, $0x4;
	s3 =	simm.s32 @!p2 $0x0  }
0x5bc: {  	s4 =	sshra.s32 s0, $0x1F;
	p2 =	slt.s32 s0, $0x1;
	s2 =	ssub.s32 s2, s3  }
0x5bd: {  	s3 =	sshrl.u32 s4, $0x1C;
	p2 =	por !p2, !p3;
	(v2sf) =	vpush v2, $0x5;
	s4 =	simm.s32 $0x1  }
0x5be: {  	s2 =	sshll.u32 s2, $0x4;
	s3 =	sadd.s32 s3, s0;
	p2 =	por !p2, !p2  }
0x5bf: {  	s1 =	ssub.s32 s1, s2;
	v3 =	vld [tilespmem:s2+$0x12000];
	s3 =	sshrl.u32 s3, $0x4;
	s4 =	simm.s32 @!p2 $0x0  }
0x5c0: {  	s9 =	spop (v2sf)  }
0x5c1: {  	v4 =	vmov s1;
	s1 =	ssub.s32 s3, s4;
	s4 =	sshra.s32 s9, $0x1F  }
0x5c2: {  	vm0 =	veq.s32 v4, v0;
	s7 =	sand.u32 $0xF, s9;
	s3 =	spop (v2sf);
	(v2sf) =	vpush v2, $0x6;
	p2 =	slt.s32 s9, $0x1  }
0x5c3: {  	p3 =	sne.s32 s7, $0x0;
	s7 =	sand.u32 $0xF, s3;
	s4 =	sshrl.u32 s4, $0x1C  }
0x5c4: {  	v4 =	vsel vm0, $0x3F800000, v1;
	s10 =	sshra.s32 s3, $0x1F;
	p2 =	por !p2, !p3;
	p3 =	slt.s32 s3, $0x1  }
0x5c5: {  	p4 =	sne.s32 s7, $0x0;
	s7 =	simm.s32 $0x1;
	v3 =	vadd.f32 v4, v3;
	p2 =	por !p2, !p2  }
0x5c6: {  	s4 =	sadd.s32 s4, s9;
	s7 =	simm.s32 @!p2 $0x0;
	p2 =	por !p3, !p4;
	(v2sf) =	vpush v2, $0x7  }
0x5c7: {  	[tilespmem:s2+$0x12000] =	vst v3;
	s2 =	sshll.u32 s1, $0x4;
	s1 =	sshrl.u32 s4, $0x4  }
0x5c8: {  	p2 =	por !p2, !p2;
	s4 =	ssub.s32 s1, s7;
	s1 =	simm.s32 $0x1  }
0x5c9: {  	s0 =	ssub.s32 s0, s2;
	v3 =	vld [tilespmem:s2+$0x12000];
	s7 =	sshrl.u32 s10, $0x1C;
	s1 =	simm.s32 @!p2 $0x0  }
0x5ca: {  	v4 =	vmov s0;
	s7 =	sadd.s32 s7, s3;
	s0 =	spop (v2sf)  }
0x5cb: {  	vm0 =	veq.s32 v4, v0;
	s7 =	sshrl.u32 s7, $0x4;
	s10 =	sshra.s32 s0, $0x1F;
	s11 =	sand.u32 $0xF, s0  }
0x5cc: {  	p2 =	slt.s32 s0, $0x1;
	p3 =	sne.s32 s11, $0x0;
	(v2sf) =	vpush v2, $0x8;
	s11 =	ssub.s32 s7, s1  }
0x5cd: {  	v4 =	vsel vm0, $0x3F800000, v1;
	s1 =	sshrl.u32 s10, $0x1C;
	s10 =	simm.s32 $0x1;
	p2 =	por !p2, !p3  }
0x5ce: {  	v3 =	vadd.f32 v4, v3;
	s7 =	sadd.s32 s1, s0;
	p2 =	por !p2, !p2;
	s1 =	spop (v2sf)  }
0x5cf: {  	s7 =	sshrl.u32 s7, $0x4;
	s10 =	simm.s32 @!p2 $0x0;
	p2 =	slt.s32 s1, $0x1  }
0x5d0: {  	[tilespmem:s2+$0x12000] =	vst v3;
	s2 =	sshll.u32 s4, $0x4  }
0x5d1: {  	s7 =	ssub.s32 s7, s10;
	s4 =	sand.u32 $0xF, s1;
	(v2sf) =	vpush v2, $0x9;
	s10 =	sshra.s32 s1, $0x1F  }
0x5d2: {  	s9 =	ssub.s32 s9, s2;
	v3 =	vld [tilespmem:s2+$0x12000];
	p3 =	sne.s32 s4, $0x0;
	s4 =	sshrl.u32 s10, $0x1C  }
0x5d3: {  	s10 =	simm.s32 $0x1;
	v4 =	vmov s9;
	p2 =	por !p2, !p3;
	s14 =	spop (v2sf);
	(v2sf) =	vpush v2, $0xA  }
0x5d4: {  	s4 =	sadd.s32 s4, s1;
	vm0 =	veq.s32 v4, v0;
	p2 =	por !p2, !p2;
	s9 =	sand.u32 $0xF, s14  }
0x5d5: {  	s4 =	sshrl.u32 s4, $0x4;
	s10 =	simm.s32 @!p2 $0x0;
	p2 =	sne.s32 s9, $0x0;
	(v2sf) =	vpush v2, $0xB  }
0x5d6: {  	p3 =	slt.s32 s14, $0x1;
	v4 =	vsel vm0, $0x3F800000, v1;
	s9 =	ssub.s32 s4, s10;
	s4 =	sshra.s32 s14, $0x1F  }
0x5d7: {  	p2 =	por !p3, !p2;
	v3 =	vadd.f32 v4, v3;
	s4 =	sshrl.u32 s4, $0x1C;
	s13 =	spop (v2sf)  }
0x5d8: {  	p2 =	por !p2, !p2;
	s4 =	sadd.s32 s4, s14;
	s10 =	sshra.s32 s13, $0x1F  }
0x5d9: {  	s15 =	simm.s32 $0x1;
	[tilespmem:s2+$0x12000] =	vst v3;
	s2 =	sshll.u32 s11, $0x4;
	s11 =	simm.s32 $0x1  }
0x5da: {  	s12 =	sand.u32 $0xF, s13;
	s4 =	sshrl.u32 s4, $0x4;
	s11 =	simm.s32 @!p2 $0x0  }
0x5db: {  	p3 =	sne.s32 s12, $0x0;
	s3 =	ssub.s32 s3, s2;
	p2 =	slt.s32 s13, $0x1;
	v3 =	vld [tilespmem:s2+$0x12000]  }
0x5dc: {  	s12 =	simm.s32 $0x1;
	v4 =	vmov s3;
	s3 =	ssub.s32 s4, s11;
	s4 =	sshrl.u32 s10, $0x1C  }
0x5dd: {  	p2 =	por !p2, !p3;
	vm0 =	veq.s32 v4, v0;
	s4 =	sadd.s32 s4, s13;
	s11 =	spop (v2sf)  }
0x5de: {  	p2 =	por !p2, !p2;
	p3 =	slt.s32 s11, $0x1;
	s10 =	sand.u32 $0xF, s11  }
0x5df: {  	v4 =	vsel vm0, $0x3F800000, v1;
	s4 =	sshrl.u32 s4, $0x4;
	s12 =	simm.s32 @!p2 $0x0;
	p2 =	sne.s32 s10, $0x0;
	(v2sf) =	vpush v2, $0xC  }
0x5e0: {  	s16 =	ssub.s32 s4, s12;
	s4 =	sshra.s32 s11, $0x1F;
	v3 =	vadd.f32 v4, v3;
	p2 =	por !p3, !p2  }
0x5e1: {  	s4 =	sshrl.u32 s4, $0x1C;
	p2 =	por !p2, !p2;
	s12 =	spop (v2sf)  }
0x5e2: {  	s4 =	sadd.s32 s4, s11;
	[tilespmem:s2+$0x12000] =	vst v3;
	s2 =	sshll.u32 s7, $0x4;
	s15 =	simm.s32 @!p2 $0x0  }
0x5e3: {  	s7 =	sand.u32 $0xF, s12;
	p3 =	slt.s32 s12, $0x1;
	s0 =	ssub.s32 s0, s2  }
0x5e4: {  	v3 =	vld [tilespmem:s2+$0x12000];
	s10 =	spop (v2sf);
	p2 =	sne.s32 s7, $0x0;
	v4 =	vmov s0;
	s0 =	sshrl.u32 s4, $0x4  }
0x5e5: {  	s4 =	sshra.s32 s12, $0x1F;
	p2 =	por !p3, !p2;
	s17 =	sshra.s32 s10, $0x1F  }
0x5e6: {  	p3 =	slt.s32 s10, $0x1;
	s4 =	sshrl.u32 s4, $0x1C;
	s7 =	spop (v2sf)  }
0x5e7: {  	vm0 =	veq.s32 v4, v0;
	(v2sf) =	vpush v2, $0xD;
	s15 =	ssub.s32 s0, s15;
	s0 =	sadd.s32 s4, s12;
	s4 =	sand.u32 $0xF, s10  }
0x5e8: {  	p2 =	por !p2, !p2;
	p4 =	sne.s32 s4, $0x0;
	s4 =	simm.s32 $0x1  }
0x5e9: {  	v4 =	vsel vm0, $0x3F800000, v1;
	s0 =	sshrl.u32 s0, $0x4;
	s4 =	simm.s32 @!p2 $0x0;
	p2 =	por !p3, !p4  }
0x5ea: {  	s17 =	sshrl.u32 s17, $0x1C;
	v3 =	vadd.f32 v4, v3;
	(v2sf) =	vpush v2, $0xE;
	p2 =	por !p2, !p2  }
0x5eb: {  	s19 =	ssub.s32 s0, s4;
	s0 =	sand.u32 $0xF, s7;
	s4 =	sshra.s32 s7, $0x1F  }
0x5ec: {  	[tilespmem:s2+$0x12000] =	vst v3;
	s2 =	sshll.u32 s9, $0x4;
	s9 =	sadd.s32 s17, s10;
	s17 =	simm.s32 $0x1  }
0x5ed: {  	s1 =	ssub.s32 s1, s2;
	v3 =	vld [tilespmem:s2+$0x12000];
	s9 =	sshrl.u32 s9, $0x4;
	s17 =	simm.s32 @!p2 $0x0  }
0x5ee: {  	p3 =	sne.s32 s0, $0x0;
	p2 =	slt.s32 s7, $0x1;
	v4 =	vmov s1;
	s1 =	ssub.s32 s9, s17  }
0x5ef: {  	s0 =	sshrl.u32 s4, $0x1C;
	s4 =	simm.s32 $0x1;
	p2 =	por !p2, !p3;
	vm0 =	veq.s32 v4, v0;
	(v2sf) =	vpush v2, $0xF  }
0x5f0: {  	s0 =	sadd.s32 s0, s7;
	p3 =	por !p2, !p2;
	s9 =	spop (v2sf)  }
0x5f1: {  	s0 =	sshrl.u32 s0, $0x4;
	v2 =	vsel vm0, $0x3F800000, v1;
	s4 =	simm.s32 @!p3 $0x0;
	p2 =	slt.s32 s9, $0x1  }
0x5f2: {  	s21 =	sand.u32 $0xF, s9;
	s17 =	ssub.s32 s0, s4;
	v2 =	vadd.f32 v2, v3  }
0x5f3: {  	s0 =	sshra.s32 s9, $0x1F;
	s4 =	simm.s32 $0x1;
	p3 =	sne.s32 s21, $0x0  }
0x5f4: {  	s0 =	sshrl.u32 s0, $0x1C;
	p2 =	por !p2, !p3;
	[tilespmem:s2+$0x12000] =	vst v2;
	s2 =	sshll.u32 s3, $0x4  }
0x5f5: {  	s0 =	sadd.s32 s0, s9;
	p2 =	por !p2, !p2;
	s3 =	ssub.s32 s14, s2;
	v2 =	vld [tilespmem:s2+$0x12000]  }
0x5f6: {  	s0 =	sshrl.u32 s0, $0x4;
	s4 =	simm.s32 @!p2 $0x0;
	v3 =	vmov s3;
	s3 =	spop (v2sf)  }
0x5f7: {  	s0 =	ssub.s32 s0, s4;
	s14 =	sand.u32 $0xF, s3  }
0x5f8: {  	vm0 =	veq.s32 v3, v0;
	s4 =	sshra.s32 s3, $0x1F;
	p2 =	slt.s32 s3, $0x1;
	p3 =	sne.s32 s14, $0x0  }
0x5f9: {  	s25 =	simm.s32 $0x1;
	s4 =	sshrl.u32 s4, $0x1C;
	p2 =	por !p2, !p3  }
0x5fa: {  	v3 =	vsel vm0, $0x3F800000, v1;
	s4 =	sadd.s32 s4, s3;
	s14 =	spop (v2sf);
	p2 =	por !p2, !p2  }
0x5fb: {  	v2 =	vadd.f32 v2, v3;
	s21 =	sshra.s32 s14, $0x1F;
	s23 =	sand.u32 $0xF, s14;
	s4 =	sshrl.u32 s4, $0x4  }
0x5fc: {  	p3 =	slt.s32 s14, $0x1;
	s25 =	simm.s32 @!p2 $0x0;
	p2 =	sne.s32 s23, $0x0  }
0x5fd: {  	[tilespmem:s2+$0x12000] =	vst v2;
	s2 =	sshll.u32 s16, $0x4;
	s16 =	ssub.s32 s4, s25;
	p2 =	por !p3, !p2  }
0x5fe: {  	s4 =	ssub.s32 s13, s2;
	v2 =	vld [tilespmem:s2+$0x12000];
	s13 =	sshrl.u32 s21, $0x1C;
	p2 =	por !p2, !p2  }
0x5ff: {  	s21 =	simm.s32 $0x1;
	v3 =	vmov s4;
	s4 =	sadd.s32 s13, s14;
	s13 =	spop (v2sf)  }
0x600: {  	s21 =	simm.s32 @!p2 $0x0;
	vm0 =	veq.s32 v3, v0;
	s4 =	sshrl.u32 s4, $0x4;
	p2 =	slt.s32 s13, $0x1  }
0x601: {  	s23 =	sand.u32 $0xF, s13;
	s21 =	ssub.s32 s4, s21;
	s4 =	sshra.s32 s13, $0x1F  }
0x602: {  	v3 =	vsel vm0, $0x3F800000, v1;
	p3 =	sne.s32 s23, $0x0;
	s4 =	sshrl.u32 s4, $0x1C  }
0x603: {  	p2 =	por !p2, !p3;
	v2 =	vadd.f32 v2, v3;
	s4 =	sadd.s32 s4, s13  }
0x604: {  	p2 =	por !p2, !p2;
	s4 =	sshrl.u32 s4, $0x4  }
0x605: {  	[tilespmem:s2+$0x12000] =	vst v2;
	s2 =	sshll.u32 s15, $0x4;
	s15 =	simm.s32 $0x1  }
0x606: {  	s15 =	simm.s32 @!p2 $0x0  }
0x607: {  	s23 =	ssub.s32 s11, s2;
	v2 =	vld [tilespmem:s2+$0x12000];
	s11 =	ssub.s32 s4, s15  }
0x608: {  	v3 =	vmov s23  }
0x609: {  	vm0 =	veq.s32 v3, v0;
	_ =	sdelay $0x1  }
0x60a: {  	v3 =	vsel vm0, $0x3F800000, v1  }
0x60b: {  	v2 =	vadd.f32 v2, v3;
	_ =	sdelay $0x1  }
0x60c: {  	[tilespmem:s2+$0x12000] =	vst v2;
	s2 =	sshll.u32 s19, $0x4  }
0x60d: {  	s4 =	ssub.s32 s12, s2;
	v2 =	vld [tilespmem:s2+$0x12000]  }
0x60e: {  	v3 =	vmov s4  }
0x60f: {  	vm0 =	veq.s32 v3, v0;
	_ =	sdelay $0x1  }
0x610: {  	v3 =	vsel vm0, $0x3F800000, v1  }
0x611: {  	v2 =	vadd.f32 v2, v3;
	_ =	sdelay $0x1  }
0x612: {  	s1 =	sshll.u32 s1, $0x4;
	[tilespmem:s2+$0x12000] =	vst v2  }
0x613: {  	s2 =	ssub.s32 s10, s1;
	v2 =	vld [tilespmem:s1+$0x12000]  }
0x614: {  	v3 =	vmov s2  }
0x615: {  	vm0 =	veq.s32 v3, v0;
	_ =	sdelay $0x1  }
0x616: {  	v3 =	vsel vm0, $0x3F800000, v1  }
0x617: {  	v2 =	vadd.f32 v2, v3;
	_ =	sdelay $0x1  }
0x618: {  	[tilespmem:s1+$0x12000] =	vst v2;
	s1 =	sshll.u32 s17, $0x4  }
0x619: {  	s2 =	ssub.s32 s7, s1;
	v2 =	vld [tilespmem:s1+$0x12000]  }
0x61a: {  	v3 =	vmov s2  }
0x61b: {  	vm0 =	veq.s32 v3, v0;
	_ =	sdelay $0x1  }
0x61c: {  	v3 =	vsel vm0, $0x3F800000, v1  }
0x61d: {  	v2 =	vadd.f32 v2, v3;
	_ =	sdelay $0x1  }
0x61e: {  	s0 =	sshll.u32 s0, $0x4;
	[tilespmem:s1+$0x12000] =	vst v2  }
0x61f: {  	s1 =	ssub.s32 s9, s0;
	v2 =	vld [tilespmem:s0+$0x12000]  }
0x620: {  	v3 =	vmov s1  }
0x621: {  	vm0 =	veq.s32 v3, v0;
	_ =	sdelay $0x1  }
0x622: {  	v3 =	vsel vm0, $0x3F800000, v1  }
0x623: {  	v2 =	vadd.f32 v2, v3;
	_ =	sdelay $0x1  }
0x624: {  	[tilespmem:s0+$0x12000] =	vst v2;
	s0 =	sshll.u32 s16, $0x4  }
0x625: {  	s1 =	ssub.s32 s3, s0;
	v2 =	vld [tilespmem:s0+$0x12000]  }
0x626: {  	v3 =	vmov s1  }
0x627: {  	vm0 =	veq.s32 v3, v0;
	_ =	sdelay $0x1  }
0x628: {  	v3 =	vsel vm0, $0x3F800000, v1  }
0x629: {  	v2 =	vadd.f32 v2, v3;
	_ =	sdelay $0x1  }
0x62a: {  	[tilespmem:s0+$0x12000] =	vst v2;
	s0 =	sshll.u32 s21, $0x4  }
0x62b: {  	s1 =	ssub.s32 s14, s0;
	v2 =	vld [tilespmem:s0+$0x12000]  }
0x62c: {  	v3 =	vmov s1  }
0x62d: {  	vm0 =	veq.s32 v3, v0;
	_ =	sdelay $0x1  }
0x62e: {  	v3 =	vsel vm0, $0x3F800000, v1  }
0x62f: {  	v2 =	vadd.f32 v2, v3;
	_ =	sdelay $0x1  }
.Ltmp3:
0x630: {  	[tilespmem:s0+$0x12000] =	vst v2;
	s0 =	sshll.u32 s11, $0x4;
	(pc) =	sbr.rel @p1 .LBB2_9-.Ltmp3, $4  }
0x631: {  	s1 =	ssub.s32 s13, s0;
	v2 =	vld [tilespmem:s0+$0x12000]  }
0x632: {  	v3 =	vmov s1  }
0x633: {  	vm0 =	veq.s32 v3, v0  }
0x634: {  	v3 =	vsel vm0, $0x3F800000, v1  }
0x635: {  	_ = 	snop  }
0x636: {  	v2 =	vadd.f32 v2, v3;
	_ =	sdelay $0x1  }
0x637: {  	s1 =	sshra.s32 s18, $0x2;
	[tilespmem:s0+$0x12000] =	vst v2  }
0x638: {  	v2 =	vld [tilespmem:s1+$0x14980];
	_ =	sdelay $0x4  }
0x639: {  	(v2sf) =	vpush v2, $0x0;
	_ =	sdelay $0x7  }
0x63a: {  	(v2sf) =	vpush v2, $0x1;
	_ =	sdelay $0x6  }
0x63b: {  	s6 =	spop (v2sf)  }
0x63c: {  	(v2sf) =	vpush v2, $0x2;
	s7 =	sand.u32 $0xF, s6  }
0x63d: {  	s2 =	sshra.s32 s6, $0x1F;
	p1 =	slt.s32 s6, $0x1;
	p2 =	sne.s32 s7, $0x0  }
0x63e: {  	s9 =	sshrl.u32 s2, $0x1C;
	p1 =	por !p1, !p2  }
0x63f: {  	s2 =	simm.s32 $0x1;
	s1 =	sadd.s32 s9, s6;
	p1 =	por !p1, !p1  }
0x640: {  	s1 =	sshrl.u32 s1, $0x4;
	s2 =	simm.s32 @!p1 $0x0  }
0x641: {  	s1 =	ssub.s32 s1, s2  }
0x642: {  	s1 =	sshll.u32 s1, $0x4  }
0x643: {  	s10 =	spop (v2sf);
	v3 =	vld [tilespmem:s1+$0x12000]  }
0x644: {  	(v2sf) =	vpush v2, $0x3;
	s3 =	sand.u32 $0xF, s10;
	s0 =	ssub.s32 s6, s1  }
0x645: {  	s11 =	sshra.s32 s10, $0x1F;
	p6 =	slt.s32 s10, $0x1;
	p5 =	sne.s32 s3, $0x0;
	v4 =	vmov s0  }
0x646: {  	s12 =	sshrl.u32 s11, $0x1C;
	p1 =	por !p6, !p5;
	vm0 =	veq.s32 v4, v0  }
0x647: {  	s3 =	simm.s32 $0x1;
	p1 =	por !p1, !p1;
	s0 =	sadd.s32 s12, s10;
	v4 =	vsel vm0, $0x3F800000, v1  }
0x648: {  	s3 =	simm.s32 @!p1 $0x0;
	s0 =	sshrl.u32 s0, $0x4;
	v3 =	vadd.f32 v4, v3  }
0x649: {  	s0 =	ssub.s32 s0, s3  }
0x64a: {  	s0 =	sshll.u32 s0, $0x4;
	[tilespmem:s1+$0x12000] =	vst v3  }
0x64b: {  	s13 =	spop (v2sf);
	v3 =	vld [tilespmem:s0+$0x12000]  }
0x64c: {  	s2 =	ssub.s32 s10, s0;
	(v2sf) =	vpush v2, $0x4;
	s14 =	sand.u32 $0xF, s13  }
0x64d: {  	v53 =	vmov s2;
	s4 =	sshra.s32 s13, $0x1F;
	p3 =	slt.s32 s13, $0x1;
	p4 =	sne.s32 s14, $0x0  }
0x64e: {  	vm13 =	veq.s32 v53, v0;
	s15 =	sshrl.u32 s4, $0x1C;
	p1 =	por !p3, !p4  }
0x64f: {  	s3 =	simm.s32 $0x1;
	v4 =	vsel vm13, $0x3F800000, v1;
	s2 =	sadd.s32 s15, s13;
	p1 =	por !p1, !p1  }
0x650: {  	s2 =	sshrl.u32 s2, $0x4;
	s3 =	simm.s32 @!p1 $0x0;
	v3 =	vadd.f32 v4, v3  }
0x651: {  	s2 =	ssub.s32 s2, s3  }
0x652: {  	s16 =	sshll.u32 s2, $0x4;
	[tilespmem:s0+$0x12000] =	vst v3  }
0x653: {  	s17 =	spop (v2sf);
	v3 =	vld [tilespmem:s16+$0x12000]  }
0x654: {  	(v2sf) =	vpush v2, $0x5;
	s18 =	sand.u32 $0xF, s17;
	s1 =	ssub.s32 s13, s16  }
0x655: {  	p5 =	slt.s32 s17, $0x1;
	s19 =	sshra.s32 s17, $0x1F;
	p6 =	sne.s32 s18, $0x0;
	v54 =	vmov s1  }
0x656: {  	s21 =	sshrl.u32 s19, $0x1C;
	p1 =	por !p5, !p6;
	vm14 =	veq.s32 v54, v0  }
0x657: {  	p1 =	por !p1, !p1;
	s3 =	simm.s32 $0x1;
	s1 =	sadd.s32 s21, s17;
	v4 =	vsel vm14, $0x3F800000, v1  }
0x658: {  	s3 =	simm.s32 @!p1 $0x0;
	s1 =	sshrl.u32 s1, $0x4;
	v3 =	vadd.f32 v4, v3  }
0x659: {  	s1 =	ssub.s32 s1, s3  }
0x65a: {  	s23 =	sshll.u32 s1, $0x4;
	[tilespmem:s16+$0x12000] =	vst v3  }
0x65b: {  	s25 =	spop (v2sf);
	v3 =	vld [tilespmem:s23+$0x12000]  }
0x65c: {  	s2 =	ssub.s32 s17, s23;
	(v2sf) =	vpush v2, $0x6;
	s29 =	sand.u32 $0xF, s25  }
0x65d: {  	v55 =	vmov s2;
	s30 =	sshra.s32 s25, $0x1F;
	p3 =	slt.s32 s25, $0x1;
	p4 =	sne.s32 s29, $0x0  }
0x65e: {  	vm15 =	veq.s32 v55, v0;
	s4 =	sshrl.u32 s30, $0x1C;
	p1 =	por !p3, !p4  }
0x65f: {  	s3 =	simm.s32 $0x1;
	v4 =	vsel vm15, $0x3F800000, v1;
	s2 =	sadd.s32 s4, s25;
	p1 =	por !p1, !p1  }
0x660: {  	s2 =	sshrl.u32 s2, $0x4;
	s3 =	simm.s32 @!p1 $0x0;
	v3 =	vadd.f32 v4, v3  }
0x661: {  	s2 =	ssub.s32 s2, s3  }
0x662: {  	s6 =	sshll.u32 s2, $0x4;
	[tilespmem:s23+$0x12000] =	vst v3  }
0x663: {  	s7 =	spop (v2sf);
	v3 =	vld [tilespmem:s6+$0x12000]  }
0x664: {  	(v2sf) =	vpush v2, $0x7;
	s9 =	sand.u32 $0xF, s7;
	s1 =	ssub.s32 s25, s6  }
0x665: {  	p5 =	slt.s32 s7, $0x1;
	s10 =	sshra.s32 s7, $0x1F;
	p6 =	sne.s32 s9, $0x0;
	v56 =	vmov s1  }
0x666: {  	s11 =	sshrl.u32 s10, $0x1C;
	p1 =	por !p5, !p6;
	vm4 =	veq.s32 v56, v0  }
0x667: {  	p1 =	por !p1, !p1;
	s3 =	simm.s32 $0x1;
	s1 =	sadd.s32 s11, s7;
	v4 =	vsel vm4, $0x3F800000, v1  }
0x668: {  	s3 =	simm.s32 @!p1 $0x0;
	s1 =	sshrl.u32 s1, $0x4;
	v3 =	vadd.f32 v4, v3  }
0x669: {  	s1 =	ssub.s32 s1, s3  }
0x66a: {  	s12 =	sshll.u32 s1, $0x4;
	[tilespmem:s6+$0x12000] =	vst v3  }
0x66b: {  	s13 =	spop (v2sf);
	v3 =	vld [tilespmem:s12+$0x12000]  }
0x66c: {  	s2 =	ssub.s32 s7, s12;
	(v2sf) =	vpush v2, $0x8;
	s14 =	sand.u32 $0xF, s13  }
0x66d: {  	v57 =	vmov s2;
	s15 =	sshra.s32 s13, $0x1F;
	p4 =	slt.s32 s13, $0x1;
	p3 =	sne.s32 s14, $0x0  }
0x66e: {  	vm5 =	veq.s32 v57, v0;
	s16 =	sshrl.u32 s15, $0x1C;
	p1 =	por !p4, !p3  }
0x66f: {  	s3 =	simm.s32 $0x1;
	v4 =	vsel vm5, $0x3F800000, v1;
	s2 =	sadd.s32 s16, s13;
	p1 =	por !p1, !p1  }
0x670: {  	s2 =	sshrl.u32 s2, $0x4;
	s3 =	simm.s32 @!p1 $0x0;
	v3 =	vadd.f32 v4, v3  }
0x671: {  	s2 =	ssub.s32 s2, s3  }
0x672: {  	s17 =	sshll.u32 s2, $0x4;
	[tilespmem:s12+$0x12000] =	vst v3  }
0x673: {  	s18 =	spop (v2sf);
	v3 =	vld [tilespmem:s17+$0x12000]  }
0x674: {  	(v2sf) =	vpush v2, $0x9;
	s19 =	sand.u32 $0xF, s18;
	s1 =	ssub.s32 s13, s17  }
0x675: {  	s21 =	sshra.s32 s18, $0x1F;
	p5 =	slt.s32 s18, $0x1;
	p6 =	sne.s32 s19, $0x0;
	v58 =	vmov s1  }
0x676: {  	s23 =	sshrl.u32 s21, $0x1C;
	p1 =	por !p5, !p6;
	vm6 =	veq.s32 v58, v0  }
0x677: {  	p1 =	por !p1, !p1;
	s3 =	simm.s32 $0x1;
	s1 =	sadd.s32 s23, s18;
	v4 =	vsel vm6, $0x3F800000, v1  }
0x678: {  	s3 =	simm.s32 @!p1 $0x0;
	s1 =	sshrl.u32 s1, $0x4;
	v3 =	vadd.f32 v3, v4  }
0x679: {  	s1 =	ssub.s32 s1, s3  }
0x67a: {  	s25 =	sshll.u32 s1, $0x4;
	[tilespmem:s17+$0x12000] =	vst v3  }
0x67b: {  	s29 =	spop (v2sf);
	v3 =	vld [tilespmem:s25+$0x12000]  }
0x67c: {  	s2 =	ssub.s32 s18, s25;
	(v2sf) =	vpush v2, $0xA;
	s30 =	sand.u32 $0xF, s29  }
0x67d: {  	v59 =	vmov s2;
	p3 =	slt.s32 s29, $0x1;
	s4 =	sshra.s32 s29, $0x1F;
	p4 =	sne.s32 s30, $0x0  }
0x67e: {  	vm7 =	veq.s32 v59, v0;
	s6 =	sshrl.u32 s4, $0x1C;
	p1 =	por !p3, !p4  }
0x67f: {  	s3 =	simm.s32 $0x1;
	v4 =	vsel vm7, $0x3F800000, v1;
	s2 =	sadd.s32 s6, s29;
	p1 =	por !p1, !p1  }
0x680: {  	s2 =	sshrl.u32 s2, $0x4;
	s3 =	simm.s32 @!p1 $0x0;
	v3 =	vadd.f32 v3, v4  }
0x681: {  	s2 =	ssub.s32 s2, s3  }
0x682: {  	s7 =	sshll.u32 s2, $0x4;
	[tilespmem:s25+$0x12000] =	vst v3  }
0x683: {  	s9 =	spop (v2sf);
	v3 =	vld [tilespmem:s7+$0x12000]  }
0x684: {  	(v2sf) =	vpush v2, $0xB;
	s10 =	sand.u32 $0xF, s9;
	s1 =	ssub.s32 s29, s7  }
0x685: {  	s11 =	sshra.s32 s9, $0x1F;
	p6 =	slt.s32 s9, $0x1;
	p5 =	sne.s32 s10, $0x0;
	v60 =	vmov s1  }
0x686: {  	s12 =	sshrl.u32 s11, $0x1C;
	p1 =	por !p6, !p5;
	vm8 =	veq.s32 v60, v0  }
0x687: {  	p1 =	por !p1, !p1;
	s3 =	simm.s32 $0x1;
	s1 =	sadd.s32 s12, s9;
	v4 =	vsel vm8, $0x3F800000, v1  }
0x688: {  	s3 =	simm.s32 @!p1 $0x0;
	s1 =	sshrl.u32 s1, $0x4;
	v3 =	vadd.f32 v3, v4  }
0x689: {  	s1 =	ssub.s32 s1, s3  }
0x68a: {  	s13 =	sshll.u32 s1, $0x4;
	[tilespmem:s7+$0x12000] =	vst v3  }
0x68b: {  	s14 =	spop (v2sf);
	v3 =	vld [tilespmem:s13+$0x12000]  }
0x68c: {  	s2 =	ssub.s32 s9, s13;
	(v2sf) =	vpush v2, $0xC;
	s15 =	sand.u32 $0xF, s14  }
0x68d: {  	v61 =	vmov s2;
	s16 =	sshra.s32 s14, $0x1F;
	p3 =	slt.s32 s14, $0x1;
	p4 =	sne.s32 s15, $0x0  }
0x68e: {  	vm9 =	veq.s32 v61, v0;
	s17 =	sshrl.u32 s16, $0x1C;
	p1 =	por !p3, !p4  }
0x68f: {  	s3 =	simm.s32 $0x1;
	v4 =	vsel vm9, $0x3F800000, v1;
	s2 =	sadd.s32 s17, s14;
	p1 =	por !p1, !p1  }
0x690: {  	s2 =	sshrl.u32 s2, $0x4;
	s3 =	simm.s32 @!p1 $0x0;
	v3 =	vadd.f32 v3, v4  }
0x691: {  	s2 =	ssub.s32 s2, s3  }
0x692: {  	s18 =	sshll.u32 s2, $0x4;
	[tilespmem:s13+$0x12000] =	vst v3  }
0x693: {  	s19 =	spop (v2sf);
	v3 =	vld [tilespmem:s18+$0x12000]  }
0x694: {  	(v2sf) =	vpush v2, $0xD;
	s21 =	sand.u32 $0xF, s19;
	s1 =	ssub.s32 s14, s18  }
0x695: {  	s23 =	sshra.s32 s19, $0x1F;
	p5 =	slt.s32 s19, $0x1;
	p6 =	sne.s32 s21, $0x0;
	v62 =	vmov s1  }
0x696: {  	s25 =	sshrl.u32 s23, $0x1C;
	p1 =	por !p5, !p6;
	vm10 =	veq.s32 v62, v0  }
0x697: {  	p1 =	por !p1, !p1;
	s3 =	simm.s32 $0x1;
	s1 =	sadd.s32 s25, s19;
	v4 =	vsel vm10, $0x3F800000, v1  }
0x698: {  	s3 =	simm.s32 @!p1 $0x0;
	s1 =	sshrl.u32 s1, $0x4;
	v3 =	vadd.f32 v3, v4  }
0x699: {  	s1 =	ssub.s32 s1, s3  }
0x69a: {  	s29 =	sshll.u32 s1, $0x4;
	[tilespmem:s18+$0x12000] =	vst v3  }
0x69b: {  	s30 =	spop (v2sf);
	v3 =	vld [tilespmem:s29+$0x12000]  }
0x69c: {  	s2 =	ssub.s32 s19, s29;
	(v2sf) =	vpush v2, $0xE;
	s4 =	sand.u32 $0xF, s30  }
0x69d: {  	v63 =	vmov s2;
	p3 =	slt.s32 s30, $0x1;
	s6 =	sshra.s32 s30, $0x1F;
	p4 =	sne.s32 s4, $0x0  }
0x69e: {  	vm11 =	veq.s32 v63, v0;
	s7 =	sshrl.u32 s6, $0x1C;
	p1 =	por !p3, !p4  }
0x69f: {  	s3 =	simm.s32 $0x1;
	s2 =	sadd.s32 s7, s30;
	v4 =	vsel vm11, $0x3F800000, v1;
	p1 =	por !p1, !p1  }
0x6a0: {  	s2 =	sshrl.u32 s2, $0x4;
	s3 =	simm.s32 @!p1 $0x0;
	v3 =	vadd.f32 v3, v4  }
0x6a1: {  	s2 =	ssub.s32 s2, s3  }
0x6a2: {  	s9 =	sshll.u32 s2, $0x4;
	[tilespmem:s29+$0x12000] =	vst v3  }
0x6a3: {  	s10 =	spop (v2sf);
	v3 =	vld [tilespmem:s9+$0x12000]  }
0x6a4: {  	(v2sf) =	vpush v2, $0xF;
	s11 =	sand.u32 $0xF, s10;
	s1 =	ssub.s32 s30, s9  }
0x6a5: {  	s12 =	sshra.s32 s10, $0x1F;
	p5 =	slt.s32 s10, $0x1;
	p6 =	sne.s32 s11, $0x0;
	v2 =	vmov s1  }
0x6a6: {  	s13 =	sshrl.u32 s12, $0x1C;
	p1 =	por !p5, !p6;
	vm12 =	veq.s32 v2, v0  }
0x6a7: {  	p1 =	por !p1, !p1;
	s3 =	simm.s32 $0x1;
	s1 =	sadd.s32 s13, s10;
	v2 =	vsel vm12, $0x3F800000, v1  }
0x6a8: {  	s3 =	simm.s32 @!p1 $0x0;
	s1 =	sshrl.u32 s1, $0x4;
	v2 =	vadd.f32 v3, v2  }
0x6a9: {  	s1 =	ssub.s32 s1, s3  }
0x6aa: {  	s14 =	sshll.u32 s1, $0x4;
	[tilespmem:s9+$0x12000] =	vst v2  }
0x6ab: {  	s15 =	spop (v2sf);
	v2 =	vld [tilespmem:s14+$0x12000]  }
0x6ac: {  	s2 =	ssub.s32 s10, s14;
	s16 =	sand.u32 $0xF, s15  }
0x6ad: {  	s17 =	sshra.s32 s15, $0x1F;
	p4 =	slt.s32 s15, $0x1;
	p3 =	sne.s32 s16, $0x0;
	v3 =	vmov s2  }
0x6ae: {  	s18 =	sshrl.u32 s17, $0x1C;
	p1 =	por !p4, !p3;
	vm13 =	veq.s32 v3, v0  }
0x6af: {  	s3 =	simm.s32 $0x1;
	s2 =	sadd.s32 s18, s15;
	p1 =	por !p1, !p1;
	v3 =	vsel vm13, $0x3F800000, v1  }
0x6b0: {  	s2 =	sshrl.u32 s2, $0x4;
	s3 =	simm.s32 @!p1 $0x0;
	v2 =	vadd.f32 v2, v3  }
0x6b1: {  	s2 =	ssub.s32 s2, s3  }
0x6b2: {  	s19 =	sshll.u32 s2, $0x4;
	[tilespmem:s14+$0x12000] =	vst v2  }
0x6b3: {  	s21 =	spop (v2sf);
	v2 =	vld [tilespmem:s19+$0x12000]  }
0x6b4: {  	s23 =	sand.u32 $0xF, s21;
	s1 =	ssub.s32 s15, s19  }
0x6b5: {  	p5 =	slt.s32 s21, $0x1;
	s25 =	sshra.s32 s21, $0x1F;
	p6 =	sne.s32 s23, $0x0;
	v3 =	vmov s1  }
0x6b6: {  	s29 =	sshrl.u32 s25, $0x1C;
	p1 =	por !p5, !p6;
	vm14 =	veq.s32 v3, v0  }
0x6b7: {  	p1 =	por !p1, !p1;
	s3 =	simm.s32 $0x1;
	s1 =	sadd.s32 s29, s21;
	v3 =	vsel vm14, $0x3F800000, v1  }
0x6b8: {  	s3 =	simm.s32 @!p1 $0x0;
	s1 =	sshrl.u32 s1, $0x4;
	v2 =	vadd.f32 v2, v3  }
0x6b9: {  	s1 =	ssub.s32 s1, s3  }
0x6ba: {  	s30 =	sshll.u32 s1, $0x4;
	[tilespmem:s19+$0x12000] =	vst v2  }
0x6bb: {  	v2 =	vld [tilespmem:s30+$0x12000]  }
0x6bc: {  	s1 =	ssub.s32 s21, s30  }
0x6bd: {  	v3 =	vmov s1  }
0x6be: {  	vm15 =	veq.s32 v3, v0  }
0x6bf: {  	v3 =	vsel vm15, $0x3F800000, v1  }
0x6c0: {  	v2 =	vadd.f32 v2, v3;
	_ =	sdelay $0x1  }
0x6c1: {  	s0 =	simm.s32 @!p0 $0x3;
	[tilespmem:s30+$0x12000] =	vst v2  }
0x6c2: {  	_ =	swait.ge @!p0 [sflag:s0], $0x4000  }
0x6c3: {  	s2 =	simm.s32 @!p0 $0xA000;
	[sflag:s0] =	ssyncset.done @!p0 $0x0  }
0x6c4: {  	s1 =	simm.s32 @!p0 $0x80;
	[sflag:s0] =	ssyncadd.s32 @!p0 $0xFFFFC000;
	s0 =	sadd.s32 @!p0 $0x5200, s24  }
0x6c5: {  	[tilespmem:s2], [sflag:$0x1] =	stream.indirect.gather @!p0 [hbm4b:s5+s1], $0x80, s0, s1, $0xb8;
	[tilespmem:$0x1EA00] =	vst v63  }
0x6c6: {  	s0 =	simm.s32 @!p0 $0x4  }
0x6c7: {  	_ =	swait.ge @!p0 [sflag:s0], $0x4000  }
0x6c8: {  	s22 =	sadd.s32 $0x1, s22;
	[sflag:s0] =	ssyncset.done @!p0 $0x0  }
0x6c9: {  	s2 =	simm.s32 @!p0 $0xE000;
	[sflag:s0] =	ssyncadd.s32 @!p0 $0xFFFFC000;
	s0 =	sadd.s32 @!p0 $0x5280, s24  }
0x6ca: {  	[tilespmem:s2], [sflag:$0x2] =	stream.indirect.gather @!p0 [hbm4b:s5+s1], $0x80, s0, s1, $0xb8;
	[tilespmem:$0x1EA00] =	vst v63  }
0x6cb: {  	p0 =	sne.s32 s22, $0x28  }
.Ltmp4:
0x6cc: {  	_ = 	snop;
	(pc) =	sbr.rel @p0 .LBB2_2-.Ltmp4, $1  }
0x6cd: {  	_ =	sdelay $0x3  }
0x6ce: {  	s0 =	simm.s32 $0x3  }
0x6cf: {  	_ =	swait.ge [sflag:s0], $0x4000  }
0x6d0: {  	[sflag:s0] =	ssyncset.done $0x0  }
0x6d1: {  	s24 =	simm.s32 $0x4;
	[sflag:s0] =	ssyncadd.s32 $0xFFFFC000  }
0x6d2: {  	_ =	swait.ge [sflag:s24], $0x4000  }
0x6d3: {  	[sflag:s24] =	ssyncset.done $0x0  }
0x6d4: {  	[sflag:s24] =	ssyncadd.s32 $0xFFFFC000  }
0x6d5: {  	[bflag:$0x0] =	sbarrier.arrive $0xFFFF  }
0x6d6: {  	s2 =	rddreg [dreg:$0x8]  }
0x6d7: {  	s25 =	rddreg [dreg:$0xc]  }
0x6d8: {  	s3 =	simm.s32 $0x7;
	s1 =	rddreg [dreg:$0xf]  }
0x6d9: {  	[hbm:s25], [sflag:s2] =	dma.local [spmem:s1], $0x1400  }
0x6da: {  	_ =	swait.ge [sflag:s3], $0x1400  }
0x6db: {  	s12 =	simm.s32 $0x0;
	[sflag:s3] =	ssyncset.done $0x0  }
0x6dc: {  	s4 =	simm.s32 $0x12000;
	s29 =	rddreg [dreg:$0xd];
	[sflag:s3] =	ssyncadd.s32 $0xFFFFEC00  }
0x6dd: {  	[hbm4b:s29+s12] =	stream.linear.scatter [tilespmem:s4], [sflag:$0x7], $0x2800, $0x38;
	[tilespmem:$0x1EA00] =	vst v63  }
0x6de: {  	_ =	swait.ge [sflag:s3], $0x2800  }
0x6df: {  	s6 =	rddreg [dreg:$0x10]  }
0x6e0: {  	s30 =	rddreg [dreg:$0xe];
	s6 =	sadd.s32 $0x1, s6  }
0x6e1: {  	p0 =	sne.s32 s6, s30  }
.Ltmp5:
0x6e2: {  	_ = 	snop;
	(pc) =	sbr.rel @p0 .LBB2_1-.Ltmp5, $3  }
0x6e3: {  	_ =	sdelay $0x1  }
0x6e4: {  	[sflag:s3] =	ssyncset.done $0x0  }
0x6e5: {  	[sflag:s3] =	ssyncadd.s32 $0xFFFFD800  }
0x6e6: {  	_ =	sfence.sel $0x180000  }
0x6e7: {  	[bflag:$0x0] =	sbarrier.arrive $0xFFFF  }
0x6e8: {  	_ =	strace $0x90000047  }
0x6e9: {  	s0 =	stileid.u32;
	[bflag:$0x2] =	sbarrier.arrive $0xFFFF  }
0x6ea: {  	p0 =	sne.s32 s0, $0x0;
	s0 =	rddreg [dreg:$0x3]  }
0x6eb: {  	s0 =	sadd.s32 @!p0 $0x100000, s0  }
0x6ec: {  	[sflag:s0] =	ssyncadd.tile.s32 @!p0 $0x1;
	_ =	shalt  }
.Lfunc_end2:
_tile_overlayer_lowered:
.L_overlay_start_2:
0x6ed: {  	(tag) =	ssettag $0x2  }
0x6ee: {  	s0 =	rddreg [dreg:$0x0];
	s2 =	stileid.u32  }
0x6ef: {  	s1 =	rddreg [dreg:$0x1];
	p0 =	sne.s32 s2, $0x0  }
0x6f0: {  	s3 =	rddreg [dreg:$0x2];
	[bflag:$0x3] =	sbarrier.arrive $0xFFFF;
	s2 =	simm.s32 @!p0 $0x1C07  }
0x6f1: {  	[timem:s3], [sflag:s2] =	dma.local @!p0 [hbm:s0], s1  }
0x6f2: {  	s0 =	simm.s32 @!p0 $0x7  }
0x6f3: {  	_ =	swait.ge @!p0 [sflag:s0], s1  }
0x6f4: {  	s1 =	ssub.s32 @!p0 $0x0, s1;
	[sflag:s0] =	ssyncset.done @!p0 $0x0  }
0x6f5: {  	[sflag:s0] =	ssyncadd.s32 @!p0 s1  }
0x6f6: {  	[bflag:$0x3] =	sbarrier.arrive $0xFFFF  }
0x6f7: {  	_ =	shalt  }

</sc_bundles>
